<compile_context>
chip_gen: v7x
topology: tpu7x:2x2x1
jax: 0.10.2.dev20260603
libtpu: 0.0.44.dev20260713+nightly
codegen_flags: <defaults>
</compile_context>

<pallas_src>
import functools

import jax
import jax.numpy as jnp
from jax import lax
from jax.experimental import pallas as pl
from jax.experimental.pallas import tpu as pltpu
from jax.experimental.pallas import tpu_sc as plsc

_NC = 2
_NS = 16
_L = 16
_NW = _NC * _NS

_B, _C = 2, 16
_N_IN = 12 * 256 * 256
_N_OUT = _N_IN // 4
_TOT_IN = _B * _C * _N_IN
_TOT_OUT = _TOT_IN // 4

_IN_W = _TOT_IN // _NW
_OUT_W = _IN_W // 4
_CH_IN = 32768
_CH_OUT = _CH_IN // 4
_NCHUNK = _IN_W // _CH_IN
_G = _CH_OUT // _L
_NBUF = 3


def _body(x_hbm, out_hbm, in_v0, in_v1, in_v2, out_v0, out_v1,
          isem0, isem1, isem2, osem0, osem1):
    wid = lax.axis_index("s") * _NC + lax.axis_index("c")
    lanes4 = jnp.arange(_L, dtype=jnp.int32) * 4

    ins = [in_v0, in_v1, in_v2]
    isems = [isem0, isem1, isem2]
    outs = [out_v0, out_v1]
    osems = [osem0, osem1]
    in_cp = [None] * _NBUF
    out_cp = [None, None]

    for k in range(_NBUF - 1):
        in_cp[k] = pltpu.async_copy(
            x_hbm.at[wid, pl.ds(k * _CH_IN, _CH_IN)], ins[k], isems[k])

    for k in range(_NCHUNK):
        b = k % _NBUF
        ob = k & 1
        nk = k + _NBUF - 1
        if nk < _NCHUNK:
            nb = nk % _NBUF
            in_cp[nb] = pltpu.async_copy(
                x_hbm.at[wid, pl.ds(nk * _CH_IN, _CH_IN)],
                ins[nb], isems[nb])
        in_cp[b].wait()
        if out_cp[ob] is not None:
            out_cp[ob].wait()

        in_v = ins[b]
        out_v = outs[ob]

        @plsc.parallel_loop(0, _G, 1, unroll=8)
        def _group(g):
            i0 = lanes4 + g * 64
            v = plsc.load_gather(in_v, [i0])
            v = jnp.maximum(v, plsc.load_gather(in_v, [i0 + 1]))
            v = jnp.maximum(v, plsc.load_gather(in_v, [i0 + 2]))
            v = jnp.maximum(v, plsc.load_gather(in_v, [i0 + 3]))
            out_v[pl.ds(g * _L, _L)] = v

        out_cp[ob] = pltpu.async_copy(
            out_v, out_hbm.at[wid, pl.ds(k * _CH_OUT, _CH_OUT)],
            osems[ob])

    for cp in out_cp:
        if cp is not None:
            cp.wait()


_maxpool4 = functools.partial(
    pl.kernel,
    out_type=jax.ShapeDtypeStruct((_NW, _OUT_W), jnp.float32),
    mesh=plsc.VectorSubcoreMesh(core_axis_name="c", subcore_axis_name="s"),
    scratch_types=[
        pltpu.VMEM((_CH_IN,), jnp.float32),
        pltpu.VMEM((_CH_IN,), jnp.float32),
        pltpu.VMEM((_CH_IN,), jnp.float32),
        pltpu.VMEM((_CH_OUT,), jnp.float32),
        pltpu.VMEM((_CH_OUT,), jnp.float32),
        pltpu.SemaphoreType.DMA,
        pltpu.SemaphoreType.DMA,
        pltpu.SemaphoreType.DMA,
        pltpu.SemaphoreType.DMA,
        pltpu.SemaphoreType.DMA,
    ],
    compiler_params=pltpu.CompilerParams(needs_layout_passes=False),
)(_body)


@jax.jit
def kernel(x, children):
    del children
    y2 = _maxpool4(x.reshape(_NW, _N_IN))
    return y2.reshape(_B, _C, _N_OUT)

# --- scband reference (transcript-rebuilt; emitter-appended) ---
"""Pipeline reference for scband-sphere-down-geo-7361573946002 (READ-ONLY COPY).

The authoritative reference and input builder live on the scoring server;
editing this copy changes nothing except your own understanding.
"""

import jax, jax.numpy as jnp
import numpy as np

NSIDE_IN = 256
N_IN = 12 * NSIDE_IN * NSIDE_IN
NSIDE_OUT = NSIDE_IN // 2
N_OUT = 12 * NSIDE_OUT * NSIDE_OUT


def setup_inputs(seed: int = 0) -> dict:
    key = jax.random.key(seed)
    x = jax.random.normal(key, (2, 16, N_IN), dtype=jnp.float32)
    # children_full buffer from the module: children[p, i] = 4*p + i for coarse pixel p
    # (NESTED HEALPix indexing: the 4 children of coarse pixel p are 4p..4p+3)
    cell_ids_out = jnp.arange(N_OUT, dtype=jnp.int32)
    children = 4 * cell_ids_out[:, None] + jnp.arange(4, dtype=jnp.int32)[None, :]
    return {"x": x, "children": children}


def reference(x, children):
    # mode='maxpool', full sphere (no in_cell_ids subset):
    # gather each coarse pixel's 4 NESTED children and take the max.
    B, C, _ = x.shape
    g = jnp.take(x, children.reshape(-1), axis=2)  # [B, C, K_out*4]
    g = g.reshape(B, C, N_OUT, 4)
    y = jnp.max(g, axis=-1)  # [B, C, K_out]
    return y

if __name__ == "__main__":
    import jax
    _d = setup_inputs()
    print(jax.jit(kernel)(*tuple(_d.values())))

</pallas_src>

<mosaic_0001>
#map = affine_map<(d0, d1) -> (0, 0)>
module attributes {stable_mosaic.version = 14 : i64} {
  func.func @_body(%arg0: i32, %arg1: i32, %arg2: memref<32x786432xf32, #tpu.memory_space<hbm>>, %arg3: memref<32x196608xf32, #tpu.memory_space<hbm>>, %arg4: memref<32768xf32, #tpu.memory_space<vmem>>, %arg5: memref<32768xf32, #tpu.memory_space<vmem>>, %arg6: memref<32768xf32, #tpu.memory_space<vmem>>, %arg7: memref<8192xf32, #tpu.memory_space<vmem>>, %arg8: memref<8192xf32, #tpu.memory_space<vmem>>, %arg9: memref<!tpu.dma_semaphore, #tpu.memory_space<semaphore_mem>>, %arg10: memref<!tpu.dma_semaphore, #tpu.memory_space<semaphore_mem>>, %arg11: memref<!tpu.dma_semaphore, #tpu.memory_space<semaphore_mem>>, %arg12: memref<!tpu.dma_semaphore, #tpu.memory_space<semaphore_mem>>, %arg13: memref<!tpu.dma_semaphore, #tpu.memory_space<semaphore_mem>>) attributes {dimension_semantics = [#tpu.dimension_semantics<core_parallel>, #tpu.dimension_semantics<subcore_parallel>], iteration_bounds = array<i64: 2, 16>, scalar_prefetch = 0 : i64, scratch_operands = 10 : i64, tpu.core_type = #tpu.core_type<sc_vector_subcore>, window_params = [{transform_indices = #map}, {transform_indices = #map}]} {
    %mul3A = arith.constant 2 : i32
    %mul3A_0 = arith.muli %arg1, %mul3A : i32
    %add3A = arith.addi %mul3A_0, %arg0 : i32
    %iota3A = tpu.iota {dimensions = array<i32: 0>} : vector<16xi32>
    %mul3A_1 = arith.constant 4 : i32
    %mul3A_2 = vector.broadcast %mul3A_1 : i32 to vector<16xi32>
    %mul3A_3 = arith.muli %iota3A, %mul3A_2 : vector<16xi32>
    %dma_start3A = arith.constant 0 : i32
    %dma_start3A_4 = tpu.memref_slice %arg2[%add3A, %dma_start3A] : memref<32x786432xf32, #tpu.memory_space<hbm>> -> memref<1x32768xf32, #tpu.memory_space<hbm>>
    %dma_start3A_5 = tpu.memref_squeeze %dma_start3A_4 : memref<1x32768xf32, #tpu.memory_space<hbm>> -> memref<32768xf32, #tpu.memory_space<hbm>>
    %dma_start3A_6 = arith.constant 0 : i32
    %dma_start3A_7 = tpu.memref_slice %arg2[%add3A, %dma_start3A_6] : memref<32x786432xf32, #tpu.memory_space<hbm>> -> memref<1x32768xf32, #tpu.memory_space<hbm>>
    %dma_start3A_8 = tpu.memref_squeeze %dma_start3A_7 : memref<1x32768xf32, #tpu.memory_space<hbm>> -> memref<32768xf32, #tpu.memory_space<hbm>>
    tpu.enqueue_dma source(%dma_start3A_8 : memref<32768xf32, #tpu.memory_space<hbm>>) target(%arg4 : memref<32768xf32, #tpu.memory_space<vmem>>) target_semaphore(%arg9 : memref<!tpu.dma_semaphore, #tpu.memory_space<semaphore_mem>>)
    %dma_start3A_9 = arith.constant 32768 : i32
    %dma_start3A_10 = tpu.memref_slice %arg2[%add3A, %dma_start3A_9] : memref<32x786432xf32, #tpu.memory_space<hbm>> -> memref<1x32768xf32, #tpu.memory_space<hbm>>
    %dma_start3A_11 = tpu.memref_squeeze %dma_start3A_10 : memref<1x32768xf32, #tpu.memory_space<hbm>> -> memref<32768xf32, #tpu.memory_space<hbm>>
    %dma_start3A_12 = arith.constant 32768 : i32
    %dma_start3A_13 = tpu.memref_slice %arg2[%add3A, %dma_start3A_12] : memref<32x786432xf32, #tpu.memory_space<hbm>> -> memref<1x32768xf32, #tpu.memory_space<hbm>>
    %dma_start3A_14 = tpu.memref_squeeze %dma_start3A_13 : memref<1x32768xf32, #tpu.memory_space<hbm>> -> memref<32768xf32, #tpu.memory_space<hbm>>
    tpu.enqueue_dma source(%dma_start3A_14 : memref<32768xf32, #tpu.memory_space<hbm>>) target(%arg5 : memref<32768xf32, #tpu.memory_space<vmem>>) target_semaphore(%arg10 : memref<!tpu.dma_semaphore, #tpu.memory_space<semaphore_mem>>)
    %dma_start3A_15 = arith.constant 65536 : i32
    %dma_start3A_16 = tpu.memref_slice %arg2[%add3A, %dma_start3A_15] : memref<32x786432xf32, #tpu.memory_space<hbm>> -> memref<1x32768xf32, #tpu.memory_space<hbm>>
    %dma_start3A_17 = tpu.memref_squeeze %dma_start3A_16 : memref<1x32768xf32, #tpu.memory_space<hbm>> -> memref<32768xf32, #tpu.memory_space<hbm>>
    %dma_start3A_18 = arith.constant 65536 : i32
    %dma_start3A_19 = tpu.memref_slice %arg2[%add3A, %dma_start3A_18] : memref<32x786432xf32, #tpu.memory_space<hbm>> -> memref<1x32768xf32, #tpu.memory_space<hbm>>
    %dma_start3A_20 = tpu.memref_squeeze %dma_start3A_19 : memref<1x32768xf32, #tpu.memory_space<hbm>> -> memref<32768xf32, #tpu.memory_space<hbm>>
    tpu.enqueue_dma source(%dma_start3A_20 : memref<32768xf32, #tpu.memory_space<hbm>>) target(%arg6 : memref<32768xf32, #tpu.memory_space<vmem>>) target_semaphore(%arg11 : memref<!tpu.dma_semaphore, #tpu.memory_space<semaphore_mem>>)
    %dma_wait3A = arith.constant 0 : i32
    %dma_wait3A_21 = tpu.memref_slice %arg2[%add3A, %dma_wait3A] : memref<32x786432xf32, #tpu.memory_space<hbm>> -> memref<1x32768xf32, #tpu.memory_space<hbm>>
    %dma_wait3A_22 = tpu.memref_squeeze %dma_wait3A_21 : memref<1x32768xf32, #tpu.memory_space<hbm>> -> memref<32768xf32, #tpu.memory_space<hbm>>
    %dma_wait3A_23 = arith.constant 0 : i32
    %dma_wait3A_24 = tpu.memref_slice %arg2[%add3A, %dma_wait3A_23] : memref<32x786432xf32, #tpu.memory_space<hbm>> -> memref<1x32768xf32, #tpu.memory_space<hbm>>
    %dma_wait3A_25 = tpu.memref_squeeze %dma_wait3A_24 : memref<1x32768xf32, #tpu.memory_space<hbm>> -> memref<32768xf32, #tpu.memory_space<hbm>>
    tpu.wait_dma2 semaphore(%arg9 : memref<!tpu.dma_semaphore, #tpu.memory_space<semaphore_mem>>) src(%dma_wait3A_25 : memref<32768xf32, #tpu.memory_space<hbm>>) dst(%arg4 : memref<32768xf32, #tpu.memory_space<vmem>>)
    %parallel_loop3A = arith.constant 0 : i32
    %parallel_loop3A_26 = arith.constant 512 : i32
    %parallel_loop3A_27 = arith.constant 1 : i32
    scf.for %parallel_loop3A_649 = %parallel_loop3A to %parallel_loop3A_26 step %parallel_loop3A_27  : i32 {
      %parallel_loop3A_650 = arith.constant 64 : i32
      %parallel_loop3A_651 = arith.muli %parallel_loop3A_649, %parallel_loop3A_650 : i32
      %parallel_loop3A_652 = vector.broadcast %parallel_loop3A_651 : i32 to vector<16xi32>
      %parallel_loop3A_653 = arith.addi %mul3A_3, %parallel_loop3A_652 : vector<16xi32>
      %parallel_loop3A_654 = tpu.vector_load_idx %arg4[%parallel_loop3A_653] : memref<32768xf32, #tpu.memory_space<vmem>>[vector<16xi32>], vector<16xf32>,
      %parallel_loop3A_655 = arith.constant 1 : i32
      %parallel_loop3A_656 = vector.broadcast %parallel_loop3A_655 : i32 to vector<16xi32>
      %parallel_loop3A_657 = arith.addi %parallel_loop3A_653, %parallel_loop3A_656 : vector<16xi32>
      %parallel_loop3A_658 = tpu.vector_load_idx %arg4[%parallel_loop3A_657] : memref<32768xf32, #tpu.memory_space<vmem>>[vector<16xi32>], vector<16xf32>,
      %parallel_loop3A_659 = arith.maximumf %parallel_loop3A_654, %parallel_loop3A_658 : vector<16xf32>
      %parallel_loop3A_660 = arith.constant 2 : i32
      %parallel_loop3A_661 = vector.broadcast %parallel_loop3A_660 : i32 to vector<16xi32>
      %parallel_loop3A_662 = arith.addi %parallel_loop3A_653, %parallel_loop3A_661 : vector<16xi32>
      %parallel_loop3A_663 = tpu.vector_load_idx %arg4[%parallel_loop3A_662] : memref<32768xf32, #tpu.memory_space<vmem>>[vector<16xi32>], vector<16xf32>,
      %parallel_loop3A_664 = arith.maximumf %parallel_loop3A_659, %parallel_loop3A_663 : vector<16xf32>
      %parallel_loop3A_665 = arith.constant 3 : i32
      %parallel_loop3A_666 = vector.broadcast %parallel_loop3A_665 : i32 to vector<16xi32>
      %parallel_loop3A_667 = arith.addi %parallel_loop3A_653, %parallel_loop3A_666 : vector<16xi32>
      %parallel_loop3A_668 = tpu.vector_load_idx %arg4[%parallel_loop3A_667] : memref<32768xf32, #tpu.memory_space<vmem>>[vector<16xi32>], vector<16xf32>,
      %parallel_loop3A_669 = arith.maximumf %parallel_loop3A_664, %parallel_loop3A_668 : vector<16xf32>
      %parallel_loop3A_670 = arith.constant 16 : i32
      %parallel_loop3A_671 = arith.muli %parallel_loop3A_649, %parallel_loop3A_670 : i32
      %parallel_loop3A_672 = arith.index_cast %parallel_loop3A_671 : i32 to index
      %parallel_loop3A_673 = tpu.vector_load %arg7[%parallel_loop3A_672] {strides = array<i32>} : memref<8192xf32, #tpu.memory_space<vmem>>, vector<16xf32>,
      tpu.vector_store %arg7[%parallel_loop3A_672], %parallel_loop3A_669 {strides = array<i32>} : memref<8192xf32, #tpu.memory_space<vmem>>, vector<16xf32>,
    } {sc.loop_unroll_factor = 8 : i64, sc.parallel_access}
    %dma_start3A_28 = arith.constant 0 : i32
    %dma_start3A_29 = tpu.memref_slice %arg3[%add3A, %dma_start3A_28] : memref<32x196608xf32, #tpu.memory_space<hbm>> -> memref<1x8192xf32, #tpu.memory_space<hbm>>
    %dma_start3A_30 = tpu.memref_squeeze %dma_start3A_29 : memref<1x8192xf32, #tpu.memory_space<hbm>> -> memref<8192xf32, #tpu.memory_space<hbm>>
    %dma_start3A_31 = arith.constant 0 : i32
    %dma_start3A_32 = tpu.memref_slice %arg3[%add3A, %dma_start3A_31] : memref<32x196608xf32, #tpu.memory_space<hbm>> -> memref<1x8192xf32, #tpu.memory_space<hbm>>
    %dma_start3A_33 = tpu.memref_squeeze %dma_start3A_32 : memref<1x8192xf32, #tpu.memory_space<hbm>> -> memref<8192xf32, #tpu.memory_space<hbm>>
    tpu.enqueue_dma source(%arg7 : memref<8192xf32, #tpu.memory_space<vmem>>) target(%dma_start3A_33 : memref<8192xf32, #tpu.memory_space<hbm>>) target_semaphore(%arg12 : memref<!tpu.dma_semaphore, #tpu.memory_space<semaphore_mem>>)
    %dma_start3A_34 = arith.constant 98304 : i32
    %dma_start3A_35 = tpu.memref_slice %arg2[%add3A, %dma_start3A_34] : memref<32x786432xf32, #tpu.memory_space<hbm>> -> memref<1x32768xf32, #tpu.memory_space<hbm>>
    %dma_start3A_36 = tpu.memref_squeeze %dma_start3A_35 : memref<1x32768xf32, #tpu.memory_space<hbm>> -> memref<32768xf32, #tpu.memory_space<hbm>>
    %dma_start3A_37 = arith.constant 98304 : i32
    %dma_start3A_38 = tpu.memref_slice %arg2[%add3A, %dma_start3A_37] : memref<32x786432xf32, #tpu.memory_space<hbm>> -> memref<1x32768xf32, #tpu.memory_space<hbm>>
    %dma_start3A_39 = tpu.memref_squeeze %dma_start3A_38 : memref<1x32768xf32, #tpu.memory_space<hbm>> -> memref<32768xf32, #tpu.memory_space<hbm>>
    tpu.enqueue_dma source(%dma_start3A_39 : memref<32768xf32, #tpu.memory_space<hbm>>) target(%arg4 : memref<32768xf32, #tpu.memory_space<vmem>>) target_semaphore(%arg9 : memref<!tpu.dma_semaphore, #tpu.memory_space<semaphore_mem>>)
    %dma_wait3A_40 = arith.constant 32768 : i32
    %dma_wait3A_41 = tpu.memref_slice %arg2[%add3A, %dma_wait3A_40] : memref<32x786432xf32, #tpu.memory_space<hbm>> -> memref<1x32768xf32, #tpu.memory_space<hbm>>
    %dma_wait3A_42 = tpu.memref_squeeze %dma_wait3A_41 : memref<1x32768xf32, #tpu.memory_space<hbm>> -> memref<32768xf32, #tpu.memory_space<hbm>>
    %dma_wait3A_43 = arith.constant 32768 : i32
    %dma_wait3A_44 = tpu.memref_slice %arg2[%add3A, %dma_wait3A_43] : memref<32x786432xf32, #tpu.memory_space<hbm>> -> memref<1x32768xf32, #tpu.memory_space<hbm>>
    %dma_wait3A_45 = tpu.memref_squeeze %dma_wait3A_44 : memref<1x32768xf32, #tpu.memory_space<hbm>> -> memref<32768xf32, #tpu.memory_space<hbm>>
    tpu.wait_dma2 semaphore(%arg10 : memref<!tpu.dma_semaphore, #tpu.memory_space<semaphore_mem>>) src(%dma_wait3A_45 : memref<32768xf32, #tpu.memory_space<hbm>>) dst(%arg5 : memref<32768xf32, #tpu.memory_space<vmem>>)
    %parallel_loop3A_46 = arith.constant 0 : i32
    %parallel_loop3A_47 = arith.constant 512 : i32
    %parallel_loop3A_48 = arith.constant 1 : i32
    scf.for %parallel_loop3A_649 = %parallel_loop3A_46 to %parallel_loop3A_47 step %parallel_loop3A_48  : i32 {
      %parallel_loop3A_650 = arith.constant 64 : i32
      %parallel_loop3A_651 = arith.muli %parallel_loop3A_649, %parallel_loop3A_650 : i32
      %parallel_loop3A_652 = vector.broadcast %parallel_loop3A_651 : i32 to vector<16xi32>
      %parallel_loop3A_653 = arith.addi %mul3A_3, %parallel_loop3A_652 : vector<16xi32>
      %parallel_loop3A_654 = tpu.vector_load_idx %arg5[%parallel_loop3A_653] : memref<32768xf32, #tpu.memory_space<vmem>>[vector<16xi32>], vector<16xf32>,
      %parallel_loop3A_655 = arith.constant 1 : i32
      %parallel_loop3A_656 = vector.broadcast %parallel_loop3A_655 : i32 to vector<16xi32>
      %parallel_loop3A_657 = arith.addi %parallel_loop3A_653, %parallel_loop3A_656 : vector<16xi32>
      %parallel_loop3A_658 = tpu.vector_load_idx %arg5[%parallel_loop3A_657] : memref<32768xf32, #tpu.memory_space<vmem>>[vector<16xi32>], vector<16xf32>,
      %parallel_loop3A_659 = arith.maximumf %parallel_loop3A_654, %parallel_loop3A_658 : vector<16xf32>
      %parallel_loop3A_660 = arith.constant 2 : i32
      %parallel_loop3A_661 = vector.broadcast %parallel_loop3A_660 : i32 to vector<16xi32>
      %parallel_loop3A_662 = arith.addi %parallel_loop3A_653, %parallel_loop3A_661 : vector<16xi32>
      %parallel_loop3A_663 = tpu.vector_load_idx %arg5[%parallel_loop3A_662] : memref<32768xf32, #tpu.memory_space<vmem>>[vector<16xi32>], vector<16xf32>,
      %parallel_loop3A_664 = arith.maximumf %parallel_loop3A_659, %parallel_loop3A_663 : vector<16xf32>
      %parallel_loop3A_665 = arith.constant 3 : i32
      %parallel_loop3A_666 = vector.broadcast %parallel_loop3A_665 : i32 to vector<16xi32>
      %parallel_loop3A_667 = arith.addi %parallel_loop3A_653, %parallel_loop3A_666 : vector<16xi32>
      %parallel_loop3A_668 = tpu.vector_load_idx %arg5[%parallel_loop3A_667] : memref<32768xf32, #tpu.memory_space<vmem>>[vector<16xi32>], vector<16xf32>,
      %parallel_loop3A_669 = arith.maximumf %parallel_loop3A_664, %parallel_loop3A_668 : vector<16xf32>
      %parallel_loop3A_670 = arith.constant 16 : i32
      %parallel_loop3A_671 = arith.muli %parallel_loop3A_649, %parallel_loop3A_670 : i32
      %parallel_loop3A_672 = arith.index_cast %parallel_loop3A_671 : i32 to index
      %parallel_loop3A_673 = tpu.vector_load %arg8[%parallel_loop3A_672] {strides = array<i32>} : memref<8192xf32, #tpu.memory_space<vmem>>, vector<16xf32>,
      tpu.vector_store %arg8[%parallel_loop3A_672], %parallel_loop3A_669 {strides = array<i32>} : memref<8192xf32, #tpu.memory_space<vmem>>, vector<16xf32>,
    } {sc.loop_unroll_factor = 8 : i64, sc.parallel_access}
    %dma_start3A_49 = arith.constant 8192 : i32
    %dma_start3A_50 = tpu.memref_slice %arg3[%add3A, %dma_start3A_49] : memref<32x196608xf32, #tpu.memory_space<hbm>> -> memref<1x8192xf32, #tpu.memory_space<hbm>>
    %dma_start3A_51 = tpu.memref_squeeze %dma_start3A_50 : memref<1x8192xf32, #tpu.memory_space<hbm>> -> memref<8192xf32, #tpu.memory_space<hbm>>
    %dma_start3A_52 = arith.constant 8192 : i32
    %dma_start3A_53 = tpu.memref_slice %arg3[%add3A, %dma_start3A_52] : memref<32x196608xf32, #tpu.memory_space<hbm>> -> memref<1x8192xf32, #tpu.memory_space<hbm>>
    %dma_start3A_54 = tpu.memref_squeeze %dma_start3A_53 : memref<1x8192xf32, #tpu.memory_space<hbm>> -> memref<8192xf32, #tpu.memory_space<hbm>>
    tpu.enqueue_dma source(%arg8 : memref<8192xf32, #tpu.memory_space<vmem>>) target(%dma_start3A_54 : memref<8192xf32, #tpu.memory_space<hbm>>) target_semaphore(%arg13 : memref<!tpu.dma_semaphore, #tpu.memory_space<semaphore_mem>>)
    %dma_start3A_55 = arith.constant 131072 : i32
    %dma_start3A_56 = tpu.memref_slice %arg2[%add3A, %dma_start3A_55] : memref<32x786432xf32, #tpu.memory_space<hbm>> -> memref<1x32768xf32, #tpu.memory_space<hbm>>
    %dma_start3A_57 = tpu.memref_squeeze %dma_start3A_56 : memref<1x32768xf32, #tpu.memory_space<hbm>> -> memref<32768xf32, #tpu.memory_space<hbm>>
    %dma_start3A_58 = arith.constant 131072 : i32
    %dma_start3A_59 = tpu.memref_slice %arg2[%add3A, %dma_start3A_58] : memref<32x786432xf32, #tpu.memory_space<hbm>> -> memref<1x32768xf32, #tpu.memory_space<hbm>>
    %dma_start3A_60 = tpu.memref_squeeze %dma_start3A_59 : memref<1x32768xf32, #tpu.memory_space<hbm>> -> memref<32768xf32, #tpu.memory_space<hbm>>
    tpu.enqueue_dma source(%dma_start3A_60 : memref<32768xf32, #tpu.memory_space<hbm>>) target(%arg5 : memref<32768xf32, #tpu.memory_space<vmem>>) target_semaphore(%arg10 : memref<!tpu.dma_semaphore, #tpu.memory_space<semaphore_mem>>)
    %dma_wait3A_61 = arith.constant 65536 : i32
    %dma_wait3A_62 = tpu.memref_slice %arg2[%add3A, %dma_wait3A_61] : memref<32x786432xf32, #tpu.memory_space<hbm>> -> memref<1x32768xf32, #tpu.memory_space<hbm>>
    %dma_wait3A_63 = tpu.memref_squeeze %dma_wait3A_62 : memref<1x32768xf32, #tpu.memory_space<hbm>> -> memref<32768xf32, #tpu.memory_space<hbm>>
    %dma_wait3A_64 = arith.constant 65536 : i32
    %dma_wait3A_65 = tpu.memref_slice %arg2[%add3A, %dma_wait3A_64] : memref<32x786432xf32, #tpu.memory_space<hbm>> -> memref<1x32768xf32, #tpu.memory_space<hbm>>
    %dma_wait3A_66 = tpu.memref_squeeze %dma_wait3A_65 : memref<1x32768xf32, #tpu.memory_space<hbm>> -> memref<32768xf32, #tpu.memory_space<hbm>>
    tpu.wait_dma2 semaphore(%arg11 : memref<!tpu.dma_semaphore, #tpu.memory_space<semaphore_mem>>) src(%dma_wait3A_66 : memref<32768xf32, #tpu.memory_space<hbm>>) dst(%arg6 : memref<32768xf32, #tpu.memory_space<vmem>>)
    %dma_wait3A_67 = arith.constant 0 : i32
    %dma_wait3A_68 = tpu.memref_slice %arg3[%add3A, %dma_wait3A_67] : memref<32x196608xf32, #tpu.memory_space<hbm>> -> memref<1x8192xf32, #tpu.memory_space<hbm>>
    %dma_wait3A_69 = tpu.memref_squeeze %dma_wait3A_68 : memref<1x8192xf32, #tpu.memory_space<hbm>> -> memref<8192xf32, #tpu.memory_space<hbm>>
    %dma_wait3A_70 = arith.constant 0 : i32
    %dma_wait3A_71 = tpu.memref_slice %arg3[%add3A, %dma_wait3A_70] : memref<32x196608xf32, #tpu.memory_space<hbm>> -> memref<1x8192xf32, #tpu.memory_space<hbm>>
    %dma_wait3A_72 = tpu.memref_squeeze %dma_wait3A_71 : memref<1x8192xf32, #tpu.memory_space<hbm>> -> memref<8192xf32, #tpu.memory_space<hbm>>
    tpu.wait_dma2 semaphore(%arg12 : memref<!tpu.dma_semaphore, #tpu.memory_space<semaphore_mem>>) src(%arg7 : memref<8192xf32, #tpu.memory_space<vmem>>) dst(%dma_wait3A_72 : memref<8192xf32, #tpu.memory_space<hbm>>)
    %parallel_loop3A_73 = arith.constant 0 : i32
    %parallel_loop3A_74 = arith.constant 512 : i32
    %parallel_loop3A_75 = arith.constant 1 : i32
    scf.for %parallel_loop3A_649 = %parallel_loop3A_73 to %parallel_loop3A_74 step %parallel_loop3A_75  : i32 {
      %parallel_loop3A_650 = arith.constant 64 : i32
      %parallel_loop3A_651 = arith.muli %parallel_loop3A_649, %parallel_loop3A_650 : i32
      %parallel_loop3A_652 = vector.broadcast %parallel_loop3A_651 : i32 to vector<16xi32>
      %parallel_loop3A_653 = arith.addi %mul3A_3, %parallel_loop3A_652 : vector<16xi32>
      %parallel_loop3A_654 = tpu.vector_load_idx %arg6[%parallel_loop3A_653] : memref<32768xf32, #tpu.memory_space<vmem>>[vector<16xi32>], vector<16xf32>,
      %parallel_loop3A_655 = arith.constant 1 : i32
      %parallel_loop3A_656 = vector.broadcast %parallel_loop3A_655 : i32 to vector<16xi32>
      %parallel_loop3A_657 = arith.addi %parallel_loop3A_653, %parallel_loop3A_656 : vector<16xi32>
      %parallel_loop3A_658 = tpu.vector_load_idx %arg6[%parallel_loop3A_657] : memref<32768xf32, #tpu.memory_space<vmem>>[vector<16xi32>], vector<16xf32>,
      %parallel_loop3A_659 = arith.maximumf %parallel_loop3A_654, %parallel_loop3A_658 : vector<16xf32>
      %parallel_loop3A_660 = arith.constant 2 : i32
      %parallel_loop3A_661 = vector.broadcast %parallel_loop3A_660 : i32 to vector<16xi32>
      %parallel_loop3A_662 = arith.addi %parallel_loop3A_653, %parallel_loop3A_661 : vector<16xi32>
      %parallel_loop3A_663 = tpu.vector_load_idx %arg6[%parallel_loop3A_662] : memref<32768xf32, #tpu.memory_space<vmem>>[vector<16xi32>], vector<16xf32>,
      %parallel_loop3A_664 = arith.maximumf %parallel_loop3A_659, %parallel_loop3A_663 : vector<16xf32>
      %parallel_loop3A_665 = arith.constant 3 : i32
      %parallel_loop3A_666 = vector.broadcast %parallel_loop3A_665 : i32 to vector<16xi32>
      %parallel_loop3A_667 = arith.addi %parallel_loop3A_653, %parallel_loop3A_666 : vector<16xi32>
      %parallel_loop3A_668 = tpu.vector_load_idx %arg6[%parallel_loop3A_667] : memref<32768xf32, #tpu.memory_space<vmem>>[vector<16xi32>], vector<16xf32>,
      %parallel_loop3A_669 = arith.maximumf %parallel_loop3A_664, %parallel_loop3A_668 : vector<16xf32>
      %parallel_loop3A_670 = arith.constant 16 : i32
      %parallel_loop3A_671 = arith.muli %parallel_loop3A_649, %parallel_loop3A_670 : i32
      %parallel_loop3A_672 = arith.index_cast %parallel_loop3A_671 : i32 to index
      %parallel_loop3A_673 = tpu.vector_load %arg7[%parallel_loop3A_672] {strides = array<i32>} : memref<8192xf32, #tpu.memory_space<vmem>>, vector<16xf32>,
      tpu.vector_store %arg7[%parallel_loop3A_672], %parallel_loop3A_669 {strides = array<i32>} : memref<8192xf32, #tpu.memory_space<vmem>>, vector<16xf32>,
    } {sc.loop_unroll_factor = 8 : i64, sc.parallel_access}
    %dma_start3A_76 = arith.constant 16384 : i32
    %dma_start3A_77 = tpu.memref_slice %arg3[%add3A, %dma_start3A_76] : memref<32x196608xf32, #tpu.memory_space<hbm>> -> memref<1x8192xf32, #tpu.memory_space<hbm>>
    %dma_start3A_78 = tpu.memref_squeeze %dma_start3A_77 : memref<1x8192xf32, #tpu.memory_space<hbm>> -> memref<8192xf32, #tpu.memory_space<hbm>>
    %dma_start3A_79 = arith.constant 16384 : i32
    %dma_start3A_80 = tpu.memref_slice %arg3[%add3A, %dma_start3A_79] : memref<32x196608xf32, #tpu.memory_space<hbm>> -> memref<1x8192xf32, #tpu.memory_space<hbm>>
    %dma_start3A_81 = tpu.memref_squeeze %dma_start3A_80 : memref<1x8192xf32, #tpu.memory_space<hbm>> -> memref<8192xf32, #tpu.memory_space<hbm>>
    tpu.enqueue_dma source(%arg7 : memref<8192xf32, #tpu.memory_space<vmem>>) target(%dma_start3A_81 : memref<8192xf32, #tpu.memory_space<hbm>>) target_semaphore(%arg12 : memref<!tpu.dma_semaphore, #tpu.memory_space<semaphore_mem>>)
    %dma_start3A_82 = arith.constant 163840 : i32
    %dma_start3A_83 = tpu.memref_slice %arg2[%add3A, %dma_start3A_82] : memref<32x786432xf32, #tpu.memory_space<hbm>> -> memref<1x32768xf32, #tpu.memory_space<hbm>>
    %dma_start3A_84 = tpu.memref_squeeze %dma_start3A_83 : memref<1x32768xf32, #tpu.memory_space<hbm>> -> memref<32768xf32, #tpu.memory_space<hbm>>
    %dma_start3A_85 = arith.constant 163840 : i32
    %dma_start3A_86 = tpu.memref_slice %arg2[%add3A, %dma_start3A_85] : memref<32x786432xf32, #tpu.memory_space<hbm>> -> memref<1x32768xf32, #tpu.memory_space<hbm>>
    %dma_start3A_87 = tpu.memref_squeeze %dma_start3A_86 : memref<1x32768xf32, #tpu.memory_space<hbm>> -> memref<32768xf32, #tpu.memory_space<hbm>>
    tpu.enqueue_dma source(%dma_start3A_87 : memref<32768xf32, #tpu.memory_space<hbm>>) target(%arg6 : memref<32768xf32, #tpu.memory_space<vmem>>) target_semaphore(%arg11 : memref<!tpu.dma_semaphore, #tpu.memory_space<semaphore_mem>>)
    %dma_wait3A_88 = arith.constant 98304 : i32
    %dma_wait3A_89 = tpu.memref_slice %arg2[%add3A, %dma_wait3A_88] : memref<32x786432xf32, #tpu.memory_space<hbm>> -> memref<1x32768xf32, #tpu.memory_space<hbm>>
    %dma_wait3A_90 = tpu.memref_squeeze %dma_wait3A_89 : memref<1x32768xf32, #tpu.memory_space<hbm>> -> memref<32768xf32, #tpu.memory_space<hbm>>
    %dma_wait3A_91 = arith.constant 98304 : i32
    %dma_wait3A_92 = tpu.memref_slice %arg2[%add3A, %dma_wait3A_91] : memref<32x786432xf32, #tpu.memory_space<hbm>> -> memref<1x32768xf32, #tpu.memory_space<hbm>>
    %dma_wait3A_93 = tpu.memref_squeeze %dma_wait3A_92 : memref<1x32768xf32, #tpu.memory_space<hbm>> -> memref<32768xf32, #tpu.memory_space<hbm>>
    tpu.wait_dma2 semaphore(%arg9 : memref<!tpu.dma_semaphore, #tpu.memory_space<semaphore_mem>>) src(%dma_wait3A_93 : memref<32768xf32, #tpu.memory_space<hbm>>) dst(%arg4 : memref<32768xf32, #tpu.memory_space<vmem>>)
    %dma_wait3A_94 = arith.constant 8192 : i32
    %dma_wait3A_95 = tpu.memref_slice %arg3[%add3A, %dma_wait3A_94] : memref<32x196608xf32, #tpu.memory_space<hbm>> -> memref<1x8192xf32, #tpu.memory_space<hbm>>
    %dma_wait3A_96 = tpu.memref_squeeze %dma_wait3A_95 : memref<1x8192xf32, #tpu.memory_space<hbm>> -> memref<8192xf32, #tpu.memory_space<hbm>>
    %dma_wait3A_97 = arith.constant 8192 : i32
    %dma_wait3A_98 = tpu.memref_slice %arg3[%add3A, %dma_wait3A_97] : memref<32x196608xf32, #tpu.memory_space<hbm>> -> memref<1x8192xf32, #tpu.memory_space<hbm>>
    %dma_wait3A_99 = tpu.memref_squeeze %dma_wait3A_98 : memref<1x8192xf32, #tpu.memory_space<hbm>> -> memref<8192xf32, #tpu.memory_space<hbm>>
    tpu.wait_dma2 semaphore(%arg13 : memref<!tpu.dma_semaphore, #tpu.memory_space<semaphore_mem>>) src(%arg8 : memref<8192xf32, #tpu.memory_space<vmem>>) dst(%dma_wait3A_99 : memref<8192xf32, #tpu.memory_space<hbm>>)
    %parallel_loop3A_100 = arith.constant 0 : i32
    %parallel_loop3A_101 = arith.constant 512 : i32
    %parallel_loop3A_102 = arith.constant 1 : i32
    scf.for %parallel_loop3A_649 = %parallel_loop3A_100 to %parallel_loop3A_101 step %parallel_loop3A_102  : i32 {
      %parallel_loop3A_650 = arith.constant 64 : i32
      %parallel_loop3A_651 = arith.muli %parallel_loop3A_649, %parallel_loop3A_650 : i32
      %parallel_loop3A_652 = vector.broadcast %parallel_loop3A_651 : i32 to vector<16xi32>
      %parallel_loop3A_653 = arith.addi %mul3A_3, %parallel_loop3A_652 : vector<16xi32>
      %parallel_loop3A_654 = tpu.vector_load_idx %arg4[%parallel_loop3A_653] : memref<32768xf32, #tpu.memory_space<vmem>>[vector<16xi32>], vector<16xf32>,
      %parallel_loop3A_655 = arith.constant 1 : i32
      %parallel_loop3A_656 = vector.broadcast %parallel_loop3A_655 : i32 to vector<16xi32>
      %parallel_loop3A_657 = arith.addi %parallel_loop3A_653, %parallel_loop3A_656 : vector<16xi32>
      %parallel_loop3A_658 = tpu.vector_load_idx %arg4[%parallel_loop3A_657] : memref<32768xf32, #tpu.memory_space<vmem>>[vector<16xi32>], vector<16xf32>,
      %parallel_loop3A_659 = arith.maximumf %parallel_loop3A_654, %parallel_loop3A_658 : vector<16xf32>
      %parallel_loop3A_660 = arith.constant 2 : i32
      %parallel_loop3A_661 = vector.broadcast %parallel_loop3A_660 : i32 to vector<16xi32>
      %parallel_loop3A_662 = arith.addi %parallel_loop3A_653, %parallel_loop3A_661 : vector<16xi32>
      %parallel_loop3A_663 = tpu.vector_load_idx %arg4[%parallel_loop3A_662] : memref<32768xf32, #tpu.memory_space<vmem>>[vector<16xi32>], vector<16xf32>,
      %parallel_loop3A_664 = arith.maximumf %parallel_loop3A_659, %parallel_loop3A_663 : vector<16xf32>
      %parallel_loop3A_665 = arith.constant 3 : i32
      %parallel_loop3A_666 = vector.broadcast %parallel_loop3A_665 : i32 to vector<16xi32>
      %parallel_loop3A_667 = arith.addi %parallel_loop3A_653, %parallel_loop3A_666 : vector<16xi32>
      %parallel_loop3A_668 = tpu.vector_load_idx %arg4[%parallel_loop3A_667] : memref<32768xf32, #tpu.memory_space<vmem>>[vector<16xi32>], vector<16xf32>,
      %parallel_loop3A_669 = arith.maximumf %parallel_loop3A_664, %parallel_loop3A_668 : vector<16xf32>
      %parallel_loop3A_670 = arith.constant 16 : i32
      %parallel_loop3A_671 = arith.muli %parallel_loop3A_649, %parallel_loop3A_670 : i32
      %parallel_loop3A_672 = arith.index_cast %parallel_loop3A_671 : i32 to index
      %parallel_loop3A_673 = tpu.vector_load %arg8[%parallel_loop3A_672] {strides = array<i32>} : memref<8192xf32, #tpu.memory_space<vmem>>, vector<16xf32>,
      tpu.vector_store %arg8[%parallel_loop3A_672], %parallel_loop3A_669 {strides = array<i32>} : memref<8192xf32, #tpu.memory_space<vmem>>, vector<16xf32>,
    } {sc.loop_unroll_factor = 8 : i64, sc.parallel_access}
    %dma_start3A_103 = arith.constant 24576 : i32
    %dma_start3A_104 = tpu.memref_slice %arg3[%add3A, %dma_start3A_103] : memref<32x196608xf32, #tpu.memory_space<hbm>> -> memref<1x8192xf32, #tpu.memory_space<hbm>>
    %dma_start3A_105 = tpu.memref_squeeze %dma_start3A_104 : memref<1x8192xf32, #tpu.memory_space<hbm>> -> memref<8192xf32, #tpu.memory_space<hbm>>
    %dma_start3A_106 = arith.constant 24576 : i32
    %dma_start3A_107 = tpu.memref_slice %arg3[%add3A, %dma_start3A_106] : memref<32x196608xf32, #tpu.memory_space<hbm>> -> memref<1x8192xf32, #tpu.memory_space<hbm>>
    %dma_start3A_108 = tpu.memref_squeeze %dma_start3A_107 : memref<1x8192xf32, #tpu.memory_space<hbm>> -> memref<8192xf32, #tpu.memory_space<hbm>>
    tpu.enqueue_dma source(%arg8 : memref<8192xf32, #tpu.memory_space<vmem>>) target(%dma_start3A_108 : memref<8192xf32, #tpu.memory_space<hbm>>) target_semaphore(%arg13 : memref<!tpu.dma_semaphore, #tpu.memory_space<semaphore_mem>>)
    %dma_start3A_109 = arith.constant 196608 : i32
    %dma_start3A_110 = tpu.memref_slice %arg2[%add3A, %dma_start3A_109] : memref<32x786432xf32, #tpu.memory_space<hbm>> -> memref<1x32768xf32, #tpu.memory_space<hbm>>
    %dma_start3A_111 = tpu.memref_squeeze %dma_start3A_110 : memref<1x32768xf32, #tpu.memory_space<hbm>> -> memref<32768xf32, #tpu.memory_space<hbm>>
    %dma_start3A_112 = arith.constant 196608 : i32
    %dma_start3A_113 = tpu.memref_slice %arg2[%add3A, %dma_start3A_112] : memref<32x786432xf32, #tpu.memory_space<hbm>> -> memref<1x32768xf32, #tpu.memory_space<hbm>>
    %dma_start3A_114 = tpu.memref_squeeze %dma_start3A_113 : memref<1x32768xf32, #tpu.memory_space<hbm>> -> memref<32768xf32, #tpu.memory_space<hbm>>
    tpu.enqueue_dma source(%dma_start3A_114 : memref<32768xf32, #tpu.memory_space<hbm>>) target(%arg4 : memref<32768xf32, #tpu.memory_space<vmem>>) target_semaphore(%arg9 : memref<!tpu.dma_semaphore, #tpu.memory_space<semaphore_mem>>)
    %dma_wait3A_115 = arith.constant 131072 : i32
    %dma_wait3A_116 = tpu.memref_slice %arg2[%add3A, %dma_wait3A_115] : memref<32x786432xf32, #tpu.memory_space<hbm>> -> memref<1x32768xf32, #tpu.memory_space<hbm>>
    %dma_wait3A_117 = tpu.memref_squeeze %dma_wait3A_116 : memref<1x32768xf32, #tpu.memory_space<hbm>> -> memref<32768xf32, #tpu.memory_space<hbm>>
    %dma_wait3A_118 = arith.constant 131072 : i32
    %dma_wait3A_119 = tpu.memref_slice %arg2[%add3A, %dma_wait3A_118] : memref<32x786432xf32, #tpu.memory_space<hbm>> -> memref<1x32768xf32, #tpu.memory_space<hbm>>
    %dma_wait3A_120 = tpu.memref_squeeze %dma_wait3A_119 : memref<1x32768xf32, #tpu.memory_space<hbm>> -> memref<32768xf32, #tpu.memory_space<hbm>>
    tpu.wait_dma2 semaphore(%arg10 : memref<!tpu.dma_semaphore, #tpu.memory_space<semaphore_mem>>) src(%dma_wait3A_120 : memref<32768xf32, #tpu.memory_space<hbm>>) dst(%arg5 : memref<32768xf32, #tpu.memory_space<vmem>>)
    %dma_wait3A_121 = arith.constant 16384 : i32
    %dma_wait3A_122 = tpu.memref_slice %arg3[%add3A, %dma_wait3A_121] : memref<32x196608xf32, #tpu.memory_space<hbm>> -> memref<1x8192xf32, #tpu.memory_space<hbm>>
    %dma_wait3A_123 = tpu.memref_squeeze %dma_wait3A_122 : memref<1x8192xf32, #tpu.memory_space<hbm>> -> memref<8192xf32, #tpu.memory_space<hbm>>
    %dma_wait3A_124 = arith.constant 16384 : i32
    %dma_wait3A_125 = tpu.memref_slice %arg3[%add3A, %dma_wait3A_124] : memref<32x196608xf32, #tpu.memory_space<hbm>> -> memref<1x8192xf32, #tpu.memory_space<hbm>>
    %dma_wait3A_126 = tpu.memref_squeeze %dma_wait3A_125 : memref<1x8192xf32, #tpu.memory_space<hbm>> -> memref<8192xf32, #tpu.memory_space<hbm>>
    tpu.wait_dma2 semaphore(%arg12 : memref<!tpu.dma_semaphore, #tpu.memory_space<semaphore_mem>>) src(%arg7 : memref<8192xf32, #tpu.memory_space<vmem>>) dst(%dma_wait3A_126 : memref<8192xf32, #tpu.memory_space<hbm>>)
    %parallel_loop3A_127 = arith.constant 0 : i32
    %parallel_loop3A_128 = arith.constant 512 : i32
    %parallel_loop3A_129 = arith.constant 1 : i32
    scf.for %parallel_loop3A_649 = %parallel_loop3A_127 to %parallel_loop3A_128 step %parallel_loop3A_129  : i32 {
      %parallel_loop3A_650 = arith.constant 64 : i32
      %parallel_loop3A_651 = arith.muli %parallel_loop3A_649, %parallel_loop3A_650 : i32
      %parallel_loop3A_652 = vector.broadcast %parallel_loop3A_651 : i32 to vector<16xi32>
      %parallel_loop3A_653 = arith.addi %mul3A_3, %parallel_loop3A_652 : vector<16xi32>
      %parallel_loop3A_654 = tpu.vector_load_idx %arg5[%parallel_loop3A_653] : memref<32768xf32, #tpu.memory_space<vmem>>[vector<16xi32>], vector<16xf32>,
      %parallel_loop3A_655 = arith.constant 1 : i32
      %parallel_loop3A_656 = vector.broadcast %parallel_loop3A_655 : i32 to vector<16xi32>
      %parallel_loop3A_657 = arith.addi %parallel_loop3A_653, %parallel_loop3A_656 : vector<16xi32>
      %parallel_loop3A_658 = tpu.vector_load_idx %arg5[%parallel_loop3A_657] : memref<32768xf32, #tpu.memory_space<vmem>>[vector<16xi32>], vector<16xf32>,
      %parallel_loop3A_659 = arith.maximumf %parallel_loop3A_654, %parallel_loop3A_658 : vector<16xf32>
      %parallel_loop3A_660 = arith.constant 2 : i32
      %parallel_loop3A_661 = vector.broadcast %parallel_loop3A_660 : i32 to vector<16xi32>
      %parallel_loop3A_662 = arith.addi %parallel_loop3A_653, %parallel_loop3A_661 : vector<16xi32>
      %parallel_loop3A_663 = tpu.vector_load_idx %arg5[%parallel_loop3A_662] : memref<32768xf32, #tpu.memory_space<vmem>>[vector<16xi32>], vector<16xf32>,
      %parallel_loop3A_664 = arith.maximumf %parallel_loop3A_659, %parallel_loop3A_663 : vector<16xf32>
      %parallel_loop3A_665 = arith.constant 3 : i32
      %parallel_loop3A_666 = vector.broadcast %parallel_loop3A_665 : i32 to vector<16xi32>
      %parallel_loop3A_667 = arith.addi %parallel_loop3A_653, %parallel_loop3A_666 : vector<16xi32>
      %parallel_loop3A_668 = tpu.vector_load_idx %arg5[%parallel_loop3A_667] : memref<32768xf32, #tpu.memory_space<vmem>>[vector<16xi32>], vector<16xf32>,
      %parallel_loop3A_669 = arith.maximumf %parallel_loop3A_664, %parallel_loop3A_668 : vector<16xf32>
      %parallel_loop3A_670 = arith.constant 16 : i32
      %parallel_loop3A_671 = arith.muli %parallel_loop3A_649, %parallel_loop3A_670 : i32
      %parallel_loop3A_672 = arith.index_cast %parallel_loop3A_671 : i32 to index
      %parallel_loop3A_673 = tpu.vector_load %arg7[%parallel_loop3A_672] {strides = array<i32>} : memref<8192xf32, #tpu.memory_space<vmem>>, vector<16xf32>,
      tpu.vector_store %arg7[%parallel_loop3A_672], %parallel_loop3A_669 {strides = array<i32>} : memref<8192xf32, #tpu.memory_space<vmem>>, vector<16xf32>,
    } {sc.loop_unroll_factor = 8 : i64, sc.parallel_access}
    %dma_start3A_130 = arith.constant 32768 : i32
    %dma_start3A_131 = tpu.memref_slice %arg3[%add3A, %dma_start3A_130] : memref<32x196608xf32, #tpu.memory_space<hbm>> -> memref<1x8192xf32, #tpu.memory_space<hbm>>
    %dma_start3A_132 = tpu.memref_squeeze %dma_start3A_131 : memref<1x8192xf32, #tpu.memory_space<hbm>> -> memref<8192xf32, #tpu.memory_space<hbm>>
    %dma_start3A_133 = arith.constant 32768 : i32
    %dma_start3A_134 = tpu.memref_slice %arg3[%add3A, %dma_start3A_133] : memref<32x196608xf32, #tpu.memory_space<hbm>> -> memref<1x8192xf32, #tpu.memory_space<hbm>>
    %dma_start3A_135 = tpu.memref_squeeze %dma_start3A_134 : memref<1x8192xf32, #tpu.memory_space<hbm>> -> memref<8192xf32, #tpu.memory_space<hbm>>
    tpu.enqueue_dma source(%arg7 : memref<8192xf32, #tpu.memory_space<vmem>>) target(%dma_start3A_135 : memref<8192xf32, #tpu.memory_space<hbm>>) target_semaphore(%arg12 : memref<!tpu.dma_semaphore, #tpu.memory_space<semaphore_mem>>)
    %dma_start3A_136 = arith.constant 229376 : i32
    %dma_start3A_137 = tpu.memref_slice %arg2[%add3A, %dma_start3A_136] : memref<32x786432xf32, #tpu.memory_space<hbm>> -> memref<1x32768xf32, #tpu.memory_space<hbm>>
    %dma_start3A_138 = tpu.memref_squeeze %dma_start3A_137 : memref<1x32768xf32, #tpu.memory_space<hbm>> -> memref<32768xf32, #tpu.memory_space<hbm>>
    %dma_start3A_139 = arith.constant 229376 : i32
    %dma_start3A_140 = tpu.memref_slice %arg2[%add3A, %dma_start3A_139] : memref<32x786432xf32, #tpu.memory_space<hbm>> -> memref<1x32768xf32, #tpu.memory_space<hbm>>
    %dma_start3A_141 = tpu.memref_squeeze %dma_start3A_140 : memref<1x32768xf32, #tpu.memory_space<hbm>> -> memref<32768xf32, #tpu.memory_space<hbm>>
    tpu.enqueue_dma source(%dma_start3A_141 : memref<32768xf32, #tpu.memory_space<hbm>>) target(%arg5 : memref<32768xf32, #tpu.memory_space<vmem>>) target_semaphore(%arg10 : memref<!tpu.dma_semaphore, #tpu.memory_space<semaphore_mem>>)
    %dma_wait3A_142 = arith.constant 163840 : i32
    %dma_wait3A_143 = tpu.memref_slice %arg2[%add3A, %dma_wait3A_142] : memref<32x786432xf32, #tpu.memory_space<hbm>> -> memref<1x32768xf32, #tpu.memory_space<hbm>>
    %dma_wait3A_144 = tpu.memref_squeeze %dma_wait3A_143 : memref<1x32768xf32, #tpu.memory_space<hbm>> -> memref<32768xf32, #tpu.memory_space<hbm>>
    %dma_wait3A_145 = arith.constant 163840 : i32
    %dma_wait3A_146 = tpu.memref_slice %arg2[%add3A, %dma_wait3A_145] : memref<32x786432xf32, #tpu.memory_space<hbm>> -> memref<1x32768xf32, #tpu.memory_space<hbm>>
    %dma_wait3A_147 = tpu.memref_squeeze %dma_wait3A_146 : memref<1x32768xf32, #tpu.memory_space<hbm>> -> memref<32768xf32, #tpu.memory_space<hbm>>
    tpu.wait_dma2 semaphore(%arg11 : memref<!tpu.dma_semaphore, #tpu.memory_space<semaphore_mem>>) src(%dma_wait3A_147 : memref<32768xf32, #tpu.memory_space<hbm>>) dst(%arg6 : memref<32768xf32, #tpu.memory_space<vmem>>)
    %dma_wait3A_148 = arith.constant 24576 : i32
    %dma_wait3A_149 = tpu.memref_slice %arg3[%add3A, %dma_wait3A_148] : memref<32x196608xf32, #tpu.memory_space<hbm>> -> memref<1x8192xf32, #tpu.memory_space<hbm>>
    %dma_wait3A_150 = tpu.memref_squeeze %dma_wait3A_149 : memref<1x8192xf32, #tpu.memory_space<hbm>> -> memref<8192xf32, #tpu.memory_space<hbm>>
    %dma_wait3A_151 = arith.constant 24576 : i32
    %dma_wait3A_152 = tpu.memref_slice %arg3[%add3A, %dma_wait3A_151] : memref<32x196608xf32, #tpu.memory_space<hbm>> -> memref<1x8192xf32, #tpu.memory_space<hbm>>
    %dma_wait3A_153 = tpu.memref_squeeze %dma_wait3A_152 : memref<1x8192xf32, #tpu.memory_space<hbm>> -> memref<8192xf32, #tpu.memory_space<hbm>>
    tpu.wait_dma2 semaphore(%arg13 : memref<!tpu.dma_semaphore, #tpu.memory_space<semaphore_mem>>) src(%arg8 : memref<8192xf32, #tpu.memory_space<vmem>>) dst(%dma_wait3A_153 : memref<8192xf32, #tpu.memory_space<hbm>>)
    %parallel_loop3A_154 = arith.constant 0 : i32
    %parallel_loop3A_155 = arith.constant 512 : i32
    %parallel_loop3A_156 = arith.constant 1 : i32
    scf.for %parallel_loop3A_649 = %parallel_loop3A_154 to %parallel_loop3A_155 step %parallel_loop3A_156  : i32 {
      %parallel_loop3A_650 = arith.constant 64 : i32
      %parallel_loop3A_651 = arith.muli %parallel_loop3A_649, %parallel_loop3A_650 : i32
      %parallel_loop3A_652 = vector.broadcast %parallel_loop3A_651 : i32 to vector<16xi32>
      %parallel_loop3A_653 = arith.addi %mul3A_3, %parallel_loop3A_652 : vector<16xi32>
      %parallel_loop3A_654 = tpu.vector_load_idx %arg6[%parallel_loop3A_653] : memref<32768xf32, #tpu.memory_space<vmem>>[vector<16xi32>], vector<16xf32>,
      %parallel_loop3A_655 = arith.constant 1 : i32
      %parallel_loop3A_656 = vector.broadcast %parallel_loop3A_655 : i32 to vector<16xi32>
      %parallel_loop3A_657 = arith.addi %parallel_loop3A_653, %parallel_loop3A_656 : vector<16xi32>
      %parallel_loop3A_658 = tpu.vector_load_idx %arg6[%parallel_loop3A_657] : memref<32768xf32, #tpu.memory_space<vmem>>[vector<16xi32>], vector<16xf32>,
      %parallel_loop3A_659 = arith.maximumf %parallel_loop3A_654, %parallel_loop3A_658 : vector<16xf32>
      %parallel_loop3A_660 = arith.constant 2 : i32
      %parallel_loop3A_661 = vector.broadcast %parallel_loop3A_660 : i32 to vector<16xi32>
      %parallel_loop3A_662 = arith.addi %parallel_loop3A_653, %parallel_loop3A_661 : vector<16xi32>
      %parallel_loop3A_663 = tpu.vector_load_idx %arg6[%parallel_loop3A_662] : memref<32768xf32, #tpu.memory_space<vmem>>[vector<16xi32>], vector<16xf32>,
      %parallel_loop3A_664 = arith.maximumf %parallel_loop3A_659, %parallel_loop3A_663 : vector<16xf32>
      %parallel_loop3A_665 = arith.constant 3 : i32
      %parallel_loop3A_666 = vector.broadcast %parallel_loop3A_665 : i32 to vector<16xi32>
      %parallel_loop3A_667 = arith.addi %parallel_loop3A_653, %parallel_loop3A_666 : vector<16xi32>
      %parallel_loop3A_668 = tpu.vector_load_idx %arg6[%parallel_loop3A_667] : memref<32768xf32, #tpu.memory_space<vmem>>[vector<16xi32>], vector<16xf32>,
      %parallel_loop3A_669 = arith.maximumf %parallel_loop3A_664, %parallel_loop3A_668 : vector<16xf32>
      %parallel_loop3A_670 = arith.constant 16 : i32
      %parallel_loop3A_671 = arith.muli %parallel_loop3A_649, %parallel_loop3A_670 : i32
      %parallel_loop3A_672 = arith.index_cast %parallel_loop3A_671 : i32 to index
      %parallel_loop3A_673 = tpu.vector_load %arg8[%parallel_loop3A_672] {strides = array<i32>} : memref<8192xf32, #tpu.memory_space<vmem>>, vector<16xf32>,
      tpu.vector_store %arg8[%parallel_loop3A_672], %parallel_loop3A_669 {strides = array<i32>} : memref<8192xf32, #tpu.memory_space<vmem>>, vector<16xf32>,
    } {sc.loop_unroll_factor = 8 : i64, sc.parallel_access}
    %dma_start3A_157 = arith.constant 40960 : i32
    %dma_start3A_158 = tpu.memref_slice %arg3[%add3A, %dma_start3A_157] : memref<32x196608xf32, #tpu.memory_space<hbm>> -> memref<1x8192xf32, #tpu.memory_space<hbm>>
    %dma_start3A_159 = tpu.memref_squeeze %dma_start3A_158 : memref<1x8192xf32, #tpu.memory_space<hbm>> -> memref<8192xf32, #tpu.memory_space<hbm>>
    %dma_start3A_160 = arith.constant 40960 : i32
    %dma_start3A_161 = tpu.memref_slice %arg3[%add3A, %dma_start3A_160] : memref<32x196608xf32, #tpu.memory_space<hbm>> -> memref<1x8192xf32, #tpu.memory_space<hbm>>
    %dma_start3A_162 = tpu.memref_squeeze %dma_start3A_161 : memref<1x8192xf32, #tpu.memory_space<hbm>> -> memref<8192xf32, #tpu.memory_space<hbm>>
    tpu.enqueue_dma source(%arg8 : memref<8192xf32, #tpu.memory_space<vmem>>) target(%dma_start3A_162 : memref<8192xf32, #tpu.memory_space<hbm>>) target_semaphore(%arg13 : memref<!tpu.dma_semaphore, #tpu.memory_space<semaphore_mem>>)
    %dma_start3A_163 = arith.constant 262144 : i32
    %dma_start3A_164 = tpu.memref_slice %arg2[%add3A, %dma_start3A_163] : memref<32x786432xf32, #tpu.memory_space<hbm>> -> memref<1x32768xf32, #tpu.memory_space<hbm>>
    %dma_start3A_165 = tpu.memref_squeeze %dma_start3A_164 : memref<1x32768xf32, #tpu.memory_space<hbm>> -> memref<32768xf32, #tpu.memory_space<hbm>>
    %dma_start3A_166 = arith.constant 262144 : i32
    %dma_start3A_167 = tpu.memref_slice %arg2[%add3A, %dma_start3A_166] : memref<32x786432xf32, #tpu.memory_space<hbm>> -> memref<1x32768xf32, #tpu.memory_space<hbm>>
    %dma_start3A_168 = tpu.memref_squeeze %dma_start3A_167 : memref<1x32768xf32, #tpu.memory_space<hbm>> -> memref<32768xf32, #tpu.memory_space<hbm>>
    tpu.enqueue_dma source(%dma_start3A_168 : memref<32768xf32, #tpu.memory_space<hbm>>) target(%arg6 : memref<32768xf32, #tpu.memory_space<vmem>>) target_semaphore(%arg11 : memref<!tpu.dma_semaphore, #tpu.memory_space<semaphore_mem>>)
    %dma_wait3A_169 = arith.constant 196608 : i32
    %dma_wait3A_170 = tpu.memref_slice %arg2[%add3A, %dma_wait3A_169] : memref<32x786432xf32, #tpu.memory_space<hbm>> -> memref<1x32768xf32, #tpu.memory_space<hbm>>
    %dma_wait3A_171 = tpu.memref_squeeze %dma_wait3A_170 : memref<1x32768xf32, #tpu.memory_space<hbm>> -> memref<32768xf32, #tpu.memory_space<hbm>>
    %dma_wait3A_172 = arith.constant 196608 : i32
    %dma_wait3A_173 = tpu.memref_slice %arg2[%add3A, %dma_wait3A_172] : memref<32x786432xf32, #tpu.memory_space<hbm>> -> memref<1x32768xf32, #tpu.memory_space<hbm>>
    %dma_wait3A_174 = tpu.memref_squeeze %dma_wait3A_173 : memref<1x32768xf32, #tpu.memory_space<hbm>> -> memref<32768xf32, #tpu.memory_space<hbm>>
    tpu.wait_dma2 semaphore(%arg9 : memref<!tpu.dma_semaphore, #tpu.memory_space<semaphore_mem>>) src(%dma_wait3A_174 : memref<32768xf32, #tpu.memory_space<hbm>>) dst(%arg4 : memref<32768xf32, #tpu.memory_space<vmem>>)
    %dma_wait3A_175 = arith.constant 32768 : i32
    %dma_wait3A_176 = tpu.memref_slice %arg3[%add3A, %dma_wait3A_175] : memref<32x196608xf32, #tpu.memory_space<hbm>> -> memref<1x8192xf32, #tpu.memory_space<hbm>>
    %dma_wait3A_177 = tpu.memref_squeeze %dma_wait3A_176 : memref<1x8192xf32, #tpu.memory_space<hbm>> -> memref<8192xf32, #tpu.memory_space<hbm>>
    %dma_wait3A_178 = arith.constant 32768 : i32
    %dma_wait3A_179 = tpu.memref_slice %arg3[%add3A, %dma_wait3A_178] : memref<32x196608xf32, #tpu.memory_space<hbm>> -> memref<1x8192xf32, #tpu.memory_space<hbm>>
    %dma_wait3A_180 = tpu.memref_squeeze %dma_wait3A_179 : memref<1x8192xf32, #tpu.memory_space<hbm>> -> memref<8192xf32, #tpu.memory_space<hbm>>
    tpu.wait_dma2 semaphore(%arg12 : memref<!tpu.dma_semaphore, #tpu.memory_space<semaphore_mem>>) src(%arg7 : memref<8192xf32, #tpu.memory_space<vmem>>) dst(%dma_wait3A_180 : memref<8192xf32, #tpu.memory_space<hbm>>)
    %parallel_loop3A_181 = arith.constant 0 : i32
    %parallel_loop3A_182 = arith.constant 512 : i32
    %parallel_loop3A_183 = arith.constant 1 : i32
    scf.for %parallel_loop3A_649 = %parallel_loop3A_181 to %parallel_loop3A_182 step %parallel_loop3A_183  : i32 {
      %parallel_loop3A_650 = arith.constant 64 : i32
      %parallel_loop3A_651 = arith.muli %parallel_loop3A_649, %parallel_loop3A_650 : i32
      %parallel_loop3A_652 = vector.broadcast %parallel_loop3A_651 : i32 to vector<16xi32>
      %parallel_loop3A_653 = arith.addi %mul3A_3, %parallel_loop3A_652 : vector<16xi32>
      %parallel_loop3A_654 = tpu.vector_load_idx %arg4[%parallel_loop3A_653] : memref<32768xf32, #tpu.memory_space<vmem>>[vector<16xi32>], vector<16xf32>,
      %parallel_loop3A_655 = arith.constant 1 : i32
      %parallel_loop3A_656 = vector.broadcast %parallel_loop3A_655 : i32 to vector<16xi32>
      %parallel_loop3A_657 = arith.addi %parallel_loop3A_653, %parallel_loop3A_656 : vector<16xi32>
      %parallel_loop3A_658 = tpu.vector_load_idx %arg4[%parallel_loop3A_657] : memref<32768xf32, #tpu.memory_space<vmem>>[vector<16xi32>], vector<16xf32>,
      %parallel_loop3A_659 = arith.maximumf %parallel_loop3A_654, %parallel_loop3A_658 : vector<16xf32>
      %parallel_loop3A_660 = arith.constant 2 : i32
      %parallel_loop3A_661 = vector.broadcast %parallel_loop3A_660 : i32 to vector<16xi32>
      %parallel_loop3A_662 = arith.addi %parallel_loop3A_653, %parallel_loop3A_661 : vector<16xi32>
      %parallel_loop3A_663 = tpu.vector_load_idx %arg4[%parallel_loop3A_662] : memref<32768xf32, #tpu.memory_space<vmem>>[vector<16xi32>], vector<16xf32>,
      %parallel_loop3A_664 = arith.maximumf %parallel_loop3A_659, %parallel_loop3A_663 : vector<16xf32>
      %parallel_loop3A_665 = arith.constant 3 : i32
      %parallel_loop3A_666 = vector.broadcast %parallel_loop3A_665 : i32 to vector<16xi32>
      %parallel_loop3A_667 = arith.addi %parallel_loop3A_653, %parallel_loop3A_666 : vector<16xi32>
      %parallel_loop3A_668 = tpu.vector_load_idx %arg4[%parallel_loop3A_667] : memref<32768xf32, #tpu.memory_space<vmem>>[vector<16xi32>], vector<16xf32>,
      %parallel_loop3A_669 = arith.maximumf %parallel_loop3A_664, %parallel_loop3A_668 : vector<16xf32>
      %parallel_loop3A_670 = arith.constant 16 : i32
      %parallel_loop3A_671 = arith.muli %parallel_loop3A_649, %parallel_loop3A_670 : i32
      %parallel_loop3A_672 = arith.index_cast %parallel_loop3A_671 : i32 to index
      %parallel_loop3A_673 = tpu.vector_load %arg7[%parallel_loop3A_672] {strides = array<i32>} : memref<8192xf32, #tpu.memory_space<vmem>>, vector<16xf32>,
      tpu.vector_store %arg7[%parallel_loop3A_672], %parallel_loop3A_669 {strides = array<i32>} : memref<8192xf32, #tpu.memory_space<vmem>>, vector<16xf32>,
    } {sc.loop_unroll_factor = 8 : i64, sc.parallel_access}
    %dma_start3A_184 = arith.constant 49152 : i32
    %dma_start3A_185 = tpu.memref_slice %arg3[%add3A, %dma_start3A_184] : memref<32x196608xf32, #tpu.memory_space<hbm>> -> memref<1x8192xf32, #tpu.memory_space<hbm>>
    %dma_start3A_186 = tpu.memref_squeeze %dma_start3A_185 : memref<1x8192xf32, #tpu.memory_space<hbm>> -> memref<8192xf32, #tpu.memory_space<hbm>>
    %dma_start3A_187 = arith.constant 49152 : i32
    %dma_start3A_188 = tpu.memref_slice %arg3[%add3A, %dma_start3A_187] : memref<32x196608xf32, #tpu.memory_space<hbm>> -> memref<1x8192xf32, #tpu.memory_space<hbm>>
    %dma_start3A_189 = tpu.memref_squeeze %dma_start3A_188 : memref<1x8192xf32, #tpu.memory_space<hbm>> -> memref<8192xf32, #tpu.memory_space<hbm>>
    tpu.enqueue_dma source(%arg7 : memref<8192xf32, #tpu.memory_space<vmem>>) target(%dma_start3A_189 : memref<8192xf32, #tpu.memory_space<hbm>>) target_semaphore(%arg12 : memref<!tpu.dma_semaphore, #tpu.memory_space<semaphore_mem>>)
    %dma_start3A_190 = arith.constant 294912 : i32
    %dma_start3A_191 = tpu.memref_slice %arg2[%add3A, %dma_start3A_190] : memref<32x786432xf32, #tpu.memory_space<hbm>> -> memref<1x32768xf32, #tpu.memory_space<hbm>>
    %dma_start3A_192 = tpu.memref_squeeze %dma_start3A_191 : memref<1x32768xf32, #tpu.memory_space<hbm>> -> memref<32768xf32, #tpu.memory_space<hbm>>
    %dma_start3A_193 = arith.constant 294912 : i32
    %dma_start3A_194 = tpu.memref_slice %arg2[%add3A, %dma_start3A_193] : memref<32x786432xf32, #tpu.memory_space<hbm>> -> memref<1x32768xf32, #tpu.memory_space<hbm>>
    %dma_start3A_195 = tpu.memref_squeeze %dma_start3A_194 : memref<1x32768xf32, #tpu.memory_space<hbm>> -> memref<32768xf32, #tpu.memory_space<hbm>>
    tpu.enqueue_dma source(%dma_start3A_195 : memref<32768xf32, #tpu.memory_space<hbm>>) target(%arg4 : memref<32768xf32, #tpu.memory_space<vmem>>) target_semaphore(%arg9 : memref<!tpu.dma_semaphore, #tpu.memory_space<semaphore_mem>>)
    %dma_wait3A_196 = arith.constant 229376 : i32
    %dma_wait3A_197 = tpu.memref_slice %arg2[%add3A, %dma_wait3A_196] : memref<32x786432xf32, #tpu.memory_space<hbm>> -> memref<1x32768xf32, #tpu.memory_space<hbm>>
    %dma_wait3A_198 = tpu.memref_squeeze %dma_wait3A_197 : memref<1x32768xf32, #tpu.memory_space<hbm>> -> memref<32768xf32, #tpu.memory_space<hbm>>
    %dma_wait3A_199 = arith.constant 229376 : i32
    %dma_wait3A_200 = tpu.memref_slice %arg2[%add3A, %dma_wait3A_199] : memref<32x786432xf32, #tpu.memory_space<hbm>> -> memref<1x32768xf32, #tpu.memory_space<hbm>>
    %dma_wait3A_201 = tpu.memref_squeeze %dma_wait3A_200 : memref<1x32768xf32, #tpu.memory_space<hbm>> -> memref<32768xf32, #tpu.memory_space<hbm>>
    tpu.wait_dma2 semaphore(%arg10 : memref<!tpu.dma_semaphore, #tpu.memory_space<semaphore_mem>>) src(%dma_wait3A_201 : memref<32768xf32, #tpu.memory_space<hbm>>) dst(%arg5 : memref<32768xf32, #tpu.memory_space<vmem>>)
    %dma_wait3A_202 = arith.constant 40960 : i32
    %dma_wait3A_203 = tpu.memref_slice %arg3[%add3A, %dma_wait3A_202] : memref<32x196608xf32, #tpu.memory_space<hbm>> -> memref<1x8192xf32, #tpu.memory_space<hbm>>
    %dma_wait3A_204 = tpu.memref_squeeze %dma_wait3A_203 : memref<1x8192xf32, #tpu.memory_space<hbm>> -> memref<8192xf32, #tpu.memory_space<hbm>>
    %dma_wait3A_205 = arith.constant 40960 : i32
    %dma_wait3A_206 = tpu.memref_slice %arg3[%add3A, %dma_wait3A_205] : memref<32x196608xf32, #tpu.memory_space<hbm>> -> memref<1x8192xf32, #tpu.memory_space<hbm>>
    %dma_wait3A_207 = tpu.memref_squeeze %dma_wait3A_206 : memref<1x8192xf32, #tpu.memory_space<hbm>> -> memref<8192xf32, #tpu.memory_space<hbm>>
    tpu.wait_dma2 semaphore(%arg13 : memref<!tpu.dma_semaphore, #tpu.memory_space<semaphore_mem>>) src(%arg8 : memref<8192xf32, #tpu.memory_space<vmem>>) dst(%dma_wait3A_207 : memref<8192xf32, #tpu.memory_space<hbm>>)
    %parallel_loop3A_208 = arith.constant 0 : i32
    %parallel_loop3A_209 = arith.constant 512 : i32
    %parallel_loop3A_210 = arith.constant 1 : i32
    scf.for %parallel_loop3A_649 = %parallel_loop3A_208 to %parallel_loop3A_209 step %parallel_loop3A_210  : i32 {
      %parallel_loop3A_650 = arith.constant 64 : i32
      %parallel_loop3A_651 = arith.muli %parallel_loop3A_649, %parallel_loop3A_650 : i32
      %parallel_loop3A_652 = vector.broadcast %parallel_loop3A_651 : i32 to vector<16xi32>
      %parallel_loop3A_653 = arith.addi %mul3A_3, %parallel_loop3A_652 : vector<16xi32>
      %parallel_loop3A_654 = tpu.vector_load_idx %arg5[%parallel_loop3A_653] : memref<32768xf32, #tpu.memory_space<vmem>>[vector<16xi32>], vector<16xf32>,
      %parallel_loop3A_655 = arith.constant 1 : i32
      %parallel_loop3A_656 = vector.broadcast %parallel_loop3A_655 : i32 to vector<16xi32>
      %parallel_loop3A_657 = arith.addi %parallel_loop3A_653, %parallel_loop3A_656 : vector<16xi32>
      %parallel_loop3A_658 = tpu.vector_load_idx %arg5[%parallel_loop3A_657] : memref<32768xf32, #tpu.memory_space<vmem>>[vector<16xi32>], vector<16xf32>,
      %parallel_loop3A_659 = arith.maximumf %parallel_loop3A_654, %parallel_loop3A_658 : vector<16xf32>
      %parallel_loop3A_660 = arith.constant 2 : i32
      %parallel_loop3A_661 = vector.broadcast %parallel_loop3A_660 : i32 to vector<16xi32>
      %parallel_loop3A_662 = arith.addi %parallel_loop3A_653, %parallel_loop3A_661 : vector<16xi32>
      %parallel_loop3A_663 = tpu.vector_load_idx %arg5[%parallel_loop3A_662] : memref<32768xf32, #tpu.memory_space<vmem>>[vector<16xi32>], vector<16xf32>,
      %parallel_loop3A_664 = arith.maximumf %parallel_loop3A_659, %parallel_loop3A_663 : vector<16xf32>
      %parallel_loop3A_665 = arith.constant 3 : i32
      %parallel_loop3A_666 = vector.broadcast %parallel_loop3A_665 : i32 to vector<16xi32>
      %parallel_loop3A_667 = arith.addi %parallel_loop3A_653, %parallel_loop3A_666 : vector<16xi32>
      %parallel_loop3A_668 = tpu.vector_load_idx %arg5[%parallel_loop3A_667] : memref<32768xf32, #tpu.memory_space<vmem>>[vector<16xi32>], vector<16xf32>,
      %parallel_loop3A_669 = arith.maximumf %parallel_loop3A_664, %parallel_loop3A_668 : vector<16xf32>
      %parallel_loop3A_670 = arith.constant 16 : i32
      %parallel_loop3A_671 = arith.muli %parallel_loop3A_649, %parallel_loop3A_670 : i32
      %parallel_loop3A_672 = arith.index_cast %parallel_loop3A_671 : i32 to index
      %parallel_loop3A_673 = tpu.vector_load %arg8[%parallel_loop3A_672] {strides = array<i32>} : memref<8192xf32, #tpu.memory_space<vmem>>, vector<16xf32>,
      tpu.vector_store %arg8[%parallel_loop3A_672], %parallel_loop3A_669 {strides = array<i32>} : memref<8192xf32, #tpu.memory_space<vmem>>, vector<16xf32>,
    } {sc.loop_unroll_factor = 8 : i64, sc.parallel_access}
    %dma_start3A_211 = arith.constant 57344 : i32
    %dma_start3A_212 = tpu.memref_slice %arg3[%add3A, %dma_start3A_211] : memref<32x196608xf32, #tpu.memory_space<hbm>> -> memref<1x8192xf32, #tpu.memory_space<hbm>>
    %dma_start3A_213 = tpu.memref_squeeze %dma_start3A_212 : memref<1x8192xf32, #tpu.memory_space<hbm>> -> memref<8192xf32, #tpu.memory_space<hbm>>
    %dma_start3A_214 = arith.constant 57344 : i32
    %dma_start3A_215 = tpu.memref_slice %arg3[%add3A, %dma_start3A_214] : memref<32x196608xf32, #tpu.memory_space<hbm>> -> memref<1x8192xf32, #tpu.memory_space<hbm>>
    %dma_start3A_216 = tpu.memref_squeeze %dma_start3A_215 : memref<1x8192xf32, #tpu.memory_space<hbm>> -> memref<8192xf32, #tpu.memory_space<hbm>>
    tpu.enqueue_dma source(%arg8 : memref<8192xf32, #tpu.memory_space<vmem>>) target(%dma_start3A_216 : memref<8192xf32, #tpu.memory_space<hbm>>) target_semaphore(%arg13 : memref<!tpu.dma_semaphore, #tpu.memory_space<semaphore_mem>>)
    %dma_start3A_217 = arith.constant 327680 : i32
    %dma_start3A_218 = tpu.memref_slice %arg2[%add3A, %dma_start3A_217] : memref<32x786432xf32, #tpu.memory_space<hbm>> -> memref<1x32768xf32, #tpu.memory_space<hbm>>
    %dma_start3A_219 = tpu.memref_squeeze %dma_start3A_218 : memref<1x32768xf32, #tpu.memory_space<hbm>> -> memref<32768xf32, #tpu.memory_space<hbm>>
    %dma_start3A_220 = arith.constant 327680 : i32
    %dma_start3A_221 = tpu.memref_slice %arg2[%add3A, %dma_start3A_220] : memref<32x786432xf32, #tpu.memory_space<hbm>> -> memref<1x32768xf32, #tpu.memory_space<hbm>>
    %dma_start3A_222 = tpu.memref_squeeze %dma_start3A_221 : memref<1x32768xf32, #tpu.memory_space<hbm>> -> memref<32768xf32, #tpu.memory_space<hbm>>
    tpu.enqueue_dma source(%dma_start3A_222 : memref<32768xf32, #tpu.memory_space<hbm>>) target(%arg5 : memref<32768xf32, #tpu.memory_space<vmem>>) target_semaphore(%arg10 : memref<!tpu.dma_semaphore, #tpu.memory_space<semaphore_mem>>)
    %dma_wait3A_223 = arith.constant 262144 : i32
    %dma_wait3A_224 = tpu.memref_slice %arg2[%add3A, %dma_wait3A_223] : memref<32x786432xf32, #tpu.memory_space<hbm>> -> memref<1x32768xf32, #tpu.memory_space<hbm>>
    %dma_wait3A_225 = tpu.memref_squeeze %dma_wait3A_224 : memref<1x32768xf32, #tpu.memory_space<hbm>> -> memref<32768xf32, #tpu.memory_space<hbm>>
    %dma_wait3A_226 = arith.constant 262144 : i32
    %dma_wait3A_227 = tpu.memref_slice %arg2[%add3A, %dma_wait3A_226] : memref<32x786432xf32, #tpu.memory_space<hbm>> -> memref<1x32768xf32, #tpu.memory_space<hbm>>
    %dma_wait3A_228 = tpu.memref_squeeze %dma_wait3A_227 : memref<1x32768xf32, #tpu.memory_space<hbm>> -> memref<32768xf32, #tpu.memory_space<hbm>>
    tpu.wait_dma2 semaphore(%arg11 : memref<!tpu.dma_semaphore, #tpu.memory_space<semaphore_mem>>) src(%dma_wait3A_228 : memref<32768xf32, #tpu.memory_space<hbm>>) dst(%arg6 : memref<32768xf32, #tpu.memory_space<vmem>>)
    %dma_wait3A_229 = arith.constant 49152 : i32
    %dma_wait3A_230 = tpu.memref_slice %arg3[%add3A, %dma_wait3A_229] : memref<32x196608xf32, #tpu.memory_space<hbm>> -> memref<1x8192xf32, #tpu.memory_space<hbm>>
    %dma_wait3A_231 = tpu.memref_squeeze %dma_wait3A_230 : memref<1x8192xf32, #tpu.memory_space<hbm>> -> memref<8192xf32, #tpu.memory_space<hbm>>
    %dma_wait3A_232 = arith.constant 49152 : i32
    %dma_wait3A_233 = tpu.memref_slice %arg3[%add3A, %dma_wait3A_232] : memref<32x196608xf32, #tpu.memory_space<hbm>> -> memref<1x8192xf32, #tpu.memory_space<hbm>>
    %dma_wait3A_234 = tpu.memref_squeeze %dma_wait3A_233 : memref<1x8192xf32, #tpu.memory_space<hbm>> -> memref<8192xf32, #tpu.memory_space<hbm>>
    tpu.wait_dma2 semaphore(%arg12 : memref<!tpu.dma_semaphore, #tpu.memory_space<semaphore_mem>>) src(%arg7 : memref<8192xf32, #tpu.memory_space<vmem>>) dst(%dma_wait3A_234 : memref<8192xf32, #tpu.memory_space<hbm>>)
    %parallel_loop3A_235 = arith.constant 0 : i32
    %parallel_loop3A_236 = arith.constant 512 : i32
    %parallel_loop3A_237 = arith.constant 1 : i32
    scf.for %parallel_loop3A_649 = %parallel_loop3A_235 to %parallel_loop3A_236 step %parallel_loop3A_237  : i32 {
      %parallel_loop3A_650 = arith.constant 64 : i32
      %parallel_loop3A_651 = arith.muli %parallel_loop3A_649, %parallel_loop3A_650 : i32
      %parallel_loop3A_652 = vector.broadcast %parallel_loop3A_651 : i32 to vector<16xi32>
      %parallel_loop3A_653 = arith.addi %mul3A_3, %parallel_loop3A_652 : vector<16xi32>
      %parallel_loop3A_654 = tpu.vector_load_idx %arg6[%parallel_loop3A_653] : memref<32768xf32, #tpu.memory_space<vmem>>[vector<16xi32>], vector<16xf32>,
      %parallel_loop3A_655 = arith.constant 1 : i32
      %parallel_loop3A_656 = vector.broadcast %parallel_loop3A_655 : i32 to vector<16xi32>
      %parallel_loop3A_657 = arith.addi %parallel_loop3A_653, %parallel_loop3A_656 : vector<16xi32>
      %parallel_loop3A_658 = tpu.vector_load_idx %arg6[%parallel_loop3A_657] : memref<32768xf32, #tpu.memory_space<vmem>>[vector<16xi32>], vector<16xf32>,
      %parallel_loop3A_659 = arith.maximumf %parallel_loop3A_654, %parallel_loop3A_658 : vector<16xf32>
      %parallel_loop3A_660 = arith.constant 2 : i32
      %parallel_loop3A_661 = vector.broadcast %parallel_loop3A_660 : i32 to vector<16xi32>
      %parallel_loop3A_662 = arith.addi %parallel_loop3A_653, %parallel_loop3A_661 : vector<16xi32>
      %parallel_loop3A_663 = tpu.vector_load_idx %arg6[%parallel_loop3A_662] : memref<32768xf32, #tpu.memory_space<vmem>>[vector<16xi32>], vector<16xf32>,
      %parallel_loop3A_664 = arith.maximumf %parallel_loop3A_659, %parallel_loop3A_663 : vector<16xf32>
      %parallel_loop3A_665 = arith.constant 3 : i32
      %parallel_loop3A_666 = vector.broadcast %parallel_loop3A_665 : i32 to vector<16xi32>
      %parallel_loop3A_667 = arith.addi %parallel_loop3A_653, %parallel_loop3A_666 : vector<16xi32>
      %parallel_loop3A_668 = tpu.vector_load_idx %arg6[%parallel_loop3A_667] : memref<32768xf32, #tpu.memory_space<vmem>>[vector<16xi32>], vector<16xf32>,
      %parallel_loop3A_669 = arith.maximumf %parallel_loop3A_664, %parallel_loop3A_668 : vector<16xf32>
      %parallel_loop3A_670 = arith.constant 16 : i32
      %parallel_loop3A_671 = arith.muli %parallel_loop3A_649, %parallel_loop3A_670 : i32
      %parallel_loop3A_672 = arith.index_cast %parallel_loop3A_671 : i32 to index
      %parallel_loop3A_673 = tpu.vector_load %arg7[%parallel_loop3A_672] {strides = array<i32>} : memref<8192xf32, #tpu.memory_space<vmem>>, vector<16xf32>,
      tpu.vector_store %arg7[%parallel_loop3A_672], %parallel_loop3A_669 {strides = array<i32>} : memref<8192xf32, #tpu.memory_space<vmem>>, vector<16xf32>,
    } {sc.loop_unroll_factor = 8 : i64, sc.parallel_access}
    %dma_start3A_238 = arith.constant 65536 : i32
    %dma_start3A_239 = tpu.memref_slice %arg3[%add3A, %dma_start3A_238] : memref<32x196608xf32, #tpu.memory_space<hbm>> -> memref<1x8192xf32, #tpu.memory_space<hbm>>
    %dma_start3A_240 = tpu.memref_squeeze %dma_start3A_239 : memref<1x8192xf32, #tpu.memory_space<hbm>> -> memref<8192xf32, #tpu.memory_space<hbm>>
    %dma_start3A_241 = arith.constant 65536 : i32
    %dma_start3A_242 = tpu.memref_slice %arg3[%add3A, %dma_start3A_241] : memref<32x196608xf32, #tpu.memory_space<hbm>> -> memref<1x8192xf32, #tpu.memory_space<hbm>>
    %dma_start3A_243 = tpu.memref_squeeze %dma_start3A_242 : memref<1x8192xf32, #tpu.memory_space<hbm>> -> memref<8192xf32, #tpu.memory_space<hbm>>
    tpu.enqueue_dma source(%arg7 : memref<8192xf32, #tpu.memory_space<vmem>>) target(%dma_start3A_243 : memref<8192xf32, #tpu.memory_space<hbm>>) target_semaphore(%arg12 : memref<!tpu.dma_semaphore, #tpu.memory_space<semaphore_mem>>)
    %dma_start3A_244 = arith.constant 360448 : i32
    %dma_start3A_245 = tpu.memref_slice %arg2[%add3A, %dma_start3A_244] : memref<32x786432xf32, #tpu.memory_space<hbm>> -> memref<1x32768xf32, #tpu.memory_space<hbm>>
    %dma_start3A_246 = tpu.memref_squeeze %dma_start3A_245 : memref<1x32768xf32, #tpu.memory_space<hbm>> -> memref<32768xf32, #tpu.memory_space<hbm>>
    %dma_start3A_247 = arith.constant 360448 : i32
    %dma_start3A_248 = tpu.memref_slice %arg2[%add3A, %dma_start3A_247] : memref<32x786432xf32, #tpu.memory_space<hbm>> -> memref<1x32768xf32, #tpu.memory_space<hbm>>
    %dma_start3A_249 = tpu.memref_squeeze %dma_start3A_248 : memref<1x32768xf32, #tpu.memory_space<hbm>> -> memref<32768xf32, #tpu.memory_space<hbm>>
    tpu.enqueue_dma source(%dma_start3A_249 : memref<32768xf32, #tpu.memory_space<hbm>>) target(%arg6 : memref<32768xf32, #tpu.memory_space<vmem>>) target_semaphore(%arg11 : memref<!tpu.dma_semaphore, #tpu.memory_space<semaphore_mem>>)
    %dma_wait3A_250 = arith.constant 294912 : i32
    %dma_wait3A_251 = tpu.memref_slice %arg2[%add3A, %dma_wait3A_250] : memref<32x786432xf32, #tpu.memory_space<hbm>> -> memref<1x32768xf32, #tpu.memory_space<hbm>>
    %dma_wait3A_252 = tpu.memref_squeeze %dma_wait3A_251 : memref<1x32768xf32, #tpu.memory_space<hbm>> -> memref<32768xf32, #tpu.memory_space<hbm>>
    %dma_wait3A_253 = arith.constant 294912 : i32
    %dma_wait3A_254 = tpu.memref_slice %arg2[%add3A, %dma_wait3A_253] : memref<32x786432xf32, #tpu.memory_space<hbm>> -> memref<1x32768xf32, #tpu.memory_space<hbm>>
    %dma_wait3A_255 = tpu.memref_squeeze %dma_wait3A_254 : memref<1x32768xf32, #tpu.memory_space<hbm>> -> memref<32768xf32, #tpu.memory_space<hbm>>
    tpu.wait_dma2 semaphore(%arg9 : memref<!tpu.dma_semaphore, #tpu.memory_space<semaphore_mem>>) src(%dma_wait3A_255 : memref<32768xf32, #tpu.memory_space<hbm>>) dst(%arg4 : memref<32768xf32, #tpu.memory_space<vmem>>)
    %dma_wait3A_256 = arith.constant 57344 : i32
    %dma_wait3A_257 = tpu.memref_slice %arg3[%add3A, %dma_wait3A_256] : memref<32x196608xf32, #tpu.memory_space<hbm>> -> memref<1x8192xf32, #tpu.memory_space<hbm>>
    %dma_wait3A_258 = tpu.memref_squeeze %dma_wait3A_257 : memref<1x8192xf32, #tpu.memory_space<hbm>> -> memref<8192xf32, #tpu.memory_space<hbm>>
    %dma_wait3A_259 = arith.constant 57344 : i32
    %dma_wait3A_260 = tpu.memref_slice %arg3[%add3A, %dma_wait3A_259] : memref<32x196608xf32, #tpu.memory_space<hbm>> -> memref<1x8192xf32, #tpu.memory_space<hbm>>
    %dma_wait3A_261 = tpu.memref_squeeze %dma_wait3A_260 : memref<1x8192xf32, #tpu.memory_space<hbm>> -> memref<8192xf32, #tpu.memory_space<hbm>>
    tpu.wait_dma2 semaphore(%arg13 : memref<!tpu.dma_semaphore, #tpu.memory_space<semaphore_mem>>) src(%arg8 : memref<8192xf32, #tpu.memory_space<vmem>>) dst(%dma_wait3A_261 : memref<8192xf32, #tpu.memory_space<hbm>>)
    %parallel_loop3A_262 = arith.constant 0 : i32
    %parallel_loop3A_263 = arith.constant 512 : i32
    %parallel_loop3A_264 = arith.constant 1 : i32
    scf.for %parallel_loop3A_649 = %parallel_loop3A_262 to %parallel_loop3A_263 step %parallel_loop3A_264  : i32 {
      %parallel_loop3A_650 = arith.constant 64 : i32
      %parallel_loop3A_651 = arith.muli %parallel_loop3A_649, %parallel_loop3A_650 : i32
      %parallel_loop3A_652 = vector.broadcast %parallel_loop3A_651 : i32 to vector<16xi32>
      %parallel_loop3A_653 = arith.addi %mul3A_3, %parallel_loop3A_652 : vector<16xi32>
      %parallel_loop3A_654 = tpu.vector_load_idx %arg4[%parallel_loop3A_653] : memref<32768xf32, #tpu.memory_space<vmem>>[vector<16xi32>], vector<16xf32>,
      %parallel_loop3A_655 = arith.constant 1 : i32
      %parallel_loop3A_656 = vector.broadcast %parallel_loop3A_655 : i32 to vector<16xi32>
      %parallel_loop3A_657 = arith.addi %parallel_loop3A_653, %parallel_loop3A_656 : vector<16xi32>
      %parallel_loop3A_658 = tpu.vector_load_idx %arg4[%parallel_loop3A_657] : memref<32768xf32, #tpu.memory_space<vmem>>[vector<16xi32>], vector<16xf32>,
      %parallel_loop3A_659 = arith.maximumf %parallel_loop3A_654, %parallel_loop3A_658 : vector<16xf32>
      %parallel_loop3A_660 = arith.constant 2 : i32
      %parallel_loop3A_661 = vector.broadcast %parallel_loop3A_660 : i32 to vector<16xi32>
      %parallel_loop3A_662 = arith.addi %parallel_loop3A_653, %parallel_loop3A_661 : vector<16xi32>
      %parallel_loop3A_663 = tpu.vector_load_idx %arg4[%parallel_loop3A_662] : memref<32768xf32, #tpu.memory_space<vmem>>[vector<16xi32>], vector<16xf32>,
      %parallel_loop3A_664 = arith.maximumf %parallel_loop3A_659, %parallel_loop3A_663 : vector<16xf32>
      %parallel_loop3A_665 = arith.constant 3 : i32
      %parallel_loop3A_666 = vector.broadcast %parallel_loop3A_665 : i32 to vector<16xi32>
      %parallel_loop3A_667 = arith.addi %parallel_loop3A_653, %parallel_loop3A_666 : vector<16xi32>
      %parallel_loop3A_668 = tpu.vector_load_idx %arg4[%parallel_loop3A_667] : memref<32768xf32, #tpu.memory_space<vmem>>[vector<16xi32>], vector<16xf32>,
      %parallel_loop3A_669 = arith.maximumf %parallel_loop3A_664, %parallel_loop3A_668 : vector<16xf32>
      %parallel_loop3A_670 = arith.constant 16 : i32
      %parallel_loop3A_671 = arith.muli %parallel_loop3A_649, %parallel_loop3A_670 : i32
      %parallel_loop3A_672 = arith.index_cast %parallel_loop3A_671 : i32 to index
      %parallel_loop3A_673 = tpu.vector_load %arg8[%parallel_loop3A_672] {strides = array<i32>} : memref<8192xf32, #tpu.memory_space<vmem>>, vector<16xf32>,
      tpu.vector_store %arg8[%parallel_loop3A_672], %parallel_loop3A_669 {strides = array<i32>} : memref<8192xf32, #tpu.memory_space<vmem>>, vector<16xf32>,
    } {sc.loop_unroll_factor = 8 : i64, sc.parallel_access}
    %dma_start3A_265 = arith.constant 73728 : i32
    %dma_start3A_266 = tpu.memref_slice %arg3[%add3A, %dma_start3A_265] : memref<32x196608xf32, #tpu.memory_space<hbm>> -> memref<1x8192xf32, #tpu.memory_space<hbm>>
    %dma_start3A_267 = tpu.memref_squeeze %dma_start3A_266 : memref<1x8192xf32, #tpu.memory_space<hbm>> -> memref<8192xf32, #tpu.memory_space<hbm>>
    %dma_start3A_268 = arith.constant 73728 : i32
    %dma_start3A_269 = tpu.memref_slice %arg3[%add3A, %dma_start3A_268] : memref<32x196608xf32, #tpu.memory_space<hbm>> -> memref<1x8192xf32, #tpu.memory_space<hbm>>
    %dma_start3A_270 = tpu.memref_squeeze %dma_start3A_269 : memref<1x8192xf32, #tpu.memory_space<hbm>> -> memref<8192xf32, #tpu.memory_space<hbm>>
    tpu.enqueue_dma source(%arg8 : memref<8192xf32, #tpu.memory_space<vmem>>) target(%dma_start3A_270 : memref<8192xf32, #tpu.memory_space<hbm>>) target_semaphore(%arg13 : memref<!tpu.dma_semaphore, #tpu.memory_space<semaphore_mem>>)
    %dma_start3A_271 = arith.constant 393216 : i32
    %dma_start3A_272 = tpu.memref_slice %arg2[%add3A, %dma_start3A_271] : memref<32x786432xf32, #tpu.memory_space<hbm>> -> memref<1x32768xf32, #tpu.memory_space<hbm>>
    %dma_start3A_273 = tpu.memref_squeeze %dma_start3A_272 : memref<1x32768xf32, #tpu.memory_space<hbm>> -> memref<32768xf32, #tpu.memory_space<hbm>>
    %dma_start3A_274 = arith.constant 393216 : i32
    %dma_start3A_275 = tpu.memref_slice %arg2[%add3A, %dma_start3A_274] : memref<32x786432xf32, #tpu.memory_space<hbm>> -> memref<1x32768xf32, #tpu.memory_space<hbm>>
    %dma_start3A_276 = tpu.memref_squeeze %dma_start3A_275 : memref<1x32768xf32, #tpu.memory_space<hbm>> -> memref<32768xf32, #tpu.memory_space<hbm>>
    tpu.enqueue_dma source(%dma_start3A_276 : memref<32768xf32, #tpu.memory_space<hbm>>) target(%arg4 : memref<32768xf32, #tpu.memory_space<vmem>>) target_semaphore(%arg9 : memref<!tpu.dma_semaphore, #tpu.memory_space<semaphore_mem>>)
    %dma_wait3A_277 = arith.constant 327680 : i32
    %dma_wait3A_278 = tpu.memref_slice %arg2[%add3A, %dma_wait3A_277] : memref<32x786432xf32, #tpu.memory_space<hbm>> -> memref<1x32768xf32, #tpu.memory_space<hbm>>
    %dma_wait3A_279 = tpu.memref_squeeze %dma_wait3A_278 : memref<1x32768xf32, #tpu.memory_space<hbm>> -> memref<32768xf32, #tpu.memory_space<hbm>>
    %dma_wait3A_280 = arith.constant 327680 : i32
    %dma_wait3A_281 = tpu.memref_slice %arg2[%add3A, %dma_wait3A_280] : memref<32x786432xf32, #tpu.memory_space<hbm>> -> memref<1x32768xf32, #tpu.memory_space<hbm>>
    %dma_wait3A_282 = tpu.memref_squeeze %dma_wait3A_281 : memref<1x32768xf32, #tpu.memory_space<hbm>> -> memref<32768xf32, #tpu.memory_space<hbm>>
    tpu.wait_dma2 semaphore(%arg10 : memref<!tpu.dma_semaphore, #tpu.memory_space<semaphore_mem>>) src(%dma_wait3A_282 : memref<32768xf32, #tpu.memory_space<hbm>>) dst(%arg5 : memref<32768xf32, #tpu.memory_space<vmem>>)
    %dma_wait3A_283 = arith.constant 65536 : i32
    %dma_wait3A_284 = tpu.memref_slice %arg3[%add3A, %dma_wait3A_283] : memref<32x196608xf32, #tpu.memory_space<hbm>> -> memref<1x8192xf32, #tpu.memory_space<hbm>>
    %dma_wait3A_285 = tpu.memref_squeeze %dma_wait3A_284 : memref<1x8192xf32, #tpu.memory_space<hbm>> -> memref<8192xf32, #tpu.memory_space<hbm>>
    %dma_wait3A_286 = arith.constant 65536 : i32
    %dma_wait3A_287 = tpu.memref_slice %arg3[%add3A, %dma_wait3A_286] : memref<32x196608xf32, #tpu.memory_space<hbm>> -> memref<1x8192xf32, #tpu.memory_space<hbm>>
    %dma_wait3A_288 = tpu.memref_squeeze %dma_wait3A_287 : memref<1x8192xf32, #tpu.memory_space<hbm>> -> memref<8192xf32, #tpu.memory_space<hbm>>
    tpu.wait_dma2 semaphore(%arg12 : memref<!tpu.dma_semaphore, #tpu.memory_space<semaphore_mem>>) src(%arg7 : memref<8192xf32, #tpu.memory_space<vmem>>) dst(%dma_wait3A_288 : memref<8192xf32, #tpu.memory_space<hbm>>)
    %parallel_loop3A_289 = arith.constant 0 : i32
    %parallel_loop3A_290 = arith.constant 512 : i32
    %parallel_loop3A_291 = arith.constant 1 : i32
    scf.for %parallel_loop3A_649 = %parallel_loop3A_289 to %parallel_loop3A_290 step %parallel_loop3A_291  : i32 {
      %parallel_loop3A_650 = arith.constant 64 : i32
      %parallel_loop3A_651 = arith.muli %parallel_loop3A_649, %parallel_loop3A_650 : i32
      %parallel_loop3A_652 = vector.broadcast %parallel_loop3A_651 : i32 to vector<16xi32>
      %parallel_loop3A_653 = arith.addi %mul3A_3, %parallel_loop3A_652 : vector<16xi32>
      %parallel_loop3A_654 = tpu.vector_load_idx %arg5[%parallel_loop3A_653] : memref<32768xf32, #tpu.memory_space<vmem>>[vector<16xi32>], vector<16xf32>,
      %parallel_loop3A_655 = arith.constant 1 : i32
      %parallel_loop3A_656 = vector.broadcast %parallel_loop3A_655 : i32 to vector<16xi32>
      %parallel_loop3A_657 = arith.addi %parallel_loop3A_653, %parallel_loop3A_656 : vector<16xi32>
      %parallel_loop3A_658 = tpu.vector_load_idx %arg5[%parallel_loop3A_657] : memref<32768xf32, #tpu.memory_space<vmem>>[vector<16xi32>], vector<16xf32>,
      %parallel_loop3A_659 = arith.maximumf %parallel_loop3A_654, %parallel_loop3A_658 : vector<16xf32>
      %parallel_loop3A_660 = arith.constant 2 : i32
      %parallel_loop3A_661 = vector.broadcast %parallel_loop3A_660 : i32 to vector<16xi32>
      %parallel_loop3A_662 = arith.addi %parallel_loop3A_653, %parallel_loop3A_661 : vector<16xi32>
      %parallel_loop3A_663 = tpu.vector_load_idx %arg5[%parallel_loop3A_662] : memref<32768xf32, #tpu.memory_space<vmem>>[vector<16xi32>], vector<16xf32>,
      %parallel_loop3A_664 = arith.maximumf %parallel_loop3A_659, %parallel_loop3A_663 : vector<16xf32>
      %parallel_loop3A_665 = arith.constant 3 : i32
      %parallel_loop3A_666 = vector.broadcast %parallel_loop3A_665 : i32 to vector<16xi32>
      %parallel_loop3A_667 = arith.addi %parallel_loop3A_653, %parallel_loop3A_666 : vector<16xi32>
      %parallel_loop3A_668 = tpu.vector_load_idx %arg5[%parallel_loop3A_667] : memref<32768xf32, #tpu.memory_space<vmem>>[vector<16xi32>], vector<16xf32>,
      %parallel_loop3A_669 = arith.maximumf %parallel_loop3A_664, %parallel_loop3A_668 : vector<16xf32>
      %parallel_loop3A_670 = arith.constant 16 : i32
      %parallel_loop3A_671 = arith.muli %parallel_loop3A_649, %parallel_loop3A_670 : i32
      %parallel_loop3A_672 = arith.index_cast %parallel_loop3A_671 : i32 to index
      %parallel_loop3A_673 = tpu.vector_load %arg7[%parallel_loop3A_672] {strides = array<i32>} : memref<8192xf32, #tpu.memory_space<vmem>>, vector<16xf32>,
      tpu.vector_store %arg7[%parallel_loop3A_672], %parallel_loop3A_669 {strides = array<i32>} : memref<8192xf32, #tpu.memory_space<vmem>>, vector<16xf32>,
    } {sc.loop_unroll_factor = 8 : i64, sc.parallel_access}
    %dma_start3A_292 = arith.constant 81920 : i32
    %dma_start3A_293 = tpu.memref_slice %arg3[%add3A, %dma_start3A_292] : memref<32x196608xf32, #tpu.memory_space<hbm>> -> memref<1x8192xf32, #tpu.memory_space<hbm>>
    %dma_start3A_294 = tpu.memref_squeeze %dma_start3A_293 : memref<1x8192xf32, #tpu.memory_space<hbm>> -> memref<8192xf32, #tpu.memory_space<hbm>>
    %dma_start3A_295 = arith.constant 81920 : i32
    %dma_start3A_296 = tpu.memref_slice %arg3[%add3A, %dma_start3A_295] : memref<32x196608xf32, #tpu.memory_space<hbm>> -> memref<1x8192xf32, #tpu.memory_space<hbm>>
    %dma_start3A_297 = tpu.memref_squeeze %dma_start3A_296 : memref<1x8192xf32, #tpu.memory_space<hbm>> -> memref<8192xf32, #tpu.memory_space<hbm>>
    tpu.enqueue_dma source(%arg7 : memref<8192xf32, #tpu.memory_space<vmem>>) target(%dma_start3A_297 : memref<8192xf32, #tpu.memory_space<hbm>>) target_semaphore(%arg12 : memref<!tpu.dma_semaphore, #tpu.memory_space<semaphore_mem>>)
    %dma_start3A_298 = arith.constant 425984 : i32
    %dma_start3A_299 = tpu.memref_slice %arg2[%add3A, %dma_start3A_298] : memref<32x786432xf32, #tpu.memory_space<hbm>> -> memref<1x32768xf32, #tpu.memory_space<hbm>>
    %dma_start3A_300 = tpu.memref_squeeze %dma_start3A_299 : memref<1x32768xf32, #tpu.memory_space<hbm>> -> memref<32768xf32, #tpu.memory_space<hbm>>
    %dma_start3A_301 = arith.constant 425984 : i32
    %dma_start3A_302 = tpu.memref_slice %arg2[%add3A, %dma_start3A_301] : memref<32x786432xf32, #tpu.memory_space<hbm>> -> memref<1x32768xf32, #tpu.memory_space<hbm>>
    %dma_start3A_303 = tpu.memref_squeeze %dma_start3A_302 : memref<1x32768xf32, #tpu.memory_space<hbm>> -> memref<32768xf32, #tpu.memory_space<hbm>>
    tpu.enqueue_dma source(%dma_start3A_303 : memref<32768xf32, #tpu.memory_space<hbm>>) target(%arg5 : memref<32768xf32, #tpu.memory_space<vmem>>) target_semaphore(%arg10 : memref<!tpu.dma_semaphore, #tpu.memory_space<semaphore_mem>>)
    %dma_wait3A_304 = arith.constant 360448 : i32
    %dma_wait3A_305 = tpu.memref_slice %arg2[%add3A, %dma_wait3A_304] : memref<32x786432xf32, #tpu.memory_space<hbm>> -> memref<1x32768xf32, #tpu.memory_space<hbm>>
    %dma_wait3A_306 = tpu.memref_squeeze %dma_wait3A_305 : memref<1x32768xf32, #tpu.memory_space<hbm>> -> memref<32768xf32, #tpu.memory_space<hbm>>
    %dma_wait3A_307 = arith.constant 360448 : i32
    %dma_wait3A_308 = tpu.memref_slice %arg2[%add3A, %dma_wait3A_307] : memref<32x786432xf32, #tpu.memory_space<hbm>> -> memref<1x32768xf32, #tpu.memory_space<hbm>>
    %dma_wait3A_309 = tpu.memref_squeeze %dma_wait3A_308 : memref<1x32768xf32, #tpu.memory_space<hbm>> -> memref<32768xf32, #tpu.memory_space<hbm>>
    tpu.wait_dma2 semaphore(%arg11 : memref<!tpu.dma_semaphore, #tpu.memory_space<semaphore_mem>>) src(%dma_wait3A_309 : memref<32768xf32, #tpu.memory_space<hbm>>) dst(%arg6 : memref<32768xf32, #tpu.memory_space<vmem>>)
    %dma_wait3A_310 = arith.constant 73728 : i32
    %dma_wait3A_311 = tpu.memref_slice %arg3[%add3A, %dma_wait3A_310] : memref<32x196608xf32, #tpu.memory_space<hbm>> -> memref<1x8192xf32, #tpu.memory_space<hbm>>
    %dma_wait3A_312 = tpu.memref_squeeze %dma_wait3A_311 : memref<1x8192xf32, #tpu.memory_space<hbm>> -> memref<8192xf32, #tpu.memory_space<hbm>>
    %dma_wait3A_313 = arith.constant 73728 : i32
    %dma_wait3A_314 = tpu.memref_slice %arg3[%add3A, %dma_wait3A_313] : memref<32x196608xf32, #tpu.memory_space<hbm>> -> memref<1x8192xf32, #tpu.memory_space<hbm>>
    %dma_wait3A_315 = tpu.memref_squeeze %dma_wait3A_314 : memref<1x8192xf32, #tpu.memory_space<hbm>> -> memref<8192xf32, #tpu.memory_space<hbm>>
    tpu.wait_dma2 semaphore(%arg13 : memref<!tpu.dma_semaphore, #tpu.memory_space<semaphore_mem>>) src(%arg8 : memref<8192xf32, #tpu.memory_space<vmem>>) dst(%dma_wait3A_315 : memref<8192xf32, #tpu.memory_space<hbm>>)
    %parallel_loop3A_316 = arith.constant 0 : i32
    %parallel_loop3A_317 = arith.constant 512 : i32
    %parallel_loop3A_318 = arith.constant 1 : i32
    scf.for %parallel_loop3A_649 = %parallel_loop3A_316 to %parallel_loop3A_317 step %parallel_loop3A_318  : i32 {
      %parallel_loop3A_650 = arith.constant 64 : i32
      %parallel_loop3A_651 = arith.muli %parallel_loop3A_649, %parallel_loop3A_650 : i32
      %parallel_loop3A_652 = vector.broadcast %parallel_loop3A_651 : i32 to vector<16xi32>
      %parallel_loop3A_653 = arith.addi %mul3A_3, %parallel_loop3A_652 : vector<16xi32>
      %parallel_loop3A_654 = tpu.vector_load_idx %arg6[%parallel_loop3A_653] : memref<32768xf32, #tpu.memory_space<vmem>>[vector<16xi32>], vector<16xf32>,
      %parallel_loop3A_655 = arith.constant 1 : i32
      %parallel_loop3A_656 = vector.broadcast %parallel_loop3A_655 : i32 to vector<16xi32>
      %parallel_loop3A_657 = arith.addi %parallel_loop3A_653, %parallel_loop3A_656 : vector<16xi32>
      %parallel_loop3A_658 = tpu.vector_load_idx %arg6[%parallel_loop3A_657] : memref<32768xf32, #tpu.memory_space<vmem>>[vector<16xi32>], vector<16xf32>,
      %parallel_loop3A_659 = arith.maximumf %parallel_loop3A_654, %parallel_loop3A_658 : vector<16xf32>
      %parallel_loop3A_660 = arith.constant 2 : i32
      %parallel_loop3A_661 = vector.broadcast %parallel_loop3A_660 : i32 to vector<16xi32>
      %parallel_loop3A_662 = arith.addi %parallel_loop3A_653, %parallel_loop3A_661 : vector<16xi32>
      %parallel_loop3A_663 = tpu.vector_load_idx %arg6[%parallel_loop3A_662] : memref<32768xf32, #tpu.memory_space<vmem>>[vector<16xi32>], vector<16xf32>,
      %parallel_loop3A_664 = arith.maximumf %parallel_loop3A_659, %parallel_loop3A_663 : vector<16xf32>
      %parallel_loop3A_665 = arith.constant 3 : i32
      %parallel_loop3A_666 = vector.broadcast %parallel_loop3A_665 : i32 to vector<16xi32>
      %parallel_loop3A_667 = arith.addi %parallel_loop3A_653, %parallel_loop3A_666 : vector<16xi32>
      %parallel_loop3A_668 = tpu.vector_load_idx %arg6[%parallel_loop3A_667] : memref<32768xf32, #tpu.memory_space<vmem>>[vector<16xi32>], vector<16xf32>,
      %parallel_loop3A_669 = arith.maximumf %parallel_loop3A_664, %parallel_loop3A_668 : vector<16xf32>
      %parallel_loop3A_670 = arith.constant 16 : i32
      %parallel_loop3A_671 = arith.muli %parallel_loop3A_649, %parallel_loop3A_670 : i32
      %parallel_loop3A_672 = arith.index_cast %parallel_loop3A_671 : i32 to index
      %parallel_loop3A_673 = tpu.vector_load %arg8[%parallel_loop3A_672] {strides = array<i32>} : memref<8192xf32, #tpu.memory_space<vmem>>, vector<16xf32>,
      tpu.vector_store %arg8[%parallel_loop3A_672], %parallel_loop3A_669 {strides = array<i32>} : memref<8192xf32, #tpu.memory_space<vmem>>, vector<16xf32>,
    } {sc.loop_unroll_factor = 8 : i64, sc.parallel_access}
    %dma_start3A_319 = arith.constant 90112 : i32
    %dma_start3A_320 = tpu.memref_slice %arg3[%add3A, %dma_start3A_319] : memref<32x196608xf32, #tpu.memory_space<hbm>> -> memref<1x8192xf32, #tpu.memory_space<hbm>>
    %dma_start3A_321 = tpu.memref_squeeze %dma_start3A_320 : memref<1x8192xf32, #tpu.memory_space<hbm>> -> memref<8192xf32, #tpu.memory_space<hbm>>
    %dma_start3A_322 = arith.constant 90112 : i32
    %dma_start3A_323 = tpu.memref_slice %arg3[%add3A, %dma_start3A_322] : memref<32x196608xf32, #tpu.memory_space<hbm>> -> memref<1x8192xf32, #tpu.memory_space<hbm>>
    %dma_start3A_324 = tpu.memref_squeeze %dma_start3A_323 : memref<1x8192xf32, #tpu.memory_space<hbm>> -> memref<8192xf32, #tpu.memory_space<hbm>>
    tpu.enqueue_dma source(%arg8 : memref<8192xf32, #tpu.memory_space<vmem>>) target(%dma_start3A_324 : memref<8192xf32, #tpu.memory_space<hbm>>) target_semaphore(%arg13 : memref<!tpu.dma_semaphore, #tpu.memory_space<semaphore_mem>>)
    %dma_start3A_325 = arith.constant 458752 : i32
    %dma_start3A_326 = tpu.memref_slice %arg2[%add3A, %dma_start3A_325] : memref<32x786432xf32, #tpu.memory_space<hbm>> -> memref<1x32768xf32, #tpu.memory_space<hbm>>
    %dma_start3A_327 = tpu.memref_squeeze %dma_start3A_326 : memref<1x32768xf32, #tpu.memory_space<hbm>> -> memref<32768xf32, #tpu.memory_space<hbm>>
    %dma_start3A_328 = arith.constant 458752 : i32
    %dma_start3A_329 = tpu.memref_slice %arg2[%add3A, %dma_start3A_328] : memref<32x786432xf32, #tpu.memory_space<hbm>> -> memref<1x32768xf32, #tpu.memory_space<hbm>>
    %dma_start3A_330 = tpu.memref_squeeze %dma_start3A_329 : memref<1x32768xf32, #tpu.memory_space<hbm>> -> memref<32768xf32, #tpu.memory_space<hbm>>
    tpu.enqueue_dma source(%dma_start3A_330 : memref<32768xf32, #tpu.memory_space<hbm>>) target(%arg6 : memref<32768xf32, #tpu.memory_space<vmem>>) target_semaphore(%arg11 : memref<!tpu.dma_semaphore, #tpu.memory_space<semaphore_mem>>)
    %dma_wait3A_331 = arith.constant 393216 : i32
    %dma_wait3A_332 = tpu.memref_slice %arg2[%add3A, %dma_wait3A_331] : memref<32x786432xf32, #tpu.memory_space<hbm>> -> memref<1x32768xf32, #tpu.memory_space<hbm>>
    %dma_wait3A_333 = tpu.memref_squeeze %dma_wait3A_332 : memref<1x32768xf32, #tpu.memory_space<hbm>> -> memref<32768xf32, #tpu.memory_space<hbm>>
    %dma_wait3A_334 = arith.constant 393216 : i32
    %dma_wait3A_335 = tpu.memref_slice %arg2[%add3A, %dma_wait3A_334] : memref<32x786432xf32, #tpu.memory_space<hbm>> -> memref<1x32768xf32, #tpu.memory_space<hbm>>
    %dma_wait3A_336 = tpu.memref_squeeze %dma_wait3A_335 : memref<1x32768xf32, #tpu.memory_space<hbm>> -> memref<32768xf32, #tpu.memory_space<hbm>>
    tpu.wait_dma2 semaphore(%arg9 : memref<!tpu.dma_semaphore, #tpu.memory_space<semaphore_mem>>) src(%dma_wait3A_336 : memref<32768xf32, #tpu.memory_space<hbm>>) dst(%arg4 : memref<32768xf32, #tpu.memory_space<vmem>>)
    %dma_wait3A_337 = arith.constant 81920 : i32
    %dma_wait3A_338 = tpu.memref_slice %arg3[%add3A, %dma_wait3A_337] : memref<32x196608xf32, #tpu.memory_space<hbm>> -> memref<1x8192xf32, #tpu.memory_space<hbm>>
    %dma_wait3A_339 = tpu.memref_squeeze %dma_wait3A_338 : memref<1x8192xf32, #tpu.memory_space<hbm>> -> memref<8192xf32, #tpu.memory_space<hbm>>
    %dma_wait3A_340 = arith.constant 81920 : i32
    %dma_wait3A_341 = tpu.memref_slice %arg3[%add3A, %dma_wait3A_340] : memref<32x196608xf32, #tpu.memory_space<hbm>> -> memref<1x8192xf32, #tpu.memory_space<hbm>>
    %dma_wait3A_342 = tpu.memref_squeeze %dma_wait3A_341 : memref<1x8192xf32, #tpu.memory_space<hbm>> -> memref<8192xf32, #tpu.memory_space<hbm>>
    tpu.wait_dma2 semaphore(%arg12 : memref<!tpu.dma_semaphore, #tpu.memory_space<semaphore_mem>>) src(%arg7 : memref<8192xf32, #tpu.memory_space<vmem>>) dst(%dma_wait3A_342 : memref<8192xf32, #tpu.memory_space<hbm>>)
    %parallel_loop3A_343 = arith.constant 0 : i32
    %parallel_loop3A_344 = arith.constant 512 : i32
    %parallel_loop3A_345 = arith.constant 1 : i32
    scf.for %parallel_loop3A_649 = %parallel_loop3A_343 to %parallel_loop3A_344 step %parallel_loop3A_345  : i32 {
      %parallel_loop3A_650 = arith.constant 64 : i32
      %parallel_loop3A_651 = arith.muli %parallel_loop3A_649, %parallel_loop3A_650 : i32
      %parallel_loop3A_652 = vector.broadcast %parallel_loop3A_651 : i32 to vector<16xi32>
      %parallel_loop3A_653 = arith.addi %mul3A_3, %parallel_loop3A_652 : vector<16xi32>
      %parallel_loop3A_654 = tpu.vector_load_idx %arg4[%parallel_loop3A_653] : memref<32768xf32, #tpu.memory_space<vmem>>[vector<16xi32>], vector<16xf32>,
      %parallel_loop3A_655 = arith.constant 1 : i32
      %parallel_loop3A_656 = vector.broadcast %parallel_loop3A_655 : i32 to vector<16xi32>
      %parallel_loop3A_657 = arith.addi %parallel_loop3A_653, %parallel_loop3A_656 : vector<16xi32>
      %parallel_loop3A_658 = tpu.vector_load_idx %arg4[%parallel_loop3A_657] : memref<32768xf32, #tpu.memory_space<vmem>>[vector<16xi32>], vector<16xf32>,
      %parallel_loop3A_659 = arith.maximumf %parallel_loop3A_654, %parallel_loop3A_658 : vector<16xf32>
      %parallel_loop3A_660 = arith.constant 2 : i32
      %parallel_loop3A_661 = vector.broadcast %parallel_loop3A_660 : i32 to vector<16xi32>
      %parallel_loop3A_662 = arith.addi %parallel_loop3A_653, %parallel_loop3A_661 : vector<16xi32>
      %parallel_loop3A_663 = tpu.vector_load_idx %arg4[%parallel_loop3A_662] : memref<32768xf32, #tpu.memory_space<vmem>>[vector<16xi32>], vector<16xf32>,
      %parallel_loop3A_664 = arith.maximumf %parallel_loop3A_659, %parallel_loop3A_663 : vector<16xf32>
      %parallel_loop3A_665 = arith.constant 3 : i32
      %parallel_loop3A_666 = vector.broadcast %parallel_loop3A_665 : i32 to vector<16xi32>
      %parallel_loop3A_667 = arith.addi %parallel_loop3A_653, %parallel_loop3A_666 : vector<16xi32>
      %parallel_loop3A_668 = tpu.vector_load_idx %arg4[%parallel_loop3A_667] : memref<32768xf32, #tpu.memory_space<vmem>>[vector<16xi32>], vector<16xf32>,
      %parallel_loop3A_669 = arith.maximumf %parallel_loop3A_664, %parallel_loop3A_668 : vector<16xf32>
      %parallel_loop3A_670 = arith.constant 16 : i32
      %parallel_loop3A_671 = arith.muli %parallel_loop3A_649, %parallel_loop3A_670 : i32
      %parallel_loop3A_672 = arith.index_cast %parallel_loop3A_671 : i32 to index
      %parallel_loop3A_673 = tpu.vector_load %arg7[%parallel_loop3A_672] {strides = array<i32>} : memref<8192xf32, #tpu.memory_space<vmem>>, vector<16xf32>,
      tpu.vector_store %arg7[%parallel_loop3A_672], %parallel_loop3A_669 {strides = array<i32>} : memref<8192xf32, #tpu.memory_space<vmem>>, vector<16xf32>,
    } {sc.loop_unroll_factor = 8 : i64, sc.parallel_access}
    %dma_start3A_346 = arith.constant 98304 : i32
    %dma_start3A_347 = tpu.memref_slice %arg3[%add3A, %dma_start3A_346] : memref<32x196608xf32, #tpu.memory_space<hbm>> -> memref<1x8192xf32, #tpu.memory_space<hbm>>
    %dma_start3A_348 = tpu.memref_squeeze %dma_start3A_347 : memref<1x8192xf32, #tpu.memory_space<hbm>> -> memref<8192xf32, #tpu.memory_space<hbm>>
    %dma_start3A_349 = arith.constant 98304 : i32
    %dma_start3A_350 = tpu.memref_slice %arg3[%add3A, %dma_start3A_349] : memref<32x196608xf32, #tpu.memory_space<hbm>> -> memref<1x8192xf32, #tpu.memory_space<hbm>>
    %dma_start3A_351 = tpu.memref_squeeze %dma_start3A_350 : memref<1x8192xf32, #tpu.memory_space<hbm>> -> memref<8192xf32, #tpu.memory_space<hbm>>
    tpu.enqueue_dma source(%arg7 : memref<8192xf32, #tpu.memory_space<vmem>>) target(%dma_start3A_351 : memref<8192xf32, #tpu.memory_space<hbm>>) target_semaphore(%arg12 : memref<!tpu.dma_semaphore, #tpu.memory_space<semaphore_mem>>)
    %dma_start3A_352 = arith.constant 491520 : i32
    %dma_start3A_353 = tpu.memref_slice %arg2[%add3A, %dma_start3A_352] : memref<32x786432xf32, #tpu.memory_space<hbm>> -> memref<1x32768xf32, #tpu.memory_space<hbm>>
    %dma_start3A_354 = tpu.memref_squeeze %dma_start3A_353 : memref<1x32768xf32, #tpu.memory_space<hbm>> -> memref<32768xf32, #tpu.memory_space<hbm>>
    %dma_start3A_355 = arith.constant 491520 : i32
    %dma_start3A_356 = tpu.memref_slice %arg2[%add3A, %dma_start3A_355] : memref<32x786432xf32, #tpu.memory_space<hbm>> -> memref<1x32768xf32, #tpu.memory_space<hbm>>
    %dma_start3A_357 = tpu.memref_squeeze %dma_start3A_356 : memref<1x32768xf32, #tpu.memory_space<hbm>> -> memref<32768xf32, #tpu.memory_space<hbm>>
    tpu.enqueue_dma source(%dma_start3A_357 : memref<32768xf32, #tpu.memory_space<hbm>>) target(%arg4 : memref<32768xf32, #tpu.memory_space<vmem>>) target_semaphore(%arg9 : memref<!tpu.dma_semaphore, #tpu.memory_space<semaphore_mem>>)
    %dma_wait3A_358 = arith.constant 425984 : i32
    %dma_wait3A_359 = tpu.memref_slice %arg2[%add3A, %dma_wait3A_358] : memref<32x786432xf32, #tpu.memory_space<hbm>> -> memref<1x32768xf32, #tpu.memory_space<hbm>>
    %dma_wait3A_360 = tpu.memref_squeeze %dma_wait3A_359 : memref<1x32768xf32, #tpu.memory_space<hbm>> -> memref<32768xf32, #tpu.memory_space<hbm>>
    %dma_wait3A_361 = arith.constant 425984 : i32
    %dma_wait3A_362 = tpu.memref_slice %arg2[%add3A, %dma_wait3A_361] : memref<32x786432xf32, #tpu.memory_space<hbm>> -> memref<1x32768xf32, #tpu.memory_space<hbm>>
    %dma_wait3A_363 = tpu.memref_squeeze %dma_wait3A_362 : memref<1x32768xf32, #tpu.memory_space<hbm>> -> memref<32768xf32, #tpu.memory_space<hbm>>
    tpu.wait_dma2 semaphore(%arg10 : memref<!tpu.dma_semaphore, #tpu.memory_space<semaphore_mem>>) src(%dma_wait3A_363 : memref<32768xf32, #tpu.memory_space<hbm>>) dst(%arg5 : memref<32768xf32, #tpu.memory_space<vmem>>)
    %dma_wait3A_364 = arith.constant 90112 : i32
    %dma_wait3A_365 = tpu.memref_slice %arg3[%add3A, %dma_wait3A_364] : memref<32x196608xf32, #tpu.memory_space<hbm>> -> memref<1x8192xf32, #tpu.memory_space<hbm>>
    %dma_wait3A_366 = tpu.memref_squeeze %dma_wait3A_365 : memref<1x8192xf32, #tpu.memory_space<hbm>> -> memref<8192xf32, #tpu.memory_space<hbm>>
    %dma_wait3A_367 = arith.constant 90112 : i32
    %dma_wait3A_368 = tpu.memref_slice %arg3[%add3A, %dma_wait3A_367] : memref<32x196608xf32, #tpu.memory_space<hbm>> -> memref<1x8192xf32, #tpu.memory_space<hbm>>
    %dma_wait3A_369 = tpu.memref_squeeze %dma_wait3A_368 : memref<1x8192xf32, #tpu.memory_space<hbm>> -> memref<8192xf32, #tpu.memory_space<hbm>>
    tpu.wait_dma2 semaphore(%arg13 : memref<!tpu.dma_semaphore, #tpu.memory_space<semaphore_mem>>) src(%arg8 : memref<8192xf32, #tpu.memory_space<vmem>>) dst(%dma_wait3A_369 : memref<8192xf32, #tpu.memory_space<hbm>>)
    %parallel_loop3A_370 = arith.constant 0 : i32
    %parallel_loop3A_371 = arith.constant 512 : i32
    %parallel_loop3A_372 = arith.constant 1 : i32
    scf.for %parallel_loop3A_649 = %parallel_loop3A_370 to %parallel_loop3A_371 step %parallel_loop3A_372  : i32 {
      %parallel_loop3A_650 = arith.constant 64 : i32
      %parallel_loop3A_651 = arith.muli %parallel_loop3A_649, %parallel_loop3A_650 : i32
      %parallel_loop3A_652 = vector.broadcast %parallel_loop3A_651 : i32 to vector<16xi32>
      %parallel_loop3A_653 = arith.addi %mul3A_3, %parallel_loop3A_652 : vector<16xi32>
      %parallel_loop3A_654 = tpu.vector_load_idx %arg5[%parallel_loop3A_653] : memref<32768xf32, #tpu.memory_space<vmem>>[vector<16xi32>], vector<16xf32>,
      %parallel_loop3A_655 = arith.constant 1 : i32
      %parallel_loop3A_656 = vector.broadcast %parallel_loop3A_655 : i32 to vector<16xi32>
      %parallel_loop3A_657 = arith.addi %parallel_loop3A_653, %parallel_loop3A_656 : vector<16xi32>
      %parallel_loop3A_658 = tpu.vector_load_idx %arg5[%parallel_loop3A_657] : memref<32768xf32, #tpu.memory_space<vmem>>[vector<16xi32>], vector<16xf32>,
      %parallel_loop3A_659 = arith.maximumf %parallel_loop3A_654, %parallel_loop3A_658 : vector<16xf32>
      %parallel_loop3A_660 = arith.constant 2 : i32
      %parallel_loop3A_661 = vector.broadcast %parallel_loop3A_660 : i32 to vector<16xi32>
      %parallel_loop3A_662 = arith.addi %parallel_loop3A_653, %parallel_loop3A_661 : vector<16xi32>
      %parallel_loop3A_663 = tpu.vector_load_idx %arg5[%parallel_loop3A_662] : memref<32768xf32, #tpu.memory_space<vmem>>[vector<16xi32>], vector<16xf32>,
      %parallel_loop3A_664 = arith.maximumf %parallel_loop3A_659, %parallel_loop3A_663 : vector<16xf32>
      %parallel_loop3A_665 = arith.constant 3 : i32
      %parallel_loop3A_666 = vector.broadcast %parallel_loop3A_665 : i32 to vector<16xi32>
      %parallel_loop3A_667 = arith.addi %parallel_loop3A_653, %parallel_loop3A_666 : vector<16xi32>
      %parallel_loop3A_668 = tpu.vector_load_idx %arg5[%parallel_loop3A_667] : memref<32768xf32, #tpu.memory_space<vmem>>[vector<16xi32>], vector<16xf32>,
      %parallel_loop3A_669 = arith.maximumf %parallel_loop3A_664, %parallel_loop3A_668 : vector<16xf32>
      %parallel_loop3A_670 = arith.constant 16 : i32
      %parallel_loop3A_671 = arith.muli %parallel_loop3A_649, %parallel_loop3A_670 : i32
      %parallel_loop3A_672 = arith.index_cast %parallel_loop3A_671 : i32 to index
      %parallel_loop3A_673 = tpu.vector_load %arg8[%parallel_loop3A_672] {strides = array<i32>} : memref<8192xf32, #tpu.memory_space<vmem>>, vector<16xf32>,
      tpu.vector_store %arg8[%parallel_loop3A_672], %parallel_loop3A_669 {strides = array<i32>} : memref<8192xf32, #tpu.memory_space<vmem>>, vector<16xf32>,
    } {sc.loop_unroll_factor = 8 : i64, sc.parallel_access}
    %dma_start3A_373 = arith.constant 106496 : i32
    %dma_start3A_374 = tpu.memref_slice %arg3[%add3A, %dma_start3A_373] : memref<32x196608xf32, #tpu.memory_space<hbm>> -> memref<1x8192xf32, #tpu.memory_space<hbm>>
    %dma_start3A_375 = tpu.memref_squeeze %dma_start3A_374 : memref<1x8192xf32, #tpu.memory_space<hbm>> -> memref<8192xf32, #tpu.memory_space<hbm>>
    %dma_start3A_376 = arith.constant 106496 : i32
    %dma_start3A_377 = tpu.memref_slice %arg3[%add3A, %dma_start3A_376] : memref<32x196608xf32, #tpu.memory_space<hbm>> -> memref<1x8192xf32, #tpu.memory_space<hbm>>
    %dma_start3A_378 = tpu.memref_squeeze %dma_start3A_377 : memref<1x8192xf32, #tpu.memory_space<hbm>> -> memref<8192xf32, #tpu.memory_space<hbm>>
    tpu.enqueue_dma source(%arg8 : memref<8192xf32, #tpu.memory_space<vmem>>) target(%dma_start3A_378 : memref<8192xf32, #tpu.memory_space<hbm>>) target_semaphore(%arg13 : memref<!tpu.dma_semaphore, #tpu.memory_space<semaphore_mem>>)
    %dma_start3A_379 = arith.constant 524288 : i32
    %dma_start3A_380 = tpu.memref_slice %arg2[%add3A, %dma_start3A_379] : memref<32x786432xf32, #tpu.memory_space<hbm>> -> memref<1x32768xf32, #tpu.memory_space<hbm>>
    %dma_start3A_381 = tpu.memref_squeeze %dma_start3A_380 : memref<1x32768xf32, #tpu.memory_space<hbm>> -> memref<32768xf32, #tpu.memory_space<hbm>>
    %dma_start3A_382 = arith.constant 524288 : i32
    %dma_start3A_383 = tpu.memref_slice %arg2[%add3A, %dma_start3A_382] : memref<32x786432xf32, #tpu.memory_space<hbm>> -> memref<1x32768xf32, #tpu.memory_space<hbm>>
    %dma_start3A_384 = tpu.memref_squeeze %dma_start3A_383 : memref<1x32768xf32, #tpu.memory_space<hbm>> -> memref<32768xf32, #tpu.memory_space<hbm>>
    tpu.enqueue_dma source(%dma_start3A_384 : memref<32768xf32, #tpu.memory_space<hbm>>) target(%arg5 : memref<32768xf32, #tpu.memory_space<vmem>>) target_semaphore(%arg10 : memref<!tpu.dma_semaphore, #tpu.memory_space<semaphore_mem>>)
    %dma_wait3A_385 = arith.constant 458752 : i32
    %dma_wait3A_386 = tpu.memref_slice %arg2[%add3A, %dma_wait3A_385] : memref<32x786432xf32, #tpu.memory_space<hbm>> -> memref<1x32768xf32, #tpu.memory_space<hbm>>
    %dma_wait3A_387 = tpu.memref_squeeze %dma_wait3A_386 : memref<1x32768xf32, #tpu.memory_space<hbm>> -> memref<32768xf32, #tpu.memory_space<hbm>>
    %dma_wait3A_388 = arith.constant 458752 : i32
    %dma_wait3A_389 = tpu.memref_slice %arg2[%add3A, %dma_wait3A_388] : memref<32x786432xf32, #tpu.memory_space<hbm>> -> memref<1x32768xf32, #tpu.memory_space<hbm>>
    %dma_wait3A_390 = tpu.memref_squeeze %dma_wait3A_389 : memref<1x32768xf32, #tpu.memory_space<hbm>> -> memref<32768xf32, #tpu.memory_space<hbm>>
    tpu.wait_dma2 semaphore(%arg11 : memref<!tpu.dma_semaphore, #tpu.memory_space<semaphore_mem>>) src(%dma_wait3A_390 : memref<32768xf32, #tpu.memory_space<hbm>>) dst(%arg6 : memref<32768xf32, #tpu.memory_space<vmem>>)
    %dma_wait3A_391 = arith.constant 98304 : i32
    %dma_wait3A_392 = tpu.memref_slice %arg3[%add3A, %dma_wait3A_391] : memref<32x196608xf32, #tpu.memory_space<hbm>> -> memref<1x8192xf32, #tpu.memory_space<hbm>>
    %dma_wait3A_393 = tpu.memref_squeeze %dma_wait3A_392 : memref<1x8192xf32, #tpu.memory_space<hbm>> -> memref<8192xf32, #tpu.memory_space<hbm>>
    %dma_wait3A_394 = arith.constant 98304 : i32
    %dma_wait3A_395 = tpu.memref_slice %arg3[%add3A, %dma_wait3A_394] : memref<32x196608xf32, #tpu.memory_space<hbm>> -> memref<1x8192xf32, #tpu.memory_space<hbm>>
    %dma_wait3A_396 = tpu.memref_squeeze %dma_wait3A_395 : memref<1x8192xf32, #tpu.memory_space<hbm>> -> memref<8192xf32, #tpu.memory_space<hbm>>
    tpu.wait_dma2 semaphore(%arg12 : memref<!tpu.dma_semaphore, #tpu.memory_space<semaphore_mem>>) src(%arg7 : memref<8192xf32, #tpu.memory_space<vmem>>) dst(%dma_wait3A_396 : memref<8192xf32, #tpu.memory_space<hbm>>)
    %parallel_loop3A_397 = arith.constant 0 : i32
    %parallel_loop3A_398 = arith.constant 512 : i32
    %parallel_loop3A_399 = arith.constant 1 : i32
    scf.for %parallel_loop3A_649 = %parallel_loop3A_397 to %parallel_loop3A_398 step %parallel_loop3A_399  : i32 {
      %parallel_loop3A_650 = arith.constant 64 : i32
      %parallel_loop3A_651 = arith.muli %parallel_loop3A_649, %parallel_loop3A_650 : i32
      %parallel_loop3A_652 = vector.broadcast %parallel_loop3A_651 : i32 to vector<16xi32>
      %parallel_loop3A_653 = arith.addi %mul3A_3, %parallel_loop3A_652 : vector<16xi32>
      %parallel_loop3A_654 = tpu.vector_load_idx %arg6[%parallel_loop3A_653] : memref<32768xf32, #tpu.memory_space<vmem>>[vector<16xi32>], vector<16xf32>,
      %parallel_loop3A_655 = arith.constant 1 : i32
      %parallel_loop3A_656 = vector.broadcast %parallel_loop3A_655 : i32 to vector<16xi32>
      %parallel_loop3A_657 = arith.addi %parallel_loop3A_653, %parallel_loop3A_656 : vector<16xi32>
      %parallel_loop3A_658 = tpu.vector_load_idx %arg6[%parallel_loop3A_657] : memref<32768xf32, #tpu.memory_space<vmem>>[vector<16xi32>], vector<16xf32>,
      %parallel_loop3A_659 = arith.maximumf %parallel_loop3A_654, %parallel_loop3A_658 : vector<16xf32>
      %parallel_loop3A_660 = arith.constant 2 : i32
      %parallel_loop3A_661 = vector.broadcast %parallel_loop3A_660 : i32 to vector<16xi32>
      %parallel_loop3A_662 = arith.addi %parallel_loop3A_653, %parallel_loop3A_661 : vector<16xi32>
      %parallel_loop3A_663 = tpu.vector_load_idx %arg6[%parallel_loop3A_662] : memref<32768xf32, #tpu.memory_space<vmem>>[vector<16xi32>], vector<16xf32>,
      %parallel_loop3A_664 = arith.maximumf %parallel_loop3A_659, %parallel_loop3A_663 : vector<16xf32>
      %parallel_loop3A_665 = arith.constant 3 : i32
      %parallel_loop3A_666 = vector.broadcast %parallel_loop3A_665 : i32 to vector<16xi32>
      %parallel_loop3A_667 = arith.addi %parallel_loop3A_653, %parallel_loop3A_666 : vector<16xi32>
      %parallel_loop3A_668 = tpu.vector_load_idx %arg6[%parallel_loop3A_667] : memref<32768xf32, #tpu.memory_space<vmem>>[vector<16xi32>], vector<16xf32>,
      %parallel_loop3A_669 = arith.maximumf %parallel_loop3A_664, %parallel_loop3A_668 : vector<16xf32>
      %parallel_loop3A_670 = arith.constant 16 : i32
      %parallel_loop3A_671 = arith.muli %parallel_loop3A_649, %parallel_loop3A_670 : i32
      %parallel_loop3A_672 = arith.index_cast %parallel_loop3A_671 : i32 to index
      %parallel_loop3A_673 = tpu.vector_load %arg7[%parallel_loop3A_672] {strides = array<i32>} : memref<8192xf32, #tpu.memory_space<vmem>>, vector<16xf32>,
      tpu.vector_store %arg7[%parallel_loop3A_672], %parallel_loop3A_669 {strides = array<i32>} : memref<8192xf32, #tpu.memory_space<vmem>>, vector<16xf32>,
    } {sc.loop_unroll_factor = 8 : i64, sc.parallel_access}
    %dma_start3A_400 = arith.constant 114688 : i32
    %dma_start3A_401 = tpu.memref_slice %arg3[%add3A, %dma_start3A_400] : memref<32x196608xf32, #tpu.memory_space<hbm>> -> memref<1x8192xf32, #tpu.memory_space<hbm>>
    %dma_start3A_402 = tpu.memref_squeeze %dma_start3A_401 : memref<1x8192xf32, #tpu.memory_space<hbm>> -> memref<8192xf32, #tpu.memory_space<hbm>>
    %dma_start3A_403 = arith.constant 114688 : i32
    %dma_start3A_404 = tpu.memref_slice %arg3[%add3A, %dma_start3A_403] : memref<32x196608xf32, #tpu.memory_space<hbm>> -> memref<1x8192xf32, #tpu.memory_space<hbm>>
    %dma_start3A_405 = tpu.memref_squeeze %dma_start3A_404 : memref<1x8192xf32, #tpu.memory_space<hbm>> -> memref<8192xf32, #tpu.memory_space<hbm>>
    tpu.enqueue_dma source(%arg7 : memref<8192xf32, #tpu.memory_space<vmem>>) target(%dma_start3A_405 : memref<8192xf32, #tpu.memory_space<hbm>>) target_semaphore(%arg12 : memref<!tpu.dma_semaphore, #tpu.memory_space<semaphore_mem>>)
    %dma_start3A_406 = arith.constant 557056 : i32
    %dma_start3A_407 = tpu.memref_slice %arg2[%add3A, %dma_start3A_406] : memref<32x786432xf32, #tpu.memory_space<hbm>> -> memref<1x32768xf32, #tpu.memory_space<hbm>>
    %dma_start3A_408 = tpu.memref_squeeze %dma_start3A_407 : memref<1x32768xf32, #tpu.memory_space<hbm>> -> memref<32768xf32, #tpu.memory_space<hbm>>
    %dma_start3A_409 = arith.constant 557056 : i32
    %dma_start3A_410 = tpu.memref_slice %arg2[%add3A, %dma_start3A_409] : memref<32x786432xf32, #tpu.memory_space<hbm>> -> memref<1x32768xf32, #tpu.memory_space<hbm>>
    %dma_start3A_411 = tpu.memref_squeeze %dma_start3A_410 : memref<1x32768xf32, #tpu.memory_space<hbm>> -> memref<32768xf32, #tpu.memory_space<hbm>>
    tpu.enqueue_dma source(%dma_start3A_411 : memref<32768xf32, #tpu.memory_space<hbm>>) target(%arg6 : memref<32768xf32, #tpu.memory_space<vmem>>) target_semaphore(%arg11 : memref<!tpu.dma_semaphore, #tpu.memory_space<semaphore_mem>>)
    %dma_wait3A_412 = arith.constant 491520 : i32
    %dma_wait3A_413 = tpu.memref_slice %arg2[%add3A, %dma_wait3A_412] : memref<32x786432xf32, #tpu.memory_space<hbm>> -> memref<1x32768xf32, #tpu.memory_space<hbm>>
    %dma_wait3A_414 = tpu.memref_squeeze %dma_wait3A_413 : memref<1x32768xf32, #tpu.memory_space<hbm>> -> memref<32768xf32, #tpu.memory_space<hbm>>
    %dma_wait3A_415 = arith.constant 491520 : i32
    %dma_wait3A_416 = tpu.memref_slice %arg2[%add3A, %dma_wait3A_415] : memref<32x786432xf32, #tpu.memory_space<hbm>> -> memref<1x32768xf32, #tpu.memory_space<hbm>>
    %dma_wait3A_417 = tpu.memref_squeeze %dma_wait3A_416 : memref<1x32768xf32, #tpu.memory_space<hbm>> -> memref<32768xf32, #tpu.memory_space<hbm>>
    tpu.wait_dma2 semaphore(%arg9 : memref<!tpu.dma_semaphore, #tpu.memory_space<semaphore_mem>>) src(%dma_wait3A_417 : memref<32768xf32, #tpu.memory_space<hbm>>) dst(%arg4 : memref<32768xf32, #tpu.memory_space<vmem>>)
    %dma_wait3A_418 = arith.constant 106496 : i32
    %dma_wait3A_419 = tpu.memref_slice %arg3[%add3A, %dma_wait3A_418] : memref<32x196608xf32, #tpu.memory_space<hbm>> -> memref<1x8192xf32, #tpu.memory_space<hbm>>
    %dma_wait3A_420 = tpu.memref_squeeze %dma_wait3A_419 : memref<1x8192xf32, #tpu.memory_space<hbm>> -> memref<8192xf32, #tpu.memory_space<hbm>>
    %dma_wait3A_421 = arith.constant 106496 : i32
    %dma_wait3A_422 = tpu.memref_slice %arg3[%add3A, %dma_wait3A_421] : memref<32x196608xf32, #tpu.memory_space<hbm>> -> memref<1x8192xf32, #tpu.memory_space<hbm>>
    %dma_wait3A_423 = tpu.memref_squeeze %dma_wait3A_422 : memref<1x8192xf32, #tpu.memory_space<hbm>> -> memref<8192xf32, #tpu.memory_space<hbm>>
    tpu.wait_dma2 semaphore(%arg13 : memref<!tpu.dma_semaphore, #tpu.memory_space<semaphore_mem>>) src(%arg8 : memref<8192xf32, #tpu.memory_space<vmem>>) dst(%dma_wait3A_423 : memref<8192xf32, #tpu.memory_space<hbm>>)
    %parallel_loop3A_424 = arith.constant 0 : i32
    %parallel_loop3A_425 = arith.constant 512 : i32
    %parallel_loop3A_426 = arith.constant 1 : i32
    scf.for %parallel_loop3A_649 = %parallel_loop3A_424 to %parallel_loop3A_425 step %parallel_loop3A_426  : i32 {
      %parallel_loop3A_650 = arith.constant 64 : i32
      %parallel_loop3A_651 = arith.muli %parallel_loop3A_649, %parallel_loop3A_650 : i32
      %parallel_loop3A_652 = vector.broadcast %parallel_loop3A_651 : i32 to vector<16xi32>
      %parallel_loop3A_653 = arith.addi %mul3A_3, %parallel_loop3A_652 : vector<16xi32>
      %parallel_loop3A_654 = tpu.vector_load_idx %arg4[%parallel_loop3A_653] : memref<32768xf32, #tpu.memory_space<vmem>>[vector<16xi32>], vector<16xf32>,
      %parallel_loop3A_655 = arith.constant 1 : i32
      %parallel_loop3A_656 = vector.broadcast %parallel_loop3A_655 : i32 to vector<16xi32>
      %parallel_loop3A_657 = arith.addi %parallel_loop3A_653, %parallel_loop3A_656 : vector<16xi32>
      %parallel_loop3A_658 = tpu.vector_load_idx %arg4[%parallel_loop3A_657] : memref<32768xf32, #tpu.memory_space<vmem>>[vector<16xi32>], vector<16xf32>,
      %parallel_loop3A_659 = arith.maximumf %parallel_loop3A_654, %parallel_loop3A_658 : vector<16xf32>
      %parallel_loop3A_660 = arith.constant 2 : i32
      %parallel_loop3A_661 = vector.broadcast %parallel_loop3A_660 : i32 to vector<16xi32>
      %parallel_loop3A_662 = arith.addi %parallel_loop3A_653, %parallel_loop3A_661 : vector<16xi32>
      %parallel_loop3A_663 = tpu.vector_load_idx %arg4[%parallel_loop3A_662] : memref<32768xf32, #tpu.memory_space<vmem>>[vector<16xi32>], vector<16xf32>,
      %parallel_loop3A_664 = arith.maximumf %parallel_loop3A_659, %parallel_loop3A_663 : vector<16xf32>
      %parallel_loop3A_665 = arith.constant 3 : i32
      %parallel_loop3A_666 = vector.broadcast %parallel_loop3A_665 : i32 to vector<16xi32>
      %parallel_loop3A_667 = arith.addi %parallel_loop3A_653, %parallel_loop3A_666 : vector<16xi32>
      %parallel_loop3A_668 = tpu.vector_load_idx %arg4[%parallel_loop3A_667] : memref<32768xf32, #tpu.memory_space<vmem>>[vector<16xi32>], vector<16xf32>,
      %parallel_loop3A_669 = arith.maximumf %parallel_loop3A_664, %parallel_loop3A_668 : vector<16xf32>
      %parallel_loop3A_670 = arith.constant 16 : i32
      %parallel_loop3A_671 = arith.muli %parallel_loop3A_649, %parallel_loop3A_670 : i32
      %parallel_loop3A_672 = arith.index_cast %parallel_loop3A_671 : i32 to index
      %parallel_loop3A_673 = tpu.vector_load %arg8[%parallel_loop3A_672] {strides = array<i32>} : memref<8192xf32, #tpu.memory_space<vmem>>, vector<16xf32>,
      tpu.vector_store %arg8[%parallel_loop3A_672], %parallel_loop3A_669 {strides = array<i32>} : memref<8192xf32, #tpu.memory_space<vmem>>, vector<16xf32>,
    } {sc.loop_unroll_factor = 8 : i64, sc.parallel_access}
    %dma_start3A_427 = arith.constant 122880 : i32
    %dma_start3A_428 = tpu.memref_slice %arg3[%add3A, %dma_start3A_427] : memref<32x196608xf32, #tpu.memory_space<hbm>> -> memref<1x8192xf32, #tpu.memory_space<hbm>>
    %dma_start3A_429 = tpu.memref_squeeze %dma_start3A_428 : memref<1x8192xf32, #tpu.memory_space<hbm>> -> memref<8192xf32, #tpu.memory_space<hbm>>
    %dma_start3A_430 = arith.constant 122880 : i32
    %dma_start3A_431 = tpu.memref_slice %arg3[%add3A, %dma_start3A_430] : memref<32x196608xf32, #tpu.memory_space<hbm>> -> memref<1x8192xf32, #tpu.memory_space<hbm>>
    %dma_start3A_432 = tpu.memref_squeeze %dma_start3A_431 : memref<1x8192xf32, #tpu.memory_space<hbm>> -> memref<8192xf32, #tpu.memory_space<hbm>>
    tpu.enqueue_dma source(%arg8 : memref<8192xf32, #tpu.memory_space<vmem>>) target(%dma_start3A_432 : memref<8192xf32, #tpu.memory_space<hbm>>) target_semaphore(%arg13 : memref<!tpu.dma_semaphore, #tpu.memory_space<semaphore_mem>>)
    %dma_start3A_433 = arith.constant 589824 : i32
    %dma_start3A_434 = tpu.memref_slice %arg2[%add3A, %dma_start3A_433] : memref<32x786432xf32, #tpu.memory_space<hbm>> -> memref<1x32768xf32, #tpu.memory_space<hbm>>
    %dma_start3A_435 = tpu.memref_squeeze %dma_start3A_434 : memref<1x32768xf32, #tpu.memory_space<hbm>> -> memref<32768xf32, #tpu.memory_space<hbm>>
    %dma_start3A_436 = arith.constant 589824 : i32
    %dma_start3A_437 = tpu.memref_slice %arg2[%add3A, %dma_start3A_436] : memref<32x786432xf32, #tpu.memory_space<hbm>> -> memref<1x32768xf32, #tpu.memory_space<hbm>>
    %dma_start3A_438 = tpu.memref_squeeze %dma_start3A_437 : memref<1x32768xf32, #tpu.memory_space<hbm>> -> memref<32768xf32, #tpu.memory_space<hbm>>
    tpu.enqueue_dma source(%dma_start3A_438 : memref<32768xf32, #tpu.memory_space<hbm>>) target(%arg4 : memref<32768xf32, #tpu.memory_space<vmem>>) target_semaphore(%arg9 : memref<!tpu.dma_semaphore, #tpu.memory_space<semaphore_mem>>)
    %dma_wait3A_439 = arith.constant 524288 : i32
    %dma_wait3A_440 = tpu.memref_slice %arg2[%add3A, %dma_wait3A_439] : memref<32x786432xf32, #tpu.memory_space<hbm>> -> memref<1x32768xf32, #tpu.memory_space<hbm>>
    %dma_wait3A_441 = tpu.memref_squeeze %dma_wait3A_440 : memref<1x32768xf32, #tpu.memory_space<hbm>> -> memref<32768xf32, #tpu.memory_space<hbm>>
    %dma_wait3A_442 = arith.constant 524288 : i32
    %dma_wait3A_443 = tpu.memref_slice %arg2[%add3A, %dma_wait3A_442] : memref<32x786432xf32, #tpu.memory_space<hbm>> -> memref<1x32768xf32, #tpu.memory_space<hbm>>
    %dma_wait3A_444 = tpu.memref_squeeze %dma_wait3A_443 : memref<1x32768xf32, #tpu.memory_space<hbm>> -> memref<32768xf32, #tpu.memory_space<hbm>>
    tpu.wait_dma2 semaphore(%arg10 : memref<!tpu.dma_semaphore, #tpu.memory_space<semaphore_mem>>) src(%dma_wait3A_444 : memref<32768xf32, #tpu.memory_space<hbm>>) dst(%arg5 : memref<32768xf32, #tpu.memory_space<vmem>>)
    %dma_wait3A_445 = arith.constant 114688 : i32
    %dma_wait3A_446 = tpu.memref_slice %arg3[%add3A, %dma_wait3A_445] : memref<32x196608xf32, #tpu.memory_space<hbm>> -> memref<1x8192xf32, #tpu.memory_space<hbm>>
    %dma_wait3A_447 = tpu.memref_squeeze %dma_wait3A_446 : memref<1x8192xf32, #tpu.memory_space<hbm>> -> memref<8192xf32, #tpu.memory_space<hbm>>
    %dma_wait3A_448 = arith.constant 114688 : i32
    %dma_wait3A_449 = tpu.memref_slice %arg3[%add3A, %dma_wait3A_448] : memref<32x196608xf32, #tpu.memory_space<hbm>> -> memref<1x8192xf32, #tpu.memory_space<hbm>>
    %dma_wait3A_450 = tpu.memref_squeeze %dma_wait3A_449 : memref<1x8192xf32, #tpu.memory_space<hbm>> -> memref<8192xf32, #tpu.memory_space<hbm>>
    tpu.wait_dma2 semaphore(%arg12 : memref<!tpu.dma_semaphore, #tpu.memory_space<semaphore_mem>>) src(%arg7 : memref<8192xf32, #tpu.memory_space<vmem>>) dst(%dma_wait3A_450 : memref<8192xf32, #tpu.memory_space<hbm>>)
    %parallel_loop3A_451 = arith.constant 0 : i32
    %parallel_loop3A_452 = arith.constant 512 : i32
    %parallel_loop3A_453 = arith.constant 1 : i32
    scf.for %parallel_loop3A_649 = %parallel_loop3A_451 to %parallel_loop3A_452 step %parallel_loop3A_453  : i32 {
      %parallel_loop3A_650 = arith.constant 64 : i32
      %parallel_loop3A_651 = arith.muli %parallel_loop3A_649, %parallel_loop3A_650 : i32
      %parallel_loop3A_652 = vector.broadcast %parallel_loop3A_651 : i32 to vector<16xi32>
      %parallel_loop3A_653 = arith.addi %mul3A_3, %parallel_loop3A_652 : vector<16xi32>
      %parallel_loop3A_654 = tpu.vector_load_idx %arg5[%parallel_loop3A_653] : memref<32768xf32, #tpu.memory_space<vmem>>[vector<16xi32>], vector<16xf32>,
      %parallel_loop3A_655 = arith.constant 1 : i32
      %parallel_loop3A_656 = vector.broadcast %parallel_loop3A_655 : i32 to vector<16xi32>
      %parallel_loop3A_657 = arith.addi %parallel_loop3A_653, %parallel_loop3A_656 : vector<16xi32>
      %parallel_loop3A_658 = tpu.vector_load_idx %arg5[%parallel_loop3A_657] : memref<32768xf32, #tpu.memory_space<vmem>>[vector<16xi32>], vector<16xf32>,
      %parallel_loop3A_659 = arith.maximumf %parallel_loop3A_654, %parallel_loop3A_658 : vector<16xf32>
      %parallel_loop3A_660 = arith.constant 2 : i32
      %parallel_loop3A_661 = vector.broadcast %parallel_loop3A_660 : i32 to vector<16xi32>
      %parallel_loop3A_662 = arith.addi %parallel_loop3A_653, %parallel_loop3A_661 : vector<16xi32>
      %parallel_loop3A_663 = tpu.vector_load_idx %arg5[%parallel_loop3A_662] : memref<32768xf32, #tpu.memory_space<vmem>>[vector<16xi32>], vector<16xf32>,
      %parallel_loop3A_664 = arith.maximumf %parallel_loop3A_659, %parallel_loop3A_663 : vector<16xf32>
      %parallel_loop3A_665 = arith.constant 3 : i32
      %parallel_loop3A_666 = vector.broadcast %parallel_loop3A_665 : i32 to vector<16xi32>
      %parallel_loop3A_667 = arith.addi %parallel_loop3A_653, %parallel_loop3A_666 : vector<16xi32>
      %parallel_loop3A_668 = tpu.vector_load_idx %arg5[%parallel_loop3A_667] : memref<32768xf32, #tpu.memory_space<vmem>>[vector<16xi32>], vector<16xf32>,
      %parallel_loop3A_669 = arith.maximumf %parallel_loop3A_664, %parallel_loop3A_668 : vector<16xf32>
      %parallel_loop3A_670 = arith.constant 16 : i32
      %parallel_loop3A_671 = arith.muli %parallel_loop3A_649, %parallel_loop3A_670 : i32
      %parallel_loop3A_672 = arith.index_cast %parallel_loop3A_671 : i32 to index
      %parallel_loop3A_673 = tpu.vector_load %arg7[%parallel_loop3A_672] {strides = array<i32>} : memref<8192xf32, #tpu.memory_space<vmem>>, vector<16xf32>,
      tpu.vector_store %arg7[%parallel_loop3A_672], %parallel_loop3A_669 {strides = array<i32>} : memref<8192xf32, #tpu.memory_space<vmem>>, vector<16xf32>,
    } {sc.loop_unroll_factor = 8 : i64, sc.parallel_access}
    %dma_start3A_454 = arith.constant 131072 : i32
    %dma_start3A_455 = tpu.memref_slice %arg3[%add3A, %dma_start3A_454] : memref<32x196608xf32, #tpu.memory_space<hbm>> -> memref<1x8192xf32, #tpu.memory_space<hbm>>
    %dma_start3A_456 = tpu.memref_squeeze %dma_start3A_455 : memref<1x8192xf32, #tpu.memory_space<hbm>> -> memref<8192xf32, #tpu.memory_space<hbm>>
    %dma_start3A_457 = arith.constant 131072 : i32
    %dma_start3A_458 = tpu.memref_slice %arg3[%add3A, %dma_start3A_457] : memref<32x196608xf32, #tpu.memory_space<hbm>> -> memref<1x8192xf32, #tpu.memory_space<hbm>>
    %dma_start3A_459 = tpu.memref_squeeze %dma_start3A_458 : memref<1x8192xf32, #tpu.memory_space<hbm>> -> memref<8192xf32, #tpu.memory_space<hbm>>
    tpu.enqueue_dma source(%arg7 : memref<8192xf32, #tpu.memory_space<vmem>>) target(%dma_start3A_459 : memref<8192xf32, #tpu.memory_space<hbm>>) target_semaphore(%arg12 : memref<!tpu.dma_semaphore, #tpu.memory_space<semaphore_mem>>)
    %dma_start3A_460 = arith.constant 622592 : i32
    %dma_start3A_461 = tpu.memref_slice %arg2[%add3A, %dma_start3A_460] : memref<32x786432xf32, #tpu.memory_space<hbm>> -> memref<1x32768xf32, #tpu.memory_space<hbm>>
    %dma_start3A_462 = tpu.memref_squeeze %dma_start3A_461 : memref<1x32768xf32, #tpu.memory_space<hbm>> -> memref<32768xf32, #tpu.memory_space<hbm>>
    %dma_start3A_463 = arith.constant 622592 : i32
    %dma_start3A_464 = tpu.memref_slice %arg2[%add3A, %dma_start3A_463] : memref<32x786432xf32, #tpu.memory_space<hbm>> -> memref<1x32768xf32, #tpu.memory_space<hbm>>
    %dma_start3A_465 = tpu.memref_squeeze %dma_start3A_464 : memref<1x32768xf32, #tpu.memory_space<hbm>> -> memref<32768xf32, #tpu.memory_space<hbm>>
    tpu.enqueue_dma source(%dma_start3A_465 : memref<32768xf32, #tpu.memory_space<hbm>>) target(%arg5 : memref<32768xf32, #tpu.memory_space<vmem>>) target_semaphore(%arg10 : memref<!tpu.dma_semaphore, #tpu.memory_space<semaphore_mem>>)
    %dma_wait3A_466 = arith.constant 557056 : i32
    %dma_wait3A_467 = tpu.memref_slice %arg2[%add3A, %dma_wait3A_466] : memref<32x786432xf32, #tpu.memory_space<hbm>> -> memref<1x32768xf32, #tpu.memory_space<hbm>>
    %dma_wait3A_468 = tpu.memref_squeeze %dma_wait3A_467 : memref<1x32768xf32, #tpu.memory_space<hbm>> -> memref<32768xf32, #tpu.memory_space<hbm>>
    %dma_wait3A_469 = arith.constant 557056 : i32
    %dma_wait3A_470 = tpu.memref_slice %arg2[%add3A, %dma_wait3A_469] : memref<32x786432xf32, #tpu.memory_space<hbm>> -> memref<1x32768xf32, #tpu.memory_space<hbm>>
    %dma_wait3A_471 = tpu.memref_squeeze %dma_wait3A_470 : memref<1x32768xf32, #tpu.memory_space<hbm>> -> memref<32768xf32, #tpu.memory_space<hbm>>
    tpu.wait_dma2 semaphore(%arg11 : memref<!tpu.dma_semaphore, #tpu.memory_space<semaphore_mem>>) src(%dma_wait3A_471 : memref<32768xf32, #tpu.memory_space<hbm>>) dst(%arg6 : memref<32768xf32, #tpu.memory_space<vmem>>)
    %dma_wait3A_472 = arith.constant 122880 : i32
    %dma_wait3A_473 = tpu.memref_slice %arg3[%add3A, %dma_wait3A_472] : memref<32x196608xf32, #tpu.memory_space<hbm>> -> memref<1x8192xf32, #tpu.memory_space<hbm>>
    %dma_wait3A_474 = tpu.memref_squeeze %dma_wait3A_473 : memref<1x8192xf32, #tpu.memory_space<hbm>> -> memref<8192xf32, #tpu.memory_space<hbm>>
    %dma_wait3A_475 = arith.constant 122880 : i32
    %dma_wait3A_476 = tpu.memref_slice %arg3[%add3A, %dma_wait3A_475] : memref<32x196608xf32, #tpu.memory_space<hbm>> -> memref<1x8192xf32, #tpu.memory_space<hbm>>
    %dma_wait3A_477 = tpu.memref_squeeze %dma_wait3A_476 : memref<1x8192xf32, #tpu.memory_space<hbm>> -> memref<8192xf32, #tpu.memory_space<hbm>>
    tpu.wait_dma2 semaphore(%arg13 : memref<!tpu.dma_semaphore, #tpu.memory_space<semaphore_mem>>) src(%arg8 : memref<8192xf32, #tpu.memory_space<vmem>>) dst(%dma_wait3A_477 : memref<8192xf32, #tpu.memory_space<hbm>>)
    %parallel_loop3A_478 = arith.constant 0 : i32
    %parallel_loop3A_479 = arith.constant 512 : i32
    %parallel_loop3A_480 = arith.constant 1 : i32
    scf.for %parallel_loop3A_649 = %parallel_loop3A_478 to %parallel_loop3A_479 step %parallel_loop3A_480  : i32 {
      %parallel_loop3A_650 = arith.constant 64 : i32
      %parallel_loop3A_651 = arith.muli %parallel_loop3A_649, %parallel_loop3A_650 : i32
      %parallel_loop3A_652 = vector.broadcast %parallel_loop3A_651 : i32 to vector<16xi32>
      %parallel_loop3A_653 = arith.addi %mul3A_3, %parallel_loop3A_652 : vector<16xi32>
      %parallel_loop3A_654 = tpu.vector_load_idx %arg6[%parallel_loop3A_653] : memref<32768xf32, #tpu.memory_space<vmem>>[vector<16xi32>], vector<16xf32>,
      %parallel_loop3A_655 = arith.constant 1 : i32
      %parallel_loop3A_656 = vector.broadcast %parallel_loop3A_655 : i32 to vector<16xi32>
      %parallel_loop3A_657 = arith.addi %parallel_loop3A_653, %parallel_loop3A_656 : vector<16xi32>
      %parallel_loop3A_658 = tpu.vector_load_idx %arg6[%parallel_loop3A_657] : memref<32768xf32, #tpu.memory_space<vmem>>[vector<16xi32>], vector<16xf32>,
      %parallel_loop3A_659 = arith.maximumf %parallel_loop3A_654, %parallel_loop3A_658 : vector<16xf32>
      %parallel_loop3A_660 = arith.constant 2 : i32
      %parallel_loop3A_661 = vector.broadcast %parallel_loop3A_660 : i32 to vector<16xi32>
      %parallel_loop3A_662 = arith.addi %parallel_loop3A_653, %parallel_loop3A_661 : vector<16xi32>
      %parallel_loop3A_663 = tpu.vector_load_idx %arg6[%parallel_loop3A_662] : memref<32768xf32, #tpu.memory_space<vmem>>[vector<16xi32>], vector<16xf32>,
      %parallel_loop3A_664 = arith.maximumf %parallel_loop3A_659, %parallel_loop3A_663 : vector<16xf32>
      %parallel_loop3A_665 = arith.constant 3 : i32
      %parallel_loop3A_666 = vector.broadcast %parallel_loop3A_665 : i32 to vector<16xi32>
      %parallel_loop3A_667 = arith.addi %parallel_loop3A_653, %parallel_loop3A_666 : vector<16xi32>
      %parallel_loop3A_668 = tpu.vector_load_idx %arg6[%parallel_loop3A_667] : memref<32768xf32, #tpu.memory_space<vmem>>[vector<16xi32>], vector<16xf32>,
      %parallel_loop3A_669 = arith.maximumf %parallel_loop3A_664, %parallel_loop3A_668 : vector<16xf32>
      %parallel_loop3A_670 = arith.constant 16 : i32
      %parallel_loop3A_671 = arith.muli %parallel_loop3A_649, %parallel_loop3A_670 : i32
      %parallel_loop3A_672 = arith.index_cast %parallel_loop3A_671 : i32 to index
      %parallel_loop3A_673 = tpu.vector_load %arg8[%parallel_loop3A_672] {strides = array<i32>} : memref<8192xf32, #tpu.memory_space<vmem>>, vector<16xf32>,
      tpu.vector_store %arg8[%parallel_loop3A_672], %parallel_loop3A_669 {strides = array<i32>} : memref<8192xf32, #tpu.memory_space<vmem>>, vector<16xf32>,
    } {sc.loop_unroll_factor = 8 : i64, sc.parallel_access}
    %dma_start3A_481 = arith.constant 139264 : i32
    %dma_start3A_482 = tpu.memref_slice %arg3[%add3A, %dma_start3A_481] : memref<32x196608xf32, #tpu.memory_space<hbm>> -> memref<1x8192xf32, #tpu.memory_space<hbm>>
    %dma_start3A_483 = tpu.memref_squeeze %dma_start3A_482 : memref<1x8192xf32, #tpu.memory_space<hbm>> -> memref<8192xf32, #tpu.memory_space<hbm>>
    %dma_start3A_484 = arith.constant 139264 : i32
    %dma_start3A_485 = tpu.memref_slice %arg3[%add3A, %dma_start3A_484] : memref<32x196608xf32, #tpu.memory_space<hbm>> -> memref<1x8192xf32, #tpu.memory_space<hbm>>
    %dma_start3A_486 = tpu.memref_squeeze %dma_start3A_485 : memref<1x8192xf32, #tpu.memory_space<hbm>> -> memref<8192xf32, #tpu.memory_space<hbm>>
    tpu.enqueue_dma source(%arg8 : memref<8192xf32, #tpu.memory_space<vmem>>) target(%dma_start3A_486 : memref<8192xf32, #tpu.memory_space<hbm>>) target_semaphore(%arg13 : memref<!tpu.dma_semaphore, #tpu.memory_space<semaphore_mem>>)
    %dma_start3A_487 = arith.constant 655360 : i32
    %dma_start3A_488 = tpu.memref_slice %arg2[%add3A, %dma_start3A_487] : memref<32x786432xf32, #tpu.memory_space<hbm>> -> memref<1x32768xf32, #tpu.memory_space<hbm>>
    %dma_start3A_489 = tpu.memref_squeeze %dma_start3A_488 : memref<1x32768xf32, #tpu.memory_space<hbm>> -> memref<32768xf32, #tpu.memory_space<hbm>>
    %dma_start3A_490 = arith.constant 655360 : i32
    %dma_start3A_491 = tpu.memref_slice %arg2[%add3A, %dma_start3A_490] : memref<32x786432xf32, #tpu.memory_space<hbm>> -> memref<1x32768xf32, #tpu.memory_space<hbm>>
    %dma_start3A_492 = tpu.memref_squeeze %dma_start3A_491 : memref<1x32768xf32, #tpu.memory_space<hbm>> -> memref<32768xf32, #tpu.memory_space<hbm>>
    tpu.enqueue_dma source(%dma_start3A_492 : memref<32768xf32, #tpu.memory_space<hbm>>) target(%arg6 : memref<32768xf32, #tpu.memory_space<vmem>>) target_semaphore(%arg11 : memref<!tpu.dma_semaphore, #tpu.memory_space<semaphore_mem>>)
    %dma_wait3A_493 = arith.constant 589824 : i32
    %dma_wait3A_494 = tpu.memref_slice %arg2[%add3A, %dma_wait3A_493] : memref<32x786432xf32, #tpu.memory_space<hbm>> -> memref<1x32768xf32, #tpu.memory_space<hbm>>
    %dma_wait3A_495 = tpu.memref_squeeze %dma_wait3A_494 : memref<1x32768xf32, #tpu.memory_space<hbm>> -> memref<32768xf32, #tpu.memory_space<hbm>>
    %dma_wait3A_496 = arith.constant 589824 : i32
    %dma_wait3A_497 = tpu.memref_slice %arg2[%add3A, %dma_wait3A_496] : memref<32x786432xf32, #tpu.memory_space<hbm>> -> memref<1x32768xf32, #tpu.memory_space<hbm>>
    %dma_wait3A_498 = tpu.memref_squeeze %dma_wait3A_497 : memref<1x32768xf32, #tpu.memory_space<hbm>> -> memref<32768xf32, #tpu.memory_space<hbm>>
    tpu.wait_dma2 semaphore(%arg9 : memref<!tpu.dma_semaphore, #tpu.memory_space<semaphore_mem>>) src(%dma_wait3A_498 : memref<32768xf32, #tpu.memory_space<hbm>>) dst(%arg4 : memref<32768xf32, #tpu.memory_space<vmem>>)
    %dma_wait3A_499 = arith.constant 131072 : i32
    %dma_wait3A_500 = tpu.memref_slice %arg3[%add3A, %dma_wait3A_499] : memref<32x196608xf32, #tpu.memory_space<hbm>> -> memref<1x8192xf32, #tpu.memory_space<hbm>>
    %dma_wait3A_501 = tpu.memref_squeeze %dma_wait3A_500 : memref<1x8192xf32, #tpu.memory_space<hbm>> -> memref<8192xf32, #tpu.memory_space<hbm>>
    %dma_wait3A_502 = arith.constant 131072 : i32
    %dma_wait3A_503 = tpu.memref_slice %arg3[%add3A, %dma_wait3A_502] : memref<32x196608xf32, #tpu.memory_space<hbm>> -> memref<1x8192xf32, #tpu.memory_space<hbm>>
    %dma_wait3A_504 = tpu.memref_squeeze %dma_wait3A_503 : memref<1x8192xf32, #tpu.memory_space<hbm>> -> memref<8192xf32, #tpu.memory_space<hbm>>
    tpu.wait_dma2 semaphore(%arg12 : memref<!tpu.dma_semaphore, #tpu.memory_space<semaphore_mem>>) src(%arg7 : memref<8192xf32, #tpu.memory_space<vmem>>) dst(%dma_wait3A_504 : memref<8192xf32, #tpu.memory_space<hbm>>)
    %parallel_loop3A_505 = arith.constant 0 : i32
    %parallel_loop3A_506 = arith.constant 512 : i32
    %parallel_loop3A_507 = arith.constant 1 : i32
    scf.for %parallel_loop3A_649 = %parallel_loop3A_505 to %parallel_loop3A_506 step %parallel_loop3A_507  : i32 {
      %parallel_loop3A_650 = arith.constant 64 : i32
      %parallel_loop3A_651 = arith.muli %parallel_loop3A_649, %parallel_loop3A_650 : i32
      %parallel_loop3A_652 = vector.broadcast %parallel_loop3A_651 : i32 to vector<16xi32>
      %parallel_loop3A_653 = arith.addi %mul3A_3, %parallel_loop3A_652 : vector<16xi32>
      %parallel_loop3A_654 = tpu.vector_load_idx %arg4[%parallel_loop3A_653] : memref<32768xf32, #tpu.memory_space<vmem>>[vector<16xi32>], vector<16xf32>,
      %parallel_loop3A_655 = arith.constant 1 : i32
      %parallel_loop3A_656 = vector.broadcast %parallel_loop3A_655 : i32 to vector<16xi32>
      %parallel_loop3A_657 = arith.addi %parallel_loop3A_653, %parallel_loop3A_656 : vector<16xi32>
      %parallel_loop3A_658 = tpu.vector_load_idx %arg4[%parallel_loop3A_657] : memref<32768xf32, #tpu.memory_space<vmem>>[vector<16xi32>], vector<16xf32>,
      %parallel_loop3A_659 = arith.maximumf %parallel_loop3A_654, %parallel_loop3A_658 : vector<16xf32>
      %parallel_loop3A_660 = arith.constant 2 : i32
      %parallel_loop3A_661 = vector.broadcast %parallel_loop3A_660 : i32 to vector<16xi32>
      %parallel_loop3A_662 = arith.addi %parallel_loop3A_653, %parallel_loop3A_661 : vector<16xi32>
      %parallel_loop3A_663 = tpu.vector_load_idx %arg4[%parallel_loop3A_662] : memref<32768xf32, #tpu.memory_space<vmem>>[vector<16xi32>], vector<16xf32>,
      %parallel_loop3A_664 = arith.maximumf %parallel_loop3A_659, %parallel_loop3A_663 : vector<16xf32>
      %parallel_loop3A_665 = arith.constant 3 : i32
      %parallel_loop3A_666 = vector.broadcast %parallel_loop3A_665 : i32 to vector<16xi32>
      %parallel_loop3A_667 = arith.addi %parallel_loop3A_653, %parallel_loop3A_666 : vector<16xi32>
      %parallel_loop3A_668 = tpu.vector_load_idx %arg4[%parallel_loop3A_667] : memref<32768xf32, #tpu.memory_space<vmem>>[vector<16xi32>], vector<16xf32>,
      %parallel_loop3A_669 = arith.maximumf %parallel_loop3A_664, %parallel_loop3A_668 : vector<16xf32>
      %parallel_loop3A_670 = arith.constant 16 : i32
      %parallel_loop3A_671 = arith.muli %parallel_loop3A_649, %parallel_loop3A_670 : i32
      %parallel_loop3A_672 = arith.index_cast %parallel_loop3A_671 : i32 to index
      %parallel_loop3A_673 = tpu.vector_load %arg7[%parallel_loop3A_672] {strides = array<i32>} : memref<8192xf32, #tpu.memory_space<vmem>>, vector<16xf32>,
      tpu.vector_store %arg7[%parallel_loop3A_672], %parallel_loop3A_669 {strides = array<i32>} : memref<8192xf32, #tpu.memory_space<vmem>>, vector<16xf32>,
    } {sc.loop_unroll_factor = 8 : i64, sc.parallel_access}
    %dma_start3A_508 = arith.constant 147456 : i32
    %dma_start3A_509 = tpu.memref_slice %arg3[%add3A, %dma_start3A_508] : memref<32x196608xf32, #tpu.memory_space<hbm>> -> memref<1x8192xf32, #tpu.memory_space<hbm>>
    %dma_start3A_510 = tpu.memref_squeeze %dma_start3A_509 : memref<1x8192xf32, #tpu.memory_space<hbm>> -> memref<8192xf32, #tpu.memory_space<hbm>>
    %dma_start3A_511 = arith.constant 147456 : i32
    %dma_start3A_512 = tpu.memref_slice %arg3[%add3A, %dma_start3A_511] : memref<32x196608xf32, #tpu.memory_space<hbm>> -> memref<1x8192xf32, #tpu.memory_space<hbm>>
    %dma_start3A_513 = tpu.memref_squeeze %dma_start3A_512 : memref<1x8192xf32, #tpu.memory_space<hbm>> -> memref<8192xf32, #tpu.memory_space<hbm>>
    tpu.enqueue_dma source(%arg7 : memref<8192xf32, #tpu.memory_space<vmem>>) target(%dma_start3A_513 : memref<8192xf32, #tpu.memory_space<hbm>>) target_semaphore(%arg12 : memref<!tpu.dma_semaphore, #tpu.memory_space<semaphore_mem>>)
    %dma_start3A_514 = arith.constant 688128 : i32
    %dma_start3A_515 = tpu.memref_slice %arg2[%add3A, %dma_start3A_514] : memref<32x786432xf32, #tpu.memory_space<hbm>> -> memref<1x32768xf32, #tpu.memory_space<hbm>>
    %dma_start3A_516 = tpu.memref_squeeze %dma_start3A_515 : memref<1x32768xf32, #tpu.memory_space<hbm>> -> memref<32768xf32, #tpu.memory_space<hbm>>
    %dma_start3A_517 = arith.constant 688128 : i32
    %dma_start3A_518 = tpu.memref_slice %arg2[%add3A, %dma_start3A_517] : memref<32x786432xf32, #tpu.memory_space<hbm>> -> memref<1x32768xf32, #tpu.memory_space<hbm>>
    %dma_start3A_519 = tpu.memref_squeeze %dma_start3A_518 : memref<1x32768xf32, #tpu.memory_space<hbm>> -> memref<32768xf32, #tpu.memory_space<hbm>>
    tpu.enqueue_dma source(%dma_start3A_519 : memref<32768xf32, #tpu.memory_space<hbm>>) target(%arg4 : memref<32768xf32, #tpu.memory_space<vmem>>) target_semaphore(%arg9 : memref<!tpu.dma_semaphore, #tpu.memory_space<semaphore_mem>>)
    %dma_wait3A_520 = arith.constant 622592 : i32
    %dma_wait3A_521 = tpu.memref_slice %arg2[%add3A, %dma_wait3A_520] : memref<32x786432xf32, #tpu.memory_space<hbm>> -> memref<1x32768xf32, #tpu.memory_space<hbm>>
    %dma_wait3A_522 = tpu.memref_squeeze %dma_wait3A_521 : memref<1x32768xf32, #tpu.memory_space<hbm>> -> memref<32768xf32, #tpu.memory_space<hbm>>
    %dma_wait3A_523 = arith.constant 622592 : i32
    %dma_wait3A_524 = tpu.memref_slice %arg2[%add3A, %dma_wait3A_523] : memref<32x786432xf32, #tpu.memory_space<hbm>> -> memref<1x32768xf32, #tpu.memory_space<hbm>>
    %dma_wait3A_525 = tpu.memref_squeeze %dma_wait3A_524 : memref<1x32768xf32, #tpu.memory_space<hbm>> -> memref<32768xf32, #tpu.memory_space<hbm>>
    tpu.wait_dma2 semaphore(%arg10 : memref<!tpu.dma_semaphore, #tpu.memory_space<semaphore_mem>>) src(%dma_wait3A_525 : memref<32768xf32, #tpu.memory_space<hbm>>) dst(%arg5 : memref<32768xf32, #tpu.memory_space<vmem>>)
    %dma_wait3A_526 = arith.constant 139264 : i32
    %dma_wait3A_527 = tpu.memref_slice %arg3[%add3A, %dma_wait3A_526] : memref<32x196608xf32, #tpu.memory_space<hbm>> -> memref<1x8192xf32, #tpu.memory_space<hbm>>
    %dma_wait3A_528 = tpu.memref_squeeze %dma_wait3A_527 : memref<1x8192xf32, #tpu.memory_space<hbm>> -> memref<8192xf32, #tpu.memory_space<hbm>>
    %dma_wait3A_529 = arith.constant 139264 : i32
    %dma_wait3A_530 = tpu.memref_slice %arg3[%add3A, %dma_wait3A_529] : memref<32x196608xf32, #tpu.memory_space<hbm>> -> memref<1x8192xf32, #tpu.memory_space<hbm>>
    %dma_wait3A_531 = tpu.memref_squeeze %dma_wait3A_530 : memref<1x8192xf32, #tpu.memory_space<hbm>> -> memref<8192xf32, #tpu.memory_space<hbm>>
    tpu.wait_dma2 semaphore(%arg13 : memref<!tpu.dma_semaphore, #tpu.memory_space<semaphore_mem>>) src(%arg8 : memref<8192xf32, #tpu.memory_space<vmem>>) dst(%dma_wait3A_531 : memref<8192xf32, #tpu.memory_space<hbm>>)
    %parallel_loop3A_532 = arith.constant 0 : i32
    %parallel_loop3A_533 = arith.constant 512 : i32
    %parallel_loop3A_534 = arith.constant 1 : i32
    scf.for %parallel_loop3A_649 = %parallel_loop3A_532 to %parallel_loop3A_533 step %parallel_loop3A_534  : i32 {
      %parallel_loop3A_650 = arith.constant 64 : i32
      %parallel_loop3A_651 = arith.muli %parallel_loop3A_649, %parallel_loop3A_650 : i32
      %parallel_loop3A_652 = vector.broadcast %parallel_loop3A_651 : i32 to vector<16xi32>
      %parallel_loop3A_653 = arith.addi %mul3A_3, %parallel_loop3A_652 : vector<16xi32>
      %parallel_loop3A_654 = tpu.vector_load_idx %arg5[%parallel_loop3A_653] : memref<32768xf32, #tpu.memory_space<vmem>>[vector<16xi32>], vector<16xf32>,
      %parallel_loop3A_655 = arith.constant 1 : i32
      %parallel_loop3A_656 = vector.broadcast %parallel_loop3A_655 : i32 to vector<16xi32>
      %parallel_loop3A_657 = arith.addi %parallel_loop3A_653, %parallel_loop3A_656 : vector<16xi32>
      %parallel_loop3A_658 = tpu.vector_load_idx %arg5[%parallel_loop3A_657] : memref<32768xf32, #tpu.memory_space<vmem>>[vector<16xi32>], vector<16xf32>,
      %parallel_loop3A_659 = arith.maximumf %parallel_loop3A_654, %parallel_loop3A_658 : vector<16xf32>
      %parallel_loop3A_660 = arith.constant 2 : i32
      %parallel_loop3A_661 = vector.broadcast %parallel_loop3A_660 : i32 to vector<16xi32>
      %parallel_loop3A_662 = arith.addi %parallel_loop3A_653, %parallel_loop3A_661 : vector<16xi32>
      %parallel_loop3A_663 = tpu.vector_load_idx %arg5[%parallel_loop3A_662] : memref<32768xf32, #tpu.memory_space<vmem>>[vector<16xi32>], vector<16xf32>,
      %parallel_loop3A_664 = arith.maximumf %parallel_loop3A_659, %parallel_loop3A_663 : vector<16xf32>
      %parallel_loop3A_665 = arith.constant 3 : i32
      %parallel_loop3A_666 = vector.broadcast %parallel_loop3A_665 : i32 to vector<16xi32>
      %parallel_loop3A_667 = arith.addi %parallel_loop3A_653, %parallel_loop3A_666 : vector<16xi32>
      %parallel_loop3A_668 = tpu.vector_load_idx %arg5[%parallel_loop3A_667] : memref<32768xf32, #tpu.memory_space<vmem>>[vector<16xi32>], vector<16xf32>,
      %parallel_loop3A_669 = arith.maximumf %parallel_loop3A_664, %parallel_loop3A_668 : vector<16xf32>
      %parallel_loop3A_670 = arith.constant 16 : i32
      %parallel_loop3A_671 = arith.muli %parallel_loop3A_649, %parallel_loop3A_670 : i32
      %parallel_loop3A_672 = arith.index_cast %parallel_loop3A_671 : i32 to index
      %parallel_loop3A_673 = tpu.vector_load %arg8[%parallel_loop3A_672] {strides = array<i32>} : memref<8192xf32, #tpu.memory_space<vmem>>, vector<16xf32>,
      tpu.vector_store %arg8[%parallel_loop3A_672], %parallel_loop3A_669 {strides = array<i32>} : memref<8192xf32, #tpu.memory_space<vmem>>, vector<16xf32>,
    } {sc.loop_unroll_factor = 8 : i64, sc.parallel_access}
    %dma_start3A_535 = arith.constant 155648 : i32
    %dma_start3A_536 = tpu.memref_slice %arg3[%add3A, %dma_start3A_535] : memref<32x196608xf32, #tpu.memory_space<hbm>> -> memref<1x8192xf32, #tpu.memory_space<hbm>>
    %dma_start3A_537 = tpu.memref_squeeze %dma_start3A_536 : memref<1x8192xf32, #tpu.memory_space<hbm>> -> memref<8192xf32, #tpu.memory_space<hbm>>
    %dma_start3A_538 = arith.constant 155648 : i32
    %dma_start3A_539 = tpu.memref_slice %arg3[%add3A, %dma_start3A_538] : memref<32x196608xf32, #tpu.memory_space<hbm>> -> memref<1x8192xf32, #tpu.memory_space<hbm>>
    %dma_start3A_540 = tpu.memref_squeeze %dma_start3A_539 : memref<1x8192xf32, #tpu.memory_space<hbm>> -> memref<8192xf32, #tpu.memory_space<hbm>>
    tpu.enqueue_dma source(%arg8 : memref<8192xf32, #tpu.memory_space<vmem>>) target(%dma_start3A_540 : memref<8192xf32, #tpu.memory_space<hbm>>) target_semaphore(%arg13 : memref<!tpu.dma_semaphore, #tpu.memory_space<semaphore_mem>>)
    %dma_start3A_541 = arith.constant 720896 : i32
    %dma_start3A_542 = tpu.memref_slice %arg2[%add3A, %dma_start3A_541] : memref<32x786432xf32, #tpu.memory_space<hbm>> -> memref<1x32768xf32, #tpu.memory_space<hbm>>
    %dma_start3A_543 = tpu.memref_squeeze %dma_start3A_542 : memref<1x32768xf32, #tpu.memory_space<hbm>> -> memref<32768xf32, #tpu.memory_space<hbm>>
    %dma_start3A_544 = arith.constant 720896 : i32
    %dma_start3A_545 = tpu.memref_slice %arg2[%add3A, %dma_start3A_544] : memref<32x786432xf32, #tpu.memory_space<hbm>> -> memref<1x32768xf32, #tpu.memory_space<hbm>>
    %dma_start3A_546 = tpu.memref_squeeze %dma_start3A_545 : memref<1x32768xf32, #tpu.memory_space<hbm>> -> memref<32768xf32, #tpu.memory_space<hbm>>
    tpu.enqueue_dma source(%dma_start3A_546 : memref<32768xf32, #tpu.memory_space<hbm>>) target(%arg5 : memref<32768xf32, #tpu.memory_space<vmem>>) target_semaphore(%arg10 : memref<!tpu.dma_semaphore, #tpu.memory_space<semaphore_mem>>)
    %dma_wait3A_547 = arith.constant 655360 : i32
    %dma_wait3A_548 = tpu.memref_slice %arg2[%add3A, %dma_wait3A_547] : memref<32x786432xf32, #tpu.memory_space<hbm>> -> memref<1x32768xf32, #tpu.memory_space<hbm>>
    %dma_wait3A_549 = tpu.memref_squeeze %dma_wait3A_548 : memref<1x32768xf32, #tpu.memory_space<hbm>> -> memref<32768xf32, #tpu.memory_space<hbm>>
    %dma_wait3A_550 = arith.constant 655360 : i32
    %dma_wait3A_551 = tpu.memref_slice %arg2[%add3A, %dma_wait3A_550] : memref<32x786432xf32, #tpu.memory_space<hbm>> -> memref<1x32768xf32, #tpu.memory_space<hbm>>
    %dma_wait3A_552 = tpu.memref_squeeze %dma_wait3A_551 : memref<1x32768xf32, #tpu.memory_space<hbm>> -> memref<32768xf32, #tpu.memory_space<hbm>>
    tpu.wait_dma2 semaphore(%arg11 : memref<!tpu.dma_semaphore, #tpu.memory_space<semaphore_mem>>) src(%dma_wait3A_552 : memref<32768xf32, #tpu.memory_space<hbm>>) dst(%arg6 : memref<32768xf32, #tpu.memory_space<vmem>>)
    %dma_wait3A_553 = arith.constant 147456 : i32
    %dma_wait3A_554 = tpu.memref_slice %arg3[%add3A, %dma_wait3A_553] : memref<32x196608xf32, #tpu.memory_space<hbm>> -> memref<1x8192xf32, #tpu.memory_space<hbm>>
    %dma_wait3A_555 = tpu.memref_squeeze %dma_wait3A_554 : memref<1x8192xf32, #tpu.memory_space<hbm>> -> memref<8192xf32, #tpu.memory_space<hbm>>
    %dma_wait3A_556 = arith.constant 147456 : i32
    %dma_wait3A_557 = tpu.memref_slice %arg3[%add3A, %dma_wait3A_556] : memref<32x196608xf32, #tpu.memory_space<hbm>> -> memref<1x8192xf32, #tpu.memory_space<hbm>>
    %dma_wait3A_558 = tpu.memref_squeeze %dma_wait3A_557 : memref<1x8192xf32, #tpu.memory_space<hbm>> -> memref<8192xf32, #tpu.memory_space<hbm>>
    tpu.wait_dma2 semaphore(%arg12 : memref<!tpu.dma_semaphore, #tpu.memory_space<semaphore_mem>>) src(%arg7 : memref<8192xf32, #tpu.memory_space<vmem>>) dst(%dma_wait3A_558 : memref<8192xf32, #tpu.memory_space<hbm>>)
    %parallel_loop3A_559 = arith.constant 0 : i32
    %parallel_loop3A_560 = arith.constant 512 : i32
    %parallel_loop3A_561 = arith.constant 1 : i32
    scf.for %parallel_loop3A_649 = %parallel_loop3A_559 to %parallel_loop3A_560 step %parallel_loop3A_561  : i32 {
      %parallel_loop3A_650 = arith.constant 64 : i32
      %parallel_loop3A_651 = arith.muli %parallel_loop3A_649, %parallel_loop3A_650 : i32
      %parallel_loop3A_652 = vector.broadcast %parallel_loop3A_651 : i32 to vector<16xi32>
      %parallel_loop3A_653 = arith.addi %mul3A_3, %parallel_loop3A_652 : vector<16xi32>
      %parallel_loop3A_654 = tpu.vector_load_idx %arg6[%parallel_loop3A_653] : memref<32768xf32, #tpu.memory_space<vmem>>[vector<16xi32>], vector<16xf32>,
      %parallel_loop3A_655 = arith.constant 1 : i32
      %parallel_loop3A_656 = vector.broadcast %parallel_loop3A_655 : i32 to vector<16xi32>
      %parallel_loop3A_657 = arith.addi %parallel_loop3A_653, %parallel_loop3A_656 : vector<16xi32>
      %parallel_loop3A_658 = tpu.vector_load_idx %arg6[%parallel_loop3A_657] : memref<32768xf32, #tpu.memory_space<vmem>>[vector<16xi32>], vector<16xf32>,
      %parallel_loop3A_659 = arith.maximumf %parallel_loop3A_654, %parallel_loop3A_658 : vector<16xf32>
      %parallel_loop3A_660 = arith.constant 2 : i32
      %parallel_loop3A_661 = vector.broadcast %parallel_loop3A_660 : i32 to vector<16xi32>
      %parallel_loop3A_662 = arith.addi %parallel_loop3A_653, %parallel_loop3A_661 : vector<16xi32>
      %parallel_loop3A_663 = tpu.vector_load_idx %arg6[%parallel_loop3A_662] : memref<32768xf32, #tpu.memory_space<vmem>>[vector<16xi32>], vector<16xf32>,
      %parallel_loop3A_664 = arith.maximumf %parallel_loop3A_659, %parallel_loop3A_663 : vector<16xf32>
      %parallel_loop3A_665 = arith.constant 3 : i32
      %parallel_loop3A_666 = vector.broadcast %parallel_loop3A_665 : i32 to vector<16xi32>
      %parallel_loop3A_667 = arith.addi %parallel_loop3A_653, %parallel_loop3A_666 : vector<16xi32>
      %parallel_loop3A_668 = tpu.vector_load_idx %arg6[%parallel_loop3A_667] : memref<32768xf32, #tpu.memory_space<vmem>>[vector<16xi32>], vector<16xf32>,
      %parallel_loop3A_669 = arith.maximumf %parallel_loop3A_664, %parallel_loop3A_668 : vector<16xf32>
      %parallel_loop3A_670 = arith.constant 16 : i32
      %parallel_loop3A_671 = arith.muli %parallel_loop3A_649, %parallel_loop3A_670 : i32
      %parallel_loop3A_672 = arith.index_cast %parallel_loop3A_671 : i32 to index
      %parallel_loop3A_673 = tpu.vector_load %arg7[%parallel_loop3A_672] {strides = array<i32>} : memref<8192xf32, #tpu.memory_space<vmem>>, vector<16xf32>,
      tpu.vector_store %arg7[%parallel_loop3A_672], %parallel_loop3A_669 {strides = array<i32>} : memref<8192xf32, #tpu.memory_space<vmem>>, vector<16xf32>,
    } {sc.loop_unroll_factor = 8 : i64, sc.parallel_access}
    %dma_start3A_562 = arith.constant 163840 : i32
    %dma_start3A_563 = tpu.memref_slice %arg3[%add3A, %dma_start3A_562] : memref<32x196608xf32, #tpu.memory_space<hbm>> -> memref<1x8192xf32, #tpu.memory_space<hbm>>
    %dma_start3A_564 = tpu.memref_squeeze %dma_start3A_563 : memref<1x8192xf32, #tpu.memory_space<hbm>> -> memref<8192xf32, #tpu.memory_space<hbm>>
    %dma_start3A_565 = arith.constant 163840 : i32
    %dma_start3A_566 = tpu.memref_slice %arg3[%add3A, %dma_start3A_565] : memref<32x196608xf32, #tpu.memory_space<hbm>> -> memref<1x8192xf32, #tpu.memory_space<hbm>>
    %dma_start3A_567 = tpu.memref_squeeze %dma_start3A_566 : memref<1x8192xf32, #tpu.memory_space<hbm>> -> memref<8192xf32, #tpu.memory_space<hbm>>
    tpu.enqueue_dma source(%arg7 : memref<8192xf32, #tpu.memory_space<vmem>>) target(%dma_start3A_567 : memref<8192xf32, #tpu.memory_space<hbm>>) target_semaphore(%arg12 : memref<!tpu.dma_semaphore, #tpu.memory_space<semaphore_mem>>)
    %dma_start3A_568 = arith.constant 753664 : i32
    %dma_start3A_569 = tpu.memref_slice %arg2[%add3A, %dma_start3A_568] : memref<32x786432xf32, #tpu.memory_space<hbm>> -> memref<1x32768xf32, #tpu.memory_space<hbm>>
    %dma_start3A_570 = tpu.memref_squeeze %dma_start3A_569 : memref<1x32768xf32, #tpu.memory_space<hbm>> -> memref<32768xf32, #tpu.memory_space<hbm>>
    %dma_start3A_571 = arith.constant 753664 : i32
    %dma_start3A_572 = tpu.memref_slice %arg2[%add3A, %dma_start3A_571] : memref<32x786432xf32, #tpu.memory_space<hbm>> -> memref<1x32768xf32, #tpu.memory_space<hbm>>
    %dma_start3A_573 = tpu.memref_squeeze %dma_start3A_572 : memref<1x32768xf32, #tpu.memory_space<hbm>> -> memref<32768xf32, #tpu.memory_space<hbm>>
    tpu.enqueue_dma source(%dma_start3A_573 : memref<32768xf32, #tpu.memory_space<hbm>>) target(%arg6 : memref<32768xf32, #tpu.memory_space<vmem>>) target_semaphore(%arg11 : memref<!tpu.dma_semaphore, #tpu.memory_space<semaphore_mem>>)
    %dma_wait3A_574 = arith.constant 688128 : i32
    %dma_wait3A_575 = tpu.memref_slice %arg2[%add3A, %dma_wait3A_574] : memref<32x786432xf32, #tpu.memory_space<hbm>> -> memref<1x32768xf32, #tpu.memory_space<hbm>>
    %dma_wait3A_576 = tpu.memref_squeeze %dma_wait3A_575 : memref<1x32768xf32, #tpu.memory_space<hbm>> -> memref<32768xf32, #tpu.memory_space<hbm>>
    %dma_wait3A_577 = arith.constant 688128 : i32
    %dma_wait3A_578 = tpu.memref_slice %arg2[%add3A, %dma_wait3A_577] : memref<32x786432xf32, #tpu.memory_space<hbm>> -> memref<1x32768xf32, #tpu.memory_space<hbm>>
    %dma_wait3A_579 = tpu.memref_squeeze %dma_wait3A_578 : memref<1x32768xf32, #tpu.memory_space<hbm>> -> memref<32768xf32, #tpu.memory_space<hbm>>
    tpu.wait_dma2 semaphore(%arg9 : memref<!tpu.dma_semaphore, #tpu.memory_space<semaphore_mem>>) src(%dma_wait3A_579 : memref<32768xf32, #tpu.memory_space<hbm>>) dst(%arg4 : memref<32768xf32, #tpu.memory_space<vmem>>)
    %dma_wait3A_580 = arith.constant 155648 : i32
    %dma_wait3A_581 = tpu.memref_slice %arg3[%add3A, %dma_wait3A_580] : memref<32x196608xf32, #tpu.memory_space<hbm>> -> memref<1x8192xf32, #tpu.memory_space<hbm>>
    %dma_wait3A_582 = tpu.memref_squeeze %dma_wait3A_581 : memref<1x8192xf32, #tpu.memory_space<hbm>> -> memref<8192xf32, #tpu.memory_space<hbm>>
    %dma_wait3A_583 = arith.constant 155648 : i32
    %dma_wait3A_584 = tpu.memref_slice %arg3[%add3A, %dma_wait3A_583] : memref<32x196608xf32, #tpu.memory_space<hbm>> -> memref<1x8192xf32, #tpu.memory_space<hbm>>
    %dma_wait3A_585 = tpu.memref_squeeze %dma_wait3A_584 : memref<1x8192xf32, #tpu.memory_space<hbm>> -> memref<8192xf32, #tpu.memory_space<hbm>>
    tpu.wait_dma2 semaphore(%arg13 : memref<!tpu.dma_semaphore, #tpu.memory_space<semaphore_mem>>) src(%arg8 : memref<8192xf32, #tpu.memory_space<vmem>>) dst(%dma_wait3A_585 : memref<8192xf32, #tpu.memory_space<hbm>>)
    %parallel_loop3A_586 = arith.constant 0 : i32
    %parallel_loop3A_587 = arith.constant 512 : i32
    %parallel_loop3A_588 = arith.constant 1 : i32
    scf.for %parallel_loop3A_649 = %parallel_loop3A_586 to %parallel_loop3A_587 step %parallel_loop3A_588  : i32 {
      %parallel_loop3A_650 = arith.constant 64 : i32
      %parallel_loop3A_651 = arith.muli %parallel_loop3A_649, %parallel_loop3A_650 : i32
      %parallel_loop3A_652 = vector.broadcast %parallel_loop3A_651 : i32 to vector<16xi32>
      %parallel_loop3A_653 = arith.addi %mul3A_3, %parallel_loop3A_652 : vector<16xi32>
      %parallel_loop3A_654 = tpu.vector_load_idx %arg4[%parallel_loop3A_653] : memref<32768xf32, #tpu.memory_space<vmem>>[vector<16xi32>], vector<16xf32>,
      %parallel_loop3A_655 = arith.constant 1 : i32
      %parallel_loop3A_656 = vector.broadcast %parallel_loop3A_655 : i32 to vector<16xi32>
      %parallel_loop3A_657 = arith.addi %parallel_loop3A_653, %parallel_loop3A_656 : vector<16xi32>
      %parallel_loop3A_658 = tpu.vector_load_idx %arg4[%parallel_loop3A_657] : memref<32768xf32, #tpu.memory_space<vmem>>[vector<16xi32>], vector<16xf32>,
      %parallel_loop3A_659 = arith.maximumf %parallel_loop3A_654, %parallel_loop3A_658 : vector<16xf32>
      %parallel_loop3A_660 = arith.constant 2 : i32
      %parallel_loop3A_661 = vector.broadcast %parallel_loop3A_660 : i32 to vector<16xi32>
      %parallel_loop3A_662 = arith.addi %parallel_loop3A_653, %parallel_loop3A_661 : vector<16xi32>
      %parallel_loop3A_663 = tpu.vector_load_idx %arg4[%parallel_loop3A_662] : memref<32768xf32, #tpu.memory_space<vmem>>[vector<16xi32>], vector<16xf32>,
      %parallel_loop3A_664 = arith.maximumf %parallel_loop3A_659, %parallel_loop3A_663 : vector<16xf32>
      %parallel_loop3A_665 = arith.constant 3 : i32
      %parallel_loop3A_666 = vector.broadcast %parallel_loop3A_665 : i32 to vector<16xi32>
      %parallel_loop3A_667 = arith.addi %parallel_loop3A_653, %parallel_loop3A_666 : vector<16xi32>
      %parallel_loop3A_668 = tpu.vector_load_idx %arg4[%parallel_loop3A_667] : memref<32768xf32, #tpu.memory_space<vmem>>[vector<16xi32>], vector<16xf32>,
      %parallel_loop3A_669 = arith.maximumf %parallel_loop3A_664, %parallel_loop3A_668 : vector<16xf32>
      %parallel_loop3A_670 = arith.constant 16 : i32
      %parallel_loop3A_671 = arith.muli %parallel_loop3A_649, %parallel_loop3A_670 : i32
      %parallel_loop3A_672 = arith.index_cast %parallel_loop3A_671 : i32 to index
      %parallel_loop3A_673 = tpu.vector_load %arg8[%parallel_loop3A_672] {strides = array<i32>} : memref<8192xf32, #tpu.memory_space<vmem>>, vector<16xf32>,
      tpu.vector_store %arg8[%parallel_loop3A_672], %parallel_loop3A_669 {strides = array<i32>} : memref<8192xf32, #tpu.memory_space<vmem>>, vector<16xf32>,
    } {sc.loop_unroll_factor = 8 : i64, sc.parallel_access}
    %dma_start3A_589 = arith.constant 172032 : i32
    %dma_start3A_590 = tpu.memref_slice %arg3[%add3A, %dma_start3A_589] : memref<32x196608xf32, #tpu.memory_space<hbm>> -> memref<1x8192xf32, #tpu.memory_space<hbm>>
    %dma_start3A_591 = tpu.memref_squeeze %dma_start3A_590 : memref<1x8192xf32, #tpu.memory_space<hbm>> -> memref<8192xf32, #tpu.memory_space<hbm>>
    %dma_start3A_592 = arith.constant 172032 : i32
    %dma_start3A_593 = tpu.memref_slice %arg3[%add3A, %dma_start3A_592] : memref<32x196608xf32, #tpu.memory_space<hbm>> -> memref<1x8192xf32, #tpu.memory_space<hbm>>
    %dma_start3A_594 = tpu.memref_squeeze %dma_start3A_593 : memref<1x8192xf32, #tpu.memory_space<hbm>> -> memref<8192xf32, #tpu.memory_space<hbm>>
    tpu.enqueue_dma source(%arg8 : memref<8192xf32, #tpu.memory_space<vmem>>) target(%dma_start3A_594 : memref<8192xf32, #tpu.memory_space<hbm>>) target_semaphore(%arg13 : memref<!tpu.dma_semaphore, #tpu.memory_space<semaphore_mem>>)
    %dma_wait3A_595 = arith.constant 720896 : i32
    %dma_wait3A_596 = tpu.memref_slice %arg2[%add3A, %dma_wait3A_595] : memref<32x786432xf32, #tpu.memory_space<hbm>> -> memref<1x32768xf32, #tpu.memory_space<hbm>>
    %dma_wait3A_597 = tpu.memref_squeeze %dma_wait3A_596 : memref<1x32768xf32, #tpu.memory_space<hbm>> -> memref<32768xf32, #tpu.memory_space<hbm>>
    %dma_wait3A_598 = arith.constant 720896 : i32
    %dma_wait3A_599 = tpu.memref_slice %arg2[%add3A, %dma_wait3A_598] : memref<32x786432xf32, #tpu.memory_space<hbm>> -> memref<1x32768xf32, #tpu.memory_space<hbm>>
    %dma_wait3A_600 = tpu.memref_squeeze %dma_wait3A_599 : memref<1x32768xf32, #tpu.memory_space<hbm>> -> memref<32768xf32, #tpu.memory_space<hbm>>
    tpu.wait_dma2 semaphore(%arg10 : memref<!tpu.dma_semaphore, #tpu.memory_space<semaphore_mem>>) src(%dma_wait3A_600 : memref<32768xf32, #tpu.memory_space<hbm>>) dst(%arg5 : memref<32768xf32, #tpu.memory_space<vmem>>)
    %dma_wait3A_601 = arith.constant 163840 : i32
    %dma_wait3A_602 = tpu.memref_slice %arg3[%add3A, %dma_wait3A_601] : memref<32x196608xf32, #tpu.memory_space<hbm>> -> memref<1x8192xf32, #tpu.memory_space<hbm>>
    %dma_wait3A_603 = tpu.memref_squeeze %dma_wait3A_602 : memref<1x8192xf32, #tpu.memory_space<hbm>> -> memref<8192xf32, #tpu.memory_space<hbm>>
    %dma_wait3A_604 = arith.constant 163840 : i32
    %dma_wait3A_605 = tpu.memref_slice %arg3[%add3A, %dma_wait3A_604] : memref<32x196608xf32, #tpu.memory_space<hbm>> -> memref<1x8192xf32, #tpu.memory_space<hbm>>
    %dma_wait3A_606 = tpu.memref_squeeze %dma_wait3A_605 : memref<1x8192xf32, #tpu.memory_space<hbm>> -> memref<8192xf32, #tpu.memory_space<hbm>>
    tpu.wait_dma2 semaphore(%arg12 : memref<!tpu.dma_semaphore, #tpu.memory_space<semaphore_mem>>) src(%arg7 : memref<8192xf32, #tpu.memory_space<vmem>>) dst(%dma_wait3A_606 : memref<8192xf32, #tpu.memory_space<hbm>>)
    %parallel_loop3A_607 = arith.constant 0 : i32
    %parallel_loop3A_608 = arith.constant 512 : i32
    %parallel_loop3A_609 = arith.constant 1 : i32
    scf.for %parallel_loop3A_649 = %parallel_loop3A_607 to %parallel_loop3A_608 step %parallel_loop3A_609  : i32 {
      %parallel_loop3A_650 = arith.constant 64 : i32
      %parallel_loop3A_651 = arith.muli %parallel_loop3A_649, %parallel_loop3A_650 : i32
      %parallel_loop3A_652 = vector.broadcast %parallel_loop3A_651 : i32 to vector<16xi32>
      %parallel_loop3A_653 = arith.addi %mul3A_3, %parallel_loop3A_652 : vector<16xi32>
      %parallel_loop3A_654 = tpu.vector_load_idx %arg5[%parallel_loop3A_653] : memref<32768xf32, #tpu.memory_space<vmem>>[vector<16xi32>], vector<16xf32>,
      %parallel_loop3A_655 = arith.constant 1 : i32
      %parallel_loop3A_656 = vector.broadcast %parallel_loop3A_655 : i32 to vector<16xi32>
      %parallel_loop3A_657 = arith.addi %parallel_loop3A_653, %parallel_loop3A_656 : vector<16xi32>
      %parallel_loop3A_658 = tpu.vector_load_idx %arg5[%parallel_loop3A_657] : memref<32768xf32, #tpu.memory_space<vmem>>[vector<16xi32>], vector<16xf32>,
      %parallel_loop3A_659 = arith.maximumf %parallel_loop3A_654, %parallel_loop3A_658 : vector<16xf32>
      %parallel_loop3A_660 = arith.constant 2 : i32
      %parallel_loop3A_661 = vector.broadcast %parallel_loop3A_660 : i32 to vector<16xi32>
      %parallel_loop3A_662 = arith.addi %parallel_loop3A_653, %parallel_loop3A_661 : vector<16xi32>
      %parallel_loop3A_663 = tpu.vector_load_idx %arg5[%parallel_loop3A_662] : memref<32768xf32, #tpu.memory_space<vmem>>[vector<16xi32>], vector<16xf32>,
      %parallel_loop3A_664 = arith.maximumf %parallel_loop3A_659, %parallel_loop3A_663 : vector<16xf32>
      %parallel_loop3A_665 = arith.constant 3 : i32
      %parallel_loop3A_666 = vector.broadcast %parallel_loop3A_665 : i32 to vector<16xi32>
      %parallel_loop3A_667 = arith.addi %parallel_loop3A_653, %parallel_loop3A_666 : vector<16xi32>
      %parallel_loop3A_668 = tpu.vector_load_idx %arg5[%parallel_loop3A_667] : memref<32768xf32, #tpu.memory_space<vmem>>[vector<16xi32>], vector<16xf32>,
      %parallel_loop3A_669 = arith.maximumf %parallel_loop3A_664, %parallel_loop3A_668 : vector<16xf32>
      %parallel_loop3A_670 = arith.constant 16 : i32
      %parallel_loop3A_671 = arith.muli %parallel_loop3A_649, %parallel_loop3A_670 : i32
      %parallel_loop3A_672 = arith.index_cast %parallel_loop3A_671 : i32 to index
      %parallel_loop3A_673 = tpu.vector_load %arg7[%parallel_loop3A_672] {strides = array<i32>} : memref<8192xf32, #tpu.memory_space<vmem>>, vector<16xf32>,
      tpu.vector_store %arg7[%parallel_loop3A_672], %parallel_loop3A_669 {strides = array<i32>} : memref<8192xf32, #tpu.memory_space<vmem>>, vector<16xf32>,
    } {sc.loop_unroll_factor = 8 : i64, sc.parallel_access}
    %dma_start3A_610 = arith.constant 180224 : i32
    %dma_start3A_611 = tpu.memref_slice %arg3[%add3A, %dma_start3A_610] : memref<32x196608xf32, #tpu.memory_space<hbm>> -> memref<1x8192xf32, #tpu.memory_space<hbm>>
    %dma_start3A_612 = tpu.memref_squeeze %dma_start3A_611 : memref<1x8192xf32, #tpu.memory_space<hbm>> -> memref<8192xf32, #tpu.memory_space<hbm>>
    %dma_start3A_613 = arith.constant 180224 : i32
    %dma_start3A_614 = tpu.memref_slice %arg3[%add3A, %dma_start3A_613] : memref<32x196608xf32, #tpu.memory_space<hbm>> -> memref<1x8192xf32, #tpu.memory_space<hbm>>
    %dma_start3A_615 = tpu.memref_squeeze %dma_start3A_614 : memref<1x8192xf32, #tpu.memory_space<hbm>> -> memref<8192xf32, #tpu.memory_space<hbm>>
    tpu.enqueue_dma source(%arg7 : memref<8192xf32, #tpu.memory_space<vmem>>) target(%dma_start3A_615 : memref<8192xf32, #tpu.memory_space<hbm>>) target_semaphore(%arg12 : memref<!tpu.dma_semaphore, #tpu.memory_space<semaphore_mem>>)
    %dma_wait3A_616 = arith.constant 753664 : i32
    %dma_wait3A_617 = tpu.memref_slice %arg2[%add3A, %dma_wait3A_616] : memref<32x786432xf32, #tpu.memory_space<hbm>> -> memref<1x32768xf32, #tpu.memory_space<hbm>>
    %dma_wait3A_618 = tpu.memref_squeeze %dma_wait3A_617 : memref<1x32768xf32, #tpu.memory_space<hbm>> -> memref<32768xf32, #tpu.memory_space<hbm>>
    %dma_wait3A_619 = arith.constant 753664 : i32
    %dma_wait3A_620 = tpu.memref_slice %arg2[%add3A, %dma_wait3A_619] : memref<32x786432xf32, #tpu.memory_space<hbm>> -> memref<1x32768xf32, #tpu.memory_space<hbm>>
    %dma_wait3A_621 = tpu.memref_squeeze %dma_wait3A_620 : memref<1x32768xf32, #tpu.memory_space<hbm>> -> memref<32768xf32, #tpu.memory_space<hbm>>
    tpu.wait_dma2 semaphore(%arg11 : memref<!tpu.dma_semaphore, #tpu.memory_space<semaphore_mem>>) src(%dma_wait3A_621 : memref<32768xf32, #tpu.memory_space<hbm>>) dst(%arg6 : memref<32768xf32, #tpu.memory_space<vmem>>)
    %dma_wait3A_622 = arith.constant 172032 : i32
    %dma_wait3A_623 = tpu.memref_slice %arg3[%add3A, %dma_wait3A_622] : memref<32x196608xf32, #tpu.memory_space<hbm>> -> memref<1x8192xf32, #tpu.memory_space<hbm>>
    %dma_wait3A_624 = tpu.memref_squeeze %dma_wait3A_623 : memref<1x8192xf32, #tpu.memory_space<hbm>> -> memref<8192xf32, #tpu.memory_space<hbm>>
    %dma_wait3A_625 = arith.constant 172032 : i32
    %dma_wait3A_626 = tpu.memref_slice %arg3[%add3A, %dma_wait3A_625] : memref<32x196608xf32, #tpu.memory_space<hbm>> -> memref<1x8192xf32, #tpu.memory_space<hbm>>
    %dma_wait3A_627 = tpu.memref_squeeze %dma_wait3A_626 : memref<1x8192xf32, #tpu.memory_space<hbm>> -> memref<8192xf32, #tpu.memory_space<hbm>>
    tpu.wait_dma2 semaphore(%arg13 : memref<!tpu.dma_semaphore, #tpu.memory_space<semaphore_mem>>) src(%arg8 : memref<8192xf32, #tpu.memory_space<vmem>>) dst(%dma_wait3A_627 : memref<8192xf32, #tpu.memory_space<hbm>>)
    %parallel_loop3A_628 = arith.constant 0 : i32
    %parallel_loop3A_629 = arith.constant 512 : i32
    %parallel_loop3A_630 = arith.constant 1 : i32
    scf.for %parallel_loop3A_649 = %parallel_loop3A_628 to %parallel_loop3A_629 step %parallel_loop3A_630  : i32 {
      %parallel_loop3A_650 = arith.constant 64 : i32
      %parallel_loop3A_651 = arith.muli %parallel_loop3A_649, %parallel_loop3A_650 : i32
      %parallel_loop3A_652 = vector.broadcast %parallel_loop3A_651 : i32 to vector<16xi32>
      %parallel_loop3A_653 = arith.addi %mul3A_3, %parallel_loop3A_652 : vector<16xi32>
      %parallel_loop3A_654 = tpu.vector_load_idx %arg6[%parallel_loop3A_653] : memref<32768xf32, #tpu.memory_space<vmem>>[vector<16xi32>], vector<16xf32>,
      %parallel_loop3A_655 = arith.constant 1 : i32
      %parallel_loop3A_656 = vector.broadcast %parallel_loop3A_655 : i32 to vector<16xi32>
      %parallel_loop3A_657 = arith.addi %parallel_loop3A_653, %parallel_loop3A_656 : vector<16xi32>
      %parallel_loop3A_658 = tpu.vector_load_idx %arg6[%parallel_loop3A_657] : memref<32768xf32, #tpu.memory_space<vmem>>[vector<16xi32>], vector<16xf32>,
      %parallel_loop3A_659 = arith.maximumf %parallel_loop3A_654, %parallel_loop3A_658 : vector<16xf32>
      %parallel_loop3A_660 = arith.constant 2 : i32
      %parallel_loop3A_661 = vector.broadcast %parallel_loop3A_660 : i32 to vector<16xi32>
      %parallel_loop3A_662 = arith.addi %parallel_loop3A_653, %parallel_loop3A_661 : vector<16xi32>
      %parallel_loop3A_663 = tpu.vector_load_idx %arg6[%parallel_loop3A_662] : memref<32768xf32, #tpu.memory_space<vmem>>[vector<16xi32>], vector<16xf32>,
      %parallel_loop3A_664 = arith.maximumf %parallel_loop3A_659, %parallel_loop3A_663 : vector<16xf32>
      %parallel_loop3A_665 = arith.constant 3 : i32
      %parallel_loop3A_666 = vector.broadcast %parallel_loop3A_665 : i32 to vector<16xi32>
      %parallel_loop3A_667 = arith.addi %parallel_loop3A_653, %parallel_loop3A_666 : vector<16xi32>
      %parallel_loop3A_668 = tpu.vector_load_idx %arg6[%parallel_loop3A_667] : memref<32768xf32, #tpu.memory_space<vmem>>[vector<16xi32>], vector<16xf32>,
      %parallel_loop3A_669 = arith.maximumf %parallel_loop3A_664, %parallel_loop3A_668 : vector<16xf32>
      %parallel_loop3A_670 = arith.constant 16 : i32
      %parallel_loop3A_671 = arith.muli %parallel_loop3A_649, %parallel_loop3A_670 : i32
      %parallel_loop3A_672 = arith.index_cast %parallel_loop3A_671 : i32 to index
      %parallel_loop3A_673 = tpu.vector_load %arg8[%parallel_loop3A_672] {strides = array<i32>} : memref<8192xf32, #tpu.memory_space<vmem>>, vector<16xf32>,
      tpu.vector_store %arg8[%parallel_loop3A_672], %parallel_loop3A_669 {strides = array<i32>} : memref<8192xf32, #tpu.memory_space<vmem>>, vector<16xf32>,
    } {sc.loop_unroll_factor = 8 : i64, sc.parallel_access}
    %dma_start3A_631 = arith.constant 188416 : i32
    %dma_start3A_632 = tpu.memref_slice %arg3[%add3A, %dma_start3A_631] : memref<32x196608xf32, #tpu.memory_space<hbm>> -> memref<1x8192xf32, #tpu.memory_space<hbm>>
    %dma_start3A_633 = tpu.memref_squeeze %dma_start3A_632 : memref<1x8192xf32, #tpu.memory_space<hbm>> -> memref<8192xf32, #tpu.memory_space<hbm>>
    %dma_start3A_634 = arith.constant 188416 : i32
    %dma_start3A_635 = tpu.memref_slice %arg3[%add3A, %dma_start3A_634] : memref<32x196608xf32, #tpu.memory_space<hbm>> -> memref<1x8192xf32, #tpu.memory_space<hbm>>
    %dma_start3A_636 = tpu.memref_squeeze %dma_start3A_635 : memref<1x8192xf32, #tpu.memory_space<hbm>> -> memref<8192xf32, #tpu.memory_space<hbm>>
    tpu.enqueue_dma source(%arg8 : memref<8192xf32, #tpu.memory_space<vmem>>) target(%dma_start3A_636 : memref<8192xf32, #tpu.memory_space<hbm>>) target_semaphore(%arg13 : memref<!tpu.dma_semaphore, #tpu.memory_space<semaphore_mem>>)
    %dma_wait3A_637 = arith.constant 180224 : i32
    %dma_wait3A_638 = tpu.memref_slice %arg3[%add3A, %dma_wait3A_637] : memref<32x196608xf32, #tpu.memory_space<hbm>> -> memref<1x8192xf32, #tpu.memory_space<hbm>>
    %dma_wait3A_639 = tpu.memref_squeeze %dma_wait3A_638 : memref<1x8192xf32, #tpu.memory_space<hbm>> -> memref<8192xf32, #tpu.memory_space<hbm>>
    %dma_wait3A_640 = arith.constant 180224 : i32
    %dma_wait3A_641 = tpu.memref_slice %arg3[%add3A, %dma_wait3A_640] : memref<32x196608xf32, #tpu.memory_space<hbm>> -> memref<1x8192xf32, #tpu.memory_space<hbm>>
    %dma_wait3A_642 = tpu.memref_squeeze %dma_wait3A_641 : memref<1x8192xf32, #tpu.memory_space<hbm>> -> memref<8192xf32, #tpu.memory_space<hbm>>
    tpu.wait_dma2 semaphore(%arg12 : memref<!tpu.dma_semaphore, #tpu.memory_space<semaphore_mem>>) src(%arg7 : memref<8192xf32, #tpu.memory_space<vmem>>) dst(%dma_wait3A_642 : memref<8192xf32, #tpu.memory_space<hbm>>)
    %dma_wait3A_643 = arith.constant 188416 : i32
    %dma_wait3A_644 = tpu.memref_slice %arg3[%add3A, %dma_wait3A_643] : memref<32x196608xf32, #tpu.memory_space<hbm>> -> memref<1x8192xf32, #tpu.memory_space<hbm>>
    %dma_wait3A_645 = tpu.memref_squeeze %dma_wait3A_644 : memref<1x8192xf32, #tpu.memory_space<hbm>> -> memref<8192xf32, #tpu.memory_space<hbm>>
    %dma_wait3A_646 = arith.constant 188416 : i32
    %dma_wait3A_647 = tpu.memref_slice %arg3[%add3A, %dma_wait3A_646] : memref<32x196608xf32, #tpu.memory_space<hbm>> -> memref<1x8192xf32, #tpu.memory_space<hbm>>
    %dma_wait3A_648 = tpu.memref_squeeze %dma_wait3A_647 : memref<1x8192xf32, #tpu.memory_space<hbm>> -> memref<8192xf32, #tpu.memory_space<hbm>>
    tpu.wait_dma2 semaphore(%arg13 : memref<!tpu.dma_semaphore, #tpu.memory_space<semaphore_mem>>) src(%arg8 : memref<8192xf32, #tpu.memory_space<vmem>>) dst(%dma_wait3A_648 : memref<8192xf32, #tpu.memory_space<hbm>>)
    return
  }
}

</mosaic_0001>

<sc_bundles>
// kernel: kernel.3.cloned.1.call-start
scs
__scs_entry_jumppad:
0x0: {  	(pc) =	sbr.rel $0x88, $3  }
0x1: {  	(tag) =	ssettag $0x0;
	lr =	simm.s32 $0x1  }
0x2: {  	[smem:$0x3FA0] =	sst lr;
	_ =	strace $0xD0000000  }
0x3: {  	_ = 	snop  }
0x4: {  	_ = 	snop  }
0x5: {  	_ = 	snop  }
0x6: {  	_ = 	snop  }
0x7: {  	_ = 	snop  }
__scs_overlays_trampoline_lowered:
0x8: {  	[smem:$0x3FAF] =	sst s0  }
0x9: {  	[smem:$0x3FB0] =	sst s1  }
0xa: {  	[smem:$0x3FB1] =	sst s2  }
0xb: {  	[smem:$0x3FB2] =	sst s3  }
0xc: {  	[smem:$0x3FB3] =	sst s4  }
0xd: {  	[smem:$0x3FB4] =	sst s5  }
0xe: {  	[smem:$0x3FB5] =	sst s6  }
0xf: {  	[smem:$0x3FB6] =	sst s7  }
0x10: {  	[smem:$0x3FB7] =	sst s8  }
0x11: {  	[smem:$0x3FB8] =	sst s9;
	s0 =	simm.s32 @!p0 $0x0  }
0x12: {  	s1 =	sld [smem:$0x3F9E];
	s0 =	simm.s32 @p0 $0x1  }
0x13: {  	[smem:$0x3FB9] =	sst s0;
	s0 =	simm.s32 @!p1 $0x0  }
0x14: {  	s2 =	sld [smem:$0x3F9D];
	s0 =	simm.s32 @p1 $0x1  }
0x15: {  	[smem:$0x3FBA] =	sst s0;
	s0 =	simm.s32 @!p2 $0x0  }
0x16: {  	s3 =	sld [smem:$0x3FDB];
	s0 =	simm.s32 @p2 $0x1  }
0x17: {  	s4 =	simm.s32 $0x1BF5;
	[smem:$0x3FBC] =	sst s0  }
0x18: {  	s0 =	sld [smem:$0x3F9F];
	_ =	swait.ge [sflag:s4], $0x0  }
0x19: {  	s7 =	sld [smem:$0x3FA0]  }
0x1a: {  	s8 =	sadd.s32 $0xFFFFE003, lr  }
0x1b: {  	s9 =	sadd.s32 $0xFFFFFEF7, lr;
	s5 =	simm.s32 $0xFFFFFFFF;
	p2 =	slt.u32 s8, $0xFFFFF086  }
0x1c: {  	p1 =	slt.u32 s9, $0xF7A;
	s5 =	simm.s32 @!p2 $0x0  }
0x1d: {  	s5 =	simm.s32 @p1 $0x1;
	p0 =	seq.s32 s7, s2  }
0x1e: {  	s7 =	smul.u32 @!p0 $0xF7A, s2;
	p2 =	seq.s32 @!p0 s5, $0x0  }
0x1f: {  	s9 =	smul.u32 $0xF7A, s1;
	s8 =	simm.s32 @!p0 $0x1BF5;
	p2 =	por !p2, p0  }
0x20: {  	[sflag:s8] =	ssyncset.s32 @!p0 $0xFFFFF086;
	s6 =	sadd.s32 @!p0 s3, s7;
	s7 =	simm.s32 @!p0 $0x108  }
0x21: {  	s3 =	sadd.s32 s3, s9;
	s6 =	sadd.s32 @!p0 $0x88, s6;
	s7 =	simm.s32 @p2 $0x1082  }
0x22: {  	[simem:s7], [sflag:s8] =	dma.local @!p0 [hbm:s6], $0xF7A  }
0x23: {  	s9 =	sor.u32 $0xD0000000, s2;
	s6 =	simm.s32 $0x108;
	_ =	swait.ge @!p0 [sflag:s8], $0x0  }
0x24: {  	s3 =	sadd.s32 $0x88, s3;
	s6 =	simm.s32 @!p1 $0x1082;
	[sflag:s4] =	ssyncset.s32 $0xFFFFF086  }
0x25: {  	[simem:s6], [sflag:s4] =	dma.local [hbm:s3], $0xF7A  }
0x26: {  	[smem:$0x3FA0] =	sst s1;
	(tag) =	ssettag s2;
	_ =	strace s9  }
0x27: {  	s1 =	sld [smem:$0x3FB0]  }
0x28: {  	s2 =	sld [smem:$0x3FB1]  }
0x29: {  	s4 =	sld [smem:$0x3FB3]  }
0x2a: {  	p0 =	seq.s32 s5, $0x0;
	s5 =	sld [smem:$0x3FB4]  }
0x2b: {  	s6 =	sld [smem:$0x3FB5]  }
0x2c: {  	s7 =	sld [smem:$0x3FB6]  }
0x2d: {  	s3 =	simm.s32 $0x108;
	s8 =	sld [smem:$0x3FB7]  }
0x2e: {  	s3 =	simm.s32 @!p0 $0x1082;
	s9 =	sld [smem:$0x3FB8]  }
0x2f: {  	lr =	sadd.s32 s0, s3;
	s0 =	sld [smem:$0x3FAF]  }
0x30: {  	s3 =	sld [smem:$0x3FB2]  }
0x31: {  	[smem:$0x3FBB] =	sst s10  }
0x32: {  	s10 =	sld [smem:$0x3FB9];
	_ =	sdelay $0x3  }
0x33: {  	p0 =	seq.s32 s10, $0x1;
	s10 =	sld [smem:$0x3FBB];
	_ =	sdelay $0x3  }
0x34: {  	[smem:$0x3FBB] =	sst s10  }
0x35: {  	s10 =	sld [smem:$0x3FBA];
	_ =	sdelay $0x3  }
0x36: {  	p1 =	seq.s32 s10, $0x1;
	s10 =	sld [smem:$0x3FBB];
	_ =	sdelay $0x3  }
0x37: {  	[smem:$0x3FBB] =	sst s10  }
0x38: {  	s10 =	sld [smem:$0x3FBC]  }
0x39: {  	_ = 	snop;
	(pc) =	sbr.ind lr, $3  }
0x3a: {  	_ = 	snop  }
0x3b: {  	_ = 	snop  }
0x3c: {  	p2 =	seq.s32 s10, $0x1;
	s10 =	sld [smem:$0x3FBB]  }
0x3d: {  	_ =	shalt  }
0x3e: {  	_ =	shalt  }
0x3f: {  	_ =	shalt  }
0x40: {  	_ =	shalt  }
0x41: {  	_ =	shalt  }
0x42: {  	_ =	shalt  }
0x43: {  	_ =	shalt  }
0x44: {  	_ =	shalt  }
0x45: {  	_ =	shalt  }
0x46: {  	_ =	shalt  }
0x47: {  	_ =	shalt  }
0x48: {  	_ =	shalt  }
0x49: {  	_ =	shalt  }
0x4a: {  	_ =	shalt  }
0x4b: {  	_ =	shalt  }
0x4c: {  	_ =	shalt  }
0x4d: {  	_ =	shalt  }
0x4e: {  	_ =	shalt  }
0x4f: {  	_ =	shalt  }
0x50: {  	_ =	shalt  }
0x51: {  	_ =	shalt  }
0x52: {  	_ =	shalt  }
0x53: {  	_ =	shalt  }
0x54: {  	_ =	shalt  }
0x55: {  	_ =	shalt  }
0x56: {  	_ =	shalt  }
0x57: {  	_ =	shalt  }
0x58: {  	_ =	shalt  }
0x59: {  	_ =	shalt  }
0x5a: {  	_ =	shalt  }
0x5b: {  	_ =	shalt  }
0x5c: {  	_ =	shalt  }
0x5d: {  	_ =	shalt  }
0x5e: {  	_ =	shalt  }
0x5f: {  	_ =	shalt  }
0x60: {  	_ =	shalt  }
0x61: {  	_ =	shalt  }
0x62: {  	_ =	shalt  }
0x63: {  	_ =	shalt  }
0x64: {  	_ =	shalt  }
0x65: {  	_ =	shalt  }
0x66: {  	_ =	shalt  }
0x67: {  	_ =	shalt  }
0x68: {  	_ =	shalt  }
0x69: {  	_ =	shalt  }
0x6a: {  	_ =	shalt  }
0x6b: {  	_ =	shalt  }
0x6c: {  	_ =	shalt  }
0x6d: {  	_ =	shalt  }
0x6e: {  	_ =	shalt  }
0x6f: {  	_ =	shalt  }
0x70: {  	_ =	shalt  }
0x71: {  	_ =	shalt  }
0x72: {  	_ =	shalt  }
0x73: {  	_ =	shalt  }
0x74: {  	_ =	shalt  }
0x75: {  	_ =	shalt  }
0x76: {  	_ =	shalt  }
0x77: {  	_ =	shalt  }
0x78: {  	_ =	shalt  }
0x79: {  	_ =	shalt  }
0x7a: {  	_ =	shalt  }
0x7b: {  	_ =	shalt  }
0x7c: {  	_ =	shalt  }
0x7d: {  	_ =	shalt  }
0x7e: {  	_ =	shalt  }
0x7f: {  	_ =	shalt  }
0x80: {  	_ =	shalt  }
0x81: {  	_ =	shalt  }
0x82: {  	_ =	shalt  }
0x83: {  	_ =	shalt  }
0x84: {  	_ =	shalt  }
0x85: {  	_ =	shalt  }
0x86: {  	_ =	shalt  }
0x87: {  	_ =	shalt  }
.Lfunc_end0:
.L_simem_size_0:
called_computation_lowered:
.L_overlay_start_0:
0x88: {  	s2 =	sld [smem:$0x3FD9]  }
0x89: {  	s3 =	sld [smem:$0x3FFE];
	_ =	sdelay $0x1  }
0x8a: {  	s1 =	srdreg.scid  }
0x8b: {  	s0 =	sand.u32 $0x1, s1  }
0x8c: {  	s18 =	sshll.u32 s0, $0xA;
	s2 =	sadd.s32 s3, s2  }
0x8d: {  	s2 =	sadd.s32 s2, s18  }
0x8e: {  	[smem:$0x3FC7] =	sst s2  }
0x8f: {  	_ = 	snop  }
0x90: {  	s2 =	sld [smem:$0x3FC9]  }
0x91: {  	s19 =	sld [smem:$0x3FD0];
	(tm) =	ssettm $0x1  }
0x92: {  	s4 =	sld [smem:$0x3FFB];
	_ =	sdelay $0x3  }
0x93: {  	_ =	strace s4  }
0x94: {  	s4 =	sld [smem:$0x3FFC];
	_ =	sdelay $0x3  }
0x95: {  	_ =	strace s4  }
0x96: {  	s4 =	sld [smem:$0x3FFD];
	_ =	sdelay $0x3  }
0x97: {  	_ =	strace s4  }
0x98: {  	_ =	strace $0x8FFFFFFF  }
0x99: {  	s20 =	sld [smem:$0x3FDB];
	_ =	sdelay $0x1  }
0x9a: {  	s5 =	simm.s32 $_scs_section_size  }
0x9b: {  	s6 =	simm.s32 $_size__tile_overlayer_lowered;
	s7 =	simm.s32 $_tile_overlayer_lowered  }
0x9c: {  	s23 =	simm.s32 $0x1BFF;
	s22 =	sshll.u32 s7, $0x1;
	s4 =	sadd.s32 s5, s20  }
0x9d: {  	s8 =	simm.s32 $0x0;
	s21 =	sshll.u32 s6, $0x1;
	s6 =	sadd.s32 s22, s4  }
0x9e: {  	[timem:s8], [sflag:s23] =	dma.local [hbm:s6], s21  }
0x9f: {  	_ =	swait.ge [sflag:s23], s21  }
0xa0: {  	s5 =	ssub.s32 $0x0, s21;
	[sflag:s23] =	ssyncset.done $0x0  }
0xa1: {  	[sflag:s23] =	ssyncadd.s32 s5;
	_ =	sdelay $0x1  }
0xa2: {  	s24 =	simm.s32 $0x1B8B  }
0xa3: {  	_ =	swait.ge [sflag:s24], $0x1  }
0xa4: {  	[sflag:s24] =	ssyncset.done $0x0  }
0xa5: {  	s25 =	simm.s32 $0x1B8E;
	[sflag:s24] =	ssyncadd.s32 $0xFFFFFFFF  }
0xa6: {  	s26 =	simm.s32 $execute0_lowered;
	[smem:$0x3FD2] =	sst s25  }
0xa7: {  	s5 =	sshll.u32 s26, $0x1;
	_ =	strace $0x80000046;
	[dreg:$0x1] =	wrdreg $0xFFFFFFFF  }
0xa8: {  	s28 =	simm.s32 $_size_execute0_lowered;
	s4 =	sadd.s32 s4, s5;
	[dreg:$0x0] =	wrdreg $0x0  }
0xa9: {  	s5 =	sshll.u32 s28, $0x1;
	[dreg:$0x2] =	wrdreg s4  }
0xaa: {  	[dreg:$0x3] =	wrdreg s5  }
0xab: {  	[dreg:$0x4] =	wrdreg $0xC0  }
0xac: {  	_ =	task [dreg:s8], $0x5FFFF  }
0xad: {  	[dreg:$0x1] =	wrdreg $0xFFFFFFFF  }
0xae: {  	[dreg:$0x0] =	wrdreg $0x60  }
0xaf: {  	[dreg:$0x2] =	wrdreg s2  }
0xb0: {  	[dreg:$0x3] =	wrdreg s19  }
0xb1: {  	[dreg:$0x4] =	wrdreg $0x9  }
0xb2: {  	_ =	task.clear_ibuf [dreg:s8], $0x5FFFF;
	_ =	strace $0x90000046  }
0xb3: {  	s29 =	simm.s32 $0x9;
	_ =	strace $0x80000048  }
0xb4: {  	_ =	swait.ge [sflag:s29], $0x1  }
0xb5: {  	[sflag:s29] =	ssyncadd.s32 $0xFFFFFFFF  }
0xb6: {  	_ =	strace $0x90000048  }
0xb7: {  	_ =	sfence  }
0xb8: {  	s30 =	sld [smem:$0x0];
	_ =	sdelay $0x2  }
0xb9: {  	s31 =	sshll.u32 s1, $0xD;
	s1 =	sshrl.u32 s1, $0x2  }
0xba: {  	s3 =	sand.u32 $0x4000, s31;
	s1 =	sadd.s32 s1, s30  }
0xbb: {  	s0 =	sor.u32 s3, s0;
	s1 =	sshll.u32 s1, $0x11  }
0xbc: {  	s0 =	sor.u32 s1, s0  }
0xbd: {  	s0 =	sadd.s32 $0x8F2B, s0  }
0xbe: {  	[sflag:s0] =	ssyncadd.remote.s32 $0x1  }
0xbf: {  	_ =	sfence.sel $0xFFFF  }
0xc0: {  	[dreg:$0x0] =	wrdreg $0xFFFFFFFF;
	(pc) =	sbr.abs _section_cstart, $3  }
0xc1: {  	[dreg:$0x1] =	wrdreg $0xFFFFFFFF  }
0xc2: {  	_ =	task.clear_ibuf [dreg:s8], $0x2FFFF;
	_ =	strace $0x9FFFFFFF  }
0xc3: {  	(tm) =	ssettm $0x7FFFFFFF  }
tec
execute0_lowered:
.L_overlay_start_1:
0x0: {  	(tag) =	ssettag $0x1  }
0x1: {  	s6 =	rddreg [dreg:$0x0]  }
0x2: {  	s1 =	srdreg.scid;
	s4 =	stileid.u32  }
0x3: {  	s0 =	rddreg [dreg:$0x1];
	s2 =	sand.u32 $0x1, s1;
	s3 =	sshrl.u32 s4, $0x2  }
0x4: {  	s23 =	sshll.u32 s4, $0x8;
	s1 =	simm.s32 $0x0;
	s24 =	smul.u32 $0x600000, s3  }
0x5: {  	s5 =	sshll.u32 s2, $0x7;
	s7 =	sand.u32 $0x300, s23;
	s3 =	smul.u32 $0x180000, s3  }
0x6: {  	[smem:$0x7FF] =	sst s1;
	s2 =	ssub.s32 $0x2, s2;
	s5 =	sor.u32 s5, s7  }
0x7: {  	s25 =	sshrl.u32 s2, $0x1;
	s7 =	sor.u32 s24, s5;
	s5 =	sor.u32 s3, s5  }
0x8: {  	s4 =	ssub.s32 s2, s25;
	s8 =	sshrl.u32 s7, $0x3;
	s3 =	sshrl.u32 s5, $0x3  }
0x9: {  	s26 =	sadd.s32 $0x200000, s7;
	s9 =	sadd.s32 $0x240000, s7;
	s10 =	sadd.s32 $0x280000, s7  }
0xa: {  	s12 =	sadd.s32 $0x80000, s5;
	s13 =	sadd.s32 $0x2C0000, s7;
	s14 =	sadd.s32 $0x90000, s5  }
0xb: {  	s17 =	sadd.s32 $0x300000, s7;
	s18 =	sadd.s32 $0x340000, s7;
	s19 =	sadd.s32 $0x380000, s7  }
0xc: {  	s22 =	sadd.s32 $0x3C0000, s7;
	s23 =	sadd.s32 $0x400000, s7;
	s24 =	sadd.s32 $0x440000, s7  }
0xd: {  	s2 =	sadd.s32 s6, s8;
	s8 =	sshrl.u32 s26, $0x3;
	s9 =	sshrl.u32 s9, $0x3  }
0xe: {  	s11 =	sshrl.u32 s10, $0x3;
	s16 =	sshrl.u32 s14, $0x3;
	s21 =	sshrl.u32 s19, $0x3  }
0xf: {  	s26 =	sshrl.u32 s24, $0x3;
	s10 =	sadd.s32 $0x4C0000, s7;
	s8 =	sadd.s32 s6, s8  }
0x10: {  	s14 =	sadd.s32 $0x540000, s7;
	s9 =	sadd.s32 s6, s9;
	[dreg:$0x3] =	wrdreg s8  }
0x11: {  	s19 =	sadd.s32 $0xC0000, s5;
	s24 =	sadd.s32 $0xF0000, s5;
	[dreg:$0x4] =	wrdreg s9  }
0x12: {  	s8 =	sadd.s32 s6, s11;
	s9 =	sshrl.u32 s13, $0x3;
	s11 =	sadd.s32 $0x500000, s7  }
0x13: {  	[dreg:$0x5] =	wrdreg s8;
	s8 =	sshrl.u32 s12, $0x3;
	s15 =	sadd.s32 s6, s9  }
0x14: {  	s9 =	sshrl.u32 s18, $0x3;
	s13 =	sshrl.u32 s11, $0x3;
	s18 =	sadd.s32 $0xB0000, s5  }
0x15: {  	s8 =	sadd.s32 s0, s8;
	[dreg:$0x7] =	wrdreg s15;
	s20 =	sadd.s32 s6, s9  }
0x16: {  	s9 =	sshrl.u32 s23, $0x3;
	[dreg:$0x6] =	wrdreg s8;
	s8 =	sadd.s32 s0, s16  }
0x17: {  	s15 =	sadd.s32 $0x580000, s7;
	[dreg:$0x8] =	wrdreg s8;
	s8 =	sshrl.u32 s17, $0x3  }
0x18: {  	s23 =	sadd.s32 $0xE0000, s5;
	[dreg:$0xa] =	wrdreg s20;
	s8 =	sadd.s32 s6, s8  }
0x19: {  	s25 =	sadd.s32 s6, s9;
	[dreg:$0x9] =	wrdreg s8;
	s8 =	sadd.s32 s6, s21  }
0x1a: {  	s9 =	sadd.s32 $0x480000, s7;
	[dreg:$0xb] =	wrdreg s8;
	s8 =	sshrl.u32 s22, $0x3  }
0x1b: {  	s7 =	sadd.s32 $0x5C0000, s7;
	[dreg:$0xd] =	wrdreg s25;
	s8 =	sadd.s32 s6, s8  }
0x1c: {  	s7 =	sshrl.u32 s7, $0x3;
	[dreg:$0xc] =	wrdreg s8;
	s8 =	sadd.s32 s6, s26  }
0x1d: {  	s17 =	sadd.s32 $0xA0000, s5;
	[dreg:$0xe] =	wrdreg s8;
	s8 =	sshrl.u32 s9, $0x3  }
0x1e: {  	s21 =	sshrl.u32 s19, $0x3;
	s9 =	sshrl.u32 s10, $0x3;
	s8 =	sadd.s32 s6, s8  }
0x1f: {  	s22 =	sadd.s32 $0xD0000, s5;
	s12 =	sadd.s32 s6, s9;
	[dreg:$0xf] =	wrdreg s8  }
0x20: {  	s26 =	sshrl.u32 s24, $0x3;
	s9 =	sshrl.u32 s15, $0x3;
	[dreg:$0x10] =	wrdreg s12  }
0x21: {  	s8 =	sadd.s32 s6, s13;
	s16 =	sadd.s32 s6, s9;
	s9 =	sadd.s32 $0x120000, s5  }
0x22: {  	s12 =	sadd.s32 $0x130000, s5;
	s13 =	sadd.s32 $0x140000, s5;
	[dreg:$0x11] =	wrdreg s8  }
0x23: {  	s8 =	sshrl.u32 s14, $0x3;
	[dreg:$0x13] =	wrdreg s16;
	s11 =	sshrl.u32 s9, $0x3  }
0x24: {  	s14 =	sadd.s32 $0x150000, s5;
	s8 =	sadd.s32 s6, s8;
	s6 =	sadd.s32 s6, s7  }
0x25: {  	s7 =	sshrl.u32 s18, $0x3;
	[dreg:$0x14] =	wrdreg s6;
	s6 =	sshrl.u32 s17, $0x3  }
0x26: {  	s16 =	sshrl.u32 s14, $0x3;
	[dreg:$0x12] =	wrdreg s8;
	s6 =	sadd.s32 s0, s6  }
0x27: {  	s20 =	sadd.s32 s0, s7;
	[dreg:$0x15] =	wrdreg s6;
	s6 =	sadd.s32 s0, s21  }
0x28: {  	s7 =	sshrl.u32 s23, $0x3;
	[dreg:$0x17] =	wrdreg s6;
	s6 =	sshrl.u32 s22, $0x3  }
0x29: {  	[dreg:$0x16] =	wrdreg s20;
	s25 =	sadd.s32 s0, s7;
	s6 =	sadd.s32 s0, s6  }
0x2a: {  	s7 =	sadd.s32 $0x100000, s5;
	[dreg:$0x18] =	wrdreg s6;
	s6 =	sadd.s32 s0, s26  }
0x2b: {  	s8 =	sadd.s32 $0x110000, s5;
	[dreg:$0x1a] =	wrdreg s6;
	s6 =	sshrl.u32 s7, $0x3  }
0x2c: {  	s17 =	sadd.s32 $0x160000, s5;
	[dreg:$0x19] =	wrdreg s25;
	s6 =	sadd.s32 s0, s6  }
0x2d: {  	s7 =	sshrl.u32 s8, $0x3;
	[dreg:$0x1b] =	wrdreg s6;
	s6 =	sadd.s32 s0, s11  }
0x2e: {  	s10 =	sadd.s32 s0, s7;
	[dreg:$0x1d] =	wrdreg s6;
	s6 =	sshrl.u32 s12, $0x3  }
0x2f: {  	s5 =	sadd.s32 $0x170000, s5;
	[dreg:$0x1c] =	wrdreg s10;
	s6 =	sadd.s32 s0, s6  }
0x30: {  	s7 =	sshrl.u32 s13, $0x3;
	[dreg:$0x1e] =	wrdreg s6;
	s6 =	sadd.s32 s0, s16  }
0x31: {  	s15 =	sadd.s32 s0, s7;
	[smem:$0x7F2] =	sst s6;
	s6 =	sshrl.u32 s17, $0x3  }
0x32: {  	s5 =	sshrl.u32 s5, $0x3;
	[dreg:$0x1f] =	wrdreg s15;
	s6 =	sadd.s32 s0, s6  }
0x33: {  	s3 =	sadd.s32 s0, s3;
	s0 =	sadd.s32 s0, s5;
	[smem:$0x7F3] =	sst s6  }
0x34: {  	s18 =	smax.u32 s4, $0x1;
	[smem:$0x7F4] =	sst s0  }
0x35: {  	s19 =	sadd.s32 $0x8000, s2;
	_ =	strace $0x80000047;
	[smem:$0x7F5] =	sst s18  }
0x36: {  	s28 =	simm.s32 $0x1;
	s20 =	sadd.s32 $0x10000, s2;
	[smem:$0x7F6] =	sst s19  }
0x37: {  	s29 =	simm.s32 $0x18000;
	s21 =	sadd.s32 $0x18000, s2;
	[smem:$0x7F7] =	sst s20  }
0x38: {  	s30 =	simm.s32 $0x2;
	s22 =	sadd.s32 $0x2000, s3;
	[smem:$0x7F8] =	sst s21  }
0x39: {  	s31 =	simm.s32 $0x1A000;
	s23 =	sadd.s32 $0x20000, s2;
	[smem:$0x7F9] =	sst s22  }
0x3a: {  	s24 =	sadd.s32 $0x4000, s3;
	s4 =	simm.s32 $0x4;
	[smem:$0x7FA] =	sst s23  }
0x3b: {  	s25 =	sadd.s32 $0x28000, s2;
	s26 =	sadd.s32 $0x6000, s3;
	[smem:$0x7FB] =	sst s24  }
0x3c: {  	v0 =	vlaneseq.u32;
	s17 =	sadd.s32 $0x30000, s2;
	s5 =	simm.s32 $0x5;
	[smem:$0x7FC] =	sst s25  }
0x3d: {  	v0 =	vmul.u32 $0x4, v0;
	s0 =	simm.s32 $0x3;
	s6 =	simm.s32 $0x0;
	[smem:$0x7FD] =	sst s26  }
0x3e: {  	s18 =	sadd.s32 $0x8000, s3;
	s19 =	sadd.s32 $0x38000, s2;
	s20 =	sadd.s32 $0xA000, s3  }
0x3f: {  	v1 =	vor.u32 $0x1, v0;
	v2 =	vor.u32 $0x2, v0;
	v3 =	vor.u32 $0x3, v0;
	s21 =	sadd.s32 $0xC000, s3;
	s22 =	sadd.s32 $0xE000, s3;
	s23 =	simm.s32 $0x80  }
0x40: {  	v4 =	vor.u32 $0x41, v0;
	v5 =	vor.u32 $0x42, v0;
	v6 =	vor.u32 $0x43, v0;
	s24 =	simm.s32 $0x400;
	s25 =	simm.s32 $0x8000;
	s26 =	simm.s32 $0x10000  }
.LBB2_1:
0x41: {  	s7 =	sld [smem:$0x7F6]  }
0x42: {  	[tilespmem:s1], [sflag:$0x1] =	stream.strided.gather [hbm4b:s2+s23], $0x8000, s24, s23, $0x38;
	[tilespmem:$0x1C000] =	vst v63  }
0x43: {  	s8 =	simm.s32 $0x1C0;
	s9 =	sld [smem:$0x7F7]  }
0x44: {  	[tilespmem:s25], [sflag:$0x2] =	stream.strided.gather [hbm4b:s7+s23], $0x8000, s24, s23, $0x38;
	[tilespmem:$0x1C000] =	vst v63  }
0x45: {  	s14 =	simm.s32 $0x180;
	v7 =	vor.u32 s8, v0  }
0x46: {  	v8 =	vor.u32 s14, v0;
	[tilespmem:s26], [sflag:$0x3] =	stream.strided.gather [hbm4b:s9+s23], $0x8000, s24, s23, $0x38;
	[tilespmem:$0x1C000] =	vst v63  }
0x47: {  	v9 =	vor.u32 s14, v1;
	_ =	swait.ge [sflag:s28], $0x8000  }
0x48: {  	v10 =	vor.u32 s14, v2;
	[sflag:s28] =	ssyncset.done $0x0  }
0x49: {  	s15 =	simm.s32 $0x0;
	v11 =	vor.u32 s14, v3;
	[sflag:s28] =	ssyncadd.s32 $0xFFFF8000  }
0x4a: {  	s16 =	simm.s32 $0x40;
	v12 =	vor.u32 s15, v0;
	v18 =	vld.idx.msk [tilespmem:v7+s1+$0x0], $0xffff  }
0x4b: {  	v13 =	vor.u32 s16, v0;
	v8 =	vld.idx.msk [tilespmem:v8+s1+$0x0], $0xffff  }
0x4c: {  	s10 =	simm.s32 $0x80;
	v14 =	vor.u32 s16, v4;
	v9 =	vld.idx.msk [tilespmem:v9+s1+$0x0], $0xffff  }
0x4d: {  	s13 =	simm.s32 $0x140;
	v15 =	vor.u32 s10, v0;
	v10 =	vld.idx.msk [tilespmem:v10+s1+$0x0], $0xffff  }
0x4e: {  	v22 =	vor.u32 s13, v0;
	v16 =	vld.idx.msk [tilespmem:v11+s1+$0x0], $0xffff  }
0x4f: {  	v7 =	vor.u32 s15, v1;
	v17 =	vld.idx.msk [tilespmem:v12+s1+$0x0], $0xffff  }
0x50: {  	s11 =	simm.s32 $0xC0;
	v11 =	vor.u32 s10, v1;
	v20 =	vld.idx.msk [tilespmem:v13+s1+$0x0], $0xffff  }
0x51: {  	s12 =	simm.s32 $0x100;
	v12 =	vor.u32 s11, v0;
	v21 =	vld.idx.msk [tilespmem:v14+s1+$0x0], $0xffff  }
0x52: {  	v13 =	vor.u32 s12, v0;
	v15 =	vld.idx.msk [tilespmem:v15+s1+$0x0], $0xffff  }
0x53: {  	v14 =	vor.u32 s12, v1;
	v22 =	vld.idx.msk [tilespmem:v22+s1+$0x0], $0xffff  }
0x54: {  	v36 =	vor.u32 s15, v3;
	v19 =	vld.idx.msk [tilespmem:v7+s1+$0x0], $0xffff  }
0x55: {  	v7 =	vor.u32 s11, v4;
	v23 =	vld.idx.msk [tilespmem:v11+s1+$0x0], $0xffff  }
0x56: {  	v11 =	vor.u32 s13, v4;
	v24 =	vld.idx.msk [tilespmem:v12+s1+$0x0], $0xffff  }
0x57: {  	v12 =	vor.u32 s8, v4;
	v26 =	vld.idx.msk [tilespmem:v13+s1+$0x0], $0xffff  }
0x58: {  	v13 =	vor.u32 s16, v5;
	v27 =	vld.idx.msk [tilespmem:v14+s1+$0x0], $0xffff  }
0x59: {  	v14 =	vor.u32 s10, v2;
	v63 =	vmax.f32 v20, v21;
	v21 =	vld.idx.msk [tilespmem:v36+s1+$0x0], $0xffff  }
0x5a: {  	v25 =	vld.idx.msk [tilespmem:v7+s1+$0x0], $0xffff;
	v7 =	vor.u32 s15, v2  }
0x5b: {  	v28 =	vor.u32 s11, v5;
	v29 =	vld.idx.msk [tilespmem:v11+s1+$0x0], $0xffff  }
0x5c: {  	v30 =	vor.u32 s12, v2;
	v31 =	vld.idx.msk [tilespmem:v12+s1+$0x0], $0xffff  }
0x5d: {  	v34 =	vor.u32 s8, v5;
	v35 =	vld.idx.msk [tilespmem:v13+s1+$0x0], $0xffff  }
0x5e: {  	v38 =	vor.u32 s16, v6;
	v37 =	vld.idx.msk [tilespmem:v14+s1+$0x0], $0xffff  }
0x5f: {  	v32 =	vor.u32 s13, v5;
	v11 =	vor.u32 s10, v3;
	v62 =	vmax.f32 v17, v19;
	v33 =	vld.idx.msk [tilespmem:v7+s1+$0x0], $0xffff  }
0x60: {  	v12 =	vld.idx.msk [tilespmem:v28+s1+$0x0], $0xffff;
	v23 =	vmax.f32 v15, v23;
	v7 =	vmax.f32 v8, v9;
	v8 =	vor.u32 s12, v3  }
0x61: {  	v13 =	vld.idx.msk [tilespmem:v30+s1+$0x0], $0xffff;
	v9 =	vor.u32 s13, v6;
	v7 =	vmax.f32 v7, v10;
	v10 =	vor.u32 s11, v6  }
0x62: {  	v19 =	vld.idx.msk [tilespmem:v34+s1+$0x0], $0xffff;
	v15 =	vmax.f32 v24, v25;
	v17 =	vmax.f32 v22, v29;
	v18 =	vmax.f32 v18, v31  }
0x63: {  	s7 =	simm.s32 $0x70;
	v22 =	vmax.f32 v63, v35;
	v24 =	vld.idx.msk [tilespmem:v38+s1+$0x0], $0xffff;
	v23 =	vmax.f32 v23, v37;
	v14 =	vmax.f32 v7, v16  }
0x64: {  	s9 =	simm.s32 $0x3C0;
	v7 =	vor.u32 s8, v6;
	v16 =	vmax.f32 v26, v27;
	s8 =	simm.s32 $0x0;
	[tilespmem:s7+$0x17FF0] =	vst v14;
	v14 =	vld.idx.msk [tilespmem:v32+s1+$0x0], $0xffff;
	v20 =	vmax.f32 v62, v33  }
.LBB2_2:
0x65: {  	s10 =	sadd.s32 $0xFFFFFE80, s9;
	s11 =	sadd.s32 $0xFFFFFEC0, s9;
	s12 =	sadd.s32 $0xFFFFFFC0, s9;
	v25 =	vor.u32 s9, v0;
	v26 =	vor.u32 s9, v4;
	v27 =	vor.u32 s9, v5;
	v28 =	vld.idx.msk [tilespmem:v11+s1+$0x0], $0xffff  }
0x66: {  	s13 =	sadd.s32 $0xFFFFFF00, s9;
	s14 =	sadd.s32 $0xFFFFFF40, s9;
	s8 =	sadd.s32 $0x8, s8;
	v29 =	vor.u32 s10, v0;
	v30 =	vor.u32 s10, v4;
	v11 =	vor.u32 s12, v0;
	v31 =	vld.idx.msk [tilespmem:v10+s1+$0x0], $0xffff  }
0x67: {  	s15 =	sadd.s32 $0xFFFFFE40, s9;
	s16 =	sadd.s32 $0xFFFFFF80, s9;
	v32 =	vor.u32 s11, v0;
	v33 =	vor.u32 s11, v1;
	v10 =	vor.u32 s12, v1;
	p0 =	slt.u32 s8, $0x1F8;
	v34 =	vld.idx.msk [tilespmem:v8+s1+$0x0], $0xffff  }
0x68: {  	v35 =	vor.u32 s15, v0;
	v36 =	vor.u32 s15, v1;
	v8 =	vor.u32 s12, v2;
	v37 =	vld.idx.msk [tilespmem:v9+s1+$0x0], $0xffff  }
0x69: {  	v38 =	vor.u32 s13, v0;
	v39 =	vor.u32 s13, v4;
	v9 =	vor.u32 s12, v3;
	v40 =	vld.idx.msk [tilespmem:v7+s1+$0x0], $0xffff  }
0x6a: {  	v41 =	vor.u32 s14, v0;
	v42 =	vor.u32 s14, v1;
	v43 =	vor.u32 s16, v0;
	v25 =	vld.idx.msk [tilespmem:v25+s1+$0x0], $0xffff  }
0x6b: {  	v44 =	vor.u32 s15, v2;
	v45 =	vor.u32 s10, v5;
	v46 =	vor.u32 s16, v4;
	v47 =	vld.idx.msk [tilespmem:v11+s1+$0x0], $0xffff  }
0x6c: {  	v48 =	vor.u32 s11, v2;
	v49 =	vor.u32 s13, v5;
	v50 =	vor.u32 s14, v2;
	v51 =	vld.idx.msk [tilespmem:v10+s1+$0x0], $0xffff  }
0x6d: {  	v52 =	vor.u32 s15, v3;
	v53 =	vor.u32 s10, v6;
	v54 =	vor.u32 s16, v5;
	v55 =	vld.idx.msk [tilespmem:v8+s1+$0x0], $0xffff  }
0x6e: {  	v11 =	vor.u32 s11, v3;
	v10 =	vor.u32 s13, v6;
	v8 =	vor.u32 s14, v3;
	v56 =	vld.idx.msk [tilespmem:v9+s1+$0x0], $0xffff  }
0x6f: {  	v12 =	vmax.f32 v15, v12;
	v7 =	vor.u32 s9, v6;
	v9 =	vor.u32 s16, v6;
	v35 =	vld.idx.msk [tilespmem:v35+s1+$0x0], $0xffff  }
0x70: {  	v13 =	vmax.f32 v16, v13;
	v14 =	vmax.f32 v17, v14;
	v16 =	vmax.f32 v18, v19;
	v15 =	vld.idx.msk [tilespmem:v36+s1+$0x0], $0xffff  }
0x71: {  	v18 =	vmax.f32 v20, v21;
	v19 =	vmax.f32 v22, v24;
	v20 =	vmax.f32 v23, v28;
	v17 =	vld.idx.msk [tilespmem:v29+s1+$0x0], $0xffff  }
0x72: {  	v12 =	vmax.f32 v12, v31;
	v13 =	vmax.f32 v13, v34;
	v22 =	vmax.f32 v47, v51;
	v21 =	vld.idx.msk [tilespmem:v30+s1+$0x0], $0xffff  }
0x73: {  	v14 =	vmax.f32 v14, v37;
	v16 =	vmax.f32 v16, v40;
	v22 =	vmax.f32 v22, v55;
	v23 =	vld.idx.msk [tilespmem:v32+s1+$0x0], $0xffff  }
0x74: {  	s10 =	sshra.s32 s9, $0x2;
	v22 =	vmax.f32 v22, v56;
	v24 =	vld.idx.msk [tilespmem:v33+s1+$0x0], $0xffff;
	[tilespmem:s7+$0x17F90] =	vst v18  }
0x75: {  	v18 =	vld.idx.msk [tilespmem:v38+s1+$0x0], $0xffff;
	[tilespmem:s10+$0x17FF0] =	vst v22  }
0x76: {  	v22 =	vmax.f32 v35, v15;
	v15 =	vld.idx.msk [tilespmem:v39+s1+$0x0], $0xffff;
	[tilespmem:s7+$0x17FA0] =	vst v19  }
0x77: {  	v19 =	vld.idx.msk [tilespmem:v41+s1+$0x0], $0xffff;
	[tilespmem:s7+$0x17FB0] =	vst v20  }
0x78: {  	v28 =	vmax.f32 v17, v21;
	v17 =	vld.idx.msk [tilespmem:v42+s1+$0x0], $0xffff;
	[tilespmem:s7+$0x17FC0] =	vst v12  }
0x79: {  	v20 =	vld.idx.msk [tilespmem:v43+s1+$0x0], $0xffff;
	[tilespmem:s7+$0x17FD0] =	vst v13  }
0x7a: {  	v23 =	vmax.f32 v23, v24;
	v21 =	vld.idx.msk [tilespmem:v46+s1+$0x0], $0xffff;
	[tilespmem:s7+$0x17FE0] =	vst v14  }
0x7b: {  	v24 =	vld.idx.msk [tilespmem:v26+s1+$0x0], $0xffff;
	[tilespmem:s7+$0x18000] =	vst v16;
	s7 =	smov.u32 s10  }
0x7c: {  	v15 =	vmax.f32 v18, v15;
	v26 =	vld.idx.msk [tilespmem:v44+s1+$0x0], $0xffff  }
0x7d: {  	v29 =	vld.idx.msk [tilespmem:v45+s1+$0x0], $0xffff  }
0x7e: {  	v16 =	vmax.f32 v19, v17;
	v30 =	vld.idx.msk [tilespmem:v48+s1+$0x0], $0xffff  }
0x7f: {  	v12 =	vld.idx.msk [tilespmem:v49+s1+$0x0], $0xffff  }
.Ltmp0:
0x80: {  	v17 =	vmax.f32 v20, v21;
	v13 =	vld.idx.msk [tilespmem:v50+s1+$0x0], $0xffff;
	(pc) =	sbr.rel @p0 .LBB2_2-.Ltmp0, $4  }
0x81: {  	v18 =	vmax.f32 v25, v24;
	v14 =	vld.idx.msk [tilespmem:v54+s1+$0x0], $0xffff  }
0x82: {  	v20 =	vmax.f32 v22, v26;
	v19 =	vld.idx.msk [tilespmem:v27+s1+$0x0], $0xffff  }
0x83: {  	v22 =	vmax.f32 v28, v29;
	v21 =	vld.idx.msk [tilespmem:v52+s1+$0x0], $0xffff  }
0x84: {  	s9 =	sadd.s32 $0x200, s9;
	v23 =	vmax.f32 v23, v30;
	v24 =	vld.idx.msk [tilespmem:v53+s1+$0x0], $0xffff  }
0x85: {  	_ =	sdelay $0x3  }
0x86: {  	v11 =	vld.idx.msk [tilespmem:v11+s1+$0x0], $0xffff  }
0x87: {  	v10 =	vld.idx.msk [tilespmem:v10+s1+$0x0], $0xffff  }
0x88: {  	v8 =	vld.idx.msk [tilespmem:v8+s1+$0x0], $0xffff  }
0x89: {  	v9 =	vld.idx.msk [tilespmem:v9+s1+$0x0], $0xffff;
	v20 =	vmax.f32 v20, v21  }
0x8a: {  	v7 =	vld.idx.msk [tilespmem:v7+s1+$0x0], $0xffff;
	v21 =	vmax.f32 v22, v24;
	[tilespmem:s7+$0x17F90] =	vst v20  }
0x8b: {  	v12 =	vmax.f32 v15, v12;
	v11 =	vmax.f32 v23, v11;
	[tilespmem:s7+$0x17FA0] =	vst v21  }
0x8c: {  	v13 =	vmax.f32 v16, v13;
	v10 =	vmax.f32 v12, v10;
	[tilespmem:s7+$0x17FB0] =	vst v11  }
0x8d: {  	v8 =	vmax.f32 v13, v8;
	v11 =	vmax.f32 v17, v14;
	[tilespmem:s7+$0x17FC0] =	vst v10  }
0x8e: {  	v10 =	vmax.f32 v18, v19;
	[tilespmem:s7+$0x17FD0] =	vst v8;
	v9 =	vmax.f32 v11, v9  }
0x8f: {  	v7 =	vmax.f32 v10, v7;
	[tilespmem:s7+$0x17FE0] =	vst v9  }
0x90: {  	[tilespmem:s7+$0x18000] =	vst v7  }
0x91: {  	s8 =	simm.s32 $0x1C0;
	s9 =	sld [smem:$0x7F8]  }
0x92: {  	[hbm4b:s3+s23] =	stream.strided.scatter [tilespmem:s29], [sflag:$0x4], $0x2000, s24, s23, $0x38;
	[tilespmem:$0x1C000] =	vst v63  }
0x93: {  	s14 =	simm.s32 $0x180;
	v7 =	vor.u32 s8, v0  }
0x94: {  	v8 =	vor.u32 s14, v0;
	[tilespmem:s1], [sflag:$0x1] =	stream.strided.gather [hbm4b:s9+s23], $0x8000, s24, s23, $0x38;
	[tilespmem:$0x1C000] =	vst v63  }
0x95: {  	v9 =	vor.u32 s14, v1;
	_ =	swait.ge [sflag:s30], $0x8000  }
0x96: {  	v10 =	vor.u32 s14, v2;
	[sflag:s30] =	ssyncset.done $0x0  }
0x97: {  	s15 =	simm.s32 $0x0;
	v11 =	vor.u32 s14, v3;
	[sflag:s30] =	ssyncadd.s32 $0xFFFF8000  }
0x98: {  	s16 =	simm.s32 $0x40;
	v12 =	vor.u32 s15, v0;
	v18 =	vld.idx.msk [tilespmem:v7+s25+$0x0], $0xffff  }
0x99: {  	v13 =	vor.u32 s16, v0;
	v8 =	vld.idx.msk [tilespmem:v8+s25+$0x0], $0xffff  }
0x9a: {  	s10 =	simm.s32 $0x80;
	v14 =	vor.u32 s16, v4;
	v9 =	vld.idx.msk [tilespmem:v9+s25+$0x0], $0xffff  }
0x9b: {  	s13 =	simm.s32 $0x140;
	v15 =	vor.u32 s10, v0;
	v10 =	vld.idx.msk [tilespmem:v10+s25+$0x0], $0xffff  }
0x9c: {  	v22 =	vor.u32 s13, v0;
	v16 =	vld.idx.msk [tilespmem:v11+s25+$0x0], $0xffff  }
0x9d: {  	v7 =	vor.u32 s15, v1;
	v17 =	vld.idx.msk [tilespmem:v12+s25+$0x0], $0xffff  }
0x9e: {  	s11 =	simm.s32 $0xC0;
	v11 =	vor.u32 s10, v1;
	v20 =	vld.idx.msk [tilespmem:v13+s25+$0x0], $0xffff  }
0x9f: {  	s12 =	simm.s32 $0x100;
	v12 =	vor.u32 s11, v0;
	v21 =	vld.idx.msk [tilespmem:v14+s25+$0x0], $0xffff  }
0xa0: {  	v13 =	vor.u32 s12, v0;
	v15 =	vld.idx.msk [tilespmem:v15+s25+$0x0], $0xffff  }
0xa1: {  	v14 =	vor.u32 s12, v1;
	v22 =	vld.idx.msk [tilespmem:v22+s25+$0x0], $0xffff  }
0xa2: {  	v36 =	vor.u32 s15, v3;
	v19 =	vld.idx.msk [tilespmem:v7+s25+$0x0], $0xffff  }
0xa3: {  	v7 =	vor.u32 s11, v4;
	v23 =	vld.idx.msk [tilespmem:v11+s25+$0x0], $0xffff  }
0xa4: {  	v11 =	vor.u32 s13, v4;
	v24 =	vld.idx.msk [tilespmem:v12+s25+$0x0], $0xffff  }
0xa5: {  	v12 =	vor.u32 s8, v4;
	v26 =	vld.idx.msk [tilespmem:v13+s25+$0x0], $0xffff  }
0xa6: {  	v13 =	vor.u32 s16, v5;
	v27 =	vld.idx.msk [tilespmem:v14+s25+$0x0], $0xffff  }
0xa7: {  	v14 =	vor.u32 s10, v2;
	v63 =	vmax.f32 v20, v21;
	v21 =	vld.idx.msk [tilespmem:v36+s25+$0x0], $0xffff  }
0xa8: {  	v25 =	vld.idx.msk [tilespmem:v7+s25+$0x0], $0xffff;
	v7 =	vor.u32 s15, v2  }
0xa9: {  	v28 =	vor.u32 s11, v5;
	v29 =	vld.idx.msk [tilespmem:v11+s25+$0x0], $0xffff  }
0xaa: {  	v30 =	vor.u32 s12, v2;
	v31 =	vld.idx.msk [tilespmem:v12+s25+$0x0], $0xffff  }
0xab: {  	v34 =	vor.u32 s8, v5;
	v35 =	vld.idx.msk [tilespmem:v13+s25+$0x0], $0xffff  }
0xac: {  	v38 =	vor.u32 s16, v6;
	v37 =	vld.idx.msk [tilespmem:v14+s25+$0x0], $0xffff  }
0xad: {  	v32 =	vor.u32 s13, v5;
	v11 =	vor.u32 s10, v3;
	v62 =	vmax.f32 v17, v19;
	v33 =	vld.idx.msk [tilespmem:v7+s25+$0x0], $0xffff  }
0xae: {  	v12 =	vld.idx.msk [tilespmem:v28+s25+$0x0], $0xffff;
	v23 =	vmax.f32 v15, v23;
	v7 =	vmax.f32 v8, v9;
	v8 =	vor.u32 s12, v3  }
0xaf: {  	v13 =	vld.idx.msk [tilespmem:v30+s25+$0x0], $0xffff;
	v9 =	vor.u32 s13, v6;
	v7 =	vmax.f32 v7, v10;
	v10 =	vor.u32 s11, v6  }
0xb0: {  	v19 =	vld.idx.msk [tilespmem:v34+s25+$0x0], $0xffff;
	v15 =	vmax.f32 v24, v25;
	v17 =	vmax.f32 v22, v29;
	v18 =	vmax.f32 v18, v31  }
0xb1: {  	s7 =	simm.s32 $0x70;
	v22 =	vmax.f32 v63, v35;
	v24 =	vld.idx.msk [tilespmem:v38+s25+$0x0], $0xffff;
	v23 =	vmax.f32 v23, v37;
	v14 =	vmax.f32 v7, v16  }
0xb2: {  	s9 =	simm.s32 $0x3C0;
	v7 =	vor.u32 s8, v6;
	v16 =	vmax.f32 v26, v27;
	s8 =	simm.s32 $0x0;
	[tilespmem:s7+$0x19FF0] =	vst v14;
	v14 =	vld.idx.msk [tilespmem:v32+s25+$0x0], $0xffff;
	v20 =	vmax.f32 v62, v33  }
.LBB2_4:
0xb3: {  	s10 =	sadd.s32 $0xFFFFFE80, s9;
	s11 =	sadd.s32 $0xFFFFFEC0, s9;
	s12 =	sadd.s32 $0xFFFFFFC0, s9;
	v25 =	vor.u32 s9, v0;
	v26 =	vor.u32 s9, v4;
	v27 =	vor.u32 s9, v5;
	v28 =	vld.idx.msk [tilespmem:v11+s25+$0x0], $0xffff  }
0xb4: {  	s13 =	sadd.s32 $0xFFFFFF00, s9;
	s14 =	sadd.s32 $0xFFFFFF40, s9;
	s8 =	sadd.s32 $0x8, s8;
	v29 =	vor.u32 s10, v0;
	v30 =	vor.u32 s10, v4;
	v11 =	vor.u32 s12, v0;
	v31 =	vld.idx.msk [tilespmem:v10+s25+$0x0], $0xffff  }
0xb5: {  	s15 =	sadd.s32 $0xFFFFFE40, s9;
	s16 =	sadd.s32 $0xFFFFFF80, s9;
	v32 =	vor.u32 s11, v0;
	v33 =	vor.u32 s11, v1;
	v10 =	vor.u32 s12, v1;
	p0 =	slt.u32 s8, $0x1F8;
	v34 =	vld.idx.msk [tilespmem:v8+s25+$0x0], $0xffff  }
0xb6: {  	v35 =	vor.u32 s15, v0;
	v36 =	vor.u32 s15, v1;
	v8 =	vor.u32 s12, v2;
	v37 =	vld.idx.msk [tilespmem:v9+s25+$0x0], $0xffff  }
0xb7: {  	v38 =	vor.u32 s13, v0;
	v39 =	vor.u32 s13, v4;
	v9 =	vor.u32 s12, v3;
	v40 =	vld.idx.msk [tilespmem:v7+s25+$0x0], $0xffff  }
0xb8: {  	v41 =	vor.u32 s14, v0;
	v42 =	vor.u32 s14, v1;
	v43 =	vor.u32 s16, v0;
	v25 =	vld.idx.msk [tilespmem:v25+s25+$0x0], $0xffff  }
0xb9: {  	v44 =	vor.u32 s15, v2;
	v45 =	vor.u32 s10, v5;
	v46 =	vor.u32 s16, v4;
	v47 =	vld.idx.msk [tilespmem:v11+s25+$0x0], $0xffff  }
0xba: {  	v48 =	vor.u32 s11, v2;
	v49 =	vor.u32 s13, v5;
	v50 =	vor.u32 s14, v2;
	v51 =	vld.idx.msk [tilespmem:v10+s25+$0x0], $0xffff  }
0xbb: {  	v52 =	vor.u32 s15, v3;
	v53 =	vor.u32 s10, v6;
	v54 =	vor.u32 s16, v5;
	v55 =	vld.idx.msk [tilespmem:v8+s25+$0x0], $0xffff  }
0xbc: {  	v11 =	vor.u32 s11, v3;
	v10 =	vor.u32 s13, v6;
	v8 =	vor.u32 s14, v3;
	v56 =	vld.idx.msk [tilespmem:v9+s25+$0x0], $0xffff  }
0xbd: {  	v12 =	vmax.f32 v15, v12;
	v7 =	vor.u32 s9, v6;
	v9 =	vor.u32 s16, v6;
	v35 =	vld.idx.msk [tilespmem:v35+s25+$0x0], $0xffff  }
0xbe: {  	v13 =	vmax.f32 v16, v13;
	v14 =	vmax.f32 v17, v14;
	v16 =	vmax.f32 v18, v19;
	v15 =	vld.idx.msk [tilespmem:v36+s25+$0x0], $0xffff  }
0xbf: {  	v18 =	vmax.f32 v20, v21;
	v19 =	vmax.f32 v22, v24;
	v20 =	vmax.f32 v23, v28;
	v17 =	vld.idx.msk [tilespmem:v29+s25+$0x0], $0xffff  }
0xc0: {  	v12 =	vmax.f32 v12, v31;
	v13 =	vmax.f32 v13, v34;
	v22 =	vmax.f32 v47, v51;
	v21 =	vld.idx.msk [tilespmem:v30+s25+$0x0], $0xffff  }
0xc1: {  	v14 =	vmax.f32 v14, v37;
	v16 =	vmax.f32 v16, v40;
	v22 =	vmax.f32 v22, v55;
	v23 =	vld.idx.msk [tilespmem:v32+s25+$0x0], $0xffff  }
0xc2: {  	s10 =	sshra.s32 s9, $0x2;
	v22 =	vmax.f32 v22, v56;
	v24 =	vld.idx.msk [tilespmem:v33+s25+$0x0], $0xffff;
	[tilespmem:s7+$0x19F90] =	vst v18  }
0xc3: {  	v18 =	vld.idx.msk [tilespmem:v38+s25+$0x0], $0xffff;
	[tilespmem:s10+$0x19FF0] =	vst v22  }
0xc4: {  	v22 =	vmax.f32 v35, v15;
	v15 =	vld.idx.msk [tilespmem:v39+s25+$0x0], $0xffff;
	[tilespmem:s7+$0x19FA0] =	vst v19  }
0xc5: {  	v19 =	vld.idx.msk [tilespmem:v41+s25+$0x0], $0xffff;
	[tilespmem:s7+$0x19FB0] =	vst v20  }
0xc6: {  	v28 =	vmax.f32 v17, v21;
	v17 =	vld.idx.msk [tilespmem:v42+s25+$0x0], $0xffff;
	[tilespmem:s7+$0x19FC0] =	vst v12  }
0xc7: {  	v20 =	vld.idx.msk [tilespmem:v43+s25+$0x0], $0xffff;
	[tilespmem:s7+$0x19FD0] =	vst v13  }
0xc8: {  	v23 =	vmax.f32 v23, v24;
	v21 =	vld.idx.msk [tilespmem:v46+s25+$0x0], $0xffff;
	[tilespmem:s7+$0x19FE0] =	vst v14  }
0xc9: {  	v24 =	vld.idx.msk [tilespmem:v26+s25+$0x0], $0xffff;
	[tilespmem:s7+$0x1A000] =	vst v16;
	s7 =	smov.u32 s10  }
0xca: {  	v15 =	vmax.f32 v18, v15;
	v26 =	vld.idx.msk [tilespmem:v44+s25+$0x0], $0xffff  }
0xcb: {  	v29 =	vld.idx.msk [tilespmem:v45+s25+$0x0], $0xffff  }
0xcc: {  	v16 =	vmax.f32 v19, v17;
	v30 =	vld.idx.msk [tilespmem:v48+s25+$0x0], $0xffff  }
0xcd: {  	v12 =	vld.idx.msk [tilespmem:v49+s25+$0x0], $0xffff  }
.Ltmp1:
0xce: {  	v17 =	vmax.f32 v20, v21;
	v13 =	vld.idx.msk [tilespmem:v50+s25+$0x0], $0xffff;
	(pc) =	sbr.rel @p0 .LBB2_4-.Ltmp1, $4  }
0xcf: {  	v18 =	vmax.f32 v25, v24;
	v14 =	vld.idx.msk [tilespmem:v54+s25+$0x0], $0xffff  }
0xd0: {  	v20 =	vmax.f32 v22, v26;
	v19 =	vld.idx.msk [tilespmem:v27+s25+$0x0], $0xffff  }
0xd1: {  	v22 =	vmax.f32 v28, v29;
	v21 =	vld.idx.msk [tilespmem:v52+s25+$0x0], $0xffff  }
0xd2: {  	s9 =	sadd.s32 $0x200, s9;
	v23 =	vmax.f32 v23, v30;
	v24 =	vld.idx.msk [tilespmem:v53+s25+$0x0], $0xffff  }
0xd3: {  	_ =	sdelay $0x3  }
0xd4: {  	v11 =	vld.idx.msk [tilespmem:v11+s25+$0x0], $0xffff  }
0xd5: {  	v10 =	vld.idx.msk [tilespmem:v10+s25+$0x0], $0xffff  }
0xd6: {  	v8 =	vld.idx.msk [tilespmem:v8+s25+$0x0], $0xffff  }
0xd7: {  	v9 =	vld.idx.msk [tilespmem:v9+s25+$0x0], $0xffff;
	v20 =	vmax.f32 v20, v21  }
0xd8: {  	v7 =	vld.idx.msk [tilespmem:v7+s25+$0x0], $0xffff;
	v21 =	vmax.f32 v22, v24;
	[tilespmem:s7+$0x19F90] =	vst v20  }
0xd9: {  	v12 =	vmax.f32 v15, v12;
	v11 =	vmax.f32 v23, v11;
	[tilespmem:s7+$0x19FA0] =	vst v21  }
0xda: {  	v13 =	vmax.f32 v16, v13;
	v10 =	vmax.f32 v12, v10;
	[tilespmem:s7+$0x19FB0] =	vst v11  }
0xdb: {  	v8 =	vmax.f32 v13, v8;
	v11 =	vmax.f32 v17, v14;
	[tilespmem:s7+$0x19FC0] =	vst v10  }
0xdc: {  	v10 =	vmax.f32 v18, v19;
	[tilespmem:s7+$0x19FD0] =	vst v8;
	v9 =	vmax.f32 v11, v9  }
0xdd: {  	v7 =	vmax.f32 v10, v7;
	[tilespmem:s7+$0x19FE0] =	vst v9  }
0xde: {  	[tilespmem:s7+$0x1A000] =	vst v7  }
0xdf: {  	s7 =	sld [smem:$0x7F9];
	_ =	sdelay $0x1  }
0xe0: {  	s14 =	sld [smem:$0x7FA]  }
0xe1: {  	[hbm4b:s7+s23] =	stream.strided.scatter [tilespmem:s31], [sflag:$0x5], $0x2000, s24, s23, $0x38;
	[tilespmem:$0x1C000] =	vst v63  }
0xe2: {  	_ = 	snop  }
0xe3: {  	[tilespmem:s25], [sflag:$0x2] =	stream.strided.gather [hbm4b:s14+s23], $0x8000, s24, s23, $0x38;
	[tilespmem:$0x1C000] =	vst v63  }
0xe4: {  	s8 =	simm.s32 $0x1C0;
	_ =	swait.ge [sflag:s0], $0x8000  }
0xe5: {  	s15 =	simm.s32 $0x180;
	v7 =	vor.u32 s8, v0;
	[sflag:s0] =	ssyncset.done $0x0  }
0xe6: {  	v8 =	vor.u32 s15, v0;
	[sflag:s0] =	ssyncadd.s32 $0xFFFF8000  }
0xe7: {  	v9 =	vor.u32 s15, v1;
	_ =	swait.ge [sflag:s4], $0x2000  }
0xe8: {  	v10 =	vor.u32 s15, v2;
	[sflag:s4] =	ssyncset.done $0x0  }
0xe9: {  	s9 =	simm.s32 $0x0;
	v11 =	vor.u32 s15, v3;
	[sflag:s4] =	ssyncadd.s32 $0xFFFFE000  }
0xea: {  	s16 =	simm.s32 $0x40;
	v12 =	vor.u32 s9, v0;
	v18 =	vld.idx.msk [tilespmem:v7+s26+$0x0], $0xffff  }
0xeb: {  	v13 =	vor.u32 s16, v0;
	v8 =	vld.idx.msk [tilespmem:v8+s26+$0x0], $0xffff  }
0xec: {  	s10 =	simm.s32 $0x80;
	v14 =	vor.u32 s16, v4;
	v9 =	vld.idx.msk [tilespmem:v9+s26+$0x0], $0xffff  }
0xed: {  	s13 =	simm.s32 $0x140;
	v15 =	vor.u32 s10, v0;
	v10 =	vld.idx.msk [tilespmem:v10+s26+$0x0], $0xffff  }
0xee: {  	v22 =	vor.u32 s13, v0;
	v16 =	vld.idx.msk [tilespmem:v11+s26+$0x0], $0xffff  }
0xef: {  	v7 =	vor.u32 s9, v1;
	v17 =	vld.idx.msk [tilespmem:v12+s26+$0x0], $0xffff  }
0xf0: {  	s11 =	simm.s32 $0xC0;
	v11 =	vor.u32 s10, v1;
	v20 =	vld.idx.msk [tilespmem:v13+s26+$0x0], $0xffff  }
0xf1: {  	s12 =	simm.s32 $0x100;
	v12 =	vor.u32 s11, v0;
	v21 =	vld.idx.msk [tilespmem:v14+s26+$0x0], $0xffff  }
0xf2: {  	v13 =	vor.u32 s12, v0;
	v15 =	vld.idx.msk [tilespmem:v15+s26+$0x0], $0xffff  }
0xf3: {  	v14 =	vor.u32 s12, v1;
	v22 =	vld.idx.msk [tilespmem:v22+s26+$0x0], $0xffff  }
0xf4: {  	v36 =	vor.u32 s9, v3;
	v19 =	vld.idx.msk [tilespmem:v7+s26+$0x0], $0xffff  }
0xf5: {  	v7 =	vor.u32 s11, v4;
	v23 =	vld.idx.msk [tilespmem:v11+s26+$0x0], $0xffff  }
0xf6: {  	v11 =	vor.u32 s13, v4;
	v24 =	vld.idx.msk [tilespmem:v12+s26+$0x0], $0xffff  }
0xf7: {  	v12 =	vor.u32 s8, v4;
	v26 =	vld.idx.msk [tilespmem:v13+s26+$0x0], $0xffff  }
0xf8: {  	v13 =	vor.u32 s16, v5;
	v27 =	vld.idx.msk [tilespmem:v14+s26+$0x0], $0xffff  }
0xf9: {  	v14 =	vor.u32 s10, v2;
	v63 =	vmax.f32 v20, v21;
	v21 =	vld.idx.msk [tilespmem:v36+s26+$0x0], $0xffff  }
0xfa: {  	v25 =	vld.idx.msk [tilespmem:v7+s26+$0x0], $0xffff;
	v7 =	vor.u32 s9, v2  }
0xfb: {  	v28 =	vor.u32 s11, v5;
	v29 =	vld.idx.msk [tilespmem:v11+s26+$0x0], $0xffff  }
0xfc: {  	v30 =	vor.u32 s12, v2;
	v31 =	vld.idx.msk [tilespmem:v12+s26+$0x0], $0xffff  }
0xfd: {  	v34 =	vor.u32 s8, v5;
	v35 =	vld.idx.msk [tilespmem:v13+s26+$0x0], $0xffff  }
0xfe: {  	v38 =	vor.u32 s16, v6;
	v37 =	vld.idx.msk [tilespmem:v14+s26+$0x0], $0xffff  }
0xff: {  	v32 =	vor.u32 s13, v5;
	v11 =	vor.u32 s10, v3;
	v62 =	vmax.f32 v17, v19;
	v33 =	vld.idx.msk [tilespmem:v7+s26+$0x0], $0xffff  }
0x100: {  	v12 =	vld.idx.msk [tilespmem:v28+s26+$0x0], $0xffff;
	v23 =	vmax.f32 v15, v23;
	v7 =	vmax.f32 v8, v9;
	v8 =	vor.u32 s12, v3  }
0x101: {  	v13 =	vld.idx.msk [tilespmem:v30+s26+$0x0], $0xffff;
	v9 =	vor.u32 s13, v6;
	v7 =	vmax.f32 v7, v10;
	v10 =	vor.u32 s11, v6  }
0x102: {  	v19 =	vld.idx.msk [tilespmem:v34+s26+$0x0], $0xffff;
	v15 =	vmax.f32 v24, v25;
	v17 =	vmax.f32 v22, v29;
	v18 =	vmax.f32 v18, v31  }
0x103: {  	s7 =	simm.s32 $0x70;
	v22 =	vmax.f32 v63, v35;
	v24 =	vld.idx.msk [tilespmem:v38+s26+$0x0], $0xffff;
	v23 =	vmax.f32 v23, v37;
	v14 =	vmax.f32 v7, v16  }
0x104: {  	s9 =	simm.s32 $0x3C0;
	v7 =	vor.u32 s8, v6;
	v16 =	vmax.f32 v26, v27;
	s8 =	simm.s32 $0x0;
	[tilespmem:s7+$0x17FF0] =	vst v14;
	v14 =	vld.idx.msk [tilespmem:v32+s26+$0x0], $0xffff;
	v20 =	vmax.f32 v62, v33  }
.LBB2_6:
0x105: {  	s10 =	sadd.s32 $0xFFFFFE80, s9;
	s11 =	sadd.s32 $0xFFFFFEC0, s9;
	s12 =	sadd.s32 $0xFFFFFFC0, s9;
	v25 =	vor.u32 s9, v0;
	v26 =	vor.u32 s9, v4;
	v27 =	vor.u32 s9, v5;
	v28 =	vld.idx.msk [tilespmem:v11+s26+$0x0], $0xffff  }
0x106: {  	s13 =	sadd.s32 $0xFFFFFF00, s9;
	s14 =	sadd.s32 $0xFFFFFF40, s9;
	s8 =	sadd.s32 $0x8, s8;
	v29 =	vor.u32 s10, v0;
	v30 =	vor.u32 s10, v4;
	v11 =	vor.u32 s12, v0;
	v31 =	vld.idx.msk [tilespmem:v10+s26+$0x0], $0xffff  }
0x107: {  	s15 =	sadd.s32 $0xFFFFFE40, s9;
	s16 =	sadd.s32 $0xFFFFFF80, s9;
	v32 =	vor.u32 s11, v0;
	v33 =	vor.u32 s11, v1;
	v10 =	vor.u32 s12, v1;
	p0 =	slt.u32 s8, $0x1F8;
	v34 =	vld.idx.msk [tilespmem:v8+s26+$0x0], $0xffff  }
0x108: {  	v35 =	vor.u32 s15, v0;
	v36 =	vor.u32 s15, v1;
	v8 =	vor.u32 s12, v2;
	v37 =	vld.idx.msk [tilespmem:v9+s26+$0x0], $0xffff  }
0x109: {  	v38 =	vor.u32 s13, v0;
	v39 =	vor.u32 s13, v4;
	v9 =	vor.u32 s12, v3;
	v40 =	vld.idx.msk [tilespmem:v7+s26+$0x0], $0xffff  }
0x10a: {  	v41 =	vor.u32 s14, v0;
	v42 =	vor.u32 s14, v1;
	v43 =	vor.u32 s16, v0;
	v25 =	vld.idx.msk [tilespmem:v25+s26+$0x0], $0xffff  }
0x10b: {  	v44 =	vor.u32 s15, v2;
	v45 =	vor.u32 s10, v5;
	v46 =	vor.u32 s16, v4;
	v47 =	vld.idx.msk [tilespmem:v11+s26+$0x0], $0xffff  }
0x10c: {  	v48 =	vor.u32 s11, v2;
	v49 =	vor.u32 s13, v5;
	v50 =	vor.u32 s14, v2;
	v51 =	vld.idx.msk [tilespmem:v10+s26+$0x0], $0xffff  }
0x10d: {  	v52 =	vor.u32 s15, v3;
	v53 =	vor.u32 s10, v6;
	v54 =	vor.u32 s16, v5;
	v55 =	vld.idx.msk [tilespmem:v8+s26+$0x0], $0xffff  }
0x10e: {  	v11 =	vor.u32 s11, v3;
	v10 =	vor.u32 s13, v6;
	v8 =	vor.u32 s14, v3;
	v56 =	vld.idx.msk [tilespmem:v9+s26+$0x0], $0xffff  }
0x10f: {  	v12 =	vmax.f32 v15, v12;
	v7 =	vor.u32 s9, v6;
	v9 =	vor.u32 s16, v6;
	v35 =	vld.idx.msk [tilespmem:v35+s26+$0x0], $0xffff  }
0x110: {  	v13 =	vmax.f32 v16, v13;
	v14 =	vmax.f32 v17, v14;
	v16 =	vmax.f32 v18, v19;
	v15 =	vld.idx.msk [tilespmem:v36+s26+$0x0], $0xffff  }
0x111: {  	v18 =	vmax.f32 v20, v21;
	v19 =	vmax.f32 v22, v24;
	v20 =	vmax.f32 v23, v28;
	v17 =	vld.idx.msk [tilespmem:v29+s26+$0x0], $0xffff  }
0x112: {  	v12 =	vmax.f32 v12, v31;
	v13 =	vmax.f32 v13, v34;
	v22 =	vmax.f32 v47, v51;
	v21 =	vld.idx.msk [tilespmem:v30+s26+$0x0], $0xffff  }
0x113: {  	v14 =	vmax.f32 v14, v37;
	v16 =	vmax.f32 v16, v40;
	v22 =	vmax.f32 v22, v55;
	v23 =	vld.idx.msk [tilespmem:v32+s26+$0x0], $0xffff  }
0x114: {  	s10 =	sshra.s32 s9, $0x2;
	v22 =	vmax.f32 v22, v56;
	v24 =	vld.idx.msk [tilespmem:v33+s26+$0x0], $0xffff;
	[tilespmem:s7+$0x17F90] =	vst v18  }
0x115: {  	v18 =	vld.idx.msk [tilespmem:v38+s26+$0x0], $0xffff;
	[tilespmem:s10+$0x17FF0] =	vst v22  }
0x116: {  	v22 =	vmax.f32 v35, v15;
	v15 =	vld.idx.msk [tilespmem:v39+s26+$0x0], $0xffff;
	[tilespmem:s7+$0x17FA0] =	vst v19  }
0x117: {  	v19 =	vld.idx.msk [tilespmem:v41+s26+$0x0], $0xffff;
	[tilespmem:s7+$0x17FB0] =	vst v20  }
0x118: {  	v28 =	vmax.f32 v17, v21;
	v17 =	vld.idx.msk [tilespmem:v42+s26+$0x0], $0xffff;
	[tilespmem:s7+$0x17FC0] =	vst v12  }
0x119: {  	v20 =	vld.idx.msk [tilespmem:v43+s26+$0x0], $0xffff;
	[tilespmem:s7+$0x17FD0] =	vst v13  }
0x11a: {  	v23 =	vmax.f32 v23, v24;
	v21 =	vld.idx.msk [tilespmem:v46+s26+$0x0], $0xffff;
	[tilespmem:s7+$0x17FE0] =	vst v14  }
0x11b: {  	v24 =	vld.idx.msk [tilespmem:v26+s26+$0x0], $0xffff;
	[tilespmem:s7+$0x18000] =	vst v16;
	s7 =	smov.u32 s10  }
0x11c: {  	v15 =	vmax.f32 v18, v15;
	v26 =	vld.idx.msk [tilespmem:v44+s26+$0x0], $0xffff  }
0x11d: {  	v29 =	vld.idx.msk [tilespmem:v45+s26+$0x0], $0xffff  }
0x11e: {  	v16 =	vmax.f32 v19, v17;
	v30 =	vld.idx.msk [tilespmem:v48+s26+$0x0], $0xffff  }
0x11f: {  	v12 =	vld.idx.msk [tilespmem:v49+s26+$0x0], $0xffff  }
.Ltmp2:
0x120: {  	v17 =	vmax.f32 v20, v21;
	v13 =	vld.idx.msk [tilespmem:v50+s26+$0x0], $0xffff;
	(pc) =	sbr.rel @p0 .LBB2_6-.Ltmp2, $4  }
0x121: {  	v18 =	vmax.f32 v25, v24;
	v14 =	vld.idx.msk [tilespmem:v54+s26+$0x0], $0xffff  }
0x122: {  	v20 =	vmax.f32 v22, v26;
	v19 =	vld.idx.msk [tilespmem:v27+s26+$0x0], $0xffff  }
0x123: {  	v22 =	vmax.f32 v28, v29;
	v21 =	vld.idx.msk [tilespmem:v52+s26+$0x0], $0xffff  }
0x124: {  	s9 =	sadd.s32 $0x200, s9;
	v23 =	vmax.f32 v23, v30;
	v24 =	vld.idx.msk [tilespmem:v53+s26+$0x0], $0xffff  }
0x125: {  	_ =	sdelay $0x3  }
0x126: {  	v11 =	vld.idx.msk [tilespmem:v11+s26+$0x0], $0xffff  }
0x127: {  	v10 =	vld.idx.msk [tilespmem:v10+s26+$0x0], $0xffff  }
0x128: {  	v8 =	vld.idx.msk [tilespmem:v8+s26+$0x0], $0xffff  }
0x129: {  	v9 =	vld.idx.msk [tilespmem:v9+s26+$0x0], $0xffff;
	v20 =	vmax.f32 v20, v21  }
0x12a: {  	v7 =	vld.idx.msk [tilespmem:v7+s26+$0x0], $0xffff;
	v21 =	vmax.f32 v22, v24;
	[tilespmem:s7+$0x17F90] =	vst v20  }
0x12b: {  	v12 =	vmax.f32 v15, v12;
	v11 =	vmax.f32 v23, v11;
	[tilespmem:s7+$0x17FA0] =	vst v21  }
0x12c: {  	v13 =	vmax.f32 v16, v13;
	v10 =	vmax.f32 v12, v10;
	[tilespmem:s7+$0x17FB0] =	vst v11  }
0x12d: {  	v8 =	vmax.f32 v13, v8;
	v11 =	vmax.f32 v17, v14;
	[tilespmem:s7+$0x17FC0] =	vst v10  }
0x12e: {  	v10 =	vmax.f32 v18, v19;
	[tilespmem:s7+$0x17FD0] =	vst v8;
	v9 =	vmax.f32 v11, v9  }
0x12f: {  	v7 =	vmax.f32 v10, v7;
	[tilespmem:s7+$0x17FE0] =	vst v9  }
0x130: {  	[tilespmem:s7+$0x18000] =	vst v7  }
0x131: {  	s7 =	sld [smem:$0x7FB];
	_ =	sdelay $0x1  }
0x132: {  	s14 =	sld [smem:$0x7FC]  }
0x133: {  	[hbm4b:s7+s23] =	stream.strided.scatter [tilespmem:s29], [sflag:$0x4], $0x2000, s24, s23, $0x38;
	[tilespmem:$0x1C000] =	vst v63  }
0x134: {  	_ = 	snop  }
0x135: {  	[tilespmem:s26], [sflag:$0x3] =	stream.strided.gather [hbm4b:s14+s23], $0x8000, s24, s23, $0x38;
	[tilespmem:$0x1C000] =	vst v63  }
0x136: {  	s8 =	simm.s32 $0x1C0;
	_ =	swait.ge [sflag:s28], $0x8000  }
0x137: {  	s15 =	simm.s32 $0x180;
	v7 =	vor.u32 s8, v0;
	[sflag:s28] =	ssyncset.done $0x0  }
0x138: {  	v8 =	vor.u32 s15, v0;
	[sflag:s28] =	ssyncadd.s32 $0xFFFF8000  }
0x139: {  	v9 =	vor.u32 s15, v1;
	_ =	swait.ge [sflag:s5], $0x2000  }
0x13a: {  	v10 =	vor.u32 s15, v2;
	[sflag:s5] =	ssyncset.done $0x0  }
0x13b: {  	s9 =	simm.s32 $0x0;
	v11 =	vor.u32 s15, v3;
	[sflag:s5] =	ssyncadd.s32 $0xFFFFE000  }
0x13c: {  	s16 =	simm.s32 $0x40;
	v12 =	vor.u32 s9, v0;
	v18 =	vld.idx.msk [tilespmem:v7+s1+$0x0], $0xffff  }
0x13d: {  	v13 =	vor.u32 s16, v0;
	v8 =	vld.idx.msk [tilespmem:v8+s1+$0x0], $0xffff  }
0x13e: {  	s10 =	simm.s32 $0x80;
	v14 =	vor.u32 s16, v4;
	v9 =	vld.idx.msk [tilespmem:v9+s1+$0x0], $0xffff  }
0x13f: {  	s13 =	simm.s32 $0x140;
	v15 =	vor.u32 s10, v0;
	v10 =	vld.idx.msk [tilespmem:v10+s1+$0x0], $0xffff  }
0x140: {  	v22 =	vor.u32 s13, v0;
	v16 =	vld.idx.msk [tilespmem:v11+s1+$0x0], $0xffff  }
0x141: {  	v7 =	vor.u32 s9, v1;
	v17 =	vld.idx.msk [tilespmem:v12+s1+$0x0], $0xffff  }
0x142: {  	s11 =	simm.s32 $0xC0;
	v11 =	vor.u32 s10, v1;
	v20 =	vld.idx.msk [tilespmem:v13+s1+$0x0], $0xffff  }
0x143: {  	s12 =	simm.s32 $0x100;
	v12 =	vor.u32 s11, v0;
	v21 =	vld.idx.msk [tilespmem:v14+s1+$0x0], $0xffff  }
0x144: {  	v13 =	vor.u32 s12, v0;
	v15 =	vld.idx.msk [tilespmem:v15+s1+$0x0], $0xffff  }
0x145: {  	v14 =	vor.u32 s12, v1;
	v22 =	vld.idx.msk [tilespmem:v22+s1+$0x0], $0xffff  }
0x146: {  	v36 =	vor.u32 s9, v3;
	v19 =	vld.idx.msk [tilespmem:v7+s1+$0x0], $0xffff  }
0x147: {  	v7 =	vor.u32 s11, v4;
	v23 =	vld.idx.msk [tilespmem:v11+s1+$0x0], $0xffff  }
0x148: {  	v11 =	vor.u32 s13, v4;
	v24 =	vld.idx.msk [tilespmem:v12+s1+$0x0], $0xffff  }
0x149: {  	v12 =	vor.u32 s8, v4;
	v26 =	vld.idx.msk [tilespmem:v13+s1+$0x0], $0xffff  }
0x14a: {  	v13 =	vor.u32 s16, v5;
	v27 =	vld.idx.msk [tilespmem:v14+s1+$0x0], $0xffff  }
0x14b: {  	v14 =	vor.u32 s10, v2;
	v63 =	vmax.f32 v20, v21;
	v21 =	vld.idx.msk [tilespmem:v36+s1+$0x0], $0xffff  }
0x14c: {  	v25 =	vld.idx.msk [tilespmem:v7+s1+$0x0], $0xffff;
	v7 =	vor.u32 s9, v2  }
0x14d: {  	v28 =	vor.u32 s11, v5;
	v29 =	vld.idx.msk [tilespmem:v11+s1+$0x0], $0xffff  }
0x14e: {  	v30 =	vor.u32 s12, v2;
	v31 =	vld.idx.msk [tilespmem:v12+s1+$0x0], $0xffff  }
0x14f: {  	v34 =	vor.u32 s8, v5;
	v35 =	vld.idx.msk [tilespmem:v13+s1+$0x0], $0xffff  }
0x150: {  	v38 =	vor.u32 s16, v6;
	v37 =	vld.idx.msk [tilespmem:v14+s1+$0x0], $0xffff  }
0x151: {  	v32 =	vor.u32 s13, v5;
	v11 =	vor.u32 s10, v3;
	v62 =	vmax.f32 v17, v19;
	v33 =	vld.idx.msk [tilespmem:v7+s1+$0x0], $0xffff  }
0x152: {  	v12 =	vld.idx.msk [tilespmem:v28+s1+$0x0], $0xffff;
	v23 =	vmax.f32 v15, v23;
	v7 =	vmax.f32 v8, v9;
	v8 =	vor.u32 s12, v3  }
0x153: {  	v13 =	vld.idx.msk [tilespmem:v30+s1+$0x0], $0xffff;
	v9 =	vor.u32 s13, v6;
	v7 =	vmax.f32 v7, v10;
	v10 =	vor.u32 s11, v6  }
0x154: {  	v19 =	vld.idx.msk [tilespmem:v34+s1+$0x0], $0xffff;
	v15 =	vmax.f32 v24, v25;
	v17 =	vmax.f32 v22, v29;
	v18 =	vmax.f32 v18, v31  }
0x155: {  	s7 =	simm.s32 $0x70;
	v22 =	vmax.f32 v63, v35;
	v24 =	vld.idx.msk [tilespmem:v38+s1+$0x0], $0xffff;
	v23 =	vmax.f32 v23, v37;
	v14 =	vmax.f32 v7, v16  }
0x156: {  	s9 =	simm.s32 $0x3C0;
	v7 =	vor.u32 s8, v6;
	v16 =	vmax.f32 v26, v27;
	s8 =	simm.s32 $0x0;
	[tilespmem:s7+$0x19FF0] =	vst v14;
	v14 =	vld.idx.msk [tilespmem:v32+s1+$0x0], $0xffff;
	v20 =	vmax.f32 v62, v33  }
.LBB2_8:
0x157: {  	s10 =	sadd.s32 $0xFFFFFE80, s9;
	s11 =	sadd.s32 $0xFFFFFEC0, s9;
	s12 =	sadd.s32 $0xFFFFFFC0, s9;
	v25 =	vor.u32 s9, v0;
	v26 =	vor.u32 s9, v4;
	v27 =	vor.u32 s9, v5;
	v28 =	vld.idx.msk [tilespmem:v11+s1+$0x0], $0xffff  }
0x158: {  	s13 =	sadd.s32 $0xFFFFFF00, s9;
	s14 =	sadd.s32 $0xFFFFFF40, s9;
	s8 =	sadd.s32 $0x8, s8;
	v29 =	vor.u32 s10, v0;
	v30 =	vor.u32 s10, v4;
	v11 =	vor.u32 s12, v0;
	v31 =	vld.idx.msk [tilespmem:v10+s1+$0x0], $0xffff  }
0x159: {  	s15 =	sadd.s32 $0xFFFFFE40, s9;
	s16 =	sadd.s32 $0xFFFFFF80, s9;
	v32 =	vor.u32 s11, v0;
	v33 =	vor.u32 s11, v1;
	v10 =	vor.u32 s12, v1;
	p0 =	slt.u32 s8, $0x1F8;
	v34 =	vld.idx.msk [tilespmem:v8+s1+$0x0], $0xffff  }
0x15a: {  	v35 =	vor.u32 s15, v0;
	v36 =	vor.u32 s15, v1;
	v8 =	vor.u32 s12, v2;
	v37 =	vld.idx.msk [tilespmem:v9+s1+$0x0], $0xffff  }
0x15b: {  	v38 =	vor.u32 s13, v0;
	v39 =	vor.u32 s13, v4;
	v9 =	vor.u32 s12, v3;
	v40 =	vld.idx.msk [tilespmem:v7+s1+$0x0], $0xffff  }
0x15c: {  	v41 =	vor.u32 s14, v0;
	v42 =	vor.u32 s14, v1;
	v43 =	vor.u32 s16, v0;
	v25 =	vld.idx.msk [tilespmem:v25+s1+$0x0], $0xffff  }
0x15d: {  	v44 =	vor.u32 s15, v2;
	v45 =	vor.u32 s10, v5;
	v46 =	vor.u32 s16, v4;
	v47 =	vld.idx.msk [tilespmem:v11+s1+$0x0], $0xffff  }
0x15e: {  	v48 =	vor.u32 s11, v2;
	v49 =	vor.u32 s13, v5;
	v50 =	vor.u32 s14, v2;
	v51 =	vld.idx.msk [tilespmem:v10+s1+$0x0], $0xffff  }
0x15f: {  	v52 =	vor.u32 s15, v3;
	v53 =	vor.u32 s10, v6;
	v54 =	vor.u32 s16, v5;
	v55 =	vld.idx.msk [tilespmem:v8+s1+$0x0], $0xffff  }
0x160: {  	v11 =	vor.u32 s11, v3;
	v10 =	vor.u32 s13, v6;
	v8 =	vor.u32 s14, v3;
	v56 =	vld.idx.msk [tilespmem:v9+s1+$0x0], $0xffff  }
0x161: {  	v12 =	vmax.f32 v15, v12;
	v7 =	vor.u32 s9, v6;
	v9 =	vor.u32 s16, v6;
	v35 =	vld.idx.msk [tilespmem:v35+s1+$0x0], $0xffff  }
0x162: {  	v13 =	vmax.f32 v16, v13;
	v14 =	vmax.f32 v17, v14;
	v16 =	vmax.f32 v18, v19;
	v15 =	vld.idx.msk [tilespmem:v36+s1+$0x0], $0xffff  }
0x163: {  	v18 =	vmax.f32 v20, v21;
	v19 =	vmax.f32 v22, v24;
	v20 =	vmax.f32 v23, v28;
	v17 =	vld.idx.msk [tilespmem:v29+s1+$0x0], $0xffff  }
0x164: {  	v12 =	vmax.f32 v12, v31;
	v13 =	vmax.f32 v13, v34;
	v22 =	vmax.f32 v47, v51;
	v21 =	vld.idx.msk [tilespmem:v30+s1+$0x0], $0xffff  }
0x165: {  	v14 =	vmax.f32 v14, v37;
	v16 =	vmax.f32 v16, v40;
	v22 =	vmax.f32 v22, v55;
	v23 =	vld.idx.msk [tilespmem:v32+s1+$0x0], $0xffff  }
0x166: {  	s10 =	sshra.s32 s9, $0x2;
	v22 =	vmax.f32 v22, v56;
	v24 =	vld.idx.msk [tilespmem:v33+s1+$0x0], $0xffff;
	[tilespmem:s7+$0x19F90] =	vst v18  }
0x167: {  	v18 =	vld.idx.msk [tilespmem:v38+s1+$0x0], $0xffff;
	[tilespmem:s10+$0x19FF0] =	vst v22  }
0x168: {  	v22 =	vmax.f32 v35, v15;
	v15 =	vld.idx.msk [tilespmem:v39+s1+$0x0], $0xffff;
	[tilespmem:s7+$0x19FA0] =	vst v19  }
0x169: {  	v19 =	vld.idx.msk [tilespmem:v41+s1+$0x0], $0xffff;
	[tilespmem:s7+$0x19FB0] =	vst v20  }
0x16a: {  	v28 =	vmax.f32 v17, v21;
	v17 =	vld.idx.msk [tilespmem:v42+s1+$0x0], $0xffff;
	[tilespmem:s7+$0x19FC0] =	vst v12  }
0x16b: {  	v20 =	vld.idx.msk [tilespmem:v43+s1+$0x0], $0xffff;
	[tilespmem:s7+$0x19FD0] =	vst v13  }
0x16c: {  	v23 =	vmax.f32 v23, v24;
	v21 =	vld.idx.msk [tilespmem:v46+s1+$0x0], $0xffff;
	[tilespmem:s7+$0x19FE0] =	vst v14  }
0x16d: {  	v24 =	vld.idx.msk [tilespmem:v26+s1+$0x0], $0xffff;
	[tilespmem:s7+$0x1A000] =	vst v16;
	s7 =	smov.u32 s10  }
0x16e: {  	v15 =	vmax.f32 v18, v15;
	v26 =	vld.idx.msk [tilespmem:v44+s1+$0x0], $0xffff  }
0x16f: {  	v29 =	vld.idx.msk [tilespmem:v45+s1+$0x0], $0xffff  }
0x170: {  	v16 =	vmax.f32 v19, v17;
	v30 =	vld.idx.msk [tilespmem:v48+s1+$0x0], $0xffff  }
0x171: {  	v12 =	vld.idx.msk [tilespmem:v49+s1+$0x0], $0xffff  }
.Ltmp3:
0x172: {  	v17 =	vmax.f32 v20, v21;
	v13 =	vld.idx.msk [tilespmem:v50+s1+$0x0], $0xffff;
	(pc) =	sbr.rel @p0 .LBB2_8-.Ltmp3, $4  }
0x173: {  	v18 =	vmax.f32 v25, v24;
	v14 =	vld.idx.msk [tilespmem:v54+s1+$0x0], $0xffff  }
0x174: {  	v20 =	vmax.f32 v22, v26;
	v19 =	vld.idx.msk [tilespmem:v27+s1+$0x0], $0xffff  }
0x175: {  	v22 =	vmax.f32 v28, v29;
	v21 =	vld.idx.msk [tilespmem:v52+s1+$0x0], $0xffff  }
0x176: {  	s9 =	sadd.s32 $0x200, s9;
	v23 =	vmax.f32 v23, v30;
	v24 =	vld.idx.msk [tilespmem:v53+s1+$0x0], $0xffff  }
0x177: {  	_ =	sdelay $0x3  }
0x178: {  	v11 =	vld.idx.msk [tilespmem:v11+s1+$0x0], $0xffff  }
0x179: {  	v10 =	vld.idx.msk [tilespmem:v10+s1+$0x0], $0xffff  }
0x17a: {  	v8 =	vld.idx.msk [tilespmem:v8+s1+$0x0], $0xffff  }
0x17b: {  	v9 =	vld.idx.msk [tilespmem:v9+s1+$0x0], $0xffff;
	v20 =	vmax.f32 v20, v21  }
0x17c: {  	v7 =	vld.idx.msk [tilespmem:v7+s1+$0x0], $0xffff;
	v21 =	vmax.f32 v22, v24;
	[tilespmem:s7+$0x19F90] =	vst v20  }
0x17d: {  	v12 =	vmax.f32 v15, v12;
	v11 =	vmax.f32 v23, v11;
	[tilespmem:s7+$0x19FA0] =	vst v21  }
0x17e: {  	v13 =	vmax.f32 v16, v13;
	v10 =	vmax.f32 v12, v10;
	[tilespmem:s7+$0x19FB0] =	vst v11  }
0x17f: {  	v8 =	vmax.f32 v13, v8;
	v11 =	vmax.f32 v17, v14;
	[tilespmem:s7+$0x19FC0] =	vst v10  }
0x180: {  	v10 =	vmax.f32 v18, v19;
	[tilespmem:s7+$0x19FD0] =	vst v8;
	v9 =	vmax.f32 v11, v9  }
0x181: {  	v7 =	vmax.f32 v10, v7;
	[tilespmem:s7+$0x19FE0] =	vst v9  }
0x182: {  	[tilespmem:s7+$0x1A000] =	vst v7  }
0x183: {  	s7 =	sld [smem:$0x7FD];
	_ =	sdelay $0x2  }
0x184: {  	[hbm4b:s7+s23] =	stream.strided.scatter [tilespmem:s31], [sflag:$0x5], $0x2000, s24, s23, $0x38;
	[tilespmem:$0x1C000] =	vst v63  }
0x185: {  	_ = 	snop  }
0x186: {  	[tilespmem:s1], [sflag:$0x1] =	stream.strided.gather [hbm4b:s17+s23], $0x8000, s24, s23, $0x38;
	[tilespmem:$0x1C000] =	vst v63  }
0x187: {  	s8 =	simm.s32 $0x1C0;
	_ =	swait.ge [sflag:s30], $0x8000  }
0x188: {  	s15 =	simm.s32 $0x180;
	v7 =	vor.u32 s8, v0;
	[sflag:s30] =	ssyncset.done $0x0  }
0x189: {  	v8 =	vor.u32 s15, v0;
	[sflag:s30] =	ssyncadd.s32 $0xFFFF8000  }
0x18a: {  	v9 =	vor.u32 s15, v1;
	_ =	swait.ge [sflag:s4], $0x2000  }
0x18b: {  	v10 =	vor.u32 s15, v2;
	[sflag:s4] =	ssyncset.done $0x0  }
0x18c: {  	s9 =	simm.s32 $0x0;
	v11 =	vor.u32 s15, v3;
	[sflag:s4] =	ssyncadd.s32 $0xFFFFE000  }
0x18d: {  	s16 =	simm.s32 $0x40;
	v12 =	vor.u32 s9, v0;
	v18 =	vld.idx.msk [tilespmem:v7+s25+$0x0], $0xffff  }
0x18e: {  	v13 =	vor.u32 s16, v0;
	v8 =	vld.idx.msk [tilespmem:v8+s25+$0x0], $0xffff  }
0x18f: {  	s10 =	simm.s32 $0x80;
	v14 =	vor.u32 s16, v4;
	v9 =	vld.idx.msk [tilespmem:v9+s25+$0x0], $0xffff  }
0x190: {  	s13 =	simm.s32 $0x140;
	v15 =	vor.u32 s10, v0;
	v10 =	vld.idx.msk [tilespmem:v10+s25+$0x0], $0xffff  }
0x191: {  	v22 =	vor.u32 s13, v0;
	v16 =	vld.idx.msk [tilespmem:v11+s25+$0x0], $0xffff  }
0x192: {  	v7 =	vor.u32 s9, v1;
	v17 =	vld.idx.msk [tilespmem:v12+s25+$0x0], $0xffff  }
0x193: {  	s11 =	simm.s32 $0xC0;
	v11 =	vor.u32 s10, v1;
	v20 =	vld.idx.msk [tilespmem:v13+s25+$0x0], $0xffff  }
0x194: {  	s12 =	simm.s32 $0x100;
	v12 =	vor.u32 s11, v0;
	v21 =	vld.idx.msk [tilespmem:v14+s25+$0x0], $0xffff  }
0x195: {  	v13 =	vor.u32 s12, v0;
	v15 =	vld.idx.msk [tilespmem:v15+s25+$0x0], $0xffff  }
0x196: {  	v14 =	vor.u32 s12, v1;
	v22 =	vld.idx.msk [tilespmem:v22+s25+$0x0], $0xffff  }
0x197: {  	v36 =	vor.u32 s9, v3;
	v19 =	vld.idx.msk [tilespmem:v7+s25+$0x0], $0xffff  }
0x198: {  	v7 =	vor.u32 s11, v4;
	v23 =	vld.idx.msk [tilespmem:v11+s25+$0x0], $0xffff  }
0x199: {  	v11 =	vor.u32 s13, v4;
	v24 =	vld.idx.msk [tilespmem:v12+s25+$0x0], $0xffff  }
0x19a: {  	v12 =	vor.u32 s8, v4;
	v26 =	vld.idx.msk [tilespmem:v13+s25+$0x0], $0xffff  }
0x19b: {  	v13 =	vor.u32 s16, v5;
	v27 =	vld.idx.msk [tilespmem:v14+s25+$0x0], $0xffff  }
0x19c: {  	v14 =	vor.u32 s10, v2;
	v63 =	vmax.f32 v20, v21;
	v21 =	vld.idx.msk [tilespmem:v36+s25+$0x0], $0xffff  }
0x19d: {  	v25 =	vld.idx.msk [tilespmem:v7+s25+$0x0], $0xffff;
	v7 =	vor.u32 s9, v2  }
0x19e: {  	v28 =	vor.u32 s11, v5;
	v29 =	vld.idx.msk [tilespmem:v11+s25+$0x0], $0xffff  }
0x19f: {  	v30 =	vor.u32 s12, v2;
	v31 =	vld.idx.msk [tilespmem:v12+s25+$0x0], $0xffff  }
0x1a0: {  	v34 =	vor.u32 s8, v5;
	v35 =	vld.idx.msk [tilespmem:v13+s25+$0x0], $0xffff  }
0x1a1: {  	v38 =	vor.u32 s16, v6;
	v37 =	vld.idx.msk [tilespmem:v14+s25+$0x0], $0xffff  }
0x1a2: {  	v32 =	vor.u32 s13, v5;
	v11 =	vor.u32 s10, v3;
	v62 =	vmax.f32 v17, v19;
	v33 =	vld.idx.msk [tilespmem:v7+s25+$0x0], $0xffff  }
0x1a3: {  	v12 =	vld.idx.msk [tilespmem:v28+s25+$0x0], $0xffff;
	v23 =	vmax.f32 v15, v23;
	v7 =	vmax.f32 v8, v9;
	v8 =	vor.u32 s12, v3  }
0x1a4: {  	v13 =	vld.idx.msk [tilespmem:v30+s25+$0x0], $0xffff;
	v9 =	vor.u32 s13, v6;
	v7 =	vmax.f32 v7, v10;
	v10 =	vor.u32 s11, v6  }
0x1a5: {  	v19 =	vld.idx.msk [tilespmem:v34+s25+$0x0], $0xffff;
	v15 =	vmax.f32 v24, v25;
	v17 =	vmax.f32 v22, v29;
	v18 =	vmax.f32 v18, v31  }
0x1a6: {  	s7 =	simm.s32 $0x70;
	v22 =	vmax.f32 v63, v35;
	v24 =	vld.idx.msk [tilespmem:v38+s25+$0x0], $0xffff;
	v23 =	vmax.f32 v23, v37;
	v14 =	vmax.f32 v7, v16  }
0x1a7: {  	s9 =	simm.s32 $0x3C0;
	v7 =	vor.u32 s8, v6;
	v16 =	vmax.f32 v26, v27;
	s8 =	simm.s32 $0x0;
	[tilespmem:s7+$0x17FF0] =	vst v14;
	v14 =	vld.idx.msk [tilespmem:v32+s25+$0x0], $0xffff;
	v20 =	vmax.f32 v62, v33  }
.LBB2_10:
0x1a8: {  	s10 =	sadd.s32 $0xFFFFFE80, s9;
	s11 =	sadd.s32 $0xFFFFFEC0, s9;
	s12 =	sadd.s32 $0xFFFFFFC0, s9;
	v25 =	vor.u32 s9, v0;
	v26 =	vor.u32 s9, v4;
	v27 =	vor.u32 s9, v5;
	v28 =	vld.idx.msk [tilespmem:v11+s25+$0x0], $0xffff  }
0x1a9: {  	s13 =	sadd.s32 $0xFFFFFF00, s9;
	s14 =	sadd.s32 $0xFFFFFF40, s9;
	s8 =	sadd.s32 $0x8, s8;
	v29 =	vor.u32 s10, v0;
	v30 =	vor.u32 s10, v4;
	v11 =	vor.u32 s12, v0;
	v31 =	vld.idx.msk [tilespmem:v10+s25+$0x0], $0xffff  }
0x1aa: {  	s15 =	sadd.s32 $0xFFFFFE40, s9;
	s16 =	sadd.s32 $0xFFFFFF80, s9;
	v32 =	vor.u32 s11, v0;
	v33 =	vor.u32 s11, v1;
	v10 =	vor.u32 s12, v1;
	p0 =	slt.u32 s8, $0x1F8;
	v34 =	vld.idx.msk [tilespmem:v8+s25+$0x0], $0xffff  }
0x1ab: {  	v35 =	vor.u32 s15, v0;
	v36 =	vor.u32 s15, v1;
	v8 =	vor.u32 s12, v2;
	v37 =	vld.idx.msk [tilespmem:v9+s25+$0x0], $0xffff  }
0x1ac: {  	v38 =	vor.u32 s13, v0;
	v39 =	vor.u32 s13, v4;
	v9 =	vor.u32 s12, v3;
	v40 =	vld.idx.msk [tilespmem:v7+s25+$0x0], $0xffff  }
0x1ad: {  	v41 =	vor.u32 s14, v0;
	v42 =	vor.u32 s14, v1;
	v43 =	vor.u32 s16, v0;
	v25 =	vld.idx.msk [tilespmem:v25+s25+$0x0], $0xffff  }
0x1ae: {  	v44 =	vor.u32 s15, v2;
	v45 =	vor.u32 s10, v5;
	v46 =	vor.u32 s16, v4;
	v47 =	vld.idx.msk [tilespmem:v11+s25+$0x0], $0xffff  }
0x1af: {  	v48 =	vor.u32 s11, v2;
	v49 =	vor.u32 s13, v5;
	v50 =	vor.u32 s14, v2;
	v51 =	vld.idx.msk [tilespmem:v10+s25+$0x0], $0xffff  }
0x1b0: {  	v52 =	vor.u32 s15, v3;
	v53 =	vor.u32 s10, v6;
	v54 =	vor.u32 s16, v5;
	v55 =	vld.idx.msk [tilespmem:v8+s25+$0x0], $0xffff  }
0x1b1: {  	v11 =	vor.u32 s11, v3;
	v10 =	vor.u32 s13, v6;
	v8 =	vor.u32 s14, v3;
	v56 =	vld.idx.msk [tilespmem:v9+s25+$0x0], $0xffff  }
0x1b2: {  	v12 =	vmax.f32 v15, v12;
	v7 =	vor.u32 s9, v6;
	v9 =	vor.u32 s16, v6;
	v35 =	vld.idx.msk [tilespmem:v35+s25+$0x0], $0xffff  }
0x1b3: {  	v13 =	vmax.f32 v16, v13;
	v14 =	vmax.f32 v17, v14;
	v16 =	vmax.f32 v18, v19;
	v15 =	vld.idx.msk [tilespmem:v36+s25+$0x0], $0xffff  }
0x1b4: {  	v18 =	vmax.f32 v20, v21;
	v19 =	vmax.f32 v22, v24;
	v20 =	vmax.f32 v23, v28;
	v17 =	vld.idx.msk [tilespmem:v29+s25+$0x0], $0xffff  }
0x1b5: {  	v12 =	vmax.f32 v12, v31;
	v13 =	vmax.f32 v13, v34;
	v22 =	vmax.f32 v47, v51;
	v21 =	vld.idx.msk [tilespmem:v30+s25+$0x0], $0xffff  }
0x1b6: {  	v14 =	vmax.f32 v14, v37;
	v16 =	vmax.f32 v16, v40;
	v22 =	vmax.f32 v22, v55;
	v23 =	vld.idx.msk [tilespmem:v32+s25+$0x0], $0xffff  }
0x1b7: {  	s10 =	sshra.s32 s9, $0x2;
	v22 =	vmax.f32 v22, v56;
	v24 =	vld.idx.msk [tilespmem:v33+s25+$0x0], $0xffff;
	[tilespmem:s7+$0x17F90] =	vst v18  }
0x1b8: {  	v18 =	vld.idx.msk [tilespmem:v38+s25+$0x0], $0xffff;
	[tilespmem:s10+$0x17FF0] =	vst v22  }
0x1b9: {  	v22 =	vmax.f32 v35, v15;
	v15 =	vld.idx.msk [tilespmem:v39+s25+$0x0], $0xffff;
	[tilespmem:s7+$0x17FA0] =	vst v19  }
0x1ba: {  	v19 =	vld.idx.msk [tilespmem:v41+s25+$0x0], $0xffff;
	[tilespmem:s7+$0x17FB0] =	vst v20  }
0x1bb: {  	v28 =	vmax.f32 v17, v21;
	v17 =	vld.idx.msk [tilespmem:v42+s25+$0x0], $0xffff;
	[tilespmem:s7+$0x17FC0] =	vst v12  }
0x1bc: {  	v20 =	vld.idx.msk [tilespmem:v43+s25+$0x0], $0xffff;
	[tilespmem:s7+$0x17FD0] =	vst v13  }
0x1bd: {  	v23 =	vmax.f32 v23, v24;
	v21 =	vld.idx.msk [tilespmem:v46+s25+$0x0], $0xffff;
	[tilespmem:s7+$0x17FE0] =	vst v14  }
0x1be: {  	v24 =	vld.idx.msk [tilespmem:v26+s25+$0x0], $0xffff;
	[tilespmem:s7+$0x18000] =	vst v16;
	s7 =	smov.u32 s10  }
0x1bf: {  	v15 =	vmax.f32 v18, v15;
	v26 =	vld.idx.msk [tilespmem:v44+s25+$0x0], $0xffff  }
0x1c0: {  	v29 =	vld.idx.msk [tilespmem:v45+s25+$0x0], $0xffff  }
0x1c1: {  	v16 =	vmax.f32 v19, v17;
	v30 =	vld.idx.msk [tilespmem:v48+s25+$0x0], $0xffff  }
0x1c2: {  	v12 =	vld.idx.msk [tilespmem:v49+s25+$0x0], $0xffff  }
.Ltmp4:
0x1c3: {  	v17 =	vmax.f32 v20, v21;
	v13 =	vld.idx.msk [tilespmem:v50+s25+$0x0], $0xffff;
	(pc) =	sbr.rel @p0 .LBB2_10-.Ltmp4, $4  }
0x1c4: {  	v18 =	vmax.f32 v25, v24;
	v14 =	vld.idx.msk [tilespmem:v54+s25+$0x0], $0xffff  }
0x1c5: {  	v20 =	vmax.f32 v22, v26;
	v19 =	vld.idx.msk [tilespmem:v27+s25+$0x0], $0xffff  }
0x1c6: {  	v22 =	vmax.f32 v28, v29;
	v21 =	vld.idx.msk [tilespmem:v52+s25+$0x0], $0xffff  }
0x1c7: {  	s9 =	sadd.s32 $0x200, s9;
	v23 =	vmax.f32 v23, v30;
	v24 =	vld.idx.msk [tilespmem:v53+s25+$0x0], $0xffff  }
0x1c8: {  	_ =	sdelay $0x3  }
0x1c9: {  	v11 =	vld.idx.msk [tilespmem:v11+s25+$0x0], $0xffff  }
0x1ca: {  	v10 =	vld.idx.msk [tilespmem:v10+s25+$0x0], $0xffff  }
0x1cb: {  	v8 =	vld.idx.msk [tilespmem:v8+s25+$0x0], $0xffff  }
0x1cc: {  	v9 =	vld.idx.msk [tilespmem:v9+s25+$0x0], $0xffff;
	v20 =	vmax.f32 v20, v21  }
0x1cd: {  	v7 =	vld.idx.msk [tilespmem:v7+s25+$0x0], $0xffff;
	v21 =	vmax.f32 v22, v24;
	[tilespmem:s7+$0x17F90] =	vst v20  }
0x1ce: {  	v12 =	vmax.f32 v15, v12;
	v11 =	vmax.f32 v23, v11;
	[tilespmem:s7+$0x17FA0] =	vst v21  }
0x1cf: {  	v13 =	vmax.f32 v16, v13;
	v10 =	vmax.f32 v12, v10;
	[tilespmem:s7+$0x17FB0] =	vst v11  }
0x1d0: {  	v8 =	vmax.f32 v13, v8;
	v11 =	vmax.f32 v17, v14;
	[tilespmem:s7+$0x17FC0] =	vst v10  }
0x1d1: {  	v10 =	vmax.f32 v18, v19;
	[tilespmem:s7+$0x17FD0] =	vst v8;
	v9 =	vmax.f32 v11, v9  }
0x1d2: {  	v7 =	vmax.f32 v10, v7;
	[tilespmem:s7+$0x17FE0] =	vst v9  }
0x1d3: {  	[tilespmem:s7+$0x18000] =	vst v7  }
0x1d4: {  	[hbm4b:s18+s23] =	stream.strided.scatter [tilespmem:s29], [sflag:$0x4], $0x2000, s24, s23, $0x38;
	[tilespmem:$0x1C000] =	vst v63  }
0x1d5: {  	_ = 	snop  }
0x1d6: {  	[tilespmem:s25], [sflag:$0x2] =	stream.strided.gather [hbm4b:s19+s23], $0x8000, s24, s23, $0x38;
	[tilespmem:$0x1C000] =	vst v63  }
0x1d7: {  	s8 =	simm.s32 $0x1C0;
	_ =	swait.ge [sflag:s0], $0x8000  }
0x1d8: {  	s15 =	simm.s32 $0x180;
	v7 =	vor.u32 s8, v0;
	[sflag:s0] =	ssyncset.done $0x0  }
0x1d9: {  	v8 =	vor.u32 s15, v0;
	[sflag:s0] =	ssyncadd.s32 $0xFFFF8000  }
0x1da: {  	v9 =	vor.u32 s15, v1;
	_ =	swait.ge [sflag:s5], $0x2000  }
0x1db: {  	v10 =	vor.u32 s15, v2;
	[sflag:s5] =	ssyncset.done $0x0  }
0x1dc: {  	s9 =	simm.s32 $0x0;
	v11 =	vor.u32 s15, v3;
	[sflag:s5] =	ssyncadd.s32 $0xFFFFE000  }
0x1dd: {  	s16 =	simm.s32 $0x40;
	v12 =	vor.u32 s9, v0;
	v18 =	vld.idx.msk [tilespmem:v7+s26+$0x0], $0xffff  }
0x1de: {  	v13 =	vor.u32 s16, v0;
	v8 =	vld.idx.msk [tilespmem:v8+s26+$0x0], $0xffff  }
0x1df: {  	s10 =	simm.s32 $0x80;
	v14 =	vor.u32 s16, v4;
	v9 =	vld.idx.msk [tilespmem:v9+s26+$0x0], $0xffff  }
0x1e0: {  	s13 =	simm.s32 $0x140;
	v15 =	vor.u32 s10, v0;
	v10 =	vld.idx.msk [tilespmem:v10+s26+$0x0], $0xffff  }
0x1e1: {  	v22 =	vor.u32 s13, v0;
	v16 =	vld.idx.msk [tilespmem:v11+s26+$0x0], $0xffff  }
0x1e2: {  	v7 =	vor.u32 s9, v1;
	v17 =	vld.idx.msk [tilespmem:v12+s26+$0x0], $0xffff  }
0x1e3: {  	s11 =	simm.s32 $0xC0;
	v11 =	vor.u32 s10, v1;
	v20 =	vld.idx.msk [tilespmem:v13+s26+$0x0], $0xffff  }
0x1e4: {  	s12 =	simm.s32 $0x100;
	v12 =	vor.u32 s11, v0;
	v21 =	vld.idx.msk [tilespmem:v14+s26+$0x0], $0xffff  }
0x1e5: {  	v13 =	vor.u32 s12, v0;
	v15 =	vld.idx.msk [tilespmem:v15+s26+$0x0], $0xffff  }
0x1e6: {  	v14 =	vor.u32 s12, v1;
	v22 =	vld.idx.msk [tilespmem:v22+s26+$0x0], $0xffff  }
0x1e7: {  	v36 =	vor.u32 s9, v3;
	v19 =	vld.idx.msk [tilespmem:v7+s26+$0x0], $0xffff  }
0x1e8: {  	v7 =	vor.u32 s11, v4;
	v23 =	vld.idx.msk [tilespmem:v11+s26+$0x0], $0xffff  }
0x1e9: {  	v11 =	vor.u32 s13, v4;
	v24 =	vld.idx.msk [tilespmem:v12+s26+$0x0], $0xffff  }
0x1ea: {  	v12 =	vor.u32 s8, v4;
	v26 =	vld.idx.msk [tilespmem:v13+s26+$0x0], $0xffff  }
0x1eb: {  	v13 =	vor.u32 s16, v5;
	v27 =	vld.idx.msk [tilespmem:v14+s26+$0x0], $0xffff  }
0x1ec: {  	v14 =	vor.u32 s10, v2;
	v63 =	vmax.f32 v20, v21;
	v21 =	vld.idx.msk [tilespmem:v36+s26+$0x0], $0xffff  }
0x1ed: {  	v25 =	vld.idx.msk [tilespmem:v7+s26+$0x0], $0xffff;
	v7 =	vor.u32 s9, v2  }
0x1ee: {  	v28 =	vor.u32 s11, v5;
	v29 =	vld.idx.msk [tilespmem:v11+s26+$0x0], $0xffff  }
0x1ef: {  	v30 =	vor.u32 s12, v2;
	v31 =	vld.idx.msk [tilespmem:v12+s26+$0x0], $0xffff  }
0x1f0: {  	v34 =	vor.u32 s8, v5;
	v35 =	vld.idx.msk [tilespmem:v13+s26+$0x0], $0xffff  }
0x1f1: {  	v38 =	vor.u32 s16, v6;
	v37 =	vld.idx.msk [tilespmem:v14+s26+$0x0], $0xffff  }
0x1f2: {  	v32 =	vor.u32 s13, v5;
	v11 =	vor.u32 s10, v3;
	v62 =	vmax.f32 v17, v19;
	v33 =	vld.idx.msk [tilespmem:v7+s26+$0x0], $0xffff  }
0x1f3: {  	v12 =	vld.idx.msk [tilespmem:v28+s26+$0x0], $0xffff;
	v23 =	vmax.f32 v15, v23;
	v7 =	vmax.f32 v8, v9;
	v8 =	vor.u32 s12, v3  }
0x1f4: {  	v13 =	vld.idx.msk [tilespmem:v30+s26+$0x0], $0xffff;
	v9 =	vor.u32 s13, v6;
	v7 =	vmax.f32 v7, v10;
	v10 =	vor.u32 s11, v6  }
0x1f5: {  	v19 =	vld.idx.msk [tilespmem:v34+s26+$0x0], $0xffff;
	v15 =	vmax.f32 v24, v25;
	v17 =	vmax.f32 v22, v29;
	v18 =	vmax.f32 v18, v31  }
0x1f6: {  	s7 =	simm.s32 $0x70;
	v22 =	vmax.f32 v63, v35;
	v24 =	vld.idx.msk [tilespmem:v38+s26+$0x0], $0xffff;
	v23 =	vmax.f32 v23, v37;
	v14 =	vmax.f32 v7, v16  }
0x1f7: {  	s9 =	simm.s32 $0x3C0;
	v7 =	vor.u32 s8, v6;
	v16 =	vmax.f32 v26, v27;
	s8 =	simm.s32 $0x0;
	[tilespmem:s7+$0x19FF0] =	vst v14;
	v14 =	vld.idx.msk [tilespmem:v32+s26+$0x0], $0xffff;
	v20 =	vmax.f32 v62, v33  }
.LBB2_12:
0x1f8: {  	s10 =	sadd.s32 $0xFFFFFE80, s9;
	s11 =	sadd.s32 $0xFFFFFEC0, s9;
	s12 =	sadd.s32 $0xFFFFFFC0, s9;
	v25 =	vor.u32 s9, v0;
	v26 =	vor.u32 s9, v4;
	v27 =	vor.u32 s9, v5;
	v28 =	vld.idx.msk [tilespmem:v11+s26+$0x0], $0xffff  }
0x1f9: {  	s13 =	sadd.s32 $0xFFFFFF00, s9;
	s14 =	sadd.s32 $0xFFFFFF40, s9;
	s8 =	sadd.s32 $0x8, s8;
	v29 =	vor.u32 s10, v0;
	v30 =	vor.u32 s10, v4;
	v11 =	vor.u32 s12, v0;
	v31 =	vld.idx.msk [tilespmem:v10+s26+$0x0], $0xffff  }
0x1fa: {  	s15 =	sadd.s32 $0xFFFFFE40, s9;
	s16 =	sadd.s32 $0xFFFFFF80, s9;
	v32 =	vor.u32 s11, v0;
	v33 =	vor.u32 s11, v1;
	v10 =	vor.u32 s12, v1;
	p0 =	slt.u32 s8, $0x1F8;
	v34 =	vld.idx.msk [tilespmem:v8+s26+$0x0], $0xffff  }
0x1fb: {  	v35 =	vor.u32 s15, v0;
	v36 =	vor.u32 s15, v1;
	v8 =	vor.u32 s12, v2;
	v37 =	vld.idx.msk [tilespmem:v9+s26+$0x0], $0xffff  }
0x1fc: {  	v38 =	vor.u32 s13, v0;
	v39 =	vor.u32 s13, v4;
	v9 =	vor.u32 s12, v3;
	v40 =	vld.idx.msk [tilespmem:v7+s26+$0x0], $0xffff  }
0x1fd: {  	v41 =	vor.u32 s14, v0;
	v42 =	vor.u32 s14, v1;
	v43 =	vor.u32 s16, v0;
	v25 =	vld.idx.msk [tilespmem:v25+s26+$0x0], $0xffff  }
0x1fe: {  	v44 =	vor.u32 s15, v2;
	v45 =	vor.u32 s10, v5;
	v46 =	vor.u32 s16, v4;
	v47 =	vld.idx.msk [tilespmem:v11+s26+$0x0], $0xffff  }
0x1ff: {  	v48 =	vor.u32 s11, v2;
	v49 =	vor.u32 s13, v5;
	v50 =	vor.u32 s14, v2;
	v51 =	vld.idx.msk [tilespmem:v10+s26+$0x0], $0xffff  }
0x200: {  	v52 =	vor.u32 s15, v3;
	v53 =	vor.u32 s10, v6;
	v54 =	vor.u32 s16, v5;
	v55 =	vld.idx.msk [tilespmem:v8+s26+$0x0], $0xffff  }
0x201: {  	v11 =	vor.u32 s11, v3;
	v10 =	vor.u32 s13, v6;
	v8 =	vor.u32 s14, v3;
	v56 =	vld.idx.msk [tilespmem:v9+s26+$0x0], $0xffff  }
0x202: {  	v12 =	vmax.f32 v15, v12;
	v7 =	vor.u32 s9, v6;
	v9 =	vor.u32 s16, v6;
	v35 =	vld.idx.msk [tilespmem:v35+s26+$0x0], $0xffff  }
0x203: {  	v13 =	vmax.f32 v16, v13;
	v14 =	vmax.f32 v17, v14;
	v16 =	vmax.f32 v18, v19;
	v15 =	vld.idx.msk [tilespmem:v36+s26+$0x0], $0xffff  }
0x204: {  	v18 =	vmax.f32 v20, v21;
	v19 =	vmax.f32 v22, v24;
	v20 =	vmax.f32 v23, v28;
	v17 =	vld.idx.msk [tilespmem:v29+s26+$0x0], $0xffff  }
0x205: {  	v12 =	vmax.f32 v12, v31;
	v13 =	vmax.f32 v13, v34;
	v22 =	vmax.f32 v47, v51;
	v21 =	vld.idx.msk [tilespmem:v30+s26+$0x0], $0xffff  }
0x206: {  	v14 =	vmax.f32 v14, v37;
	v16 =	vmax.f32 v16, v40;
	v22 =	vmax.f32 v22, v55;
	v23 =	vld.idx.msk [tilespmem:v32+s26+$0x0], $0xffff  }
0x207: {  	s10 =	sshra.s32 s9, $0x2;
	v22 =	vmax.f32 v22, v56;
	v24 =	vld.idx.msk [tilespmem:v33+s26+$0x0], $0xffff;
	[tilespmem:s7+$0x19F90] =	vst v18  }
0x208: {  	v18 =	vld.idx.msk [tilespmem:v38+s26+$0x0], $0xffff;
	[tilespmem:s10+$0x19FF0] =	vst v22  }
0x209: {  	v22 =	vmax.f32 v35, v15;
	v15 =	vld.idx.msk [tilespmem:v39+s26+$0x0], $0xffff;
	[tilespmem:s7+$0x19FA0] =	vst v19  }
0x20a: {  	v19 =	vld.idx.msk [tilespmem:v41+s26+$0x0], $0xffff;
	[tilespmem:s7+$0x19FB0] =	vst v20  }
0x20b: {  	v28 =	vmax.f32 v17, v21;
	v17 =	vld.idx.msk [tilespmem:v42+s26+$0x0], $0xffff;
	[tilespmem:s7+$0x19FC0] =	vst v12  }
0x20c: {  	v20 =	vld.idx.msk [tilespmem:v43+s26+$0x0], $0xffff;
	[tilespmem:s7+$0x19FD0] =	vst v13  }
0x20d: {  	v23 =	vmax.f32 v23, v24;
	v21 =	vld.idx.msk [tilespmem:v46+s26+$0x0], $0xffff;
	[tilespmem:s7+$0x19FE0] =	vst v14  }
0x20e: {  	v24 =	vld.idx.msk [tilespmem:v26+s26+$0x0], $0xffff;
	[tilespmem:s7+$0x1A000] =	vst v16;
	s7 =	smov.u32 s10  }
0x20f: {  	v15 =	vmax.f32 v18, v15;
	v26 =	vld.idx.msk [tilespmem:v44+s26+$0x0], $0xffff  }
0x210: {  	v29 =	vld.idx.msk [tilespmem:v45+s26+$0x0], $0xffff  }
0x211: {  	v16 =	vmax.f32 v19, v17;
	v30 =	vld.idx.msk [tilespmem:v48+s26+$0x0], $0xffff  }
0x212: {  	v12 =	vld.idx.msk [tilespmem:v49+s26+$0x0], $0xffff  }
.Ltmp5:
0x213: {  	v17 =	vmax.f32 v20, v21;
	v13 =	vld.idx.msk [tilespmem:v50+s26+$0x0], $0xffff;
	(pc) =	sbr.rel @p0 .LBB2_12-.Ltmp5, $4  }
0x214: {  	v18 =	vmax.f32 v25, v24;
	v14 =	vld.idx.msk [tilespmem:v54+s26+$0x0], $0xffff  }
0x215: {  	v20 =	vmax.f32 v22, v26;
	v19 =	vld.idx.msk [tilespmem:v27+s26+$0x0], $0xffff  }
0x216: {  	v22 =	vmax.f32 v28, v29;
	v21 =	vld.idx.msk [tilespmem:v52+s26+$0x0], $0xffff  }
0x217: {  	s9 =	sadd.s32 $0x200, s9;
	v23 =	vmax.f32 v23, v30;
	v24 =	vld.idx.msk [tilespmem:v53+s26+$0x0], $0xffff  }
0x218: {  	_ =	sdelay $0x3  }
0x219: {  	v11 =	vld.idx.msk [tilespmem:v11+s26+$0x0], $0xffff  }
0x21a: {  	v10 =	vld.idx.msk [tilespmem:v10+s26+$0x0], $0xffff  }
0x21b: {  	v8 =	vld.idx.msk [tilespmem:v8+s26+$0x0], $0xffff  }
0x21c: {  	v9 =	vld.idx.msk [tilespmem:v9+s26+$0x0], $0xffff;
	v20 =	vmax.f32 v20, v21  }
0x21d: {  	v7 =	vld.idx.msk [tilespmem:v7+s26+$0x0], $0xffff;
	v21 =	vmax.f32 v22, v24;
	[tilespmem:s7+$0x19F90] =	vst v20  }
0x21e: {  	v12 =	vmax.f32 v15, v12;
	v11 =	vmax.f32 v23, v11;
	[tilespmem:s7+$0x19FA0] =	vst v21  }
0x21f: {  	v13 =	vmax.f32 v16, v13;
	v10 =	vmax.f32 v12, v10;
	[tilespmem:s7+$0x19FB0] =	vst v11  }
0x220: {  	v8 =	vmax.f32 v13, v8;
	v11 =	vmax.f32 v17, v14;
	[tilespmem:s7+$0x19FC0] =	vst v10  }
0x221: {  	v10 =	vmax.f32 v18, v19;
	[tilespmem:s7+$0x19FD0] =	vst v8;
	v9 =	vmax.f32 v11, v9  }
0x222: {  	v7 =	vmax.f32 v10, v7;
	[tilespmem:s7+$0x19FE0] =	vst v9  }
0x223: {  	[tilespmem:s7+$0x1A000] =	vst v7  }
0x224: {  	[hbm4b:s20+s23] =	stream.strided.scatter [tilespmem:s31], [sflag:$0x5], $0x2000, s24, s23, $0x38;
	[tilespmem:$0x1C000] =	vst v63  }
0x225: {  	s7 =	rddreg [dreg:$0x3]  }
0x226: {  	[tilespmem:s26], [sflag:$0x3] =	stream.strided.gather [hbm4b:s7+s23], $0x8000, s24, s23, $0x38;
	[tilespmem:$0x1C000] =	vst v63  }
0x227: {  	s8 =	simm.s32 $0x1C0;
	_ =	swait.ge [sflag:s28], $0x8000  }
0x228: {  	s15 =	simm.s32 $0x180;
	v7 =	vor.u32 s8, v0;
	[sflag:s28] =	ssyncset.done $0x0  }
0x229: {  	v8 =	vor.u32 s15, v0;
	[sflag:s28] =	ssyncadd.s32 $0xFFFF8000  }
0x22a: {  	v9 =	vor.u32 s15, v1;
	_ =	swait.ge [sflag:s4], $0x2000  }
0x22b: {  	v10 =	vor.u32 s15, v2;
	[sflag:s4] =	ssyncset.done $0x0  }
0x22c: {  	s9 =	simm.s32 $0x0;
	v11 =	vor.u32 s15, v3;
	[sflag:s4] =	ssyncadd.s32 $0xFFFFE000  }
0x22d: {  	s16 =	simm.s32 $0x40;
	v12 =	vor.u32 s9, v0;
	v18 =	vld.idx.msk [tilespmem:v7+s1+$0x0], $0xffff  }
0x22e: {  	v13 =	vor.u32 s16, v0;
	v8 =	vld.idx.msk [tilespmem:v8+s1+$0x0], $0xffff  }
0x22f: {  	s10 =	simm.s32 $0x80;
	v14 =	vor.u32 s16, v4;
	v9 =	vld.idx.msk [tilespmem:v9+s1+$0x0], $0xffff  }
0x230: {  	s13 =	simm.s32 $0x140;
	v15 =	vor.u32 s10, v0;
	v10 =	vld.idx.msk [tilespmem:v10+s1+$0x0], $0xffff  }
0x231: {  	v22 =	vor.u32 s13, v0;
	v16 =	vld.idx.msk [tilespmem:v11+s1+$0x0], $0xffff  }
0x232: {  	v7 =	vor.u32 s9, v1;
	v17 =	vld.idx.msk [tilespmem:v12+s1+$0x0], $0xffff  }
0x233: {  	s11 =	simm.s32 $0xC0;
	v11 =	vor.u32 s10, v1;
	v20 =	vld.idx.msk [tilespmem:v13+s1+$0x0], $0xffff  }
0x234: {  	s12 =	simm.s32 $0x100;
	v12 =	vor.u32 s11, v0;
	v21 =	vld.idx.msk [tilespmem:v14+s1+$0x0], $0xffff  }
0x235: {  	v13 =	vor.u32 s12, v0;
	v15 =	vld.idx.msk [tilespmem:v15+s1+$0x0], $0xffff  }
0x236: {  	v14 =	vor.u32 s12, v1;
	v22 =	vld.idx.msk [tilespmem:v22+s1+$0x0], $0xffff  }
0x237: {  	v36 =	vor.u32 s9, v3;
	v19 =	vld.idx.msk [tilespmem:v7+s1+$0x0], $0xffff  }
0x238: {  	v7 =	vor.u32 s11, v4;
	v23 =	vld.idx.msk [tilespmem:v11+s1+$0x0], $0xffff  }
0x239: {  	v11 =	vor.u32 s13, v4;
	v24 =	vld.idx.msk [tilespmem:v12+s1+$0x0], $0xffff  }
0x23a: {  	v12 =	vor.u32 s8, v4;
	v26 =	vld.idx.msk [tilespmem:v13+s1+$0x0], $0xffff  }
0x23b: {  	v13 =	vor.u32 s16, v5;
	v27 =	vld.idx.msk [tilespmem:v14+s1+$0x0], $0xffff  }
0x23c: {  	v14 =	vor.u32 s10, v2;
	v63 =	vmax.f32 v20, v21;
	v21 =	vld.idx.msk [tilespmem:v36+s1+$0x0], $0xffff  }
0x23d: {  	v25 =	vld.idx.msk [tilespmem:v7+s1+$0x0], $0xffff;
	v7 =	vor.u32 s9, v2  }
0x23e: {  	v28 =	vor.u32 s11, v5;
	v29 =	vld.idx.msk [tilespmem:v11+s1+$0x0], $0xffff  }
0x23f: {  	v30 =	vor.u32 s12, v2;
	v31 =	vld.idx.msk [tilespmem:v12+s1+$0x0], $0xffff  }
0x240: {  	v34 =	vor.u32 s8, v5;
	v35 =	vld.idx.msk [tilespmem:v13+s1+$0x0], $0xffff  }
0x241: {  	v38 =	vor.u32 s16, v6;
	v37 =	vld.idx.msk [tilespmem:v14+s1+$0x0], $0xffff  }
0x242: {  	v32 =	vor.u32 s13, v5;
	v11 =	vor.u32 s10, v3;
	v62 =	vmax.f32 v17, v19;
	v33 =	vld.idx.msk [tilespmem:v7+s1+$0x0], $0xffff  }
0x243: {  	v12 =	vld.idx.msk [tilespmem:v28+s1+$0x0], $0xffff;
	v23 =	vmax.f32 v15, v23;
	v7 =	vmax.f32 v8, v9;
	v8 =	vor.u32 s12, v3  }
0x244: {  	v13 =	vld.idx.msk [tilespmem:v30+s1+$0x0], $0xffff;
	v9 =	vor.u32 s13, v6;
	v7 =	vmax.f32 v7, v10;
	v10 =	vor.u32 s11, v6  }
0x245: {  	v19 =	vld.idx.msk [tilespmem:v34+s1+$0x0], $0xffff;
	v15 =	vmax.f32 v24, v25;
	v17 =	vmax.f32 v22, v29;
	v18 =	vmax.f32 v18, v31  }
0x246: {  	s7 =	simm.s32 $0x70;
	v22 =	vmax.f32 v63, v35;
	v24 =	vld.idx.msk [tilespmem:v38+s1+$0x0], $0xffff;
	v23 =	vmax.f32 v23, v37;
	v14 =	vmax.f32 v7, v16  }
0x247: {  	s9 =	simm.s32 $0x3C0;
	v7 =	vor.u32 s8, v6;
	v16 =	vmax.f32 v26, v27;
	s8 =	simm.s32 $0x0;
	[tilespmem:s7+$0x17FF0] =	vst v14;
	v14 =	vld.idx.msk [tilespmem:v32+s1+$0x0], $0xffff;
	v20 =	vmax.f32 v62, v33  }
.LBB2_14:
0x248: {  	s10 =	sadd.s32 $0xFFFFFE80, s9;
	s11 =	sadd.s32 $0xFFFFFEC0, s9;
	s12 =	sadd.s32 $0xFFFFFFC0, s9;
	v25 =	vor.u32 s9, v0;
	v26 =	vor.u32 s9, v4;
	v27 =	vor.u32 s9, v5;
	v28 =	vld.idx.msk [tilespmem:v11+s1+$0x0], $0xffff  }
0x249: {  	s13 =	sadd.s32 $0xFFFFFF00, s9;
	s14 =	sadd.s32 $0xFFFFFF40, s9;
	s8 =	sadd.s32 $0x8, s8;
	v29 =	vor.u32 s10, v0;
	v30 =	vor.u32 s10, v4;
	v11 =	vor.u32 s12, v0;
	v31 =	vld.idx.msk [tilespmem:v10+s1+$0x0], $0xffff  }
0x24a: {  	s15 =	sadd.s32 $0xFFFFFE40, s9;
	s16 =	sadd.s32 $0xFFFFFF80, s9;
	v32 =	vor.u32 s11, v0;
	v33 =	vor.u32 s11, v1;
	v10 =	vor.u32 s12, v1;
	p0 =	slt.u32 s8, $0x1F8;
	v34 =	vld.idx.msk [tilespmem:v8+s1+$0x0], $0xffff  }
0x24b: {  	v35 =	vor.u32 s15, v0;
	v36 =	vor.u32 s15, v1;
	v8 =	vor.u32 s12, v2;
	v37 =	vld.idx.msk [tilespmem:v9+s1+$0x0], $0xffff  }
0x24c: {  	v38 =	vor.u32 s13, v0;
	v39 =	vor.u32 s13, v4;
	v9 =	vor.u32 s12, v3;
	v40 =	vld.idx.msk [tilespmem:v7+s1+$0x0], $0xffff  }
0x24d: {  	v41 =	vor.u32 s14, v0;
	v42 =	vor.u32 s14, v1;
	v43 =	vor.u32 s16, v0;
	v25 =	vld.idx.msk [tilespmem:v25+s1+$0x0], $0xffff  }
0x24e: {  	v44 =	vor.u32 s15, v2;
	v45 =	vor.u32 s10, v5;
	v46 =	vor.u32 s16, v4;
	v47 =	vld.idx.msk [tilespmem:v11+s1+$0x0], $0xffff  }
0x24f: {  	v48 =	vor.u32 s11, v2;
	v49 =	vor.u32 s13, v5;
	v50 =	vor.u32 s14, v2;
	v51 =	vld.idx.msk [tilespmem:v10+s1+$0x0], $0xffff  }
0x250: {  	v52 =	vor.u32 s15, v3;
	v53 =	vor.u32 s10, v6;
	v54 =	vor.u32 s16, v5;
	v55 =	vld.idx.msk [tilespmem:v8+s1+$0x0], $0xffff  }
0x251: {  	v11 =	vor.u32 s11, v3;
	v10 =	vor.u32 s13, v6;
	v8 =	vor.u32 s14, v3;
	v56 =	vld.idx.msk [tilespmem:v9+s1+$0x0], $0xffff  }
0x252: {  	v12 =	vmax.f32 v15, v12;
	v7 =	vor.u32 s9, v6;
	v9 =	vor.u32 s16, v6;
	v35 =	vld.idx.msk [tilespmem:v35+s1+$0x0], $0xffff  }
0x253: {  	v13 =	vmax.f32 v16, v13;
	v14 =	vmax.f32 v17, v14;
	v16 =	vmax.f32 v18, v19;
	v15 =	vld.idx.msk [tilespmem:v36+s1+$0x0], $0xffff  }
0x254: {  	v18 =	vmax.f32 v20, v21;
	v19 =	vmax.f32 v22, v24;
	v20 =	vmax.f32 v23, v28;
	v17 =	vld.idx.msk [tilespmem:v29+s1+$0x0], $0xffff  }
0x255: {  	v12 =	vmax.f32 v12, v31;
	v13 =	vmax.f32 v13, v34;
	v22 =	vmax.f32 v47, v51;
	v21 =	vld.idx.msk [tilespmem:v30+s1+$0x0], $0xffff  }
0x256: {  	v14 =	vmax.f32 v14, v37;
	v16 =	vmax.f32 v16, v40;
	v22 =	vmax.f32 v22, v55;
	v23 =	vld.idx.msk [tilespmem:v32+s1+$0x0], $0xffff  }
0x257: {  	s10 =	sshra.s32 s9, $0x2;
	v22 =	vmax.f32 v22, v56;
	v24 =	vld.idx.msk [tilespmem:v33+s1+$0x0], $0xffff;
	[tilespmem:s7+$0x17F90] =	vst v18  }
0x258: {  	v18 =	vld.idx.msk [tilespmem:v38+s1+$0x0], $0xffff;
	[tilespmem:s10+$0x17FF0] =	vst v22  }
0x259: {  	v22 =	vmax.f32 v35, v15;
	v15 =	vld.idx.msk [tilespmem:v39+s1+$0x0], $0xffff;
	[tilespmem:s7+$0x17FA0] =	vst v19  }
0x25a: {  	v19 =	vld.idx.msk [tilespmem:v41+s1+$0x0], $0xffff;
	[tilespmem:s7+$0x17FB0] =	vst v20  }
0x25b: {  	v28 =	vmax.f32 v17, v21;
	v17 =	vld.idx.msk [tilespmem:v42+s1+$0x0], $0xffff;
	[tilespmem:s7+$0x17FC0] =	vst v12  }
0x25c: {  	v20 =	vld.idx.msk [tilespmem:v43+s1+$0x0], $0xffff;
	[tilespmem:s7+$0x17FD0] =	vst v13  }
0x25d: {  	v23 =	vmax.f32 v23, v24;
	v21 =	vld.idx.msk [tilespmem:v46+s1+$0x0], $0xffff;
	[tilespmem:s7+$0x17FE0] =	vst v14  }
0x25e: {  	v24 =	vld.idx.msk [tilespmem:v26+s1+$0x0], $0xffff;
	[tilespmem:s7+$0x18000] =	vst v16;
	s7 =	smov.u32 s10  }
0x25f: {  	v15 =	vmax.f32 v18, v15;
	v26 =	vld.idx.msk [tilespmem:v44+s1+$0x0], $0xffff  }
0x260: {  	v29 =	vld.idx.msk [tilespmem:v45+s1+$0x0], $0xffff  }
0x261: {  	v16 =	vmax.f32 v19, v17;
	v30 =	vld.idx.msk [tilespmem:v48+s1+$0x0], $0xffff  }
0x262: {  	v12 =	vld.idx.msk [tilespmem:v49+s1+$0x0], $0xffff  }
.Ltmp6:
0x263: {  	v17 =	vmax.f32 v20, v21;
	v13 =	vld.idx.msk [tilespmem:v50+s1+$0x0], $0xffff;
	(pc) =	sbr.rel @p0 .LBB2_14-.Ltmp6, $4  }
0x264: {  	v18 =	vmax.f32 v25, v24;
	v14 =	vld.idx.msk [tilespmem:v54+s1+$0x0], $0xffff  }
0x265: {  	v20 =	vmax.f32 v22, v26;
	v19 =	vld.idx.msk [tilespmem:v27+s1+$0x0], $0xffff  }
0x266: {  	v22 =	vmax.f32 v28, v29;
	v21 =	vld.idx.msk [tilespmem:v52+s1+$0x0], $0xffff  }
0x267: {  	s9 =	sadd.s32 $0x200, s9;
	v23 =	vmax.f32 v23, v30;
	v24 =	vld.idx.msk [tilespmem:v53+s1+$0x0], $0xffff  }
0x268: {  	_ =	sdelay $0x3  }
0x269: {  	v11 =	vld.idx.msk [tilespmem:v11+s1+$0x0], $0xffff  }
0x26a: {  	v10 =	vld.idx.msk [tilespmem:v10+s1+$0x0], $0xffff  }
0x26b: {  	v8 =	vld.idx.msk [tilespmem:v8+s1+$0x0], $0xffff  }
0x26c: {  	v9 =	vld.idx.msk [tilespmem:v9+s1+$0x0], $0xffff;
	v20 =	vmax.f32 v20, v21  }
0x26d: {  	v7 =	vld.idx.msk [tilespmem:v7+s1+$0x0], $0xffff;
	v21 =	vmax.f32 v22, v24;
	[tilespmem:s7+$0x17F90] =	vst v20  }
0x26e: {  	v12 =	vmax.f32 v15, v12;
	v11 =	vmax.f32 v23, v11;
	[tilespmem:s7+$0x17FA0] =	vst v21  }
0x26f: {  	v13 =	vmax.f32 v16, v13;
	v10 =	vmax.f32 v12, v10;
	[tilespmem:s7+$0x17FB0] =	vst v11  }
0x270: {  	v8 =	vmax.f32 v13, v8;
	v11 =	vmax.f32 v17, v14;
	[tilespmem:s7+$0x17FC0] =	vst v10  }
0x271: {  	v10 =	vmax.f32 v18, v19;
	[tilespmem:s7+$0x17FD0] =	vst v8;
	v9 =	vmax.f32 v11, v9  }
0x272: {  	v7 =	vmax.f32 v10, v7;
	[tilespmem:s7+$0x17FE0] =	vst v9  }
0x273: {  	[tilespmem:s7+$0x18000] =	vst v7  }
0x274: {  	[hbm4b:s21+s23] =	stream.strided.scatter [tilespmem:s29], [sflag:$0x4], $0x2000, s24, s23, $0x38;
	[tilespmem:$0x1C000] =	vst v63  }
0x275: {  	s7 =	rddreg [dreg:$0x4]  }
0x276: {  	[tilespmem:s1], [sflag:$0x1] =	stream.strided.gather [hbm4b:s7+s23], $0x8000, s24, s23, $0x38;
	[tilespmem:$0x1C000] =	vst v63  }
0x277: {  	s8 =	simm.s32 $0x1C0;
	_ =	swait.ge [sflag:s30], $0x8000  }
0x278: {  	s15 =	simm.s32 $0x180;
	v7 =	vor.u32 s8, v0;
	[sflag:s30] =	ssyncset.done $0x0  }
0x279: {  	v8 =	vor.u32 s15, v0;
	[sflag:s30] =	ssyncadd.s32 $0xFFFF8000  }
0x27a: {  	v9 =	vor.u32 s15, v1;
	_ =	swait.ge [sflag:s5], $0x2000  }
0x27b: {  	v10 =	vor.u32 s15, v2;
	[sflag:s5] =	ssyncset.done $0x0  }
0x27c: {  	s9 =	simm.s32 $0x0;
	v11 =	vor.u32 s15, v3;
	[sflag:s5] =	ssyncadd.s32 $0xFFFFE000  }
0x27d: {  	s16 =	simm.s32 $0x40;
	v12 =	vor.u32 s9, v0;
	v18 =	vld.idx.msk [tilespmem:v7+s25+$0x0], $0xffff  }
0x27e: {  	v13 =	vor.u32 s16, v0;
	v8 =	vld.idx.msk [tilespmem:v8+s25+$0x0], $0xffff  }
0x27f: {  	s10 =	simm.s32 $0x80;
	v14 =	vor.u32 s16, v4;
	v9 =	vld.idx.msk [tilespmem:v9+s25+$0x0], $0xffff  }
0x280: {  	s13 =	simm.s32 $0x140;
	v15 =	vor.u32 s10, v0;
	v10 =	vld.idx.msk [tilespmem:v10+s25+$0x0], $0xffff  }
0x281: {  	v22 =	vor.u32 s13, v0;
	v16 =	vld.idx.msk [tilespmem:v11+s25+$0x0], $0xffff  }
0x282: {  	v7 =	vor.u32 s9, v1;
	v17 =	vld.idx.msk [tilespmem:v12+s25+$0x0], $0xffff  }
0x283: {  	s11 =	simm.s32 $0xC0;
	v11 =	vor.u32 s10, v1;
	v20 =	vld.idx.msk [tilespmem:v13+s25+$0x0], $0xffff  }
0x284: {  	s12 =	simm.s32 $0x100;
	v12 =	vor.u32 s11, v0;
	v21 =	vld.idx.msk [tilespmem:v14+s25+$0x0], $0xffff  }
0x285: {  	v13 =	vor.u32 s12, v0;
	v15 =	vld.idx.msk [tilespmem:v15+s25+$0x0], $0xffff  }
0x286: {  	v14 =	vor.u32 s12, v1;
	v22 =	vld.idx.msk [tilespmem:v22+s25+$0x0], $0xffff  }
0x287: {  	v36 =	vor.u32 s9, v3;
	v19 =	vld.idx.msk [tilespmem:v7+s25+$0x0], $0xffff  }
0x288: {  	v7 =	vor.u32 s11, v4;
	v23 =	vld.idx.msk [tilespmem:v11+s25+$0x0], $0xffff  }
0x289: {  	v11 =	vor.u32 s13, v4;
	v24 =	vld.idx.msk [tilespmem:v12+s25+$0x0], $0xffff  }
0x28a: {  	v12 =	vor.u32 s8, v4;
	v26 =	vld.idx.msk [tilespmem:v13+s25+$0x0], $0xffff  }
0x28b: {  	v13 =	vor.u32 s16, v5;
	v27 =	vld.idx.msk [tilespmem:v14+s25+$0x0], $0xffff  }
0x28c: {  	v14 =	vor.u32 s10, v2;
	v63 =	vmax.f32 v20, v21;
	v21 =	vld.idx.msk [tilespmem:v36+s25+$0x0], $0xffff  }
0x28d: {  	v25 =	vld.idx.msk [tilespmem:v7+s25+$0x0], $0xffff;
	v7 =	vor.u32 s9, v2  }
0x28e: {  	v28 =	vor.u32 s11, v5;
	v29 =	vld.idx.msk [tilespmem:v11+s25+$0x0], $0xffff  }
0x28f: {  	v30 =	vor.u32 s12, v2;
	v31 =	vld.idx.msk [tilespmem:v12+s25+$0x0], $0xffff  }
0x290: {  	v34 =	vor.u32 s8, v5;
	v35 =	vld.idx.msk [tilespmem:v13+s25+$0x0], $0xffff  }
0x291: {  	v38 =	vor.u32 s16, v6;
	v37 =	vld.idx.msk [tilespmem:v14+s25+$0x0], $0xffff  }
0x292: {  	v32 =	vor.u32 s13, v5;
	v11 =	vor.u32 s10, v3;
	v62 =	vmax.f32 v17, v19;
	v33 =	vld.idx.msk [tilespmem:v7+s25+$0x0], $0xffff  }
0x293: {  	v12 =	vld.idx.msk [tilespmem:v28+s25+$0x0], $0xffff;
	v23 =	vmax.f32 v15, v23;
	v7 =	vmax.f32 v8, v9;
	v8 =	vor.u32 s12, v3  }
0x294: {  	v13 =	vld.idx.msk [tilespmem:v30+s25+$0x0], $0xffff;
	v9 =	vor.u32 s13, v6;
	v7 =	vmax.f32 v7, v10;
	v10 =	vor.u32 s11, v6  }
0x295: {  	v19 =	vld.idx.msk [tilespmem:v34+s25+$0x0], $0xffff;
	v15 =	vmax.f32 v24, v25;
	v17 =	vmax.f32 v22, v29;
	v18 =	vmax.f32 v18, v31  }
0x296: {  	s7 =	simm.s32 $0x70;
	v22 =	vmax.f32 v63, v35;
	v24 =	vld.idx.msk [tilespmem:v38+s25+$0x0], $0xffff;
	v23 =	vmax.f32 v23, v37;
	v14 =	vmax.f32 v7, v16  }
0x297: {  	s9 =	simm.s32 $0x3C0;
	v7 =	vor.u32 s8, v6;
	v16 =	vmax.f32 v26, v27;
	s8 =	simm.s32 $0x0;
	[tilespmem:s7+$0x19FF0] =	vst v14;
	v14 =	vld.idx.msk [tilespmem:v32+s25+$0x0], $0xffff;
	v20 =	vmax.f32 v62, v33  }
.LBB2_16:
0x298: {  	s10 =	sadd.s32 $0xFFFFFE80, s9;
	s11 =	sadd.s32 $0xFFFFFEC0, s9;
	s12 =	sadd.s32 $0xFFFFFFC0, s9;
	v25 =	vor.u32 s9, v0;
	v26 =	vor.u32 s9, v4;
	v27 =	vor.u32 s9, v5;
	v28 =	vld.idx.msk [tilespmem:v11+s25+$0x0], $0xffff  }
0x299: {  	s13 =	sadd.s32 $0xFFFFFF00, s9;
	s14 =	sadd.s32 $0xFFFFFF40, s9;
	s8 =	sadd.s32 $0x8, s8;
	v29 =	vor.u32 s10, v0;
	v30 =	vor.u32 s10, v4;
	v11 =	vor.u32 s12, v0;
	v31 =	vld.idx.msk [tilespmem:v10+s25+$0x0], $0xffff  }
0x29a: {  	s15 =	sadd.s32 $0xFFFFFE40, s9;
	s16 =	sadd.s32 $0xFFFFFF80, s9;
	v32 =	vor.u32 s11, v0;
	v33 =	vor.u32 s11, v1;
	v10 =	vor.u32 s12, v1;
	p0 =	slt.u32 s8, $0x1F8;
	v34 =	vld.idx.msk [tilespmem:v8+s25+$0x0], $0xffff  }
0x29b: {  	v35 =	vor.u32 s15, v0;
	v36 =	vor.u32 s15, v1;
	v8 =	vor.u32 s12, v2;
	v37 =	vld.idx.msk [tilespmem:v9+s25+$0x0], $0xffff  }
0x29c: {  	v38 =	vor.u32 s13, v0;
	v39 =	vor.u32 s13, v4;
	v9 =	vor.u32 s12, v3;
	v40 =	vld.idx.msk [tilespmem:v7+s25+$0x0], $0xffff  }
0x29d: {  	v41 =	vor.u32 s14, v0;
	v42 =	vor.u32 s14, v1;
	v43 =	vor.u32 s16, v0;
	v25 =	vld.idx.msk [tilespmem:v25+s25+$0x0], $0xffff  }
0x29e: {  	v44 =	vor.u32 s15, v2;
	v45 =	vor.u32 s10, v5;
	v46 =	vor.u32 s16, v4;
	v47 =	vld.idx.msk [tilespmem:v11+s25+$0x0], $0xffff  }
0x29f: {  	v48 =	vor.u32 s11, v2;
	v49 =	vor.u32 s13, v5;
	v50 =	vor.u32 s14, v2;
	v51 =	vld.idx.msk [tilespmem:v10+s25+$0x0], $0xffff  }
0x2a0: {  	v52 =	vor.u32 s15, v3;
	v53 =	vor.u32 s10, v6;
	v54 =	vor.u32 s16, v5;
	v55 =	vld.idx.msk [tilespmem:v8+s25+$0x0], $0xffff  }
0x2a1: {  	v11 =	vor.u32 s11, v3;
	v10 =	vor.u32 s13, v6;
	v8 =	vor.u32 s14, v3;
	v56 =	vld.idx.msk [tilespmem:v9+s25+$0x0], $0xffff  }
0x2a2: {  	v12 =	vmax.f32 v15, v12;
	v7 =	vor.u32 s9, v6;
	v9 =	vor.u32 s16, v6;
	v35 =	vld.idx.msk [tilespmem:v35+s25+$0x0], $0xffff  }
0x2a3: {  	v13 =	vmax.f32 v16, v13;
	v14 =	vmax.f32 v17, v14;
	v16 =	vmax.f32 v18, v19;
	v15 =	vld.idx.msk [tilespmem:v36+s25+$0x0], $0xffff  }
0x2a4: {  	v18 =	vmax.f32 v20, v21;
	v19 =	vmax.f32 v22, v24;
	v20 =	vmax.f32 v23, v28;
	v17 =	vld.idx.msk [tilespmem:v29+s25+$0x0], $0xffff  }
0x2a5: {  	v12 =	vmax.f32 v12, v31;
	v13 =	vmax.f32 v13, v34;
	v22 =	vmax.f32 v47, v51;
	v21 =	vld.idx.msk [tilespmem:v30+s25+$0x0], $0xffff  }
0x2a6: {  	v14 =	vmax.f32 v14, v37;
	v16 =	vmax.f32 v16, v40;
	v22 =	vmax.f32 v22, v55;
	v23 =	vld.idx.msk [tilespmem:v32+s25+$0x0], $0xffff  }
0x2a7: {  	s10 =	sshra.s32 s9, $0x2;
	v22 =	vmax.f32 v22, v56;
	v24 =	vld.idx.msk [tilespmem:v33+s25+$0x0], $0xffff;
	[tilespmem:s7+$0x19F90] =	vst v18  }
0x2a8: {  	v18 =	vld.idx.msk [tilespmem:v38+s25+$0x0], $0xffff;
	[tilespmem:s10+$0x19FF0] =	vst v22  }
0x2a9: {  	v22 =	vmax.f32 v35, v15;
	v15 =	vld.idx.msk [tilespmem:v39+s25+$0x0], $0xffff;
	[tilespmem:s7+$0x19FA0] =	vst v19  }
0x2aa: {  	v19 =	vld.idx.msk [tilespmem:v41+s25+$0x0], $0xffff;
	[tilespmem:s7+$0x19FB0] =	vst v20  }
0x2ab: {  	v28 =	vmax.f32 v17, v21;
	v17 =	vld.idx.msk [tilespmem:v42+s25+$0x0], $0xffff;
	[tilespmem:s7+$0x19FC0] =	vst v12  }
0x2ac: {  	v20 =	vld.idx.msk [tilespmem:v43+s25+$0x0], $0xffff;
	[tilespmem:s7+$0x19FD0] =	vst v13  }
0x2ad: {  	v23 =	vmax.f32 v23, v24;
	v21 =	vld.idx.msk [tilespmem:v46+s25+$0x0], $0xffff;
	[tilespmem:s7+$0x19FE0] =	vst v14  }
0x2ae: {  	v24 =	vld.idx.msk [tilespmem:v26+s25+$0x0], $0xffff;
	[tilespmem:s7+$0x1A000] =	vst v16;
	s7 =	smov.u32 s10  }
0x2af: {  	v15 =	vmax.f32 v18, v15;
	v26 =	vld.idx.msk [tilespmem:v44+s25+$0x0], $0xffff  }
0x2b0: {  	v29 =	vld.idx.msk [tilespmem:v45+s25+$0x0], $0xffff  }
0x2b1: {  	v16 =	vmax.f32 v19, v17;
	v30 =	vld.idx.msk [tilespmem:v48+s25+$0x0], $0xffff  }
0x2b2: {  	v12 =	vld.idx.msk [tilespmem:v49+s25+$0x0], $0xffff  }
.Ltmp7:
0x2b3: {  	v17 =	vmax.f32 v20, v21;
	v13 =	vld.idx.msk [tilespmem:v50+s25+$0x0], $0xffff;
	(pc) =	sbr.rel @p0 .LBB2_16-.Ltmp7, $4  }
0x2b4: {  	v18 =	vmax.f32 v25, v24;
	v14 =	vld.idx.msk [tilespmem:v54+s25+$0x0], $0xffff  }
0x2b5: {  	v20 =	vmax.f32 v22, v26;
	v19 =	vld.idx.msk [tilespmem:v27+s25+$0x0], $0xffff  }
0x2b6: {  	v22 =	vmax.f32 v28, v29;
	v21 =	vld.idx.msk [tilespmem:v52+s25+$0x0], $0xffff  }
0x2b7: {  	s9 =	sadd.s32 $0x200, s9;
	v23 =	vmax.f32 v23, v30;
	v24 =	vld.idx.msk [tilespmem:v53+s25+$0x0], $0xffff  }
0x2b8: {  	_ =	sdelay $0x3  }
0x2b9: {  	v11 =	vld.idx.msk [tilespmem:v11+s25+$0x0], $0xffff  }
0x2ba: {  	v10 =	vld.idx.msk [tilespmem:v10+s25+$0x0], $0xffff  }
0x2bb: {  	v8 =	vld.idx.msk [tilespmem:v8+s25+$0x0], $0xffff  }
0x2bc: {  	v9 =	vld.idx.msk [tilespmem:v9+s25+$0x0], $0xffff;
	v20 =	vmax.f32 v20, v21  }
0x2bd: {  	v7 =	vld.idx.msk [tilespmem:v7+s25+$0x0], $0xffff;
	v21 =	vmax.f32 v22, v24;
	[tilespmem:s7+$0x19F90] =	vst v20  }
0x2be: {  	v12 =	vmax.f32 v15, v12;
	v11 =	vmax.f32 v23, v11;
	[tilespmem:s7+$0x19FA0] =	vst v21  }
0x2bf: {  	v13 =	vmax.f32 v16, v13;
	v10 =	vmax.f32 v12, v10;
	[tilespmem:s7+$0x19FB0] =	vst v11  }
0x2c0: {  	v8 =	vmax.f32 v13, v8;
	v11 =	vmax.f32 v17, v14;
	[tilespmem:s7+$0x19FC0] =	vst v10  }
0x2c1: {  	v10 =	vmax.f32 v18, v19;
	[tilespmem:s7+$0x19FD0] =	vst v8;
	v9 =	vmax.f32 v11, v9  }
0x2c2: {  	v7 =	vmax.f32 v10, v7;
	[tilespmem:s7+$0x19FE0] =	vst v9  }
0x2c3: {  	[tilespmem:s7+$0x1A000] =	vst v7  }
0x2c4: {  	[hbm4b:s22+s23] =	stream.strided.scatter [tilespmem:s31], [sflag:$0x5], $0x2000, s24, s23, $0x38;
	[tilespmem:$0x1C000] =	vst v63  }
0x2c5: {  	s7 =	rddreg [dreg:$0x5]  }
0x2c6: {  	[tilespmem:s25], [sflag:$0x2] =	stream.strided.gather [hbm4b:s7+s23], $0x8000, s24, s23, $0x38;
	[tilespmem:$0x1C000] =	vst v63  }
0x2c7: {  	s8 =	simm.s32 $0x1C0;
	_ =	swait.ge [sflag:s0], $0x8000  }
0x2c8: {  	s15 =	simm.s32 $0x180;
	v7 =	vor.u32 s8, v0;
	[sflag:s0] =	ssyncset.done $0x0  }
0x2c9: {  	v8 =	vor.u32 s15, v0;
	[sflag:s0] =	ssyncadd.s32 $0xFFFF8000  }
0x2ca: {  	v9 =	vor.u32 s15, v1;
	_ =	swait.ge [sflag:s4], $0x2000  }
0x2cb: {  	v10 =	vor.u32 s15, v2;
	[sflag:s4] =	ssyncset.done $0x0  }
0x2cc: {  	s9 =	simm.s32 $0x0;
	v11 =	vor.u32 s15, v3;
	[sflag:s4] =	ssyncadd.s32 $0xFFFFE000  }
0x2cd: {  	s16 =	simm.s32 $0x40;
	v12 =	vor.u32 s9, v0;
	v18 =	vld.idx.msk [tilespmem:v7+s26+$0x0], $0xffff  }
0x2ce: {  	v13 =	vor.u32 s16, v0;
	v8 =	vld.idx.msk [tilespmem:v8+s26+$0x0], $0xffff  }
0x2cf: {  	s10 =	simm.s32 $0x80;
	v14 =	vor.u32 s16, v4;
	v9 =	vld.idx.msk [tilespmem:v9+s26+$0x0], $0xffff  }
0x2d0: {  	s13 =	simm.s32 $0x140;
	v15 =	vor.u32 s10, v0;
	v10 =	vld.idx.msk [tilespmem:v10+s26+$0x0], $0xffff  }
0x2d1: {  	v22 =	vor.u32 s13, v0;
	v16 =	vld.idx.msk [tilespmem:v11+s26+$0x0], $0xffff  }
0x2d2: {  	v7 =	vor.u32 s9, v1;
	v17 =	vld.idx.msk [tilespmem:v12+s26+$0x0], $0xffff  }
0x2d3: {  	s11 =	simm.s32 $0xC0;
	v11 =	vor.u32 s10, v1;
	v20 =	vld.idx.msk [tilespmem:v13+s26+$0x0], $0xffff  }
0x2d4: {  	s12 =	simm.s32 $0x100;
	v12 =	vor.u32 s11, v0;
	v21 =	vld.idx.msk [tilespmem:v14+s26+$0x0], $0xffff  }
0x2d5: {  	v13 =	vor.u32 s12, v0;
	v15 =	vld.idx.msk [tilespmem:v15+s26+$0x0], $0xffff  }
0x2d6: {  	v14 =	vor.u32 s12, v1;
	v22 =	vld.idx.msk [tilespmem:v22+s26+$0x0], $0xffff  }
0x2d7: {  	v36 =	vor.u32 s9, v3;
	v19 =	vld.idx.msk [tilespmem:v7+s26+$0x0], $0xffff  }
0x2d8: {  	v7 =	vor.u32 s11, v4;
	v23 =	vld.idx.msk [tilespmem:v11+s26+$0x0], $0xffff  }
0x2d9: {  	v11 =	vor.u32 s13, v4;
	v24 =	vld.idx.msk [tilespmem:v12+s26+$0x0], $0xffff  }
0x2da: {  	v12 =	vor.u32 s8, v4;
	v26 =	vld.idx.msk [tilespmem:v13+s26+$0x0], $0xffff  }
0x2db: {  	v13 =	vor.u32 s16, v5;
	v27 =	vld.idx.msk [tilespmem:v14+s26+$0x0], $0xffff  }
0x2dc: {  	v14 =	vor.u32 s10, v2;
	v63 =	vmax.f32 v20, v21;
	v21 =	vld.idx.msk [tilespmem:v36+s26+$0x0], $0xffff  }
0x2dd: {  	v25 =	vld.idx.msk [tilespmem:v7+s26+$0x0], $0xffff;
	v7 =	vor.u32 s9, v2  }
0x2de: {  	v28 =	vor.u32 s11, v5;
	v29 =	vld.idx.msk [tilespmem:v11+s26+$0x0], $0xffff  }
0x2df: {  	v30 =	vor.u32 s12, v2;
	v31 =	vld.idx.msk [tilespmem:v12+s26+$0x0], $0xffff  }
0x2e0: {  	v34 =	vor.u32 s8, v5;
	v35 =	vld.idx.msk [tilespmem:v13+s26+$0x0], $0xffff  }
0x2e1: {  	v38 =	vor.u32 s16, v6;
	v37 =	vld.idx.msk [tilespmem:v14+s26+$0x0], $0xffff  }
0x2e2: {  	v32 =	vor.u32 s13, v5;
	v11 =	vor.u32 s10, v3;
	v62 =	vmax.f32 v17, v19;
	v33 =	vld.idx.msk [tilespmem:v7+s26+$0x0], $0xffff  }
0x2e3: {  	v12 =	vld.idx.msk [tilespmem:v28+s26+$0x0], $0xffff;
	v23 =	vmax.f32 v15, v23;
	v7 =	vmax.f32 v8, v9;
	v8 =	vor.u32 s12, v3  }
0x2e4: {  	v13 =	vld.idx.msk [tilespmem:v30+s26+$0x0], $0xffff;
	v9 =	vor.u32 s13, v6;
	v7 =	vmax.f32 v7, v10;
	v10 =	vor.u32 s11, v6  }
0x2e5: {  	v19 =	vld.idx.msk [tilespmem:v34+s26+$0x0], $0xffff;
	v15 =	vmax.f32 v24, v25;
	v17 =	vmax.f32 v22, v29;
	v18 =	vmax.f32 v18, v31  }
0x2e6: {  	s7 =	simm.s32 $0x70;
	v22 =	vmax.f32 v63, v35;
	v24 =	vld.idx.msk [tilespmem:v38+s26+$0x0], $0xffff;
	v23 =	vmax.f32 v23, v37;
	v14 =	vmax.f32 v7, v16  }
0x2e7: {  	s9 =	simm.s32 $0x3C0;
	v7 =	vor.u32 s8, v6;
	v16 =	vmax.f32 v26, v27;
	s8 =	simm.s32 $0x0;
	[tilespmem:s7+$0x17FF0] =	vst v14;
	v14 =	vld.idx.msk [tilespmem:v32+s26+$0x0], $0xffff;
	v20 =	vmax.f32 v62, v33  }
.LBB2_18:
0x2e8: {  	s10 =	sadd.s32 $0xFFFFFE80, s9;
	s11 =	sadd.s32 $0xFFFFFEC0, s9;
	s12 =	sadd.s32 $0xFFFFFFC0, s9;
	v25 =	vor.u32 s9, v0;
	v26 =	vor.u32 s9, v4;
	v27 =	vor.u32 s9, v5;
	v28 =	vld.idx.msk [tilespmem:v11+s26+$0x0], $0xffff  }
0x2e9: {  	s13 =	sadd.s32 $0xFFFFFF00, s9;
	s14 =	sadd.s32 $0xFFFFFF40, s9;
	s8 =	sadd.s32 $0x8, s8;
	v29 =	vor.u32 s10, v0;
	v30 =	vor.u32 s10, v4;
	v11 =	vor.u32 s12, v0;
	v31 =	vld.idx.msk [tilespmem:v10+s26+$0x0], $0xffff  }
0x2ea: {  	s15 =	sadd.s32 $0xFFFFFE40, s9;
	s16 =	sadd.s32 $0xFFFFFF80, s9;
	v32 =	vor.u32 s11, v0;
	v33 =	vor.u32 s11, v1;
	v10 =	vor.u32 s12, v1;
	p0 =	slt.u32 s8, $0x1F8;
	v34 =	vld.idx.msk [tilespmem:v8+s26+$0x0], $0xffff  }
0x2eb: {  	v35 =	vor.u32 s15, v0;
	v36 =	vor.u32 s15, v1;
	v8 =	vor.u32 s12, v2;
	v37 =	vld.idx.msk [tilespmem:v9+s26+$0x0], $0xffff  }
0x2ec: {  	v38 =	vor.u32 s13, v0;
	v39 =	vor.u32 s13, v4;
	v9 =	vor.u32 s12, v3;
	v40 =	vld.idx.msk [tilespmem:v7+s26+$0x0], $0xffff  }
0x2ed: {  	v41 =	vor.u32 s14, v0;
	v42 =	vor.u32 s14, v1;
	v43 =	vor.u32 s16, v0;
	v25 =	vld.idx.msk [tilespmem:v25+s26+$0x0], $0xffff  }
0x2ee: {  	v44 =	vor.u32 s15, v2;
	v45 =	vor.u32 s10, v5;
	v46 =	vor.u32 s16, v4;
	v47 =	vld.idx.msk [tilespmem:v11+s26+$0x0], $0xffff  }
0x2ef: {  	v48 =	vor.u32 s11, v2;
	v49 =	vor.u32 s13, v5;
	v50 =	vor.u32 s14, v2;
	v51 =	vld.idx.msk [tilespmem:v10+s26+$0x0], $0xffff  }
0x2f0: {  	v52 =	vor.u32 s15, v3;
	v53 =	vor.u32 s10, v6;
	v54 =	vor.u32 s16, v5;
	v55 =	vld.idx.msk [tilespmem:v8+s26+$0x0], $0xffff  }
0x2f1: {  	v11 =	vor.u32 s11, v3;
	v10 =	vor.u32 s13, v6;
	v8 =	vor.u32 s14, v3;
	v56 =	vld.idx.msk [tilespmem:v9+s26+$0x0], $0xffff  }
0x2f2: {  	v12 =	vmax.f32 v15, v12;
	v7 =	vor.u32 s9, v6;
	v9 =	vor.u32 s16, v6;
	v35 =	vld.idx.msk [tilespmem:v35+s26+$0x0], $0xffff  }
0x2f3: {  	v13 =	vmax.f32 v16, v13;
	v14 =	vmax.f32 v17, v14;
	v16 =	vmax.f32 v18, v19;
	v15 =	vld.idx.msk [tilespmem:v36+s26+$0x0], $0xffff  }
0x2f4: {  	v18 =	vmax.f32 v20, v21;
	v19 =	vmax.f32 v22, v24;
	v20 =	vmax.f32 v23, v28;
	v17 =	vld.idx.msk [tilespmem:v29+s26+$0x0], $0xffff  }
0x2f5: {  	v12 =	vmax.f32 v12, v31;
	v13 =	vmax.f32 v13, v34;
	v22 =	vmax.f32 v47, v51;
	v21 =	vld.idx.msk [tilespmem:v30+s26+$0x0], $0xffff  }
0x2f6: {  	v14 =	vmax.f32 v14, v37;
	v16 =	vmax.f32 v16, v40;
	v22 =	vmax.f32 v22, v55;
	v23 =	vld.idx.msk [tilespmem:v32+s26+$0x0], $0xffff  }
0x2f7: {  	s10 =	sshra.s32 s9, $0x2;
	v22 =	vmax.f32 v22, v56;
	v24 =	vld.idx.msk [tilespmem:v33+s26+$0x0], $0xffff;
	[tilespmem:s7+$0x17F90] =	vst v18  }
0x2f8: {  	v18 =	vld.idx.msk [tilespmem:v38+s26+$0x0], $0xffff;
	[tilespmem:s10+$0x17FF0] =	vst v22  }
0x2f9: {  	v22 =	vmax.f32 v35, v15;
	v15 =	vld.idx.msk [tilespmem:v39+s26+$0x0], $0xffff;
	[tilespmem:s7+$0x17FA0] =	vst v19  }
0x2fa: {  	v19 =	vld.idx.msk [tilespmem:v41+s26+$0x0], $0xffff;
	[tilespmem:s7+$0x17FB0] =	vst v20  }
0x2fb: {  	v28 =	vmax.f32 v17, v21;
	v17 =	vld.idx.msk [tilespmem:v42+s26+$0x0], $0xffff;
	[tilespmem:s7+$0x17FC0] =	vst v12  }
0x2fc: {  	v20 =	vld.idx.msk [tilespmem:v43+s26+$0x0], $0xffff;
	[tilespmem:s7+$0x17FD0] =	vst v13  }
0x2fd: {  	v23 =	vmax.f32 v23, v24;
	v21 =	vld.idx.msk [tilespmem:v46+s26+$0x0], $0xffff;
	[tilespmem:s7+$0x17FE0] =	vst v14  }
0x2fe: {  	v24 =	vld.idx.msk [tilespmem:v26+s26+$0x0], $0xffff;
	[tilespmem:s7+$0x18000] =	vst v16;
	s7 =	smov.u32 s10  }
0x2ff: {  	v15 =	vmax.f32 v18, v15;
	v26 =	vld.idx.msk [tilespmem:v44+s26+$0x0], $0xffff  }
0x300: {  	v29 =	vld.idx.msk [tilespmem:v45+s26+$0x0], $0xffff  }
0x301: {  	v16 =	vmax.f32 v19, v17;
	v30 =	vld.idx.msk [tilespmem:v48+s26+$0x0], $0xffff  }
0x302: {  	v12 =	vld.idx.msk [tilespmem:v49+s26+$0x0], $0xffff  }
.Ltmp8:
0x303: {  	v17 =	vmax.f32 v20, v21;
	v13 =	vld.idx.msk [tilespmem:v50+s26+$0x0], $0xffff;
	(pc) =	sbr.rel @p0 .LBB2_18-.Ltmp8, $4  }
0x304: {  	v18 =	vmax.f32 v25, v24;
	v14 =	vld.idx.msk [tilespmem:v54+s26+$0x0], $0xffff  }
0x305: {  	v20 =	vmax.f32 v22, v26;
	v19 =	vld.idx.msk [tilespmem:v27+s26+$0x0], $0xffff  }
0x306: {  	v22 =	vmax.f32 v28, v29;
	v21 =	vld.idx.msk [tilespmem:v52+s26+$0x0], $0xffff  }
0x307: {  	s9 =	sadd.s32 $0x200, s9;
	v23 =	vmax.f32 v23, v30;
	v24 =	vld.idx.msk [tilespmem:v53+s26+$0x0], $0xffff  }
0x308: {  	_ =	sdelay $0x3  }
0x309: {  	v11 =	vld.idx.msk [tilespmem:v11+s26+$0x0], $0xffff  }
0x30a: {  	v10 =	vld.idx.msk [tilespmem:v10+s26+$0x0], $0xffff  }
0x30b: {  	v8 =	vld.idx.msk [tilespmem:v8+s26+$0x0], $0xffff  }
0x30c: {  	v9 =	vld.idx.msk [tilespmem:v9+s26+$0x0], $0xffff;
	v20 =	vmax.f32 v20, v21  }
0x30d: {  	v7 =	vld.idx.msk [tilespmem:v7+s26+$0x0], $0xffff;
	v21 =	vmax.f32 v22, v24;
	[tilespmem:s7+$0x17F90] =	vst v20  }
0x30e: {  	v12 =	vmax.f32 v15, v12;
	v11 =	vmax.f32 v23, v11;
	[tilespmem:s7+$0x17FA0] =	vst v21  }
0x30f: {  	v13 =	vmax.f32 v16, v13;
	v10 =	vmax.f32 v12, v10;
	[tilespmem:s7+$0x17FB0] =	vst v11  }
0x310: {  	v8 =	vmax.f32 v13, v8;
	v11 =	vmax.f32 v17, v14;
	[tilespmem:s7+$0x17FC0] =	vst v10  }
0x311: {  	v10 =	vmax.f32 v18, v19;
	[tilespmem:s7+$0x17FD0] =	vst v8;
	v9 =	vmax.f32 v11, v9  }
0x312: {  	v7 =	vmax.f32 v10, v7;
	[tilespmem:s7+$0x17FE0] =	vst v9  }
0x313: {  	[tilespmem:s7+$0x18000] =	vst v7  }
0x314: {  	s7 =	rddreg [dreg:$0x6]  }
0x315: {  	[hbm4b:s7+s23] =	stream.strided.scatter [tilespmem:s29], [sflag:$0x4], $0x2000, s24, s23, $0x38;
	[tilespmem:$0x1C000] =	vst v63  }
0x316: {  	s14 =	rddreg [dreg:$0x7]  }
0x317: {  	[tilespmem:s26], [sflag:$0x3] =	stream.strided.gather [hbm4b:s14+s23], $0x8000, s24, s23, $0x38;
	[tilespmem:$0x1C000] =	vst v63  }
0x318: {  	s8 =	simm.s32 $0x1C0;
	_ =	swait.ge [sflag:s28], $0x8000  }
0x319: {  	s15 =	simm.s32 $0x180;
	v7 =	vor.u32 s8, v0;
	[sflag:s28] =	ssyncset.done $0x0  }
0x31a: {  	v8 =	vor.u32 s15, v0;
	[sflag:s28] =	ssyncadd.s32 $0xFFFF8000  }
0x31b: {  	v9 =	vor.u32 s15, v1;
	_ =	swait.ge [sflag:s5], $0x2000  }
0x31c: {  	v10 =	vor.u32 s15, v2;
	[sflag:s5] =	ssyncset.done $0x0  }
0x31d: {  	s9 =	simm.s32 $0x0;
	v11 =	vor.u32 s15, v3;
	[sflag:s5] =	ssyncadd.s32 $0xFFFFE000  }
0x31e: {  	s16 =	simm.s32 $0x40;
	v12 =	vor.u32 s9, v0;
	v18 =	vld.idx.msk [tilespmem:v7+s1+$0x0], $0xffff  }
0x31f: {  	v13 =	vor.u32 s16, v0;
	v8 =	vld.idx.msk [tilespmem:v8+s1+$0x0], $0xffff  }
0x320: {  	s10 =	simm.s32 $0x80;
	v14 =	vor.u32 s16, v4;
	v9 =	vld.idx.msk [tilespmem:v9+s1+$0x0], $0xffff  }
0x321: {  	s13 =	simm.s32 $0x140;
	v15 =	vor.u32 s10, v0;
	v10 =	vld.idx.msk [tilespmem:v10+s1+$0x0], $0xffff  }
0x322: {  	v22 =	vor.u32 s13, v0;
	v16 =	vld.idx.msk [tilespmem:v11+s1+$0x0], $0xffff  }
0x323: {  	v7 =	vor.u32 s9, v1;
	v17 =	vld.idx.msk [tilespmem:v12+s1+$0x0], $0xffff  }
0x324: {  	s11 =	simm.s32 $0xC0;
	v11 =	vor.u32 s10, v1;
	v20 =	vld.idx.msk [tilespmem:v13+s1+$0x0], $0xffff  }
0x325: {  	s12 =	simm.s32 $0x100;
	v12 =	vor.u32 s11, v0;
	v21 =	vld.idx.msk [tilespmem:v14+s1+$0x0], $0xffff  }
0x326: {  	v13 =	vor.u32 s12, v0;
	v15 =	vld.idx.msk [tilespmem:v15+s1+$0x0], $0xffff  }
0x327: {  	v14 =	vor.u32 s12, v1;
	v22 =	vld.idx.msk [tilespmem:v22+s1+$0x0], $0xffff  }
0x328: {  	v36 =	vor.u32 s9, v3;
	v19 =	vld.idx.msk [tilespmem:v7+s1+$0x0], $0xffff  }
0x329: {  	v7 =	vor.u32 s11, v4;
	v23 =	vld.idx.msk [tilespmem:v11+s1+$0x0], $0xffff  }
0x32a: {  	v11 =	vor.u32 s13, v4;
	v24 =	vld.idx.msk [tilespmem:v12+s1+$0x0], $0xffff  }
0x32b: {  	v12 =	vor.u32 s8, v4;
	v26 =	vld.idx.msk [tilespmem:v13+s1+$0x0], $0xffff  }
0x32c: {  	v13 =	vor.u32 s16, v5;
	v27 =	vld.idx.msk [tilespmem:v14+s1+$0x0], $0xffff  }
0x32d: {  	v14 =	vor.u32 s10, v2;
	v63 =	vmax.f32 v20, v21;
	v21 =	vld.idx.msk [tilespmem:v36+s1+$0x0], $0xffff  }
0x32e: {  	v25 =	vld.idx.msk [tilespmem:v7+s1+$0x0], $0xffff;
	v7 =	vor.u32 s9, v2  }
0x32f: {  	v28 =	vor.u32 s11, v5;
	v29 =	vld.idx.msk [tilespmem:v11+s1+$0x0], $0xffff  }
0x330: {  	v30 =	vor.u32 s12, v2;
	v31 =	vld.idx.msk [tilespmem:v12+s1+$0x0], $0xffff  }
0x331: {  	v34 =	vor.u32 s8, v5;
	v35 =	vld.idx.msk [tilespmem:v13+s1+$0x0], $0xffff  }
0x332: {  	v38 =	vor.u32 s16, v6;
	v37 =	vld.idx.msk [tilespmem:v14+s1+$0x0], $0xffff  }
0x333: {  	v32 =	vor.u32 s13, v5;
	v11 =	vor.u32 s10, v3;
	v62 =	vmax.f32 v17, v19;
	v33 =	vld.idx.msk [tilespmem:v7+s1+$0x0], $0xffff  }
0x334: {  	v12 =	vld.idx.msk [tilespmem:v28+s1+$0x0], $0xffff;
	v23 =	vmax.f32 v15, v23;
	v7 =	vmax.f32 v8, v9;
	v8 =	vor.u32 s12, v3  }
0x335: {  	v13 =	vld.idx.msk [tilespmem:v30+s1+$0x0], $0xffff;
	v9 =	vor.u32 s13, v6;
	v7 =	vmax.f32 v7, v10;
	v10 =	vor.u32 s11, v6  }
0x336: {  	v19 =	vld.idx.msk [tilespmem:v34+s1+$0x0], $0xffff;
	v15 =	vmax.f32 v24, v25;
	v17 =	vmax.f32 v22, v29;
	v18 =	vmax.f32 v18, v31  }
0x337: {  	s7 =	simm.s32 $0x70;
	v22 =	vmax.f32 v63, v35;
	v24 =	vld.idx.msk [tilespmem:v38+s1+$0x0], $0xffff;
	v23 =	vmax.f32 v23, v37;
	v14 =	vmax.f32 v7, v16  }
0x338: {  	s9 =	simm.s32 $0x3C0;
	v7 =	vor.u32 s8, v6;
	v16 =	vmax.f32 v26, v27;
	s8 =	simm.s32 $0x0;
	[tilespmem:s7+$0x19FF0] =	vst v14;
	v14 =	vld.idx.msk [tilespmem:v32+s1+$0x0], $0xffff;
	v20 =	vmax.f32 v62, v33  }
.LBB2_20:
0x339: {  	s10 =	sadd.s32 $0xFFFFFE80, s9;
	s11 =	sadd.s32 $0xFFFFFEC0, s9;
	s12 =	sadd.s32 $0xFFFFFFC0, s9;
	v25 =	vor.u32 s9, v0;
	v26 =	vor.u32 s9, v4;
	v27 =	vor.u32 s9, v5;
	v28 =	vld.idx.msk [tilespmem:v11+s1+$0x0], $0xffff  }
0x33a: {  	s13 =	sadd.s32 $0xFFFFFF00, s9;
	s14 =	sadd.s32 $0xFFFFFF40, s9;
	s8 =	sadd.s32 $0x8, s8;
	v29 =	vor.u32 s10, v0;
	v30 =	vor.u32 s10, v4;
	v11 =	vor.u32 s12, v0;
	v31 =	vld.idx.msk [tilespmem:v10+s1+$0x0], $0xffff  }
0x33b: {  	s15 =	sadd.s32 $0xFFFFFE40, s9;
	s16 =	sadd.s32 $0xFFFFFF80, s9;
	v32 =	vor.u32 s11, v0;
	v33 =	vor.u32 s11, v1;
	v10 =	vor.u32 s12, v1;
	p0 =	slt.u32 s8, $0x1F8;
	v34 =	vld.idx.msk [tilespmem:v8+s1+$0x0], $0xffff  }
0x33c: {  	v35 =	vor.u32 s15, v0;
	v36 =	vor.u32 s15, v1;
	v8 =	vor.u32 s12, v2;
	v37 =	vld.idx.msk [tilespmem:v9+s1+$0x0], $0xffff  }
0x33d: {  	v38 =	vor.u32 s13, v0;
	v39 =	vor.u32 s13, v4;
	v9 =	vor.u32 s12, v3;
	v40 =	vld.idx.msk [tilespmem:v7+s1+$0x0], $0xffff  }
0x33e: {  	v41 =	vor.u32 s14, v0;
	v42 =	vor.u32 s14, v1;
	v43 =	vor.u32 s16, v0;
	v25 =	vld.idx.msk [tilespmem:v25+s1+$0x0], $0xffff  }
0x33f: {  	v44 =	vor.u32 s15, v2;
	v45 =	vor.u32 s10, v5;
	v46 =	vor.u32 s16, v4;
	v47 =	vld.idx.msk [tilespmem:v11+s1+$0x0], $0xffff  }
0x340: {  	v48 =	vor.u32 s11, v2;
	v49 =	vor.u32 s13, v5;
	v50 =	vor.u32 s14, v2;
	v51 =	vld.idx.msk [tilespmem:v10+s1+$0x0], $0xffff  }
0x341: {  	v52 =	vor.u32 s15, v3;
	v53 =	vor.u32 s10, v6;
	v54 =	vor.u32 s16, v5;
	v55 =	vld.idx.msk [tilespmem:v8+s1+$0x0], $0xffff  }
0x342: {  	v11 =	vor.u32 s11, v3;
	v10 =	vor.u32 s13, v6;
	v8 =	vor.u32 s14, v3;
	v56 =	vld.idx.msk [tilespmem:v9+s1+$0x0], $0xffff  }
0x343: {  	v12 =	vmax.f32 v15, v12;
	v7 =	vor.u32 s9, v6;
	v9 =	vor.u32 s16, v6;
	v35 =	vld.idx.msk [tilespmem:v35+s1+$0x0], $0xffff  }
0x344: {  	v13 =	vmax.f32 v16, v13;
	v14 =	vmax.f32 v17, v14;
	v16 =	vmax.f32 v18, v19;
	v15 =	vld.idx.msk [tilespmem:v36+s1+$0x0], $0xffff  }
0x345: {  	v18 =	vmax.f32 v20, v21;
	v19 =	vmax.f32 v22, v24;
	v20 =	vmax.f32 v23, v28;
	v17 =	vld.idx.msk [tilespmem:v29+s1+$0x0], $0xffff  }
0x346: {  	v12 =	vmax.f32 v12, v31;
	v13 =	vmax.f32 v13, v34;
	v22 =	vmax.f32 v47, v51;
	v21 =	vld.idx.msk [tilespmem:v30+s1+$0x0], $0xffff  }
0x347: {  	v14 =	vmax.f32 v14, v37;
	v16 =	vmax.f32 v16, v40;
	v22 =	vmax.f32 v22, v55;
	v23 =	vld.idx.msk [tilespmem:v32+s1+$0x0], $0xffff  }
0x348: {  	s10 =	sshra.s32 s9, $0x2;
	v22 =	vmax.f32 v22, v56;
	v24 =	vld.idx.msk [tilespmem:v33+s1+$0x0], $0xffff;
	[tilespmem:s7+$0x19F90] =	vst v18  }
0x349: {  	v18 =	vld.idx.msk [tilespmem:v38+s1+$0x0], $0xffff;
	[tilespmem:s10+$0x19FF0] =	vst v22  }
0x34a: {  	v22 =	vmax.f32 v35, v15;
	v15 =	vld.idx.msk [tilespmem:v39+s1+$0x0], $0xffff;
	[tilespmem:s7+$0x19FA0] =	vst v19  }
0x34b: {  	v19 =	vld.idx.msk [tilespmem:v41+s1+$0x0], $0xffff;
	[tilespmem:s7+$0x19FB0] =	vst v20  }
0x34c: {  	v28 =	vmax.f32 v17, v21;
	v17 =	vld.idx.msk [tilespmem:v42+s1+$0x0], $0xffff;
	[tilespmem:s7+$0x19FC0] =	vst v12  }
0x34d: {  	v20 =	vld.idx.msk [tilespmem:v43+s1+$0x0], $0xffff;
	[tilespmem:s7+$0x19FD0] =	vst v13  }
0x34e: {  	v23 =	vmax.f32 v23, v24;
	v21 =	vld.idx.msk [tilespmem:v46+s1+$0x0], $0xffff;
	[tilespmem:s7+$0x19FE0] =	vst v14  }
0x34f: {  	v24 =	vld.idx.msk [tilespmem:v26+s1+$0x0], $0xffff;
	[tilespmem:s7+$0x1A000] =	vst v16;
	s7 =	smov.u32 s10  }
0x350: {  	v15 =	vmax.f32 v18, v15;
	v26 =	vld.idx.msk [tilespmem:v44+s1+$0x0], $0xffff  }
0x351: {  	v29 =	vld.idx.msk [tilespmem:v45+s1+$0x0], $0xffff  }
0x352: {  	v16 =	vmax.f32 v19, v17;
	v30 =	vld.idx.msk [tilespmem:v48+s1+$0x0], $0xffff  }
0x353: {  	v12 =	vld.idx.msk [tilespmem:v49+s1+$0x0], $0xffff  }
.Ltmp9:
0x354: {  	v17 =	vmax.f32 v20, v21;
	v13 =	vld.idx.msk [tilespmem:v50+s1+$0x0], $0xffff;
	(pc) =	sbr.rel @p0 .LBB2_20-.Ltmp9, $4  }
0x355: {  	v18 =	vmax.f32 v25, v24;
	v14 =	vld.idx.msk [tilespmem:v54+s1+$0x0], $0xffff  }
0x356: {  	v20 =	vmax.f32 v22, v26;
	v19 =	vld.idx.msk [tilespmem:v27+s1+$0x0], $0xffff  }
0x357: {  	v22 =	vmax.f32 v28, v29;
	v21 =	vld.idx.msk [tilespmem:v52+s1+$0x0], $0xffff  }
0x358: {  	s9 =	sadd.s32 $0x200, s9;
	v23 =	vmax.f32 v23, v30;
	v24 =	vld.idx.msk [tilespmem:v53+s1+$0x0], $0xffff  }
0x359: {  	_ =	sdelay $0x3  }
0x35a: {  	v11 =	vld.idx.msk [tilespmem:v11+s1+$0x0], $0xffff  }
0x35b: {  	v10 =	vld.idx.msk [tilespmem:v10+s1+$0x0], $0xffff  }
0x35c: {  	v8 =	vld.idx.msk [tilespmem:v8+s1+$0x0], $0xffff  }
0x35d: {  	v9 =	vld.idx.msk [tilespmem:v9+s1+$0x0], $0xffff;
	v20 =	vmax.f32 v20, v21  }
0x35e: {  	v7 =	vld.idx.msk [tilespmem:v7+s1+$0x0], $0xffff;
	v21 =	vmax.f32 v22, v24;
	[tilespmem:s7+$0x19F90] =	vst v20  }
0x35f: {  	v12 =	vmax.f32 v15, v12;
	v11 =	vmax.f32 v23, v11;
	[tilespmem:s7+$0x19FA0] =	vst v21  }
0x360: {  	v13 =	vmax.f32 v16, v13;
	v10 =	vmax.f32 v12, v10;
	[tilespmem:s7+$0x19FB0] =	vst v11  }
0x361: {  	v8 =	vmax.f32 v13, v8;
	v11 =	vmax.f32 v17, v14;
	[tilespmem:s7+$0x19FC0] =	vst v10  }
0x362: {  	v10 =	vmax.f32 v18, v19;
	[tilespmem:s7+$0x19FD0] =	vst v8;
	v9 =	vmax.f32 v11, v9  }
0x363: {  	v7 =	vmax.f32 v10, v7;
	[tilespmem:s7+$0x19FE0] =	vst v9  }
0x364: {  	[tilespmem:s7+$0x1A000] =	vst v7  }
0x365: {  	s7 =	rddreg [dreg:$0x8]  }
0x366: {  	[hbm4b:s7+s23] =	stream.strided.scatter [tilespmem:s31], [sflag:$0x5], $0x2000, s24, s23, $0x38;
	[tilespmem:$0x1C000] =	vst v63  }
0x367: {  	s14 =	rddreg [dreg:$0x9]  }
0x368: {  	[tilespmem:s1], [sflag:$0x1] =	stream.strided.gather [hbm4b:s14+s23], $0x8000, s24, s23, $0x38;
	[tilespmem:$0x1C000] =	vst v63  }
0x369: {  	s8 =	simm.s32 $0x1C0;
	_ =	swait.ge [sflag:s30], $0x8000  }
0x36a: {  	s15 =	simm.s32 $0x180;
	v7 =	vor.u32 s8, v0;
	[sflag:s30] =	ssyncset.done $0x0  }
0x36b: {  	v8 =	vor.u32 s15, v0;
	[sflag:s30] =	ssyncadd.s32 $0xFFFF8000  }
0x36c: {  	v9 =	vor.u32 s15, v1;
	_ =	swait.ge [sflag:s4], $0x2000  }
0x36d: {  	v10 =	vor.u32 s15, v2;
	[sflag:s4] =	ssyncset.done $0x0  }
0x36e: {  	s9 =	simm.s32 $0x0;
	v11 =	vor.u32 s15, v3;
	[sflag:s4] =	ssyncadd.s32 $0xFFFFE000  }
0x36f: {  	s16 =	simm.s32 $0x40;
	v12 =	vor.u32 s9, v0;
	v18 =	vld.idx.msk [tilespmem:v7+s25+$0x0], $0xffff  }
0x370: {  	v13 =	vor.u32 s16, v0;
	v8 =	vld.idx.msk [tilespmem:v8+s25+$0x0], $0xffff  }
0x371: {  	s10 =	simm.s32 $0x80;
	v14 =	vor.u32 s16, v4;
	v9 =	vld.idx.msk [tilespmem:v9+s25+$0x0], $0xffff  }
0x372: {  	s13 =	simm.s32 $0x140;
	v15 =	vor.u32 s10, v0;
	v10 =	vld.idx.msk [tilespmem:v10+s25+$0x0], $0xffff  }
0x373: {  	v22 =	vor.u32 s13, v0;
	v16 =	vld.idx.msk [tilespmem:v11+s25+$0x0], $0xffff  }
0x374: {  	v7 =	vor.u32 s9, v1;
	v17 =	vld.idx.msk [tilespmem:v12+s25+$0x0], $0xffff  }
0x375: {  	s11 =	simm.s32 $0xC0;
	v11 =	vor.u32 s10, v1;
	v20 =	vld.idx.msk [tilespmem:v13+s25+$0x0], $0xffff  }
0x376: {  	s12 =	simm.s32 $0x100;
	v12 =	vor.u32 s11, v0;
	v21 =	vld.idx.msk [tilespmem:v14+s25+$0x0], $0xffff  }
0x377: {  	v13 =	vor.u32 s12, v0;
	v15 =	vld.idx.msk [tilespmem:v15+s25+$0x0], $0xffff  }
0x378: {  	v14 =	vor.u32 s12, v1;
	v22 =	vld.idx.msk [tilespmem:v22+s25+$0x0], $0xffff  }
0x379: {  	v36 =	vor.u32 s9, v3;
	v19 =	vld.idx.msk [tilespmem:v7+s25+$0x0], $0xffff  }
0x37a: {  	v7 =	vor.u32 s11, v4;
	v23 =	vld.idx.msk [tilespmem:v11+s25+$0x0], $0xffff  }
0x37b: {  	v11 =	vor.u32 s13, v4;
	v24 =	vld.idx.msk [tilespmem:v12+s25+$0x0], $0xffff  }
0x37c: {  	v12 =	vor.u32 s8, v4;
	v26 =	vld.idx.msk [tilespmem:v13+s25+$0x0], $0xffff  }
0x37d: {  	v13 =	vor.u32 s16, v5;
	v27 =	vld.idx.msk [tilespmem:v14+s25+$0x0], $0xffff  }
0x37e: {  	v14 =	vor.u32 s10, v2;
	v63 =	vmax.f32 v20, v21;
	v21 =	vld.idx.msk [tilespmem:v36+s25+$0x0], $0xffff  }
0x37f: {  	v25 =	vld.idx.msk [tilespmem:v7+s25+$0x0], $0xffff;
	v7 =	vor.u32 s9, v2  }
0x380: {  	v28 =	vor.u32 s11, v5;
	v29 =	vld.idx.msk [tilespmem:v11+s25+$0x0], $0xffff  }
0x381: {  	v30 =	vor.u32 s12, v2;
	v31 =	vld.idx.msk [tilespmem:v12+s25+$0x0], $0xffff  }
0x382: {  	v34 =	vor.u32 s8, v5;
	v35 =	vld.idx.msk [tilespmem:v13+s25+$0x0], $0xffff  }
0x383: {  	v38 =	vor.u32 s16, v6;
	v37 =	vld.idx.msk [tilespmem:v14+s25+$0x0], $0xffff  }
0x384: {  	v32 =	vor.u32 s13, v5;
	v11 =	vor.u32 s10, v3;
	v62 =	vmax.f32 v17, v19;
	v33 =	vld.idx.msk [tilespmem:v7+s25+$0x0], $0xffff  }
0x385: {  	v12 =	vld.idx.msk [tilespmem:v28+s25+$0x0], $0xffff;
	v23 =	vmax.f32 v15, v23;
	v7 =	vmax.f32 v8, v9;
	v8 =	vor.u32 s12, v3  }
0x386: {  	v13 =	vld.idx.msk [tilespmem:v30+s25+$0x0], $0xffff;
	v9 =	vor.u32 s13, v6;
	v7 =	vmax.f32 v7, v10;
	v10 =	vor.u32 s11, v6  }
0x387: {  	v19 =	vld.idx.msk [tilespmem:v34+s25+$0x0], $0xffff;
	v15 =	vmax.f32 v24, v25;
	v17 =	vmax.f32 v22, v29;
	v18 =	vmax.f32 v18, v31  }
0x388: {  	s7 =	simm.s32 $0x70;
	v22 =	vmax.f32 v63, v35;
	v24 =	vld.idx.msk [tilespmem:v38+s25+$0x0], $0xffff;
	v23 =	vmax.f32 v23, v37;
	v14 =	vmax.f32 v7, v16  }
0x389: {  	s9 =	simm.s32 $0x3C0;
	v7 =	vor.u32 s8, v6;
	v16 =	vmax.f32 v26, v27;
	s8 =	simm.s32 $0x0;
	[tilespmem:s7+$0x17FF0] =	vst v14;
	v14 =	vld.idx.msk [tilespmem:v32+s25+$0x0], $0xffff;
	v20 =	vmax.f32 v62, v33  }
.LBB2_22:
0x38a: {  	s10 =	sadd.s32 $0xFFFFFE80, s9;
	s11 =	sadd.s32 $0xFFFFFEC0, s9;
	s12 =	sadd.s32 $0xFFFFFFC0, s9;
	v25 =	vor.u32 s9, v0;
	v26 =	vor.u32 s9, v4;
	v27 =	vor.u32 s9, v5;
	v28 =	vld.idx.msk [tilespmem:v11+s25+$0x0], $0xffff  }
0x38b: {  	s13 =	sadd.s32 $0xFFFFFF00, s9;
	s14 =	sadd.s32 $0xFFFFFF40, s9;
	s8 =	sadd.s32 $0x8, s8;
	v29 =	vor.u32 s10, v0;
	v30 =	vor.u32 s10, v4;
	v11 =	vor.u32 s12, v0;
	v31 =	vld.idx.msk [tilespmem:v10+s25+$0x0], $0xffff  }
0x38c: {  	s15 =	sadd.s32 $0xFFFFFE40, s9;
	s16 =	sadd.s32 $0xFFFFFF80, s9;
	v32 =	vor.u32 s11, v0;
	v33 =	vor.u32 s11, v1;
	v10 =	vor.u32 s12, v1;
	p0 =	slt.u32 s8, $0x1F8;
	v34 =	vld.idx.msk [tilespmem:v8+s25+$0x0], $0xffff  }
0x38d: {  	v35 =	vor.u32 s15, v0;
	v36 =	vor.u32 s15, v1;
	v8 =	vor.u32 s12, v2;
	v37 =	vld.idx.msk [tilespmem:v9+s25+$0x0], $0xffff  }
0x38e: {  	v38 =	vor.u32 s13, v0;
	v39 =	vor.u32 s13, v4;
	v9 =	vor.u32 s12, v3;
	v40 =	vld.idx.msk [tilespmem:v7+s25+$0x0], $0xffff  }
0x38f: {  	v41 =	vor.u32 s14, v0;
	v42 =	vor.u32 s14, v1;
	v43 =	vor.u32 s16, v0;
	v25 =	vld.idx.msk [tilespmem:v25+s25+$0x0], $0xffff  }
0x390: {  	v44 =	vor.u32 s15, v2;
	v45 =	vor.u32 s10, v5;
	v46 =	vor.u32 s16, v4;
	v47 =	vld.idx.msk [tilespmem:v11+s25+$0x0], $0xffff  }
0x391: {  	v48 =	vor.u32 s11, v2;
	v49 =	vor.u32 s13, v5;
	v50 =	vor.u32 s14, v2;
	v51 =	vld.idx.msk [tilespmem:v10+s25+$0x0], $0xffff  }
0x392: {  	v52 =	vor.u32 s15, v3;
	v53 =	vor.u32 s10, v6;
	v54 =	vor.u32 s16, v5;
	v55 =	vld.idx.msk [tilespmem:v8+s25+$0x0], $0xffff  }
0x393: {  	v11 =	vor.u32 s11, v3;
	v10 =	vor.u32 s13, v6;
	v8 =	vor.u32 s14, v3;
	v56 =	vld.idx.msk [tilespmem:v9+s25+$0x0], $0xffff  }
0x394: {  	v12 =	vmax.f32 v15, v12;
	v7 =	vor.u32 s9, v6;
	v9 =	vor.u32 s16, v6;
	v35 =	vld.idx.msk [tilespmem:v35+s25+$0x0], $0xffff  }
0x395: {  	v13 =	vmax.f32 v16, v13;
	v14 =	vmax.f32 v17, v14;
	v16 =	vmax.f32 v18, v19;
	v15 =	vld.idx.msk [tilespmem:v36+s25+$0x0], $0xffff  }
0x396: {  	v18 =	vmax.f32 v20, v21;
	v19 =	vmax.f32 v22, v24;
	v20 =	vmax.f32 v23, v28;
	v17 =	vld.idx.msk [tilespmem:v29+s25+$0x0], $0xffff  }
0x397: {  	v12 =	vmax.f32 v12, v31;
	v13 =	vmax.f32 v13, v34;
	v22 =	vmax.f32 v47, v51;
	v21 =	vld.idx.msk [tilespmem:v30+s25+$0x0], $0xffff  }
0x398: {  	v14 =	vmax.f32 v14, v37;
	v16 =	vmax.f32 v16, v40;
	v22 =	vmax.f32 v22, v55;
	v23 =	vld.idx.msk [tilespmem:v32+s25+$0x0], $0xffff  }
0x399: {  	s10 =	sshra.s32 s9, $0x2;
	v22 =	vmax.f32 v22, v56;
	v24 =	vld.idx.msk [tilespmem:v33+s25+$0x0], $0xffff;
	[tilespmem:s7+$0x17F90] =	vst v18  }
0x39a: {  	v18 =	vld.idx.msk [tilespmem:v38+s25+$0x0], $0xffff;
	[tilespmem:s10+$0x17FF0] =	vst v22  }
0x39b: {  	v22 =	vmax.f32 v35, v15;
	v15 =	vld.idx.msk [tilespmem:v39+s25+$0x0], $0xffff;
	[tilespmem:s7+$0x17FA0] =	vst v19  }
0x39c: {  	v19 =	vld.idx.msk [tilespmem:v41+s25+$0x0], $0xffff;
	[tilespmem:s7+$0x17FB0] =	vst v20  }
0x39d: {  	v28 =	vmax.f32 v17, v21;
	v17 =	vld.idx.msk [tilespmem:v42+s25+$0x0], $0xffff;
	[tilespmem:s7+$0x17FC0] =	vst v12  }
0x39e: {  	v20 =	vld.idx.msk [tilespmem:v43+s25+$0x0], $0xffff;
	[tilespmem:s7+$0x17FD0] =	vst v13  }
0x39f: {  	v23 =	vmax.f32 v23, v24;
	v21 =	vld.idx.msk [tilespmem:v46+s25+$0x0], $0xffff;
	[tilespmem:s7+$0x17FE0] =	vst v14  }
0x3a0: {  	v24 =	vld.idx.msk [tilespmem:v26+s25+$0x0], $0xffff;
	[tilespmem:s7+$0x18000] =	vst v16;
	s7 =	smov.u32 s10  }
0x3a1: {  	v15 =	vmax.f32 v18, v15;
	v26 =	vld.idx.msk [tilespmem:v44+s25+$0x0], $0xffff  }
0x3a2: {  	v29 =	vld.idx.msk [tilespmem:v45+s25+$0x0], $0xffff  }
0x3a3: {  	v16 =	vmax.f32 v19, v17;
	v30 =	vld.idx.msk [tilespmem:v48+s25+$0x0], $0xffff  }
0x3a4: {  	v12 =	vld.idx.msk [tilespmem:v49+s25+$0x0], $0xffff  }
.Ltmp10:
0x3a5: {  	v17 =	vmax.f32 v20, v21;
	v13 =	vld.idx.msk [tilespmem:v50+s25+$0x0], $0xffff;
	(pc) =	sbr.rel @p0 .LBB2_22-.Ltmp10, $4  }
0x3a6: {  	v18 =	vmax.f32 v25, v24;
	v14 =	vld.idx.msk [tilespmem:v54+s25+$0x0], $0xffff  }
0x3a7: {  	v20 =	vmax.f32 v22, v26;
	v19 =	vld.idx.msk [tilespmem:v27+s25+$0x0], $0xffff  }
0x3a8: {  	v22 =	vmax.f32 v28, v29;
	v21 =	vld.idx.msk [tilespmem:v52+s25+$0x0], $0xffff  }
0x3a9: {  	s9 =	sadd.s32 $0x200, s9;
	v23 =	vmax.f32 v23, v30;
	v24 =	vld.idx.msk [tilespmem:v53+s25+$0x0], $0xffff  }
0x3aa: {  	_ =	sdelay $0x3  }
0x3ab: {  	v11 =	vld.idx.msk [tilespmem:v11+s25+$0x0], $0xffff  }
0x3ac: {  	v10 =	vld.idx.msk [tilespmem:v10+s25+$0x0], $0xffff  }
0x3ad: {  	v8 =	vld.idx.msk [tilespmem:v8+s25+$0x0], $0xffff  }
0x3ae: {  	v9 =	vld.idx.msk [tilespmem:v9+s25+$0x0], $0xffff;
	v20 =	vmax.f32 v20, v21  }
0x3af: {  	v7 =	vld.idx.msk [tilespmem:v7+s25+$0x0], $0xffff;
	v21 =	vmax.f32 v22, v24;
	[tilespmem:s7+$0x17F90] =	vst v20  }
0x3b0: {  	v12 =	vmax.f32 v15, v12;
	v11 =	vmax.f32 v23, v11;
	[tilespmem:s7+$0x17FA0] =	vst v21  }
0x3b1: {  	v13 =	vmax.f32 v16, v13;
	v10 =	vmax.f32 v12, v10;
	[tilespmem:s7+$0x17FB0] =	vst v11  }
0x3b2: {  	v8 =	vmax.f32 v13, v8;
	v11 =	vmax.f32 v17, v14;
	[tilespmem:s7+$0x17FC0] =	vst v10  }
0x3b3: {  	v10 =	vmax.f32 v18, v19;
	[tilespmem:s7+$0x17FD0] =	vst v8;
	v9 =	vmax.f32 v11, v9  }
0x3b4: {  	v7 =	vmax.f32 v10, v7;
	[tilespmem:s7+$0x17FE0] =	vst v9  }
0x3b5: {  	[tilespmem:s7+$0x18000] =	vst v7  }
0x3b6: {  	s7 =	rddreg [dreg:$0x15]  }
0x3b7: {  	[hbm4b:s7+s23] =	stream.strided.scatter [tilespmem:s29], [sflag:$0x4], $0x2000, s24, s23, $0x38;
	[tilespmem:$0x1C000] =	vst v63  }
0x3b8: {  	s14 =	rddreg [dreg:$0xa]  }
0x3b9: {  	[tilespmem:s25], [sflag:$0x2] =	stream.strided.gather [hbm4b:s14+s23], $0x8000, s24, s23, $0x38;
	[tilespmem:$0x1C000] =	vst v63  }
0x3ba: {  	s8 =	simm.s32 $0x1C0;
	_ =	swait.ge [sflag:s0], $0x8000  }
0x3bb: {  	s15 =	simm.s32 $0x180;
	v7 =	vor.u32 s8, v0;
	[sflag:s0] =	ssyncset.done $0x0  }
0x3bc: {  	v8 =	vor.u32 s15, v0;
	[sflag:s0] =	ssyncadd.s32 $0xFFFF8000  }
0x3bd: {  	v9 =	vor.u32 s15, v1;
	_ =	swait.ge [sflag:s5], $0x2000  }
0x3be: {  	v10 =	vor.u32 s15, v2;
	[sflag:s5] =	ssyncset.done $0x0  }
0x3bf: {  	s9 =	simm.s32 $0x0;
	v11 =	vor.u32 s15, v3;
	[sflag:s5] =	ssyncadd.s32 $0xFFFFE000  }
0x3c0: {  	s16 =	simm.s32 $0x40;
	v12 =	vor.u32 s9, v0;
	v18 =	vld.idx.msk [tilespmem:v7+s26+$0x0], $0xffff  }
0x3c1: {  	v13 =	vor.u32 s16, v0;
	v8 =	vld.idx.msk [tilespmem:v8+s26+$0x0], $0xffff  }
0x3c2: {  	s10 =	simm.s32 $0x80;
	v14 =	vor.u32 s16, v4;
	v9 =	vld.idx.msk [tilespmem:v9+s26+$0x0], $0xffff  }
0x3c3: {  	s13 =	simm.s32 $0x140;
	v15 =	vor.u32 s10, v0;
	v10 =	vld.idx.msk [tilespmem:v10+s26+$0x0], $0xffff  }
0x3c4: {  	v22 =	vor.u32 s13, v0;
	v16 =	vld.idx.msk [tilespmem:v11+s26+$0x0], $0xffff  }
0x3c5: {  	v7 =	vor.u32 s9, v1;
	v17 =	vld.idx.msk [tilespmem:v12+s26+$0x0], $0xffff  }
0x3c6: {  	s11 =	simm.s32 $0xC0;
	v11 =	vor.u32 s10, v1;
	v20 =	vld.idx.msk [tilespmem:v13+s26+$0x0], $0xffff  }
0x3c7: {  	s12 =	simm.s32 $0x100;
	v12 =	vor.u32 s11, v0;
	v21 =	vld.idx.msk [tilespmem:v14+s26+$0x0], $0xffff  }
0x3c8: {  	v13 =	vor.u32 s12, v0;
	v15 =	vld.idx.msk [tilespmem:v15+s26+$0x0], $0xffff  }
0x3c9: {  	v14 =	vor.u32 s12, v1;
	v22 =	vld.idx.msk [tilespmem:v22+s26+$0x0], $0xffff  }
0x3ca: {  	v36 =	vor.u32 s9, v3;
	v19 =	vld.idx.msk [tilespmem:v7+s26+$0x0], $0xffff  }
0x3cb: {  	v7 =	vor.u32 s11, v4;
	v23 =	vld.idx.msk [tilespmem:v11+s26+$0x0], $0xffff  }
0x3cc: {  	v11 =	vor.u32 s13, v4;
	v24 =	vld.idx.msk [tilespmem:v12+s26+$0x0], $0xffff  }
0x3cd: {  	v12 =	vor.u32 s8, v4;
	v26 =	vld.idx.msk [tilespmem:v13+s26+$0x0], $0xffff  }
0x3ce: {  	v13 =	vor.u32 s16, v5;
	v27 =	vld.idx.msk [tilespmem:v14+s26+$0x0], $0xffff  }
0x3cf: {  	v14 =	vor.u32 s10, v2;
	v63 =	vmax.f32 v20, v21;
	v21 =	vld.idx.msk [tilespmem:v36+s26+$0x0], $0xffff  }
0x3d0: {  	v25 =	vld.idx.msk [tilespmem:v7+s26+$0x0], $0xffff;
	v7 =	vor.u32 s9, v2  }
0x3d1: {  	v28 =	vor.u32 s11, v5;
	v29 =	vld.idx.msk [tilespmem:v11+s26+$0x0], $0xffff  }
0x3d2: {  	v30 =	vor.u32 s12, v2;
	v31 =	vld.idx.msk [tilespmem:v12+s26+$0x0], $0xffff  }
0x3d3: {  	v34 =	vor.u32 s8, v5;
	v35 =	vld.idx.msk [tilespmem:v13+s26+$0x0], $0xffff  }
0x3d4: {  	v38 =	vor.u32 s16, v6;
	v37 =	vld.idx.msk [tilespmem:v14+s26+$0x0], $0xffff  }
0x3d5: {  	v32 =	vor.u32 s13, v5;
	v11 =	vor.u32 s10, v3;
	v62 =	vmax.f32 v17, v19;
	v33 =	vld.idx.msk [tilespmem:v7+s26+$0x0], $0xffff  }
0x3d6: {  	v12 =	vld.idx.msk [tilespmem:v28+s26+$0x0], $0xffff;
	v23 =	vmax.f32 v15, v23;
	v7 =	vmax.f32 v8, v9;
	v8 =	vor.u32 s12, v3  }
0x3d7: {  	v13 =	vld.idx.msk [tilespmem:v30+s26+$0x0], $0xffff;
	v9 =	vor.u32 s13, v6;
	v7 =	vmax.f32 v7, v10;
	v10 =	vor.u32 s11, v6  }
0x3d8: {  	v19 =	vld.idx.msk [tilespmem:v34+s26+$0x0], $0xffff;
	v15 =	vmax.f32 v24, v25;
	v17 =	vmax.f32 v22, v29;
	v18 =	vmax.f32 v18, v31  }
0x3d9: {  	s7 =	simm.s32 $0x70;
	v22 =	vmax.f32 v63, v35;
	v24 =	vld.idx.msk [tilespmem:v38+s26+$0x0], $0xffff;
	v23 =	vmax.f32 v23, v37;
	v14 =	vmax.f32 v7, v16  }
0x3da: {  	s9 =	simm.s32 $0x3C0;
	v7 =	vor.u32 s8, v6;
	v16 =	vmax.f32 v26, v27;
	s8 =	simm.s32 $0x0;
	[tilespmem:s7+$0x19FF0] =	vst v14;
	v14 =	vld.idx.msk [tilespmem:v32+s26+$0x0], $0xffff;
	v20 =	vmax.f32 v62, v33  }
.LBB2_24:
0x3db: {  	s10 =	sadd.s32 $0xFFFFFE80, s9;
	s11 =	sadd.s32 $0xFFFFFEC0, s9;
	s12 =	sadd.s32 $0xFFFFFFC0, s9;
	v25 =	vor.u32 s9, v0;
	v26 =	vor.u32 s9, v4;
	v27 =	vor.u32 s9, v5;
	v28 =	vld.idx.msk [tilespmem:v11+s26+$0x0], $0xffff  }
0x3dc: {  	s13 =	sadd.s32 $0xFFFFFF00, s9;
	s14 =	sadd.s32 $0xFFFFFF40, s9;
	s8 =	sadd.s32 $0x8, s8;
	v29 =	vor.u32 s10, v0;
	v30 =	vor.u32 s10, v4;
	v11 =	vor.u32 s12, v0;
	v31 =	vld.idx.msk [tilespmem:v10+s26+$0x0], $0xffff  }
0x3dd: {  	s15 =	sadd.s32 $0xFFFFFE40, s9;
	s16 =	sadd.s32 $0xFFFFFF80, s9;
	v32 =	vor.u32 s11, v0;
	v33 =	vor.u32 s11, v1;
	v10 =	vor.u32 s12, v1;
	p0 =	slt.u32 s8, $0x1F8;
	v34 =	vld.idx.msk [tilespmem:v8+s26+$0x0], $0xffff  }
0x3de: {  	v35 =	vor.u32 s15, v0;
	v36 =	vor.u32 s15, v1;
	v8 =	vor.u32 s12, v2;
	v37 =	vld.idx.msk [tilespmem:v9+s26+$0x0], $0xffff  }
0x3df: {  	v38 =	vor.u32 s13, v0;
	v39 =	vor.u32 s13, v4;
	v9 =	vor.u32 s12, v3;
	v40 =	vld.idx.msk [tilespmem:v7+s26+$0x0], $0xffff  }
0x3e0: {  	v41 =	vor.u32 s14, v0;
	v42 =	vor.u32 s14, v1;
	v43 =	vor.u32 s16, v0;
	v25 =	vld.idx.msk [tilespmem:v25+s26+$0x0], $0xffff  }
0x3e1: {  	v44 =	vor.u32 s15, v2;
	v45 =	vor.u32 s10, v5;
	v46 =	vor.u32 s16, v4;
	v47 =	vld.idx.msk [tilespmem:v11+s26+$0x0], $0xffff  }
0x3e2: {  	v48 =	vor.u32 s11, v2;
	v49 =	vor.u32 s13, v5;
	v50 =	vor.u32 s14, v2;
	v51 =	vld.idx.msk [tilespmem:v10+s26+$0x0], $0xffff  }
0x3e3: {  	v52 =	vor.u32 s15, v3;
	v53 =	vor.u32 s10, v6;
	v54 =	vor.u32 s16, v5;
	v55 =	vld.idx.msk [tilespmem:v8+s26+$0x0], $0xffff  }
0x3e4: {  	v11 =	vor.u32 s11, v3;
	v10 =	vor.u32 s13, v6;
	v8 =	vor.u32 s14, v3;
	v56 =	vld.idx.msk [tilespmem:v9+s26+$0x0], $0xffff  }
0x3e5: {  	v12 =	vmax.f32 v15, v12;
	v7 =	vor.u32 s9, v6;
	v9 =	vor.u32 s16, v6;
	v35 =	vld.idx.msk [tilespmem:v35+s26+$0x0], $0xffff  }
0x3e6: {  	v13 =	vmax.f32 v16, v13;
	v14 =	vmax.f32 v17, v14;
	v16 =	vmax.f32 v18, v19;
	v15 =	vld.idx.msk [tilespmem:v36+s26+$0x0], $0xffff  }
0x3e7: {  	v18 =	vmax.f32 v20, v21;
	v19 =	vmax.f32 v22, v24;
	v20 =	vmax.f32 v23, v28;
	v17 =	vld.idx.msk [tilespmem:v29+s26+$0x0], $0xffff  }
0x3e8: {  	v12 =	vmax.f32 v12, v31;
	v13 =	vmax.f32 v13, v34;
	v22 =	vmax.f32 v47, v51;
	v21 =	vld.idx.msk [tilespmem:v30+s26+$0x0], $0xffff  }
0x3e9: {  	v14 =	vmax.f32 v14, v37;
	v16 =	vmax.f32 v16, v40;
	v22 =	vmax.f32 v22, v55;
	v23 =	vld.idx.msk [tilespmem:v32+s26+$0x0], $0xffff  }
0x3ea: {  	s10 =	sshra.s32 s9, $0x2;
	v22 =	vmax.f32 v22, v56;
	v24 =	vld.idx.msk [tilespmem:v33+s26+$0x0], $0xffff;
	[tilespmem:s7+$0x19F90] =	vst v18  }
0x3eb: {  	v18 =	vld.idx.msk [tilespmem:v38+s26+$0x0], $0xffff;
	[tilespmem:s10+$0x19FF0] =	vst v22  }
0x3ec: {  	v22 =	vmax.f32 v35, v15;
	v15 =	vld.idx.msk [tilespmem:v39+s26+$0x0], $0xffff;
	[tilespmem:s7+$0x19FA0] =	vst v19  }
0x3ed: {  	v19 =	vld.idx.msk [tilespmem:v41+s26+$0x0], $0xffff;
	[tilespmem:s7+$0x19FB0] =	vst v20  }
0x3ee: {  	v28 =	vmax.f32 v17, v21;
	v17 =	vld.idx.msk [tilespmem:v42+s26+$0x0], $0xffff;
	[tilespmem:s7+$0x19FC0] =	vst v12  }
0x3ef: {  	v20 =	vld.idx.msk [tilespmem:v43+s26+$0x0], $0xffff;
	[tilespmem:s7+$0x19FD0] =	vst v13  }
0x3f0: {  	v23 =	vmax.f32 v23, v24;
	v21 =	vld.idx.msk [tilespmem:v46+s26+$0x0], $0xffff;
	[tilespmem:s7+$0x19FE0] =	vst v14  }
0x3f1: {  	v24 =	vld.idx.msk [tilespmem:v26+s26+$0x0], $0xffff;
	[tilespmem:s7+$0x1A000] =	vst v16;
	s7 =	smov.u32 s10  }
0x3f2: {  	v15 =	vmax.f32 v18, v15;
	v26 =	vld.idx.msk [tilespmem:v44+s26+$0x0], $0xffff  }
0x3f3: {  	v29 =	vld.idx.msk [tilespmem:v45+s26+$0x0], $0xffff  }
0x3f4: {  	v16 =	vmax.f32 v19, v17;
	v30 =	vld.idx.msk [tilespmem:v48+s26+$0x0], $0xffff  }
0x3f5: {  	v12 =	vld.idx.msk [tilespmem:v49+s26+$0x0], $0xffff  }
.Ltmp11:
0x3f6: {  	v17 =	vmax.f32 v20, v21;
	v13 =	vld.idx.msk [tilespmem:v50+s26+$0x0], $0xffff;
	(pc) =	sbr.rel @p0 .LBB2_24-.Ltmp11, $4  }
0x3f7: {  	v18 =	vmax.f32 v25, v24;
	v14 =	vld.idx.msk [tilespmem:v54+s26+$0x0], $0xffff  }
0x3f8: {  	v20 =	vmax.f32 v22, v26;
	v19 =	vld.idx.msk [tilespmem:v27+s26+$0x0], $0xffff  }
0x3f9: {  	v22 =	vmax.f32 v28, v29;
	v21 =	vld.idx.msk [tilespmem:v52+s26+$0x0], $0xffff  }
0x3fa: {  	s9 =	sadd.s32 $0x200, s9;
	v23 =	vmax.f32 v23, v30;
	v24 =	vld.idx.msk [tilespmem:v53+s26+$0x0], $0xffff  }
0x3fb: {  	_ =	sdelay $0x3  }
0x3fc: {  	v11 =	vld.idx.msk [tilespmem:v11+s26+$0x0], $0xffff  }
0x3fd: {  	v10 =	vld.idx.msk [tilespmem:v10+s26+$0x0], $0xffff  }
0x3fe: {  	v8 =	vld.idx.msk [tilespmem:v8+s26+$0x0], $0xffff  }
0x3ff: {  	v9 =	vld.idx.msk [tilespmem:v9+s26+$0x0], $0xffff;
	v20 =	vmax.f32 v20, v21  }
0x400: {  	v7 =	vld.idx.msk [tilespmem:v7+s26+$0x0], $0xffff;
	v21 =	vmax.f32 v22, v24;
	[tilespmem:s7+$0x19F90] =	vst v20  }
0x401: {  	v12 =	vmax.f32 v15, v12;
	v11 =	vmax.f32 v23, v11;
	[tilespmem:s7+$0x19FA0] =	vst v21  }
0x402: {  	v13 =	vmax.f32 v16, v13;
	v10 =	vmax.f32 v12, v10;
	[tilespmem:s7+$0x19FB0] =	vst v11  }
0x403: {  	v8 =	vmax.f32 v13, v8;
	v11 =	vmax.f32 v17, v14;
	[tilespmem:s7+$0x19FC0] =	vst v10  }
0x404: {  	v10 =	vmax.f32 v18, v19;
	[tilespmem:s7+$0x19FD0] =	vst v8;
	v9 =	vmax.f32 v11, v9  }
0x405: {  	v7 =	vmax.f32 v10, v7;
	[tilespmem:s7+$0x19FE0] =	vst v9  }
0x406: {  	[tilespmem:s7+$0x1A000] =	vst v7  }
0x407: {  	s7 =	rddreg [dreg:$0x16]  }
0x408: {  	[hbm4b:s7+s23] =	stream.strided.scatter [tilespmem:s31], [sflag:$0x5], $0x2000, s24, s23, $0x38;
	[tilespmem:$0x1C000] =	vst v63  }
0x409: {  	s14 =	rddreg [dreg:$0xb]  }
0x40a: {  	[tilespmem:s26], [sflag:$0x3] =	stream.strided.gather [hbm4b:s14+s23], $0x8000, s24, s23, $0x38;
	[tilespmem:$0x1C000] =	vst v63  }
0x40b: {  	s8 =	simm.s32 $0x1C0;
	_ =	swait.ge [sflag:s28], $0x8000  }
0x40c: {  	s15 =	simm.s32 $0x180;
	v7 =	vor.u32 s8, v0;
	[sflag:s28] =	ssyncset.done $0x0  }
0x40d: {  	v8 =	vor.u32 s15, v0;
	[sflag:s28] =	ssyncadd.s32 $0xFFFF8000  }
0x40e: {  	v9 =	vor.u32 s15, v1;
	_ =	swait.ge [sflag:s4], $0x2000  }
0x40f: {  	v10 =	vor.u32 s15, v2;
	[sflag:s4] =	ssyncset.done $0x0  }
0x410: {  	s9 =	simm.s32 $0x0;
	v11 =	vor.u32 s15, v3;
	[sflag:s4] =	ssyncadd.s32 $0xFFFFE000  }
0x411: {  	s16 =	simm.s32 $0x40;
	v12 =	vor.u32 s9, v0;
	v18 =	vld.idx.msk [tilespmem:v7+s1+$0x0], $0xffff  }
0x412: {  	v13 =	vor.u32 s16, v0;
	v8 =	vld.idx.msk [tilespmem:v8+s1+$0x0], $0xffff  }
0x413: {  	s10 =	simm.s32 $0x80;
	v14 =	vor.u32 s16, v4;
	v9 =	vld.idx.msk [tilespmem:v9+s1+$0x0], $0xffff  }
0x414: {  	s13 =	simm.s32 $0x140;
	v15 =	vor.u32 s10, v0;
	v10 =	vld.idx.msk [tilespmem:v10+s1+$0x0], $0xffff  }
0x415: {  	v22 =	vor.u32 s13, v0;
	v16 =	vld.idx.msk [tilespmem:v11+s1+$0x0], $0xffff  }
0x416: {  	v7 =	vor.u32 s9, v1;
	v17 =	vld.idx.msk [tilespmem:v12+s1+$0x0], $0xffff  }
0x417: {  	s11 =	simm.s32 $0xC0;
	v11 =	vor.u32 s10, v1;
	v20 =	vld.idx.msk [tilespmem:v13+s1+$0x0], $0xffff  }
0x418: {  	s12 =	simm.s32 $0x100;
	v12 =	vor.u32 s11, v0;
	v21 =	vld.idx.msk [tilespmem:v14+s1+$0x0], $0xffff  }
0x419: {  	v13 =	vor.u32 s12, v0;
	v15 =	vld.idx.msk [tilespmem:v15+s1+$0x0], $0xffff  }
0x41a: {  	v14 =	vor.u32 s12, v1;
	v22 =	vld.idx.msk [tilespmem:v22+s1+$0x0], $0xffff  }
0x41b: {  	v36 =	vor.u32 s9, v3;
	v19 =	vld.idx.msk [tilespmem:v7+s1+$0x0], $0xffff  }
0x41c: {  	v7 =	vor.u32 s11, v4;
	v23 =	vld.idx.msk [tilespmem:v11+s1+$0x0], $0xffff  }
0x41d: {  	v11 =	vor.u32 s13, v4;
	v24 =	vld.idx.msk [tilespmem:v12+s1+$0x0], $0xffff  }
0x41e: {  	v12 =	vor.u32 s8, v4;
	v26 =	vld.idx.msk [tilespmem:v13+s1+$0x0], $0xffff  }
0x41f: {  	v13 =	vor.u32 s16, v5;
	v27 =	vld.idx.msk [tilespmem:v14+s1+$0x0], $0xffff  }
0x420: {  	v14 =	vor.u32 s10, v2;
	v63 =	vmax.f32 v20, v21;
	v21 =	vld.idx.msk [tilespmem:v36+s1+$0x0], $0xffff  }
0x421: {  	v25 =	vld.idx.msk [tilespmem:v7+s1+$0x0], $0xffff;
	v7 =	vor.u32 s9, v2  }
0x422: {  	v28 =	vor.u32 s11, v5;
	v29 =	vld.idx.msk [tilespmem:v11+s1+$0x0], $0xffff  }
0x423: {  	v30 =	vor.u32 s12, v2;
	v31 =	vld.idx.msk [tilespmem:v12+s1+$0x0], $0xffff  }
0x424: {  	v34 =	vor.u32 s8, v5;
	v35 =	vld.idx.msk [tilespmem:v13+s1+$0x0], $0xffff  }
0x425: {  	v38 =	vor.u32 s16, v6;
	v37 =	vld.idx.msk [tilespmem:v14+s1+$0x0], $0xffff  }
0x426: {  	v32 =	vor.u32 s13, v5;
	v11 =	vor.u32 s10, v3;
	v62 =	vmax.f32 v17, v19;
	v33 =	vld.idx.msk [tilespmem:v7+s1+$0x0], $0xffff  }
0x427: {  	v12 =	vld.idx.msk [tilespmem:v28+s1+$0x0], $0xffff;
	v23 =	vmax.f32 v15, v23;
	v7 =	vmax.f32 v8, v9;
	v8 =	vor.u32 s12, v3  }
0x428: {  	v13 =	vld.idx.msk [tilespmem:v30+s1+$0x0], $0xffff;
	v9 =	vor.u32 s13, v6;
	v7 =	vmax.f32 v7, v10;
	v10 =	vor.u32 s11, v6  }
0x429: {  	v19 =	vld.idx.msk [tilespmem:v34+s1+$0x0], $0xffff;
	v15 =	vmax.f32 v24, v25;
	v17 =	vmax.f32 v22, v29;
	v18 =	vmax.f32 v18, v31  }
0x42a: {  	s7 =	simm.s32 $0x70;
	v22 =	vmax.f32 v63, v35;
	v24 =	vld.idx.msk [tilespmem:v38+s1+$0x0], $0xffff;
	v23 =	vmax.f32 v23, v37;
	v14 =	vmax.f32 v7, v16  }
0x42b: {  	s9 =	simm.s32 $0x3C0;
	v7 =	vor.u32 s8, v6;
	v16 =	vmax.f32 v26, v27;
	s8 =	simm.s32 $0x0;
	[tilespmem:s7+$0x17FF0] =	vst v14;
	v14 =	vld.idx.msk [tilespmem:v32+s1+$0x0], $0xffff;
	v20 =	vmax.f32 v62, v33  }
.LBB2_26:
0x42c: {  	s10 =	sadd.s32 $0xFFFFFE80, s9;
	s11 =	sadd.s32 $0xFFFFFEC0, s9;
	s12 =	sadd.s32 $0xFFFFFFC0, s9;
	v25 =	vor.u32 s9, v0;
	v26 =	vor.u32 s9, v4;
	v27 =	vor.u32 s9, v5;
	v28 =	vld.idx.msk [tilespmem:v11+s1+$0x0], $0xffff  }
0x42d: {  	s13 =	sadd.s32 $0xFFFFFF00, s9;
	s14 =	sadd.s32 $0xFFFFFF40, s9;
	s8 =	sadd.s32 $0x8, s8;
	v29 =	vor.u32 s10, v0;
	v30 =	vor.u32 s10, v4;
	v11 =	vor.u32 s12, v0;
	v31 =	vld.idx.msk [tilespmem:v10+s1+$0x0], $0xffff  }
0x42e: {  	s15 =	sadd.s32 $0xFFFFFE40, s9;
	s16 =	sadd.s32 $0xFFFFFF80, s9;
	v32 =	vor.u32 s11, v0;
	v33 =	vor.u32 s11, v1;
	v10 =	vor.u32 s12, v1;
	p0 =	slt.u32 s8, $0x1F8;
	v34 =	vld.idx.msk [tilespmem:v8+s1+$0x0], $0xffff  }
0x42f: {  	v35 =	vor.u32 s15, v0;
	v36 =	vor.u32 s15, v1;
	v8 =	vor.u32 s12, v2;
	v37 =	vld.idx.msk [tilespmem:v9+s1+$0x0], $0xffff  }
0x430: {  	v38 =	vor.u32 s13, v0;
	v39 =	vor.u32 s13, v4;
	v9 =	vor.u32 s12, v3;
	v40 =	vld.idx.msk [tilespmem:v7+s1+$0x0], $0xffff  }
0x431: {  	v41 =	vor.u32 s14, v0;
	v42 =	vor.u32 s14, v1;
	v43 =	vor.u32 s16, v0;
	v25 =	vld.idx.msk [tilespmem:v25+s1+$0x0], $0xffff  }
0x432: {  	v44 =	vor.u32 s15, v2;
	v45 =	vor.u32 s10, v5;
	v46 =	vor.u32 s16, v4;
	v47 =	vld.idx.msk [tilespmem:v11+s1+$0x0], $0xffff  }
0x433: {  	v48 =	vor.u32 s11, v2;
	v49 =	vor.u32 s13, v5;
	v50 =	vor.u32 s14, v2;
	v51 =	vld.idx.msk [tilespmem:v10+s1+$0x0], $0xffff  }
0x434: {  	v52 =	vor.u32 s15, v3;
	v53 =	vor.u32 s10, v6;
	v54 =	vor.u32 s16, v5;
	v55 =	vld.idx.msk [tilespmem:v8+s1+$0x0], $0xffff  }
0x435: {  	v11 =	vor.u32 s11, v3;
	v10 =	vor.u32 s13, v6;
	v8 =	vor.u32 s14, v3;
	v56 =	vld.idx.msk [tilespmem:v9+s1+$0x0], $0xffff  }
0x436: {  	v12 =	vmax.f32 v15, v12;
	v7 =	vor.u32 s9, v6;
	v9 =	vor.u32 s16, v6;
	v35 =	vld.idx.msk [tilespmem:v35+s1+$0x0], $0xffff  }
0x437: {  	v13 =	vmax.f32 v16, v13;
	v14 =	vmax.f32 v17, v14;
	v16 =	vmax.f32 v18, v19;
	v15 =	vld.idx.msk [tilespmem:v36+s1+$0x0], $0xffff  }
0x438: {  	v18 =	vmax.f32 v20, v21;
	v19 =	vmax.f32 v22, v24;
	v20 =	vmax.f32 v23, v28;
	v17 =	vld.idx.msk [tilespmem:v29+s1+$0x0], $0xffff  }
0x439: {  	v12 =	vmax.f32 v12, v31;
	v13 =	vmax.f32 v13, v34;
	v22 =	vmax.f32 v47, v51;
	v21 =	vld.idx.msk [tilespmem:v30+s1+$0x0], $0xffff  }
0x43a: {  	v14 =	vmax.f32 v14, v37;
	v16 =	vmax.f32 v16, v40;
	v22 =	vmax.f32 v22, v55;
	v23 =	vld.idx.msk [tilespmem:v32+s1+$0x0], $0xffff  }
0x43b: {  	s10 =	sshra.s32 s9, $0x2;
	v22 =	vmax.f32 v22, v56;
	v24 =	vld.idx.msk [tilespmem:v33+s1+$0x0], $0xffff;
	[tilespmem:s7+$0x17F90] =	vst v18  }
0x43c: {  	v18 =	vld.idx.msk [tilespmem:v38+s1+$0x0], $0xffff;
	[tilespmem:s10+$0x17FF0] =	vst v22  }
0x43d: {  	v22 =	vmax.f32 v35, v15;
	v15 =	vld.idx.msk [tilespmem:v39+s1+$0x0], $0xffff;
	[tilespmem:s7+$0x17FA0] =	vst v19  }
0x43e: {  	v19 =	vld.idx.msk [tilespmem:v41+s1+$0x0], $0xffff;
	[tilespmem:s7+$0x17FB0] =	vst v20  }
0x43f: {  	v28 =	vmax.f32 v17, v21;
	v17 =	vld.idx.msk [tilespmem:v42+s1+$0x0], $0xffff;
	[tilespmem:s7+$0x17FC0] =	vst v12  }
0x440: {  	v20 =	vld.idx.msk [tilespmem:v43+s1+$0x0], $0xffff;
	[tilespmem:s7+$0x17FD0] =	vst v13  }
0x441: {  	v23 =	vmax.f32 v23, v24;
	v21 =	vld.idx.msk [tilespmem:v46+s1+$0x0], $0xffff;
	[tilespmem:s7+$0x17FE0] =	vst v14  }
0x442: {  	v24 =	vld.idx.msk [tilespmem:v26+s1+$0x0], $0xffff;
	[tilespmem:s7+$0x18000] =	vst v16;
	s7 =	smov.u32 s10  }
0x443: {  	v15 =	vmax.f32 v18, v15;
	v26 =	vld.idx.msk [tilespmem:v44+s1+$0x0], $0xffff  }
0x444: {  	v29 =	vld.idx.msk [tilespmem:v45+s1+$0x0], $0xffff  }
0x445: {  	v16 =	vmax.f32 v19, v17;
	v30 =	vld.idx.msk [tilespmem:v48+s1+$0x0], $0xffff  }
0x446: {  	v12 =	vld.idx.msk [tilespmem:v49+s1+$0x0], $0xffff  }
.Ltmp12:
0x447: {  	v17 =	vmax.f32 v20, v21;
	v13 =	vld.idx.msk [tilespmem:v50+s1+$0x0], $0xffff;
	(pc) =	sbr.rel @p0 .LBB2_26-.Ltmp12, $4  }
0x448: {  	v18 =	vmax.f32 v25, v24;
	v14 =	vld.idx.msk [tilespmem:v54+s1+$0x0], $0xffff  }
0x449: {  	v20 =	vmax.f32 v22, v26;
	v19 =	vld.idx.msk [tilespmem:v27+s1+$0x0], $0xffff  }
0x44a: {  	v22 =	vmax.f32 v28, v29;
	v21 =	vld.idx.msk [tilespmem:v52+s1+$0x0], $0xffff  }
0x44b: {  	s9 =	sadd.s32 $0x200, s9;
	v23 =	vmax.f32 v23, v30;
	v24 =	vld.idx.msk [tilespmem:v53+s1+$0x0], $0xffff  }
0x44c: {  	_ =	sdelay $0x3  }
0x44d: {  	v11 =	vld.idx.msk [tilespmem:v11+s1+$0x0], $0xffff  }
0x44e: {  	v10 =	vld.idx.msk [tilespmem:v10+s1+$0x0], $0xffff  }
0x44f: {  	v8 =	vld.idx.msk [tilespmem:v8+s1+$0x0], $0xffff  }
0x450: {  	v9 =	vld.idx.msk [tilespmem:v9+s1+$0x0], $0xffff;
	v20 =	vmax.f32 v20, v21  }
0x451: {  	v7 =	vld.idx.msk [tilespmem:v7+s1+$0x0], $0xffff;
	v21 =	vmax.f32 v22, v24;
	[tilespmem:s7+$0x17F90] =	vst v20  }
0x452: {  	v12 =	vmax.f32 v15, v12;
	v11 =	vmax.f32 v23, v11;
	[tilespmem:s7+$0x17FA0] =	vst v21  }
0x453: {  	v13 =	vmax.f32 v16, v13;
	v10 =	vmax.f32 v12, v10;
	[tilespmem:s7+$0x17FB0] =	vst v11  }
0x454: {  	v8 =	vmax.f32 v13, v8;
	v11 =	vmax.f32 v17, v14;
	[tilespmem:s7+$0x17FC0] =	vst v10  }
0x455: {  	v10 =	vmax.f32 v18, v19;
	[tilespmem:s7+$0x17FD0] =	vst v8;
	v9 =	vmax.f32 v11, v9  }
0x456: {  	v7 =	vmax.f32 v10, v7;
	[tilespmem:s7+$0x17FE0] =	vst v9  }
0x457: {  	[tilespmem:s7+$0x18000] =	vst v7  }
0x458: {  	s7 =	rddreg [dreg:$0x17]  }
0x459: {  	[hbm4b:s7+s23] =	stream.strided.scatter [tilespmem:s29], [sflag:$0x4], $0x2000, s24, s23, $0x38;
	[tilespmem:$0x1C000] =	vst v63  }
0x45a: {  	s14 =	rddreg [dreg:$0xc]  }
0x45b: {  	[tilespmem:s1], [sflag:$0x1] =	stream.strided.gather [hbm4b:s14+s23], $0x8000, s24, s23, $0x38;
	[tilespmem:$0x1C000] =	vst v63  }
0x45c: {  	s8 =	simm.s32 $0x1C0;
	_ =	swait.ge [sflag:s30], $0x8000  }
0x45d: {  	s15 =	simm.s32 $0x180;
	v7 =	vor.u32 s8, v0;
	[sflag:s30] =	ssyncset.done $0x0  }
0x45e: {  	v8 =	vor.u32 s15, v0;
	[sflag:s30] =	ssyncadd.s32 $0xFFFF8000  }
0x45f: {  	v9 =	vor.u32 s15, v1;
	_ =	swait.ge [sflag:s5], $0x2000  }
0x460: {  	v10 =	vor.u32 s15, v2;
	[sflag:s5] =	ssyncset.done $0x0  }
0x461: {  	s9 =	simm.s32 $0x0;
	v11 =	vor.u32 s15, v3;
	[sflag:s5] =	ssyncadd.s32 $0xFFFFE000  }
0x462: {  	s16 =	simm.s32 $0x40;
	v12 =	vor.u32 s9, v0;
	v18 =	vld.idx.msk [tilespmem:v7+s25+$0x0], $0xffff  }
0x463: {  	v13 =	vor.u32 s16, v0;
	v8 =	vld.idx.msk [tilespmem:v8+s25+$0x0], $0xffff  }
0x464: {  	s10 =	simm.s32 $0x80;
	v14 =	vor.u32 s16, v4;
	v9 =	vld.idx.msk [tilespmem:v9+s25+$0x0], $0xffff  }
0x465: {  	s13 =	simm.s32 $0x140;
	v15 =	vor.u32 s10, v0;
	v10 =	vld.idx.msk [tilespmem:v10+s25+$0x0], $0xffff  }
0x466: {  	v22 =	vor.u32 s13, v0;
	v16 =	vld.idx.msk [tilespmem:v11+s25+$0x0], $0xffff  }
0x467: {  	v7 =	vor.u32 s9, v1;
	v17 =	vld.idx.msk [tilespmem:v12+s25+$0x0], $0xffff  }
0x468: {  	s11 =	simm.s32 $0xC0;
	v11 =	vor.u32 s10, v1;
	v20 =	vld.idx.msk [tilespmem:v13+s25+$0x0], $0xffff  }
0x469: {  	s12 =	simm.s32 $0x100;
	v12 =	vor.u32 s11, v0;
	v21 =	vld.idx.msk [tilespmem:v14+s25+$0x0], $0xffff  }
0x46a: {  	v13 =	vor.u32 s12, v0;
	v15 =	vld.idx.msk [tilespmem:v15+s25+$0x0], $0xffff  }
0x46b: {  	v14 =	vor.u32 s12, v1;
	v22 =	vld.idx.msk [tilespmem:v22+s25+$0x0], $0xffff  }
0x46c: {  	v36 =	vor.u32 s9, v3;
	v19 =	vld.idx.msk [tilespmem:v7+s25+$0x0], $0xffff  }
0x46d: {  	v7 =	vor.u32 s11, v4;
	v23 =	vld.idx.msk [tilespmem:v11+s25+$0x0], $0xffff  }
0x46e: {  	v11 =	vor.u32 s13, v4;
	v24 =	vld.idx.msk [tilespmem:v12+s25+$0x0], $0xffff  }
0x46f: {  	v12 =	vor.u32 s8, v4;
	v26 =	vld.idx.msk [tilespmem:v13+s25+$0x0], $0xffff  }
0x470: {  	v13 =	vor.u32 s16, v5;
	v27 =	vld.idx.msk [tilespmem:v14+s25+$0x0], $0xffff  }
0x471: {  	v14 =	vor.u32 s10, v2;
	v63 =	vmax.f32 v20, v21;
	v21 =	vld.idx.msk [tilespmem:v36+s25+$0x0], $0xffff  }
0x472: {  	v25 =	vld.idx.msk [tilespmem:v7+s25+$0x0], $0xffff;
	v7 =	vor.u32 s9, v2  }
0x473: {  	v28 =	vor.u32 s11, v5;
	v29 =	vld.idx.msk [tilespmem:v11+s25+$0x0], $0xffff  }
0x474: {  	v30 =	vor.u32 s12, v2;
	v31 =	vld.idx.msk [tilespmem:v12+s25+$0x0], $0xffff  }
0x475: {  	v34 =	vor.u32 s8, v5;
	v35 =	vld.idx.msk [tilespmem:v13+s25+$0x0], $0xffff  }
0x476: {  	v38 =	vor.u32 s16, v6;
	v37 =	vld.idx.msk [tilespmem:v14+s25+$0x0], $0xffff  }
0x477: {  	v32 =	vor.u32 s13, v5;
	v11 =	vor.u32 s10, v3;
	v62 =	vmax.f32 v17, v19;
	v33 =	vld.idx.msk [tilespmem:v7+s25+$0x0], $0xffff  }
0x478: {  	v12 =	vld.idx.msk [tilespmem:v28+s25+$0x0], $0xffff;
	v23 =	vmax.f32 v15, v23;
	v7 =	vmax.f32 v8, v9;
	v8 =	vor.u32 s12, v3  }
0x479: {  	v13 =	vld.idx.msk [tilespmem:v30+s25+$0x0], $0xffff;
	v9 =	vor.u32 s13, v6;
	v7 =	vmax.f32 v7, v10;
	v10 =	vor.u32 s11, v6  }
0x47a: {  	v19 =	vld.idx.msk [tilespmem:v34+s25+$0x0], $0xffff;
	v15 =	vmax.f32 v24, v25;
	v17 =	vmax.f32 v22, v29;
	v18 =	vmax.f32 v18, v31  }
0x47b: {  	s7 =	simm.s32 $0x70;
	v22 =	vmax.f32 v63, v35;
	v24 =	vld.idx.msk [tilespmem:v38+s25+$0x0], $0xffff;
	v23 =	vmax.f32 v23, v37;
	v14 =	vmax.f32 v7, v16  }
0x47c: {  	s9 =	simm.s32 $0x3C0;
	v7 =	vor.u32 s8, v6;
	v16 =	vmax.f32 v26, v27;
	s8 =	simm.s32 $0x0;
	[tilespmem:s7+$0x19FF0] =	vst v14;
	v14 =	vld.idx.msk [tilespmem:v32+s25+$0x0], $0xffff;
	v20 =	vmax.f32 v62, v33  }
.LBB2_28:
0x47d: {  	s10 =	sadd.s32 $0xFFFFFE80, s9;
	s11 =	sadd.s32 $0xFFFFFEC0, s9;
	s12 =	sadd.s32 $0xFFFFFFC0, s9;
	v25 =	vor.u32 s9, v0;
	v26 =	vor.u32 s9, v4;
	v27 =	vor.u32 s9, v5;
	v28 =	vld.idx.msk [tilespmem:v11+s25+$0x0], $0xffff  }
0x47e: {  	s13 =	sadd.s32 $0xFFFFFF00, s9;
	s14 =	sadd.s32 $0xFFFFFF40, s9;
	s8 =	sadd.s32 $0x8, s8;
	v29 =	vor.u32 s10, v0;
	v30 =	vor.u32 s10, v4;
	v11 =	vor.u32 s12, v0;
	v31 =	vld.idx.msk [tilespmem:v10+s25+$0x0], $0xffff  }
0x47f: {  	s15 =	sadd.s32 $0xFFFFFE40, s9;
	s16 =	sadd.s32 $0xFFFFFF80, s9;
	v32 =	vor.u32 s11, v0;
	v33 =	vor.u32 s11, v1;
	v10 =	vor.u32 s12, v1;
	p0 =	slt.u32 s8, $0x1F8;
	v34 =	vld.idx.msk [tilespmem:v8+s25+$0x0], $0xffff  }
0x480: {  	v35 =	vor.u32 s15, v0;
	v36 =	vor.u32 s15, v1;
	v8 =	vor.u32 s12, v2;
	v37 =	vld.idx.msk [tilespmem:v9+s25+$0x0], $0xffff  }
0x481: {  	v38 =	vor.u32 s13, v0;
	v39 =	vor.u32 s13, v4;
	v9 =	vor.u32 s12, v3;
	v40 =	vld.idx.msk [tilespmem:v7+s25+$0x0], $0xffff  }
0x482: {  	v41 =	vor.u32 s14, v0;
	v42 =	vor.u32 s14, v1;
	v43 =	vor.u32 s16, v0;
	v25 =	vld.idx.msk [tilespmem:v25+s25+$0x0], $0xffff  }
0x483: {  	v44 =	vor.u32 s15, v2;
	v45 =	vor.u32 s10, v5;
	v46 =	vor.u32 s16, v4;
	v47 =	vld.idx.msk [tilespmem:v11+s25+$0x0], $0xffff  }
0x484: {  	v48 =	vor.u32 s11, v2;
	v49 =	vor.u32 s13, v5;
	v50 =	vor.u32 s14, v2;
	v51 =	vld.idx.msk [tilespmem:v10+s25+$0x0], $0xffff  }
0x485: {  	v52 =	vor.u32 s15, v3;
	v53 =	vor.u32 s10, v6;
	v54 =	vor.u32 s16, v5;
	v55 =	vld.idx.msk [tilespmem:v8+s25+$0x0], $0xffff  }
0x486: {  	v11 =	vor.u32 s11, v3;
	v10 =	vor.u32 s13, v6;
	v8 =	vor.u32 s14, v3;
	v56 =	vld.idx.msk [tilespmem:v9+s25+$0x0], $0xffff  }
0x487: {  	v12 =	vmax.f32 v15, v12;
	v7 =	vor.u32 s9, v6;
	v9 =	vor.u32 s16, v6;
	v35 =	vld.idx.msk [tilespmem:v35+s25+$0x0], $0xffff  }
0x488: {  	v13 =	vmax.f32 v16, v13;
	v14 =	vmax.f32 v17, v14;
	v16 =	vmax.f32 v18, v19;
	v15 =	vld.idx.msk [tilespmem:v36+s25+$0x0], $0xffff  }
0x489: {  	v18 =	vmax.f32 v20, v21;
	v19 =	vmax.f32 v22, v24;
	v20 =	vmax.f32 v23, v28;
	v17 =	vld.idx.msk [tilespmem:v29+s25+$0x0], $0xffff  }
0x48a: {  	v12 =	vmax.f32 v12, v31;
	v13 =	vmax.f32 v13, v34;
	v22 =	vmax.f32 v47, v51;
	v21 =	vld.idx.msk [tilespmem:v30+s25+$0x0], $0xffff  }
0x48b: {  	v14 =	vmax.f32 v14, v37;
	v16 =	vmax.f32 v16, v40;
	v22 =	vmax.f32 v22, v55;
	v23 =	vld.idx.msk [tilespmem:v32+s25+$0x0], $0xffff  }
0x48c: {  	s10 =	sshra.s32 s9, $0x2;
	v22 =	vmax.f32 v22, v56;
	v24 =	vld.idx.msk [tilespmem:v33+s25+$0x0], $0xffff;
	[tilespmem:s7+$0x19F90] =	vst v18  }
0x48d: {  	v18 =	vld.idx.msk [tilespmem:v38+s25+$0x0], $0xffff;
	[tilespmem:s10+$0x19FF0] =	vst v22  }
0x48e: {  	v22 =	vmax.f32 v35, v15;
	v15 =	vld.idx.msk [tilespmem:v39+s25+$0x0], $0xffff;
	[tilespmem:s7+$0x19FA0] =	vst v19  }
0x48f: {  	v19 =	vld.idx.msk [tilespmem:v41+s25+$0x0], $0xffff;
	[tilespmem:s7+$0x19FB0] =	vst v20  }
0x490: {  	v28 =	vmax.f32 v17, v21;
	v17 =	vld.idx.msk [tilespmem:v42+s25+$0x0], $0xffff;
	[tilespmem:s7+$0x19FC0] =	vst v12  }
0x491: {  	v20 =	vld.idx.msk [tilespmem:v43+s25+$0x0], $0xffff;
	[tilespmem:s7+$0x19FD0] =	vst v13  }
0x492: {  	v23 =	vmax.f32 v23, v24;
	v21 =	vld.idx.msk [tilespmem:v46+s25+$0x0], $0xffff;
	[tilespmem:s7+$0x19FE0] =	vst v14  }
0x493: {  	v24 =	vld.idx.msk [tilespmem:v26+s25+$0x0], $0xffff;
	[tilespmem:s7+$0x1A000] =	vst v16;
	s7 =	smov.u32 s10  }
0x494: {  	v15 =	vmax.f32 v18, v15;
	v26 =	vld.idx.msk [tilespmem:v44+s25+$0x0], $0xffff  }
0x495: {  	v29 =	vld.idx.msk [tilespmem:v45+s25+$0x0], $0xffff  }
0x496: {  	v16 =	vmax.f32 v19, v17;
	v30 =	vld.idx.msk [tilespmem:v48+s25+$0x0], $0xffff  }
0x497: {  	v12 =	vld.idx.msk [tilespmem:v49+s25+$0x0], $0xffff  }
.Ltmp13:
0x498: {  	v17 =	vmax.f32 v20, v21;
	v13 =	vld.idx.msk [tilespmem:v50+s25+$0x0], $0xffff;
	(pc) =	sbr.rel @p0 .LBB2_28-.Ltmp13, $4  }
0x499: {  	v18 =	vmax.f32 v25, v24;
	v14 =	vld.idx.msk [tilespmem:v54+s25+$0x0], $0xffff  }
0x49a: {  	v20 =	vmax.f32 v22, v26;
	v19 =	vld.idx.msk [tilespmem:v27+s25+$0x0], $0xffff  }
0x49b: {  	v22 =	vmax.f32 v28, v29;
	v21 =	vld.idx.msk [tilespmem:v52+s25+$0x0], $0xffff  }
0x49c: {  	s9 =	sadd.s32 $0x200, s9;
	v23 =	vmax.f32 v23, v30;
	v24 =	vld.idx.msk [tilespmem:v53+s25+$0x0], $0xffff  }
0x49d: {  	_ =	sdelay $0x3  }
0x49e: {  	v11 =	vld.idx.msk [tilespmem:v11+s25+$0x0], $0xffff  }
0x49f: {  	v10 =	vld.idx.msk [tilespmem:v10+s25+$0x0], $0xffff  }
0x4a0: {  	v8 =	vld.idx.msk [tilespmem:v8+s25+$0x0], $0xffff  }
0x4a1: {  	v9 =	vld.idx.msk [tilespmem:v9+s25+$0x0], $0xffff;
	v20 =	vmax.f32 v20, v21  }
0x4a2: {  	v7 =	vld.idx.msk [tilespmem:v7+s25+$0x0], $0xffff;
	v21 =	vmax.f32 v22, v24;
	[tilespmem:s7+$0x19F90] =	vst v20  }
0x4a3: {  	v12 =	vmax.f32 v15, v12;
	v11 =	vmax.f32 v23, v11;
	[tilespmem:s7+$0x19FA0] =	vst v21  }
0x4a4: {  	v13 =	vmax.f32 v16, v13;
	v10 =	vmax.f32 v12, v10;
	[tilespmem:s7+$0x19FB0] =	vst v11  }
0x4a5: {  	v8 =	vmax.f32 v13, v8;
	v11 =	vmax.f32 v17, v14;
	[tilespmem:s7+$0x19FC0] =	vst v10  }
0x4a6: {  	v10 =	vmax.f32 v18, v19;
	[tilespmem:s7+$0x19FD0] =	vst v8;
	v9 =	vmax.f32 v11, v9  }
0x4a7: {  	v7 =	vmax.f32 v10, v7;
	[tilespmem:s7+$0x19FE0] =	vst v9  }
0x4a8: {  	[tilespmem:s7+$0x1A000] =	vst v7  }
0x4a9: {  	s7 =	rddreg [dreg:$0x18]  }
0x4aa: {  	[hbm4b:s7+s23] =	stream.strided.scatter [tilespmem:s31], [sflag:$0x5], $0x2000, s24, s23, $0x38;
	[tilespmem:$0x1C000] =	vst v63  }
0x4ab: {  	s14 =	rddreg [dreg:$0xd]  }
0x4ac: {  	[tilespmem:s25], [sflag:$0x2] =	stream.strided.gather [hbm4b:s14+s23], $0x8000, s24, s23, $0x38;
	[tilespmem:$0x1C000] =	vst v63  }
0x4ad: {  	s8 =	simm.s32 $0x1C0;
	_ =	swait.ge [sflag:s0], $0x8000  }
0x4ae: {  	s15 =	simm.s32 $0x180;
	v7 =	vor.u32 s8, v0;
	[sflag:s0] =	ssyncset.done $0x0  }
0x4af: {  	v8 =	vor.u32 s15, v0;
	[sflag:s0] =	ssyncadd.s32 $0xFFFF8000  }
0x4b0: {  	v9 =	vor.u32 s15, v1;
	_ =	swait.ge [sflag:s4], $0x2000  }
0x4b1: {  	v10 =	vor.u32 s15, v2;
	[sflag:s4] =	ssyncset.done $0x0  }
0x4b2: {  	s9 =	simm.s32 $0x0;
	v11 =	vor.u32 s15, v3;
	[sflag:s4] =	ssyncadd.s32 $0xFFFFE000  }
0x4b3: {  	s16 =	simm.s32 $0x40;
	v12 =	vor.u32 s9, v0;
	v18 =	vld.idx.msk [tilespmem:v7+s26+$0x0], $0xffff  }
0x4b4: {  	v13 =	vor.u32 s16, v0;
	v8 =	vld.idx.msk [tilespmem:v8+s26+$0x0], $0xffff  }
0x4b5: {  	s10 =	simm.s32 $0x80;
	v14 =	vor.u32 s16, v4;
	v9 =	vld.idx.msk [tilespmem:v9+s26+$0x0], $0xffff  }
0x4b6: {  	s13 =	simm.s32 $0x140;
	v15 =	vor.u32 s10, v0;
	v10 =	vld.idx.msk [tilespmem:v10+s26+$0x0], $0xffff  }
0x4b7: {  	v22 =	vor.u32 s13, v0;
	v16 =	vld.idx.msk [tilespmem:v11+s26+$0x0], $0xffff  }
0x4b8: {  	v7 =	vor.u32 s9, v1;
	v17 =	vld.idx.msk [tilespmem:v12+s26+$0x0], $0xffff  }
0x4b9: {  	s11 =	simm.s32 $0xC0;
	v11 =	vor.u32 s10, v1;
	v20 =	vld.idx.msk [tilespmem:v13+s26+$0x0], $0xffff  }
0x4ba: {  	s12 =	simm.s32 $0x100;
	v12 =	vor.u32 s11, v0;
	v21 =	vld.idx.msk [tilespmem:v14+s26+$0x0], $0xffff  }
0x4bb: {  	v13 =	vor.u32 s12, v0;
	v15 =	vld.idx.msk [tilespmem:v15+s26+$0x0], $0xffff  }
0x4bc: {  	v14 =	vor.u32 s12, v1;
	v22 =	vld.idx.msk [tilespmem:v22+s26+$0x0], $0xffff  }
0x4bd: {  	v36 =	vor.u32 s9, v3;
	v19 =	vld.idx.msk [tilespmem:v7+s26+$0x0], $0xffff  }
0x4be: {  	v7 =	vor.u32 s11, v4;
	v23 =	vld.idx.msk [tilespmem:v11+s26+$0x0], $0xffff  }
0x4bf: {  	v11 =	vor.u32 s13, v4;
	v24 =	vld.idx.msk [tilespmem:v12+s26+$0x0], $0xffff  }
0x4c0: {  	v12 =	vor.u32 s8, v4;
	v26 =	vld.idx.msk [tilespmem:v13+s26+$0x0], $0xffff  }
0x4c1: {  	v13 =	vor.u32 s16, v5;
	v27 =	vld.idx.msk [tilespmem:v14+s26+$0x0], $0xffff  }
0x4c2: {  	v14 =	vor.u32 s10, v2;
	v63 =	vmax.f32 v20, v21;
	v21 =	vld.idx.msk [tilespmem:v36+s26+$0x0], $0xffff  }
0x4c3: {  	v25 =	vld.idx.msk [tilespmem:v7+s26+$0x0], $0xffff;
	v7 =	vor.u32 s9, v2  }
0x4c4: {  	v28 =	vor.u32 s11, v5;
	v29 =	vld.idx.msk [tilespmem:v11+s26+$0x0], $0xffff  }
0x4c5: {  	v30 =	vor.u32 s12, v2;
	v31 =	vld.idx.msk [tilespmem:v12+s26+$0x0], $0xffff  }
0x4c6: {  	v34 =	vor.u32 s8, v5;
	v35 =	vld.idx.msk [tilespmem:v13+s26+$0x0], $0xffff  }
0x4c7: {  	v38 =	vor.u32 s16, v6;
	v37 =	vld.idx.msk [tilespmem:v14+s26+$0x0], $0xffff  }
0x4c8: {  	v32 =	vor.u32 s13, v5;
	v11 =	vor.u32 s10, v3;
	v62 =	vmax.f32 v17, v19;
	v33 =	vld.idx.msk [tilespmem:v7+s26+$0x0], $0xffff  }
0x4c9: {  	v12 =	vld.idx.msk [tilespmem:v28+s26+$0x0], $0xffff;
	v23 =	vmax.f32 v15, v23;
	v7 =	vmax.f32 v8, v9;
	v8 =	vor.u32 s12, v3  }
0x4ca: {  	v13 =	vld.idx.msk [tilespmem:v30+s26+$0x0], $0xffff;
	v9 =	vor.u32 s13, v6;
	v7 =	vmax.f32 v7, v10;
	v10 =	vor.u32 s11, v6  }
0x4cb: {  	v19 =	vld.idx.msk [tilespmem:v34+s26+$0x0], $0xffff;
	v15 =	vmax.f32 v24, v25;
	v17 =	vmax.f32 v22, v29;
	v18 =	vmax.f32 v18, v31  }
0x4cc: {  	s7 =	simm.s32 $0x70;
	v22 =	vmax.f32 v63, v35;
	v24 =	vld.idx.msk [tilespmem:v38+s26+$0x0], $0xffff;
	v23 =	vmax.f32 v23, v37;
	v14 =	vmax.f32 v7, v16  }
0x4cd: {  	s9 =	simm.s32 $0x3C0;
	v7 =	vor.u32 s8, v6;
	v16 =	vmax.f32 v26, v27;
	s8 =	simm.s32 $0x0;
	[tilespmem:s7+$0x17FF0] =	vst v14;
	v14 =	vld.idx.msk [tilespmem:v32+s26+$0x0], $0xffff;
	v20 =	vmax.f32 v62, v33  }
.LBB2_30:
0x4ce: {  	s10 =	sadd.s32 $0xFFFFFE80, s9;
	s11 =	sadd.s32 $0xFFFFFEC0, s9;
	s12 =	sadd.s32 $0xFFFFFFC0, s9;
	v25 =	vor.u32 s9, v0;
	v26 =	vor.u32 s9, v4;
	v27 =	vor.u32 s9, v5;
	v28 =	vld.idx.msk [tilespmem:v11+s26+$0x0], $0xffff  }
0x4cf: {  	s13 =	sadd.s32 $0xFFFFFF00, s9;
	s14 =	sadd.s32 $0xFFFFFF40, s9;
	s8 =	sadd.s32 $0x8, s8;
	v29 =	vor.u32 s10, v0;
	v30 =	vor.u32 s10, v4;
	v11 =	vor.u32 s12, v0;
	v31 =	vld.idx.msk [tilespmem:v10+s26+$0x0], $0xffff  }
0x4d0: {  	s15 =	sadd.s32 $0xFFFFFE40, s9;
	s16 =	sadd.s32 $0xFFFFFF80, s9;
	v32 =	vor.u32 s11, v0;
	v33 =	vor.u32 s11, v1;
	v10 =	vor.u32 s12, v1;
	p0 =	slt.u32 s8, $0x1F8;
	v34 =	vld.idx.msk [tilespmem:v8+s26+$0x0], $0xffff  }
0x4d1: {  	v35 =	vor.u32 s15, v0;
	v36 =	vor.u32 s15, v1;
	v8 =	vor.u32 s12, v2;
	v37 =	vld.idx.msk [tilespmem:v9+s26+$0x0], $0xffff  }
0x4d2: {  	v38 =	vor.u32 s13, v0;
	v39 =	vor.u32 s13, v4;
	v9 =	vor.u32 s12, v3;
	v40 =	vld.idx.msk [tilespmem:v7+s26+$0x0], $0xffff  }
0x4d3: {  	v41 =	vor.u32 s14, v0;
	v42 =	vor.u32 s14, v1;
	v43 =	vor.u32 s16, v0;
	v25 =	vld.idx.msk [tilespmem:v25+s26+$0x0], $0xffff  }
0x4d4: {  	v44 =	vor.u32 s15, v2;
	v45 =	vor.u32 s10, v5;
	v46 =	vor.u32 s16, v4;
	v47 =	vld.idx.msk [tilespmem:v11+s26+$0x0], $0xffff  }
0x4d5: {  	v48 =	vor.u32 s11, v2;
	v49 =	vor.u32 s13, v5;
	v50 =	vor.u32 s14, v2;
	v51 =	vld.idx.msk [tilespmem:v10+s26+$0x0], $0xffff  }
0x4d6: {  	v52 =	vor.u32 s15, v3;
	v53 =	vor.u32 s10, v6;
	v54 =	vor.u32 s16, v5;
	v55 =	vld.idx.msk [tilespmem:v8+s26+$0x0], $0xffff  }
0x4d7: {  	v11 =	vor.u32 s11, v3;
	v10 =	vor.u32 s13, v6;
	v8 =	vor.u32 s14, v3;
	v56 =	vld.idx.msk [tilespmem:v9+s26+$0x0], $0xffff  }
0x4d8: {  	v12 =	vmax.f32 v15, v12;
	v7 =	vor.u32 s9, v6;
	v9 =	vor.u32 s16, v6;
	v35 =	vld.idx.msk [tilespmem:v35+s26+$0x0], $0xffff  }
0x4d9: {  	v13 =	vmax.f32 v16, v13;
	v14 =	vmax.f32 v17, v14;
	v16 =	vmax.f32 v18, v19;
	v15 =	vld.idx.msk [tilespmem:v36+s26+$0x0], $0xffff  }
0x4da: {  	v18 =	vmax.f32 v20, v21;
	v19 =	vmax.f32 v22, v24;
	v20 =	vmax.f32 v23, v28;
	v17 =	vld.idx.msk [tilespmem:v29+s26+$0x0], $0xffff  }
0x4db: {  	v12 =	vmax.f32 v12, v31;
	v13 =	vmax.f32 v13, v34;
	v22 =	vmax.f32 v47, v51;
	v21 =	vld.idx.msk [tilespmem:v30+s26+$0x0], $0xffff  }
0x4dc: {  	v14 =	vmax.f32 v14, v37;
	v16 =	vmax.f32 v16, v40;
	v22 =	vmax.f32 v22, v55;
	v23 =	vld.idx.msk [tilespmem:v32+s26+$0x0], $0xffff  }
0x4dd: {  	s10 =	sshra.s32 s9, $0x2;
	v22 =	vmax.f32 v22, v56;
	v24 =	vld.idx.msk [tilespmem:v33+s26+$0x0], $0xffff;
	[tilespmem:s7+$0x17F90] =	vst v18  }
0x4de: {  	v18 =	vld.idx.msk [tilespmem:v38+s26+$0x0], $0xffff;
	[tilespmem:s10+$0x17FF0] =	vst v22  }
0x4df: {  	v22 =	vmax.f32 v35, v15;
	v15 =	vld.idx.msk [tilespmem:v39+s26+$0x0], $0xffff;
	[tilespmem:s7+$0x17FA0] =	vst v19  }
0x4e0: {  	v19 =	vld.idx.msk [tilespmem:v41+s26+$0x0], $0xffff;
	[tilespmem:s7+$0x17FB0] =	vst v20  }
0x4e1: {  	v28 =	vmax.f32 v17, v21;
	v17 =	vld.idx.msk [tilespmem:v42+s26+$0x0], $0xffff;
	[tilespmem:s7+$0x17FC0] =	vst v12  }
0x4e2: {  	v20 =	vld.idx.msk [tilespmem:v43+s26+$0x0], $0xffff;
	[tilespmem:s7+$0x17FD0] =	vst v13  }
0x4e3: {  	v23 =	vmax.f32 v23, v24;
	v21 =	vld.idx.msk [tilespmem:v46+s26+$0x0], $0xffff;
	[tilespmem:s7+$0x17FE0] =	vst v14  }
0x4e4: {  	v24 =	vld.idx.msk [tilespmem:v26+s26+$0x0], $0xffff;
	[tilespmem:s7+$0x18000] =	vst v16;
	s7 =	smov.u32 s10  }
0x4e5: {  	v15 =	vmax.f32 v18, v15;
	v26 =	vld.idx.msk [tilespmem:v44+s26+$0x0], $0xffff  }
0x4e6: {  	v29 =	vld.idx.msk [tilespmem:v45+s26+$0x0], $0xffff  }
0x4e7: {  	v16 =	vmax.f32 v19, v17;
	v30 =	vld.idx.msk [tilespmem:v48+s26+$0x0], $0xffff  }
0x4e8: {  	v12 =	vld.idx.msk [tilespmem:v49+s26+$0x0], $0xffff  }
.Ltmp14:
0x4e9: {  	v17 =	vmax.f32 v20, v21;
	v13 =	vld.idx.msk [tilespmem:v50+s26+$0x0], $0xffff;
	(pc) =	sbr.rel @p0 .LBB2_30-.Ltmp14, $4  }
0x4ea: {  	v18 =	vmax.f32 v25, v24;
	v14 =	vld.idx.msk [tilespmem:v54+s26+$0x0], $0xffff  }
0x4eb: {  	v20 =	vmax.f32 v22, v26;
	v19 =	vld.idx.msk [tilespmem:v27+s26+$0x0], $0xffff  }
0x4ec: {  	v22 =	vmax.f32 v28, v29;
	v21 =	vld.idx.msk [tilespmem:v52+s26+$0x0], $0xffff  }
0x4ed: {  	s9 =	sadd.s32 $0x200, s9;
	v23 =	vmax.f32 v23, v30;
	v24 =	vld.idx.msk [tilespmem:v53+s26+$0x0], $0xffff  }
0x4ee: {  	_ =	sdelay $0x3  }
0x4ef: {  	v11 =	vld.idx.msk [tilespmem:v11+s26+$0x0], $0xffff  }
0x4f0: {  	v10 =	vld.idx.msk [tilespmem:v10+s26+$0x0], $0xffff  }
0x4f1: {  	v8 =	vld.idx.msk [tilespmem:v8+s26+$0x0], $0xffff  }
0x4f2: {  	v9 =	vld.idx.msk [tilespmem:v9+s26+$0x0], $0xffff;
	v20 =	vmax.f32 v20, v21  }
0x4f3: {  	v7 =	vld.idx.msk [tilespmem:v7+s26+$0x0], $0xffff;
	v21 =	vmax.f32 v22, v24;
	[tilespmem:s7+$0x17F90] =	vst v20  }
0x4f4: {  	v12 =	vmax.f32 v15, v12;
	v11 =	vmax.f32 v23, v11;
	[tilespmem:s7+$0x17FA0] =	vst v21  }
0x4f5: {  	v13 =	vmax.f32 v16, v13;
	v10 =	vmax.f32 v12, v10;
	[tilespmem:s7+$0x17FB0] =	vst v11  }
0x4f6: {  	v8 =	vmax.f32 v13, v8;
	v11 =	vmax.f32 v17, v14;
	[tilespmem:s7+$0x17FC0] =	vst v10  }
0x4f7: {  	v10 =	vmax.f32 v18, v19;
	[tilespmem:s7+$0x17FD0] =	vst v8;
	v9 =	vmax.f32 v11, v9  }
0x4f8: {  	v7 =	vmax.f32 v10, v7;
	[tilespmem:s7+$0x17FE0] =	vst v9  }
0x4f9: {  	[tilespmem:s7+$0x18000] =	vst v7  }
0x4fa: {  	s7 =	rddreg [dreg:$0x19]  }
0x4fb: {  	[hbm4b:s7+s23] =	stream.strided.scatter [tilespmem:s29], [sflag:$0x4], $0x2000, s24, s23, $0x38;
	[tilespmem:$0x1C000] =	vst v63  }
0x4fc: {  	s14 =	rddreg [dreg:$0xe]  }
0x4fd: {  	[tilespmem:s26], [sflag:$0x3] =	stream.strided.gather [hbm4b:s14+s23], $0x8000, s24, s23, $0x38;
	[tilespmem:$0x1C000] =	vst v63  }
0x4fe: {  	s8 =	simm.s32 $0x1C0;
	_ =	swait.ge [sflag:s28], $0x8000  }
0x4ff: {  	s15 =	simm.s32 $0x180;
	v7 =	vor.u32 s8, v0;
	[sflag:s28] =	ssyncset.done $0x0  }
0x500: {  	v8 =	vor.u32 s15, v0;
	[sflag:s28] =	ssyncadd.s32 $0xFFFF8000  }
0x501: {  	v9 =	vor.u32 s15, v1;
	_ =	swait.ge [sflag:s5], $0x2000  }
0x502: {  	v10 =	vor.u32 s15, v2;
	[sflag:s5] =	ssyncset.done $0x0  }
0x503: {  	s9 =	simm.s32 $0x0;
	v11 =	vor.u32 s15, v3;
	[sflag:s5] =	ssyncadd.s32 $0xFFFFE000  }
0x504: {  	s16 =	simm.s32 $0x40;
	v12 =	vor.u32 s9, v0;
	v18 =	vld.idx.msk [tilespmem:v7+s1+$0x0], $0xffff  }
0x505: {  	v13 =	vor.u32 s16, v0;
	v8 =	vld.idx.msk [tilespmem:v8+s1+$0x0], $0xffff  }
0x506: {  	s10 =	simm.s32 $0x80;
	v14 =	vor.u32 s16, v4;
	v9 =	vld.idx.msk [tilespmem:v9+s1+$0x0], $0xffff  }
0x507: {  	s13 =	simm.s32 $0x140;
	v15 =	vor.u32 s10, v0;
	v10 =	vld.idx.msk [tilespmem:v10+s1+$0x0], $0xffff  }
0x508: {  	v22 =	vor.u32 s13, v0;
	v16 =	vld.idx.msk [tilespmem:v11+s1+$0x0], $0xffff  }
0x509: {  	v7 =	vor.u32 s9, v1;
	v17 =	vld.idx.msk [tilespmem:v12+s1+$0x0], $0xffff  }
0x50a: {  	s11 =	simm.s32 $0xC0;
	v11 =	vor.u32 s10, v1;
	v20 =	vld.idx.msk [tilespmem:v13+s1+$0x0], $0xffff  }
0x50b: {  	s12 =	simm.s32 $0x100;
	v12 =	vor.u32 s11, v0;
	v21 =	vld.idx.msk [tilespmem:v14+s1+$0x0], $0xffff  }
0x50c: {  	v13 =	vor.u32 s12, v0;
	v15 =	vld.idx.msk [tilespmem:v15+s1+$0x0], $0xffff  }
0x50d: {  	v14 =	vor.u32 s12, v1;
	v22 =	vld.idx.msk [tilespmem:v22+s1+$0x0], $0xffff  }
0x50e: {  	v36 =	vor.u32 s9, v3;
	v19 =	vld.idx.msk [tilespmem:v7+s1+$0x0], $0xffff  }
0x50f: {  	v7 =	vor.u32 s11, v4;
	v23 =	vld.idx.msk [tilespmem:v11+s1+$0x0], $0xffff  }
0x510: {  	v11 =	vor.u32 s13, v4;
	v24 =	vld.idx.msk [tilespmem:v12+s1+$0x0], $0xffff  }
0x511: {  	v12 =	vor.u32 s8, v4;
	v26 =	vld.idx.msk [tilespmem:v13+s1+$0x0], $0xffff  }
0x512: {  	v13 =	vor.u32 s16, v5;
	v27 =	vld.idx.msk [tilespmem:v14+s1+$0x0], $0xffff  }
0x513: {  	v14 =	vor.u32 s10, v2;
	v63 =	vmax.f32 v20, v21;
	v21 =	vld.idx.msk [tilespmem:v36+s1+$0x0], $0xffff  }
0x514: {  	v25 =	vld.idx.msk [tilespmem:v7+s1+$0x0], $0xffff;
	v7 =	vor.u32 s9, v2  }
0x515: {  	v28 =	vor.u32 s11, v5;
	v29 =	vld.idx.msk [tilespmem:v11+s1+$0x0], $0xffff  }
0x516: {  	v30 =	vor.u32 s12, v2;
	v31 =	vld.idx.msk [tilespmem:v12+s1+$0x0], $0xffff  }
0x517: {  	v34 =	vor.u32 s8, v5;
	v35 =	vld.idx.msk [tilespmem:v13+s1+$0x0], $0xffff  }
0x518: {  	v38 =	vor.u32 s16, v6;
	v37 =	vld.idx.msk [tilespmem:v14+s1+$0x0], $0xffff  }
0x519: {  	v32 =	vor.u32 s13, v5;
	v11 =	vor.u32 s10, v3;
	v62 =	vmax.f32 v17, v19;
	v33 =	vld.idx.msk [tilespmem:v7+s1+$0x0], $0xffff  }
0x51a: {  	v12 =	vld.idx.msk [tilespmem:v28+s1+$0x0], $0xffff;
	v23 =	vmax.f32 v15, v23;
	v7 =	vmax.f32 v8, v9;
	v8 =	vor.u32 s12, v3  }
0x51b: {  	v13 =	vld.idx.msk [tilespmem:v30+s1+$0x0], $0xffff;
	v9 =	vor.u32 s13, v6;
	v7 =	vmax.f32 v7, v10;
	v10 =	vor.u32 s11, v6  }
0x51c: {  	v19 =	vld.idx.msk [tilespmem:v34+s1+$0x0], $0xffff;
	v15 =	vmax.f32 v24, v25;
	v17 =	vmax.f32 v22, v29;
	v18 =	vmax.f32 v18, v31  }
0x51d: {  	s7 =	simm.s32 $0x70;
	v22 =	vmax.f32 v63, v35;
	v24 =	vld.idx.msk [tilespmem:v38+s1+$0x0], $0xffff;
	v23 =	vmax.f32 v23, v37;
	v14 =	vmax.f32 v7, v16  }
0x51e: {  	s9 =	simm.s32 $0x3C0;
	v7 =	vor.u32 s8, v6;
	v16 =	vmax.f32 v26, v27;
	s8 =	simm.s32 $0x0;
	[tilespmem:s7+$0x19FF0] =	vst v14;
	v14 =	vld.idx.msk [tilespmem:v32+s1+$0x0], $0xffff;
	v20 =	vmax.f32 v62, v33  }
.LBB2_32:
0x51f: {  	s10 =	sadd.s32 $0xFFFFFE80, s9;
	s11 =	sadd.s32 $0xFFFFFEC0, s9;
	s12 =	sadd.s32 $0xFFFFFFC0, s9;
	v25 =	vor.u32 s9, v0;
	v26 =	vor.u32 s9, v4;
	v27 =	vor.u32 s9, v5;
	v28 =	vld.idx.msk [tilespmem:v11+s1+$0x0], $0xffff  }
0x520: {  	s13 =	sadd.s32 $0xFFFFFF00, s9;
	s14 =	sadd.s32 $0xFFFFFF40, s9;
	s8 =	sadd.s32 $0x8, s8;
	v29 =	vor.u32 s10, v0;
	v30 =	vor.u32 s10, v4;
	v11 =	vor.u32 s12, v0;
	v31 =	vld.idx.msk [tilespmem:v10+s1+$0x0], $0xffff  }
0x521: {  	s15 =	sadd.s32 $0xFFFFFE40, s9;
	s16 =	sadd.s32 $0xFFFFFF80, s9;
	v32 =	vor.u32 s11, v0;
	v33 =	vor.u32 s11, v1;
	v10 =	vor.u32 s12, v1;
	p0 =	slt.u32 s8, $0x1F8;
	v34 =	vld.idx.msk [tilespmem:v8+s1+$0x0], $0xffff  }
0x522: {  	v35 =	vor.u32 s15, v0;
	v36 =	vor.u32 s15, v1;
	v8 =	vor.u32 s12, v2;
	v37 =	vld.idx.msk [tilespmem:v9+s1+$0x0], $0xffff  }
0x523: {  	v38 =	vor.u32 s13, v0;
	v39 =	vor.u32 s13, v4;
	v9 =	vor.u32 s12, v3;
	v40 =	vld.idx.msk [tilespmem:v7+s1+$0x0], $0xffff  }
0x524: {  	v41 =	vor.u32 s14, v0;
	v42 =	vor.u32 s14, v1;
	v43 =	vor.u32 s16, v0;
	v25 =	vld.idx.msk [tilespmem:v25+s1+$0x0], $0xffff  }
0x525: {  	v44 =	vor.u32 s15, v2;
	v45 =	vor.u32 s10, v5;
	v46 =	vor.u32 s16, v4;
	v47 =	vld.idx.msk [tilespmem:v11+s1+$0x0], $0xffff  }
0x526: {  	v48 =	vor.u32 s11, v2;
	v49 =	vor.u32 s13, v5;
	v50 =	vor.u32 s14, v2;
	v51 =	vld.idx.msk [tilespmem:v10+s1+$0x0], $0xffff  }
0x527: {  	v52 =	vor.u32 s15, v3;
	v53 =	vor.u32 s10, v6;
	v54 =	vor.u32 s16, v5;
	v55 =	vld.idx.msk [tilespmem:v8+s1+$0x0], $0xffff  }
0x528: {  	v11 =	vor.u32 s11, v3;
	v10 =	vor.u32 s13, v6;
	v8 =	vor.u32 s14, v3;
	v56 =	vld.idx.msk [tilespmem:v9+s1+$0x0], $0xffff  }
0x529: {  	v12 =	vmax.f32 v15, v12;
	v7 =	vor.u32 s9, v6;
	v9 =	vor.u32 s16, v6;
	v35 =	vld.idx.msk [tilespmem:v35+s1+$0x0], $0xffff  }
0x52a: {  	v13 =	vmax.f32 v16, v13;
	v14 =	vmax.f32 v17, v14;
	v16 =	vmax.f32 v18, v19;
	v15 =	vld.idx.msk [tilespmem:v36+s1+$0x0], $0xffff  }
0x52b: {  	v18 =	vmax.f32 v20, v21;
	v19 =	vmax.f32 v22, v24;
	v20 =	vmax.f32 v23, v28;
	v17 =	vld.idx.msk [tilespmem:v29+s1+$0x0], $0xffff  }
0x52c: {  	v12 =	vmax.f32 v12, v31;
	v13 =	vmax.f32 v13, v34;
	v22 =	vmax.f32 v47, v51;
	v21 =	vld.idx.msk [tilespmem:v30+s1+$0x0], $0xffff  }
0x52d: {  	v14 =	vmax.f32 v14, v37;
	v16 =	vmax.f32 v16, v40;
	v22 =	vmax.f32 v22, v55;
	v23 =	vld.idx.msk [tilespmem:v32+s1+$0x0], $0xffff  }
0x52e: {  	s10 =	sshra.s32 s9, $0x2;
	v22 =	vmax.f32 v22, v56;
	v24 =	vld.idx.msk [tilespmem:v33+s1+$0x0], $0xffff;
	[tilespmem:s7+$0x19F90] =	vst v18  }
0x52f: {  	v18 =	vld.idx.msk [tilespmem:v38+s1+$0x0], $0xffff;
	[tilespmem:s10+$0x19FF0] =	vst v22  }
0x530: {  	v22 =	vmax.f32 v35, v15;
	v15 =	vld.idx.msk [tilespmem:v39+s1+$0x0], $0xffff;
	[tilespmem:s7+$0x19FA0] =	vst v19  }
0x531: {  	v19 =	vld.idx.msk [tilespmem:v41+s1+$0x0], $0xffff;
	[tilespmem:s7+$0x19FB0] =	vst v20  }
0x532: {  	v28 =	vmax.f32 v17, v21;
	v17 =	vld.idx.msk [tilespmem:v42+s1+$0x0], $0xffff;
	[tilespmem:s7+$0x19FC0] =	vst v12  }
0x533: {  	v20 =	vld.idx.msk [tilespmem:v43+s1+$0x0], $0xffff;
	[tilespmem:s7+$0x19FD0] =	vst v13  }
0x534: {  	v23 =	vmax.f32 v23, v24;
	v21 =	vld.idx.msk [tilespmem:v46+s1+$0x0], $0xffff;
	[tilespmem:s7+$0x19FE0] =	vst v14  }
0x535: {  	v24 =	vld.idx.msk [tilespmem:v26+s1+$0x0], $0xffff;
	[tilespmem:s7+$0x1A000] =	vst v16;
	s7 =	smov.u32 s10  }
0x536: {  	v15 =	vmax.f32 v18, v15;
	v26 =	vld.idx.msk [tilespmem:v44+s1+$0x0], $0xffff  }
0x537: {  	v29 =	vld.idx.msk [tilespmem:v45+s1+$0x0], $0xffff  }
0x538: {  	v16 =	vmax.f32 v19, v17;
	v30 =	vld.idx.msk [tilespmem:v48+s1+$0x0], $0xffff  }
0x539: {  	v12 =	vld.idx.msk [tilespmem:v49+s1+$0x0], $0xffff  }
.Ltmp15:
0x53a: {  	v17 =	vmax.f32 v20, v21;
	v13 =	vld.idx.msk [tilespmem:v50+s1+$0x0], $0xffff;
	(pc) =	sbr.rel @p0 .LBB2_32-.Ltmp15, $4  }
0x53b: {  	v18 =	vmax.f32 v25, v24;
	v14 =	vld.idx.msk [tilespmem:v54+s1+$0x0], $0xffff  }
0x53c: {  	v20 =	vmax.f32 v22, v26;
	v19 =	vld.idx.msk [tilespmem:v27+s1+$0x0], $0xffff  }
0x53d: {  	v22 =	vmax.f32 v28, v29;
	v21 =	vld.idx.msk [tilespmem:v52+s1+$0x0], $0xffff  }
0x53e: {  	s9 =	sadd.s32 $0x200, s9;
	v23 =	vmax.f32 v23, v30;
	v24 =	vld.idx.msk [tilespmem:v53+s1+$0x0], $0xffff  }
0x53f: {  	_ =	sdelay $0x3  }
0x540: {  	v11 =	vld.idx.msk [tilespmem:v11+s1+$0x0], $0xffff  }
0x541: {  	v10 =	vld.idx.msk [tilespmem:v10+s1+$0x0], $0xffff  }
0x542: {  	v8 =	vld.idx.msk [tilespmem:v8+s1+$0x0], $0xffff  }
0x543: {  	v9 =	vld.idx.msk [tilespmem:v9+s1+$0x0], $0xffff;
	v20 =	vmax.f32 v20, v21  }
0x544: {  	v7 =	vld.idx.msk [tilespmem:v7+s1+$0x0], $0xffff;
	v21 =	vmax.f32 v22, v24;
	[tilespmem:s7+$0x19F90] =	vst v20  }
0x545: {  	v12 =	vmax.f32 v15, v12;
	v11 =	vmax.f32 v23, v11;
	[tilespmem:s7+$0x19FA0] =	vst v21  }
0x546: {  	v13 =	vmax.f32 v16, v13;
	v10 =	vmax.f32 v12, v10;
	[tilespmem:s7+$0x19FB0] =	vst v11  }
0x547: {  	v8 =	vmax.f32 v13, v8;
	v11 =	vmax.f32 v17, v14;
	[tilespmem:s7+$0x19FC0] =	vst v10  }
0x548: {  	v10 =	vmax.f32 v18, v19;
	[tilespmem:s7+$0x19FD0] =	vst v8;
	v9 =	vmax.f32 v11, v9  }
0x549: {  	v7 =	vmax.f32 v10, v7;
	[tilespmem:s7+$0x19FE0] =	vst v9  }
0x54a: {  	[tilespmem:s7+$0x1A000] =	vst v7  }
0x54b: {  	s7 =	rddreg [dreg:$0x1a]  }
0x54c: {  	[hbm4b:s7+s23] =	stream.strided.scatter [tilespmem:s31], [sflag:$0x5], $0x2000, s24, s23, $0x38;
	[tilespmem:$0x1C000] =	vst v63  }
0x54d: {  	s14 =	rddreg [dreg:$0xf]  }
0x54e: {  	[tilespmem:s1], [sflag:$0x1] =	stream.strided.gather [hbm4b:s14+s23], $0x8000, s24, s23, $0x38;
	[tilespmem:$0x1C000] =	vst v63  }
0x54f: {  	s8 =	simm.s32 $0x1C0;
	_ =	swait.ge [sflag:s30], $0x8000  }
0x550: {  	s15 =	simm.s32 $0x180;
	v7 =	vor.u32 s8, v0;
	[sflag:s30] =	ssyncset.done $0x0  }
0x551: {  	v8 =	vor.u32 s15, v0;
	[sflag:s30] =	ssyncadd.s32 $0xFFFF8000  }
0x552: {  	v9 =	vor.u32 s15, v1;
	_ =	swait.ge [sflag:s4], $0x2000  }
0x553: {  	v10 =	vor.u32 s15, v2;
	[sflag:s4] =	ssyncset.done $0x0  }
0x554: {  	s9 =	simm.s32 $0x0;
	v11 =	vor.u32 s15, v3;
	[sflag:s4] =	ssyncadd.s32 $0xFFFFE000  }
0x555: {  	s16 =	simm.s32 $0x40;
	v12 =	vor.u32 s9, v0;
	v18 =	vld.idx.msk [tilespmem:v7+s25+$0x0], $0xffff  }
0x556: {  	v13 =	vor.u32 s16, v0;
	v8 =	vld.idx.msk [tilespmem:v8+s25+$0x0], $0xffff  }
0x557: {  	s10 =	simm.s32 $0x80;
	v14 =	vor.u32 s16, v4;
	v9 =	vld.idx.msk [tilespmem:v9+s25+$0x0], $0xffff  }
0x558: {  	s13 =	simm.s32 $0x140;
	v15 =	vor.u32 s10, v0;
	v10 =	vld.idx.msk [tilespmem:v10+s25+$0x0], $0xffff  }
0x559: {  	v22 =	vor.u32 s13, v0;
	v16 =	vld.idx.msk [tilespmem:v11+s25+$0x0], $0xffff  }
0x55a: {  	v7 =	vor.u32 s9, v1;
	v17 =	vld.idx.msk [tilespmem:v12+s25+$0x0], $0xffff  }
0x55b: {  	s11 =	simm.s32 $0xC0;
	v11 =	vor.u32 s10, v1;
	v20 =	vld.idx.msk [tilespmem:v13+s25+$0x0], $0xffff  }
0x55c: {  	s12 =	simm.s32 $0x100;
	v12 =	vor.u32 s11, v0;
	v21 =	vld.idx.msk [tilespmem:v14+s25+$0x0], $0xffff  }
0x55d: {  	v13 =	vor.u32 s12, v0;
	v15 =	vld.idx.msk [tilespmem:v15+s25+$0x0], $0xffff  }
0x55e: {  	v14 =	vor.u32 s12, v1;
	v22 =	vld.idx.msk [tilespmem:v22+s25+$0x0], $0xffff  }
0x55f: {  	v36 =	vor.u32 s9, v3;
	v19 =	vld.idx.msk [tilespmem:v7+s25+$0x0], $0xffff  }
0x560: {  	v7 =	vor.u32 s11, v4;
	v23 =	vld.idx.msk [tilespmem:v11+s25+$0x0], $0xffff  }
0x561: {  	v11 =	vor.u32 s13, v4;
	v24 =	vld.idx.msk [tilespmem:v12+s25+$0x0], $0xffff  }
0x562: {  	v12 =	vor.u32 s8, v4;
	v26 =	vld.idx.msk [tilespmem:v13+s25+$0x0], $0xffff  }
0x563: {  	v13 =	vor.u32 s16, v5;
	v27 =	vld.idx.msk [tilespmem:v14+s25+$0x0], $0xffff  }
0x564: {  	v14 =	vor.u32 s10, v2;
	v63 =	vmax.f32 v20, v21;
	v21 =	vld.idx.msk [tilespmem:v36+s25+$0x0], $0xffff  }
0x565: {  	v25 =	vld.idx.msk [tilespmem:v7+s25+$0x0], $0xffff;
	v7 =	vor.u32 s9, v2  }
0x566: {  	v28 =	vor.u32 s11, v5;
	v29 =	vld.idx.msk [tilespmem:v11+s25+$0x0], $0xffff  }
0x567: {  	v30 =	vor.u32 s12, v2;
	v31 =	vld.idx.msk [tilespmem:v12+s25+$0x0], $0xffff  }
0x568: {  	v34 =	vor.u32 s8, v5;
	v35 =	vld.idx.msk [tilespmem:v13+s25+$0x0], $0xffff  }
0x569: {  	v38 =	vor.u32 s16, v6;
	v37 =	vld.idx.msk [tilespmem:v14+s25+$0x0], $0xffff  }
0x56a: {  	v32 =	vor.u32 s13, v5;
	v11 =	vor.u32 s10, v3;
	v62 =	vmax.f32 v17, v19;
	v33 =	vld.idx.msk [tilespmem:v7+s25+$0x0], $0xffff  }
0x56b: {  	v12 =	vld.idx.msk [tilespmem:v28+s25+$0x0], $0xffff;
	v23 =	vmax.f32 v15, v23;
	v7 =	vmax.f32 v8, v9;
	v8 =	vor.u32 s12, v3  }
0x56c: {  	v13 =	vld.idx.msk [tilespmem:v30+s25+$0x0], $0xffff;
	v9 =	vor.u32 s13, v6;
	v7 =	vmax.f32 v7, v10;
	v10 =	vor.u32 s11, v6  }
0x56d: {  	v19 =	vld.idx.msk [tilespmem:v34+s25+$0x0], $0xffff;
	v15 =	vmax.f32 v24, v25;
	v17 =	vmax.f32 v22, v29;
	v18 =	vmax.f32 v18, v31  }
0x56e: {  	s7 =	simm.s32 $0x70;
	v22 =	vmax.f32 v63, v35;
	v24 =	vld.idx.msk [tilespmem:v38+s25+$0x0], $0xffff;
	v23 =	vmax.f32 v23, v37;
	v14 =	vmax.f32 v7, v16  }
0x56f: {  	s9 =	simm.s32 $0x3C0;
	v7 =	vor.u32 s8, v6;
	v16 =	vmax.f32 v26, v27;
	s8 =	simm.s32 $0x0;
	[tilespmem:s7+$0x17FF0] =	vst v14;
	v14 =	vld.idx.msk [tilespmem:v32+s25+$0x0], $0xffff;
	v20 =	vmax.f32 v62, v33  }
.LBB2_34:
0x570: {  	s10 =	sadd.s32 $0xFFFFFE80, s9;
	s11 =	sadd.s32 $0xFFFFFEC0, s9;
	s12 =	sadd.s32 $0xFFFFFFC0, s9;
	v25 =	vor.u32 s9, v0;
	v26 =	vor.u32 s9, v4;
	v27 =	vor.u32 s9, v5;
	v28 =	vld.idx.msk [tilespmem:v11+s25+$0x0], $0xffff  }
0x571: {  	s13 =	sadd.s32 $0xFFFFFF00, s9;
	s14 =	sadd.s32 $0xFFFFFF40, s9;
	s8 =	sadd.s32 $0x8, s8;
	v29 =	vor.u32 s10, v0;
	v30 =	vor.u32 s10, v4;
	v11 =	vor.u32 s12, v0;
	v31 =	vld.idx.msk [tilespmem:v10+s25+$0x0], $0xffff  }
0x572: {  	s15 =	sadd.s32 $0xFFFFFE40, s9;
	s16 =	sadd.s32 $0xFFFFFF80, s9;
	v32 =	vor.u32 s11, v0;
	v33 =	vor.u32 s11, v1;
	v10 =	vor.u32 s12, v1;
	p0 =	slt.u32 s8, $0x1F8;
	v34 =	vld.idx.msk [tilespmem:v8+s25+$0x0], $0xffff  }
0x573: {  	v35 =	vor.u32 s15, v0;
	v36 =	vor.u32 s15, v1;
	v8 =	vor.u32 s12, v2;
	v37 =	vld.idx.msk [tilespmem:v9+s25+$0x0], $0xffff  }
0x574: {  	v38 =	vor.u32 s13, v0;
	v39 =	vor.u32 s13, v4;
	v9 =	vor.u32 s12, v3;
	v40 =	vld.idx.msk [tilespmem:v7+s25+$0x0], $0xffff  }
0x575: {  	v41 =	vor.u32 s14, v0;
	v42 =	vor.u32 s14, v1;
	v43 =	vor.u32 s16, v0;
	v25 =	vld.idx.msk [tilespmem:v25+s25+$0x0], $0xffff  }
0x576: {  	v44 =	vor.u32 s15, v2;
	v45 =	vor.u32 s10, v5;
	v46 =	vor.u32 s16, v4;
	v47 =	vld.idx.msk [tilespmem:v11+s25+$0x0], $0xffff  }
0x577: {  	v48 =	vor.u32 s11, v2;
	v49 =	vor.u32 s13, v5;
	v50 =	vor.u32 s14, v2;
	v51 =	vld.idx.msk [tilespmem:v10+s25+$0x0], $0xffff  }
0x578: {  	v52 =	vor.u32 s15, v3;
	v53 =	vor.u32 s10, v6;
	v54 =	vor.u32 s16, v5;
	v55 =	vld.idx.msk [tilespmem:v8+s25+$0x0], $0xffff  }
0x579: {  	v11 =	vor.u32 s11, v3;
	v10 =	vor.u32 s13, v6;
	v8 =	vor.u32 s14, v3;
	v56 =	vld.idx.msk [tilespmem:v9+s25+$0x0], $0xffff  }
0x57a: {  	v12 =	vmax.f32 v15, v12;
	v7 =	vor.u32 s9, v6;
	v9 =	vor.u32 s16, v6;
	v35 =	vld.idx.msk [tilespmem:v35+s25+$0x0], $0xffff  }
0x57b: {  	v13 =	vmax.f32 v16, v13;
	v14 =	vmax.f32 v17, v14;
	v16 =	vmax.f32 v18, v19;
	v15 =	vld.idx.msk [tilespmem:v36+s25+$0x0], $0xffff  }
0x57c: {  	v18 =	vmax.f32 v20, v21;
	v19 =	vmax.f32 v22, v24;
	v20 =	vmax.f32 v23, v28;
	v17 =	vld.idx.msk [tilespmem:v29+s25+$0x0], $0xffff  }
0x57d: {  	v12 =	vmax.f32 v12, v31;
	v13 =	vmax.f32 v13, v34;
	v22 =	vmax.f32 v47, v51;
	v21 =	vld.idx.msk [tilespmem:v30+s25+$0x0], $0xffff  }
0x57e: {  	v14 =	vmax.f32 v14, v37;
	v16 =	vmax.f32 v16, v40;
	v22 =	vmax.f32 v22, v55;
	v23 =	vld.idx.msk [tilespmem:v32+s25+$0x0], $0xffff  }
0x57f: {  	s10 =	sshra.s32 s9, $0x2;
	v22 =	vmax.f32 v22, v56;
	v24 =	vld.idx.msk [tilespmem:v33+s25+$0x0], $0xffff;
	[tilespmem:s7+$0x17F90] =	vst v18  }
0x580: {  	v18 =	vld.idx.msk [tilespmem:v38+s25+$0x0], $0xffff;
	[tilespmem:s10+$0x17FF0] =	vst v22  }
0x581: {  	v22 =	vmax.f32 v35, v15;
	v15 =	vld.idx.msk [tilespmem:v39+s25+$0x0], $0xffff;
	[tilespmem:s7+$0x17FA0] =	vst v19  }
0x582: {  	v19 =	vld.idx.msk [tilespmem:v41+s25+$0x0], $0xffff;
	[tilespmem:s7+$0x17FB0] =	vst v20  }
0x583: {  	v28 =	vmax.f32 v17, v21;
	v17 =	vld.idx.msk [tilespmem:v42+s25+$0x0], $0xffff;
	[tilespmem:s7+$0x17FC0] =	vst v12  }
0x584: {  	v20 =	vld.idx.msk [tilespmem:v43+s25+$0x0], $0xffff;
	[tilespmem:s7+$0x17FD0] =	vst v13  }
0x585: {  	v23 =	vmax.f32 v23, v24;
	v21 =	vld.idx.msk [tilespmem:v46+s25+$0x0], $0xffff;
	[tilespmem:s7+$0x17FE0] =	vst v14  }
0x586: {  	v24 =	vld.idx.msk [tilespmem:v26+s25+$0x0], $0xffff;
	[tilespmem:s7+$0x18000] =	vst v16;
	s7 =	smov.u32 s10  }
0x587: {  	v15 =	vmax.f32 v18, v15;
	v26 =	vld.idx.msk [tilespmem:v44+s25+$0x0], $0xffff  }
0x588: {  	v29 =	vld.idx.msk [tilespmem:v45+s25+$0x0], $0xffff  }
0x589: {  	v16 =	vmax.f32 v19, v17;
	v30 =	vld.idx.msk [tilespmem:v48+s25+$0x0], $0xffff  }
0x58a: {  	v12 =	vld.idx.msk [tilespmem:v49+s25+$0x0], $0xffff  }
.Ltmp16:
0x58b: {  	v17 =	vmax.f32 v20, v21;
	v13 =	vld.idx.msk [tilespmem:v50+s25+$0x0], $0xffff;
	(pc) =	sbr.rel @p0 .LBB2_34-.Ltmp16, $4  }
0x58c: {  	v18 =	vmax.f32 v25, v24;
	v14 =	vld.idx.msk [tilespmem:v54+s25+$0x0], $0xffff  }
0x58d: {  	v20 =	vmax.f32 v22, v26;
	v19 =	vld.idx.msk [tilespmem:v27+s25+$0x0], $0xffff  }
0x58e: {  	v22 =	vmax.f32 v28, v29;
	v21 =	vld.idx.msk [tilespmem:v52+s25+$0x0], $0xffff  }
0x58f: {  	s9 =	sadd.s32 $0x200, s9;
	v23 =	vmax.f32 v23, v30;
	v24 =	vld.idx.msk [tilespmem:v53+s25+$0x0], $0xffff  }
0x590: {  	_ =	sdelay $0x3  }
0x591: {  	v11 =	vld.idx.msk [tilespmem:v11+s25+$0x0], $0xffff  }
0x592: {  	v10 =	vld.idx.msk [tilespmem:v10+s25+$0x0], $0xffff  }
0x593: {  	v8 =	vld.idx.msk [tilespmem:v8+s25+$0x0], $0xffff  }
0x594: {  	v9 =	vld.idx.msk [tilespmem:v9+s25+$0x0], $0xffff;
	v20 =	vmax.f32 v20, v21  }
0x595: {  	v7 =	vld.idx.msk [tilespmem:v7+s25+$0x0], $0xffff;
	v21 =	vmax.f32 v22, v24;
	[tilespmem:s7+$0x17F90] =	vst v20  }
0x596: {  	v12 =	vmax.f32 v15, v12;
	v11 =	vmax.f32 v23, v11;
	[tilespmem:s7+$0x17FA0] =	vst v21  }
0x597: {  	v13 =	vmax.f32 v16, v13;
	v10 =	vmax.f32 v12, v10;
	[tilespmem:s7+$0x17FB0] =	vst v11  }
0x598: {  	v8 =	vmax.f32 v13, v8;
	v11 =	vmax.f32 v17, v14;
	[tilespmem:s7+$0x17FC0] =	vst v10  }
0x599: {  	v10 =	vmax.f32 v18, v19;
	[tilespmem:s7+$0x17FD0] =	vst v8;
	v9 =	vmax.f32 v11, v9  }
0x59a: {  	v7 =	vmax.f32 v10, v7;
	[tilespmem:s7+$0x17FE0] =	vst v9  }
0x59b: {  	[tilespmem:s7+$0x18000] =	vst v7  }
0x59c: {  	s7 =	rddreg [dreg:$0x1b]  }
0x59d: {  	[hbm4b:s7+s23] =	stream.strided.scatter [tilespmem:s29], [sflag:$0x4], $0x2000, s24, s23, $0x38;
	[tilespmem:$0x1C000] =	vst v63  }
0x59e: {  	s14 =	rddreg [dreg:$0x10]  }
0x59f: {  	[tilespmem:s25], [sflag:$0x2] =	stream.strided.gather [hbm4b:s14+s23], $0x8000, s24, s23, $0x38;
	[tilespmem:$0x1C000] =	vst v63  }
0x5a0: {  	s8 =	simm.s32 $0x1C0;
	_ =	swait.ge [sflag:s0], $0x8000  }
0x5a1: {  	s15 =	simm.s32 $0x180;
	v7 =	vor.u32 s8, v0;
	[sflag:s0] =	ssyncset.done $0x0  }
0x5a2: {  	v8 =	vor.u32 s15, v0;
	[sflag:s0] =	ssyncadd.s32 $0xFFFF8000  }
0x5a3: {  	v9 =	vor.u32 s15, v1;
	_ =	swait.ge [sflag:s5], $0x2000  }
0x5a4: {  	v10 =	vor.u32 s15, v2;
	[sflag:s5] =	ssyncset.done $0x0  }
0x5a5: {  	s9 =	simm.s32 $0x0;
	v11 =	vor.u32 s15, v3;
	[sflag:s5] =	ssyncadd.s32 $0xFFFFE000  }
0x5a6: {  	s16 =	simm.s32 $0x40;
	v12 =	vor.u32 s9, v0;
	v18 =	vld.idx.msk [tilespmem:v7+s26+$0x0], $0xffff  }
0x5a7: {  	v13 =	vor.u32 s16, v0;
	v8 =	vld.idx.msk [tilespmem:v8+s26+$0x0], $0xffff  }
0x5a8: {  	s10 =	simm.s32 $0x80;
	v14 =	vor.u32 s16, v4;
	v9 =	vld.idx.msk [tilespmem:v9+s26+$0x0], $0xffff  }
0x5a9: {  	s13 =	simm.s32 $0x140;
	v15 =	vor.u32 s10, v0;
	v10 =	vld.idx.msk [tilespmem:v10+s26+$0x0], $0xffff  }
0x5aa: {  	v22 =	vor.u32 s13, v0;
	v16 =	vld.idx.msk [tilespmem:v11+s26+$0x0], $0xffff  }
0x5ab: {  	v7 =	vor.u32 s9, v1;
	v17 =	vld.idx.msk [tilespmem:v12+s26+$0x0], $0xffff  }
0x5ac: {  	s11 =	simm.s32 $0xC0;
	v11 =	vor.u32 s10, v1;
	v20 =	vld.idx.msk [tilespmem:v13+s26+$0x0], $0xffff  }
0x5ad: {  	s12 =	simm.s32 $0x100;
	v12 =	vor.u32 s11, v0;
	v21 =	vld.idx.msk [tilespmem:v14+s26+$0x0], $0xffff  }
0x5ae: {  	v13 =	vor.u32 s12, v0;
	v15 =	vld.idx.msk [tilespmem:v15+s26+$0x0], $0xffff  }
0x5af: {  	v14 =	vor.u32 s12, v1;
	v22 =	vld.idx.msk [tilespmem:v22+s26+$0x0], $0xffff  }
0x5b0: {  	v36 =	vor.u32 s9, v3;
	v19 =	vld.idx.msk [tilespmem:v7+s26+$0x0], $0xffff  }
0x5b1: {  	v7 =	vor.u32 s11, v4;
	v23 =	vld.idx.msk [tilespmem:v11+s26+$0x0], $0xffff  }
0x5b2: {  	v11 =	vor.u32 s13, v4;
	v24 =	vld.idx.msk [tilespmem:v12+s26+$0x0], $0xffff  }
0x5b3: {  	v12 =	vor.u32 s8, v4;
	v26 =	vld.idx.msk [tilespmem:v13+s26+$0x0], $0xffff  }
0x5b4: {  	v13 =	vor.u32 s16, v5;
	v27 =	vld.idx.msk [tilespmem:v14+s26+$0x0], $0xffff  }
0x5b5: {  	v14 =	vor.u32 s10, v2;
	v63 =	vmax.f32 v20, v21;
	v21 =	vld.idx.msk [tilespmem:v36+s26+$0x0], $0xffff  }
0x5b6: {  	v25 =	vld.idx.msk [tilespmem:v7+s26+$0x0], $0xffff;
	v7 =	vor.u32 s9, v2  }
0x5b7: {  	v28 =	vor.u32 s11, v5;
	v29 =	vld.idx.msk [tilespmem:v11+s26+$0x0], $0xffff  }
0x5b8: {  	v30 =	vor.u32 s12, v2;
	v31 =	vld.idx.msk [tilespmem:v12+s26+$0x0], $0xffff  }
0x5b9: {  	v34 =	vor.u32 s8, v5;
	v35 =	vld.idx.msk [tilespmem:v13+s26+$0x0], $0xffff  }
0x5ba: {  	v38 =	vor.u32 s16, v6;
	v37 =	vld.idx.msk [tilespmem:v14+s26+$0x0], $0xffff  }
0x5bb: {  	v32 =	vor.u32 s13, v5;
	v11 =	vor.u32 s10, v3;
	v62 =	vmax.f32 v17, v19;
	v33 =	vld.idx.msk [tilespmem:v7+s26+$0x0], $0xffff  }
0x5bc: {  	v12 =	vld.idx.msk [tilespmem:v28+s26+$0x0], $0xffff;
	v23 =	vmax.f32 v15, v23;
	v7 =	vmax.f32 v8, v9;
	v8 =	vor.u32 s12, v3  }
0x5bd: {  	v13 =	vld.idx.msk [tilespmem:v30+s26+$0x0], $0xffff;
	v9 =	vor.u32 s13, v6;
	v7 =	vmax.f32 v7, v10;
	v10 =	vor.u32 s11, v6  }
0x5be: {  	v19 =	vld.idx.msk [tilespmem:v34+s26+$0x0], $0xffff;
	v15 =	vmax.f32 v24, v25;
	v17 =	vmax.f32 v22, v29;
	v18 =	vmax.f32 v18, v31  }
0x5bf: {  	s7 =	simm.s32 $0x70;
	v22 =	vmax.f32 v63, v35;
	v24 =	vld.idx.msk [tilespmem:v38+s26+$0x0], $0xffff;
	v23 =	vmax.f32 v23, v37;
	v14 =	vmax.f32 v7, v16  }
0x5c0: {  	s9 =	simm.s32 $0x3C0;
	v7 =	vor.u32 s8, v6;
	v16 =	vmax.f32 v26, v27;
	s8 =	simm.s32 $0x0;
	[tilespmem:s7+$0x19FF0] =	vst v14;
	v14 =	vld.idx.msk [tilespmem:v32+s26+$0x0], $0xffff;
	v20 =	vmax.f32 v62, v33  }
.LBB2_36:
0x5c1: {  	s10 =	sadd.s32 $0xFFFFFE80, s9;
	s11 =	sadd.s32 $0xFFFFFEC0, s9;
	s12 =	sadd.s32 $0xFFFFFFC0, s9;
	v25 =	vor.u32 s9, v0;
	v26 =	vor.u32 s9, v4;
	v27 =	vor.u32 s9, v5;
	v28 =	vld.idx.msk [tilespmem:v11+s26+$0x0], $0xffff  }
0x5c2: {  	s13 =	sadd.s32 $0xFFFFFF00, s9;
	s14 =	sadd.s32 $0xFFFFFF40, s9;
	s8 =	sadd.s32 $0x8, s8;
	v29 =	vor.u32 s10, v0;
	v30 =	vor.u32 s10, v4;
	v11 =	vor.u32 s12, v0;
	v31 =	vld.idx.msk [tilespmem:v10+s26+$0x0], $0xffff  }
0x5c3: {  	s15 =	sadd.s32 $0xFFFFFE40, s9;
	s16 =	sadd.s32 $0xFFFFFF80, s9;
	v32 =	vor.u32 s11, v0;
	v33 =	vor.u32 s11, v1;
	v10 =	vor.u32 s12, v1;
	p0 =	slt.u32 s8, $0x1F8;
	v34 =	vld.idx.msk [tilespmem:v8+s26+$0x0], $0xffff  }
0x5c4: {  	v35 =	vor.u32 s15, v0;
	v36 =	vor.u32 s15, v1;
	v8 =	vor.u32 s12, v2;
	v37 =	vld.idx.msk [tilespmem:v9+s26+$0x0], $0xffff  }
0x5c5: {  	v38 =	vor.u32 s13, v0;
	v39 =	vor.u32 s13, v4;
	v9 =	vor.u32 s12, v3;
	v40 =	vld.idx.msk [tilespmem:v7+s26+$0x0], $0xffff  }
0x5c6: {  	v41 =	vor.u32 s14, v0;
	v42 =	vor.u32 s14, v1;
	v43 =	vor.u32 s16, v0;
	v25 =	vld.idx.msk [tilespmem:v25+s26+$0x0], $0xffff  }
0x5c7: {  	v44 =	vor.u32 s15, v2;
	v45 =	vor.u32 s10, v5;
	v46 =	vor.u32 s16, v4;
	v47 =	vld.idx.msk [tilespmem:v11+s26+$0x0], $0xffff  }
0x5c8: {  	v48 =	vor.u32 s11, v2;
	v49 =	vor.u32 s13, v5;
	v50 =	vor.u32 s14, v2;
	v51 =	vld.idx.msk [tilespmem:v10+s26+$0x0], $0xffff  }
0x5c9: {  	v52 =	vor.u32 s15, v3;
	v53 =	vor.u32 s10, v6;
	v54 =	vor.u32 s16, v5;
	v55 =	vld.idx.msk [tilespmem:v8+s26+$0x0], $0xffff  }
0x5ca: {  	v11 =	vor.u32 s11, v3;
	v10 =	vor.u32 s13, v6;
	v8 =	vor.u32 s14, v3;
	v56 =	vld.idx.msk [tilespmem:v9+s26+$0x0], $0xffff  }
0x5cb: {  	v12 =	vmax.f32 v15, v12;
	v7 =	vor.u32 s9, v6;
	v9 =	vor.u32 s16, v6;
	v35 =	vld.idx.msk [tilespmem:v35+s26+$0x0], $0xffff  }
0x5cc: {  	v13 =	vmax.f32 v16, v13;
	v14 =	vmax.f32 v17, v14;
	v16 =	vmax.f32 v18, v19;
	v15 =	vld.idx.msk [tilespmem:v36+s26+$0x0], $0xffff  }
0x5cd: {  	v18 =	vmax.f32 v20, v21;
	v19 =	vmax.f32 v22, v24;
	v20 =	vmax.f32 v23, v28;
	v17 =	vld.idx.msk [tilespmem:v29+s26+$0x0], $0xffff  }
0x5ce: {  	v12 =	vmax.f32 v12, v31;
	v13 =	vmax.f32 v13, v34;
	v22 =	vmax.f32 v47, v51;
	v21 =	vld.idx.msk [tilespmem:v30+s26+$0x0], $0xffff  }
0x5cf: {  	v14 =	vmax.f32 v14, v37;
	v16 =	vmax.f32 v16, v40;
	v22 =	vmax.f32 v22, v55;
	v23 =	vld.idx.msk [tilespmem:v32+s26+$0x0], $0xffff  }
0x5d0: {  	s10 =	sshra.s32 s9, $0x2;
	v22 =	vmax.f32 v22, v56;
	v24 =	vld.idx.msk [tilespmem:v33+s26+$0x0], $0xffff;
	[tilespmem:s7+$0x19F90] =	vst v18  }
0x5d1: {  	v18 =	vld.idx.msk [tilespmem:v38+s26+$0x0], $0xffff;
	[tilespmem:s10+$0x19FF0] =	vst v22  }
0x5d2: {  	v22 =	vmax.f32 v35, v15;
	v15 =	vld.idx.msk [tilespmem:v39+s26+$0x0], $0xffff;
	[tilespmem:s7+$0x19FA0] =	vst v19  }
0x5d3: {  	v19 =	vld.idx.msk [tilespmem:v41+s26+$0x0], $0xffff;
	[tilespmem:s7+$0x19FB0] =	vst v20  }
0x5d4: {  	v28 =	vmax.f32 v17, v21;
	v17 =	vld.idx.msk [tilespmem:v42+s26+$0x0], $0xffff;
	[tilespmem:s7+$0x19FC0] =	vst v12  }
0x5d5: {  	v20 =	vld.idx.msk [tilespmem:v43+s26+$0x0], $0xffff;
	[tilespmem:s7+$0x19FD0] =	vst v13  }
0x5d6: {  	v23 =	vmax.f32 v23, v24;
	v21 =	vld.idx.msk [tilespmem:v46+s26+$0x0], $0xffff;
	[tilespmem:s7+$0x19FE0] =	vst v14  }
0x5d7: {  	v24 =	vld.idx.msk [tilespmem:v26+s26+$0x0], $0xffff;
	[tilespmem:s7+$0x1A000] =	vst v16;
	s7 =	smov.u32 s10  }
0x5d8: {  	v15 =	vmax.f32 v18, v15;
	v26 =	vld.idx.msk [tilespmem:v44+s26+$0x0], $0xffff  }
0x5d9: {  	v29 =	vld.idx.msk [tilespmem:v45+s26+$0x0], $0xffff  }
0x5da: {  	v16 =	vmax.f32 v19, v17;
	v30 =	vld.idx.msk [tilespmem:v48+s26+$0x0], $0xffff  }
0x5db: {  	v12 =	vld.idx.msk [tilespmem:v49+s26+$0x0], $0xffff  }
.Ltmp17:
0x5dc: {  	v17 =	vmax.f32 v20, v21;
	v13 =	vld.idx.msk [tilespmem:v50+s26+$0x0], $0xffff;
	(pc) =	sbr.rel @p0 .LBB2_36-.Ltmp17, $4  }
0x5dd: {  	v18 =	vmax.f32 v25, v24;
	v14 =	vld.idx.msk [tilespmem:v54+s26+$0x0], $0xffff  }
0x5de: {  	v20 =	vmax.f32 v22, v26;
	v19 =	vld.idx.msk [tilespmem:v27+s26+$0x0], $0xffff  }
0x5df: {  	v22 =	vmax.f32 v28, v29;
	v21 =	vld.idx.msk [tilespmem:v52+s26+$0x0], $0xffff  }
0x5e0: {  	s9 =	sadd.s32 $0x200, s9;
	v23 =	vmax.f32 v23, v30;
	v24 =	vld.idx.msk [tilespmem:v53+s26+$0x0], $0xffff  }
0x5e1: {  	_ =	sdelay $0x3  }
0x5e2: {  	v11 =	vld.idx.msk [tilespmem:v11+s26+$0x0], $0xffff  }
0x5e3: {  	v10 =	vld.idx.msk [tilespmem:v10+s26+$0x0], $0xffff  }
0x5e4: {  	v8 =	vld.idx.msk [tilespmem:v8+s26+$0x0], $0xffff  }
0x5e5: {  	v9 =	vld.idx.msk [tilespmem:v9+s26+$0x0], $0xffff;
	v20 =	vmax.f32 v20, v21  }
0x5e6: {  	v7 =	vld.idx.msk [tilespmem:v7+s26+$0x0], $0xffff;
	v21 =	vmax.f32 v22, v24;
	[tilespmem:s7+$0x19F90] =	vst v20  }
0x5e7: {  	v12 =	vmax.f32 v15, v12;
	v11 =	vmax.f32 v23, v11;
	[tilespmem:s7+$0x19FA0] =	vst v21  }
0x5e8: {  	v13 =	vmax.f32 v16, v13;
	v10 =	vmax.f32 v12, v10;
	[tilespmem:s7+$0x19FB0] =	vst v11  }
0x5e9: {  	v8 =	vmax.f32 v13, v8;
	v11 =	vmax.f32 v17, v14;
	[tilespmem:s7+$0x19FC0] =	vst v10  }
0x5ea: {  	v10 =	vmax.f32 v18, v19;
	[tilespmem:s7+$0x19FD0] =	vst v8;
	v9 =	vmax.f32 v11, v9  }
0x5eb: {  	v7 =	vmax.f32 v10, v7;
	[tilespmem:s7+$0x19FE0] =	vst v9  }
0x5ec: {  	[tilespmem:s7+$0x1A000] =	vst v7  }
0x5ed: {  	s7 =	rddreg [dreg:$0x1c]  }
0x5ee: {  	[hbm4b:s7+s23] =	stream.strided.scatter [tilespmem:s31], [sflag:$0x5], $0x2000, s24, s23, $0x38;
	[tilespmem:$0x1C000] =	vst v63  }
0x5ef: {  	s14 =	rddreg [dreg:$0x11]  }
0x5f0: {  	[tilespmem:s26], [sflag:$0x3] =	stream.strided.gather [hbm4b:s14+s23], $0x8000, s24, s23, $0x38;
	[tilespmem:$0x1C000] =	vst v63  }
0x5f1: {  	s8 =	simm.s32 $0x1C0;
	_ =	swait.ge [sflag:s28], $0x8000  }
0x5f2: {  	s15 =	simm.s32 $0x180;
	v7 =	vor.u32 s8, v0;
	[sflag:s28] =	ssyncset.done $0x0  }
0x5f3: {  	v8 =	vor.u32 s15, v0;
	[sflag:s28] =	ssyncadd.s32 $0xFFFF8000  }
0x5f4: {  	v9 =	vor.u32 s15, v1;
	_ =	swait.ge [sflag:s4], $0x2000  }
0x5f5: {  	v10 =	vor.u32 s15, v2;
	[sflag:s4] =	ssyncset.done $0x0  }
0x5f6: {  	s9 =	simm.s32 $0x0;
	v11 =	vor.u32 s15, v3;
	[sflag:s4] =	ssyncadd.s32 $0xFFFFE000  }
0x5f7: {  	s16 =	simm.s32 $0x40;
	v12 =	vor.u32 s9, v0;
	v18 =	vld.idx.msk [tilespmem:v7+s1+$0x0], $0xffff  }
0x5f8: {  	v13 =	vor.u32 s16, v0;
	v8 =	vld.idx.msk [tilespmem:v8+s1+$0x0], $0xffff  }
0x5f9: {  	s10 =	simm.s32 $0x80;
	v14 =	vor.u32 s16, v4;
	v9 =	vld.idx.msk [tilespmem:v9+s1+$0x0], $0xffff  }
0x5fa: {  	s13 =	simm.s32 $0x140;
	v15 =	vor.u32 s10, v0;
	v10 =	vld.idx.msk [tilespmem:v10+s1+$0x0], $0xffff  }
0x5fb: {  	v22 =	vor.u32 s13, v0;
	v16 =	vld.idx.msk [tilespmem:v11+s1+$0x0], $0xffff  }
0x5fc: {  	v7 =	vor.u32 s9, v1;
	v17 =	vld.idx.msk [tilespmem:v12+s1+$0x0], $0xffff  }
0x5fd: {  	s11 =	simm.s32 $0xC0;
	v11 =	vor.u32 s10, v1;
	v20 =	vld.idx.msk [tilespmem:v13+s1+$0x0], $0xffff  }
0x5fe: {  	s12 =	simm.s32 $0x100;
	v12 =	vor.u32 s11, v0;
	v21 =	vld.idx.msk [tilespmem:v14+s1+$0x0], $0xffff  }
0x5ff: {  	v13 =	vor.u32 s12, v0;
	v15 =	vld.idx.msk [tilespmem:v15+s1+$0x0], $0xffff  }
0x600: {  	v14 =	vor.u32 s12, v1;
	v22 =	vld.idx.msk [tilespmem:v22+s1+$0x0], $0xffff  }
0x601: {  	v36 =	vor.u32 s9, v3;
	v19 =	vld.idx.msk [tilespmem:v7+s1+$0x0], $0xffff  }
0x602: {  	v7 =	vor.u32 s11, v4;
	v23 =	vld.idx.msk [tilespmem:v11+s1+$0x0], $0xffff  }
0x603: {  	v11 =	vor.u32 s13, v4;
	v24 =	vld.idx.msk [tilespmem:v12+s1+$0x0], $0xffff  }
0x604: {  	v12 =	vor.u32 s8, v4;
	v26 =	vld.idx.msk [tilespmem:v13+s1+$0x0], $0xffff  }
0x605: {  	v13 =	vor.u32 s16, v5;
	v27 =	vld.idx.msk [tilespmem:v14+s1+$0x0], $0xffff  }
0x606: {  	v14 =	vor.u32 s10, v2;
	v63 =	vmax.f32 v20, v21;
	v21 =	vld.idx.msk [tilespmem:v36+s1+$0x0], $0xffff  }
0x607: {  	v25 =	vld.idx.msk [tilespmem:v7+s1+$0x0], $0xffff;
	v7 =	vor.u32 s9, v2  }
0x608: {  	v28 =	vor.u32 s11, v5;
	v29 =	vld.idx.msk [tilespmem:v11+s1+$0x0], $0xffff  }
0x609: {  	v30 =	vor.u32 s12, v2;
	v31 =	vld.idx.msk [tilespmem:v12+s1+$0x0], $0xffff  }
0x60a: {  	v34 =	vor.u32 s8, v5;
	v35 =	vld.idx.msk [tilespmem:v13+s1+$0x0], $0xffff  }
0x60b: {  	v38 =	vor.u32 s16, v6;
	v37 =	vld.idx.msk [tilespmem:v14+s1+$0x0], $0xffff  }
0x60c: {  	v32 =	vor.u32 s13, v5;
	v11 =	vor.u32 s10, v3;
	v62 =	vmax.f32 v17, v19;
	v33 =	vld.idx.msk [tilespmem:v7+s1+$0x0], $0xffff  }
0x60d: {  	v12 =	vld.idx.msk [tilespmem:v28+s1+$0x0], $0xffff;
	v23 =	vmax.f32 v15, v23;
	v7 =	vmax.f32 v8, v9;
	v8 =	vor.u32 s12, v3  }
0x60e: {  	v13 =	vld.idx.msk [tilespmem:v30+s1+$0x0], $0xffff;
	v9 =	vor.u32 s13, v6;
	v7 =	vmax.f32 v7, v10;
	v10 =	vor.u32 s11, v6  }
0x60f: {  	v19 =	vld.idx.msk [tilespmem:v34+s1+$0x0], $0xffff;
	v15 =	vmax.f32 v24, v25;
	v17 =	vmax.f32 v22, v29;
	v18 =	vmax.f32 v18, v31  }
0x610: {  	s7 =	simm.s32 $0x70;
	v22 =	vmax.f32 v63, v35;
	v24 =	vld.idx.msk [tilespmem:v38+s1+$0x0], $0xffff;
	v23 =	vmax.f32 v23, v37;
	v14 =	vmax.f32 v7, v16  }
0x611: {  	s9 =	simm.s32 $0x3C0;
	v7 =	vor.u32 s8, v6;
	v16 =	vmax.f32 v26, v27;
	s8 =	simm.s32 $0x0;
	[tilespmem:s7+$0x17FF0] =	vst v14;
	v14 =	vld.idx.msk [tilespmem:v32+s1+$0x0], $0xffff;
	v20 =	vmax.f32 v62, v33  }
.LBB2_38:
0x612: {  	s10 =	sadd.s32 $0xFFFFFE80, s9;
	s11 =	sadd.s32 $0xFFFFFEC0, s9;
	s12 =	sadd.s32 $0xFFFFFFC0, s9;
	v25 =	vor.u32 s9, v0;
	v26 =	vor.u32 s9, v4;
	v27 =	vor.u32 s9, v5;
	v28 =	vld.idx.msk [tilespmem:v11+s1+$0x0], $0xffff  }
0x613: {  	s13 =	sadd.s32 $0xFFFFFF00, s9;
	s14 =	sadd.s32 $0xFFFFFF40, s9;
	s8 =	sadd.s32 $0x8, s8;
	v29 =	vor.u32 s10, v0;
	v30 =	vor.u32 s10, v4;
	v11 =	vor.u32 s12, v0;
	v31 =	vld.idx.msk [tilespmem:v10+s1+$0x0], $0xffff  }
0x614: {  	s15 =	sadd.s32 $0xFFFFFE40, s9;
	s16 =	sadd.s32 $0xFFFFFF80, s9;
	v32 =	vor.u32 s11, v0;
	v33 =	vor.u32 s11, v1;
	v10 =	vor.u32 s12, v1;
	p0 =	slt.u32 s8, $0x1F8;
	v34 =	vld.idx.msk [tilespmem:v8+s1+$0x0], $0xffff  }
0x615: {  	v35 =	vor.u32 s15, v0;
	v36 =	vor.u32 s15, v1;
	v8 =	vor.u32 s12, v2;
	v37 =	vld.idx.msk [tilespmem:v9+s1+$0x0], $0xffff  }
0x616: {  	v38 =	vor.u32 s13, v0;
	v39 =	vor.u32 s13, v4;
	v9 =	vor.u32 s12, v3;
	v40 =	vld.idx.msk [tilespmem:v7+s1+$0x0], $0xffff  }
0x617: {  	v41 =	vor.u32 s14, v0;
	v42 =	vor.u32 s14, v1;
	v43 =	vor.u32 s16, v0;
	v25 =	vld.idx.msk [tilespmem:v25+s1+$0x0], $0xffff  }
0x618: {  	v44 =	vor.u32 s15, v2;
	v45 =	vor.u32 s10, v5;
	v46 =	vor.u32 s16, v4;
	v47 =	vld.idx.msk [tilespmem:v11+s1+$0x0], $0xffff  }
0x619: {  	v48 =	vor.u32 s11, v2;
	v49 =	vor.u32 s13, v5;
	v50 =	vor.u32 s14, v2;
	v51 =	vld.idx.msk [tilespmem:v10+s1+$0x0], $0xffff  }
0x61a: {  	v52 =	vor.u32 s15, v3;
	v53 =	vor.u32 s10, v6;
	v54 =	vor.u32 s16, v5;
	v55 =	vld.idx.msk [tilespmem:v8+s1+$0x0], $0xffff  }
0x61b: {  	v11 =	vor.u32 s11, v3;
	v10 =	vor.u32 s13, v6;
	v8 =	vor.u32 s14, v3;
	v56 =	vld.idx.msk [tilespmem:v9+s1+$0x0], $0xffff  }
0x61c: {  	v12 =	vmax.f32 v15, v12;
	v7 =	vor.u32 s9, v6;
	v9 =	vor.u32 s16, v6;
	v35 =	vld.idx.msk [tilespmem:v35+s1+$0x0], $0xffff  }
0x61d: {  	v13 =	vmax.f32 v16, v13;
	v14 =	vmax.f32 v17, v14;
	v16 =	vmax.f32 v18, v19;
	v15 =	vld.idx.msk [tilespmem:v36+s1+$0x0], $0xffff  }
0x61e: {  	v18 =	vmax.f32 v20, v21;
	v19 =	vmax.f32 v22, v24;
	v20 =	vmax.f32 v23, v28;
	v17 =	vld.idx.msk [tilespmem:v29+s1+$0x0], $0xffff  }
0x61f: {  	v12 =	vmax.f32 v12, v31;
	v13 =	vmax.f32 v13, v34;
	v22 =	vmax.f32 v47, v51;
	v21 =	vld.idx.msk [tilespmem:v30+s1+$0x0], $0xffff  }
0x620: {  	v14 =	vmax.f32 v14, v37;
	v16 =	vmax.f32 v16, v40;
	v22 =	vmax.f32 v22, v55;
	v23 =	vld.idx.msk [tilespmem:v32+s1+$0x0], $0xffff  }
0x621: {  	s10 =	sshra.s32 s9, $0x2;
	v22 =	vmax.f32 v22, v56;
	v24 =	vld.idx.msk [tilespmem:v33+s1+$0x0], $0xffff;
	[tilespmem:s7+$0x17F90] =	vst v18  }
0x622: {  	v18 =	vld.idx.msk [tilespmem:v38+s1+$0x0], $0xffff;
	[tilespmem:s10+$0x17FF0] =	vst v22  }
0x623: {  	v22 =	vmax.f32 v35, v15;
	v15 =	vld.idx.msk [tilespmem:v39+s1+$0x0], $0xffff;
	[tilespmem:s7+$0x17FA0] =	vst v19  }
0x624: {  	v19 =	vld.idx.msk [tilespmem:v41+s1+$0x0], $0xffff;
	[tilespmem:s7+$0x17FB0] =	vst v20  }
0x625: {  	v28 =	vmax.f32 v17, v21;
	v17 =	vld.idx.msk [tilespmem:v42+s1+$0x0], $0xffff;
	[tilespmem:s7+$0x17FC0] =	vst v12  }
0x626: {  	v20 =	vld.idx.msk [tilespmem:v43+s1+$0x0], $0xffff;
	[tilespmem:s7+$0x17FD0] =	vst v13  }
0x627: {  	v23 =	vmax.f32 v23, v24;
	v21 =	vld.idx.msk [tilespmem:v46+s1+$0x0], $0xffff;
	[tilespmem:s7+$0x17FE0] =	vst v14  }
0x628: {  	v24 =	vld.idx.msk [tilespmem:v26+s1+$0x0], $0xffff;
	[tilespmem:s7+$0x18000] =	vst v16;
	s7 =	smov.u32 s10  }
0x629: {  	v15 =	vmax.f32 v18, v15;
	v26 =	vld.idx.msk [tilespmem:v44+s1+$0x0], $0xffff  }
0x62a: {  	v29 =	vld.idx.msk [tilespmem:v45+s1+$0x0], $0xffff  }
0x62b: {  	v16 =	vmax.f32 v19, v17;
	v30 =	vld.idx.msk [tilespmem:v48+s1+$0x0], $0xffff  }
0x62c: {  	v12 =	vld.idx.msk [tilespmem:v49+s1+$0x0], $0xffff  }
.Ltmp18:
0x62d: {  	v17 =	vmax.f32 v20, v21;
	v13 =	vld.idx.msk [tilespmem:v50+s1+$0x0], $0xffff;
	(pc) =	sbr.rel @p0 .LBB2_38-.Ltmp18, $4  }
0x62e: {  	v18 =	vmax.f32 v25, v24;
	v14 =	vld.idx.msk [tilespmem:v54+s1+$0x0], $0xffff  }
0x62f: {  	v20 =	vmax.f32 v22, v26;
	v19 =	vld.idx.msk [tilespmem:v27+s1+$0x0], $0xffff  }
0x630: {  	v22 =	vmax.f32 v28, v29;
	v21 =	vld.idx.msk [tilespmem:v52+s1+$0x0], $0xffff  }
0x631: {  	s9 =	sadd.s32 $0x200, s9;
	v23 =	vmax.f32 v23, v30;
	v24 =	vld.idx.msk [tilespmem:v53+s1+$0x0], $0xffff  }
0x632: {  	_ =	sdelay $0x3  }
0x633: {  	v11 =	vld.idx.msk [tilespmem:v11+s1+$0x0], $0xffff  }
0x634: {  	v10 =	vld.idx.msk [tilespmem:v10+s1+$0x0], $0xffff  }
0x635: {  	v8 =	vld.idx.msk [tilespmem:v8+s1+$0x0], $0xffff  }
0x636: {  	v9 =	vld.idx.msk [tilespmem:v9+s1+$0x0], $0xffff;
	v20 =	vmax.f32 v20, v21  }
0x637: {  	v7 =	vld.idx.msk [tilespmem:v7+s1+$0x0], $0xffff;
	v21 =	vmax.f32 v22, v24;
	[tilespmem:s7+$0x17F90] =	vst v20  }
0x638: {  	v12 =	vmax.f32 v15, v12;
	v11 =	vmax.f32 v23, v11;
	[tilespmem:s7+$0x17FA0] =	vst v21  }
0x639: {  	v13 =	vmax.f32 v16, v13;
	v10 =	vmax.f32 v12, v10;
	[tilespmem:s7+$0x17FB0] =	vst v11  }
0x63a: {  	v8 =	vmax.f32 v13, v8;
	v11 =	vmax.f32 v17, v14;
	[tilespmem:s7+$0x17FC0] =	vst v10  }
0x63b: {  	v10 =	vmax.f32 v18, v19;
	[tilespmem:s7+$0x17FD0] =	vst v8;
	v9 =	vmax.f32 v11, v9  }
0x63c: {  	v7 =	vmax.f32 v10, v7;
	[tilespmem:s7+$0x17FE0] =	vst v9  }
0x63d: {  	[tilespmem:s7+$0x18000] =	vst v7  }
0x63e: {  	s7 =	rddreg [dreg:$0x1d]  }
0x63f: {  	[hbm4b:s7+s23] =	stream.strided.scatter [tilespmem:s29], [sflag:$0x4], $0x2000, s24, s23, $0x38;
	[tilespmem:$0x1C000] =	vst v63  }
0x640: {  	s14 =	rddreg [dreg:$0x12]  }
0x641: {  	[tilespmem:s1], [sflag:$0x1] =	stream.strided.gather [hbm4b:s14+s23], $0x8000, s24, s23, $0x38;
	[tilespmem:$0x1C000] =	vst v63  }
0x642: {  	s8 =	simm.s32 $0x1C0;
	_ =	swait.ge [sflag:s30], $0x8000  }
0x643: {  	s15 =	simm.s32 $0x180;
	v7 =	vor.u32 s8, v0;
	[sflag:s30] =	ssyncset.done $0x0  }
0x644: {  	v8 =	vor.u32 s15, v0;
	[sflag:s30] =	ssyncadd.s32 $0xFFFF8000  }
0x645: {  	v9 =	vor.u32 s15, v1;
	_ =	swait.ge [sflag:s5], $0x2000  }
0x646: {  	v10 =	vor.u32 s15, v2;
	[sflag:s5] =	ssyncset.done $0x0  }
0x647: {  	s9 =	simm.s32 $0x0;
	v11 =	vor.u32 s15, v3;
	[sflag:s5] =	ssyncadd.s32 $0xFFFFE000  }
0x648: {  	s16 =	simm.s32 $0x40;
	v12 =	vor.u32 s9, v0;
	v18 =	vld.idx.msk [tilespmem:v7+s25+$0x0], $0xffff  }
0x649: {  	v13 =	vor.u32 s16, v0;
	v8 =	vld.idx.msk [tilespmem:v8+s25+$0x0], $0xffff  }
0x64a: {  	s10 =	simm.s32 $0x80;
	v14 =	vor.u32 s16, v4;
	v9 =	vld.idx.msk [tilespmem:v9+s25+$0x0], $0xffff  }
0x64b: {  	s13 =	simm.s32 $0x140;
	v15 =	vor.u32 s10, v0;
	v10 =	vld.idx.msk [tilespmem:v10+s25+$0x0], $0xffff  }
0x64c: {  	v22 =	vor.u32 s13, v0;
	v16 =	vld.idx.msk [tilespmem:v11+s25+$0x0], $0xffff  }
0x64d: {  	v7 =	vor.u32 s9, v1;
	v17 =	vld.idx.msk [tilespmem:v12+s25+$0x0], $0xffff  }
0x64e: {  	s11 =	simm.s32 $0xC0;
	v11 =	vor.u32 s10, v1;
	v20 =	vld.idx.msk [tilespmem:v13+s25+$0x0], $0xffff  }
0x64f: {  	s12 =	simm.s32 $0x100;
	v12 =	vor.u32 s11, v0;
	v21 =	vld.idx.msk [tilespmem:v14+s25+$0x0], $0xffff  }
0x650: {  	v13 =	vor.u32 s12, v0;
	v15 =	vld.idx.msk [tilespmem:v15+s25+$0x0], $0xffff  }
0x651: {  	v14 =	vor.u32 s12, v1;
	v22 =	vld.idx.msk [tilespmem:v22+s25+$0x0], $0xffff  }
0x652: {  	v36 =	vor.u32 s9, v3;
	v19 =	vld.idx.msk [tilespmem:v7+s25+$0x0], $0xffff  }
0x653: {  	v7 =	vor.u32 s11, v4;
	v23 =	vld.idx.msk [tilespmem:v11+s25+$0x0], $0xffff  }
0x654: {  	v11 =	vor.u32 s13, v4;
	v24 =	vld.idx.msk [tilespmem:v12+s25+$0x0], $0xffff  }
0x655: {  	v12 =	vor.u32 s8, v4;
	v26 =	vld.idx.msk [tilespmem:v13+s25+$0x0], $0xffff  }
0x656: {  	v13 =	vor.u32 s16, v5;
	v27 =	vld.idx.msk [tilespmem:v14+s25+$0x0], $0xffff  }
0x657: {  	v14 =	vor.u32 s10, v2;
	v63 =	vmax.f32 v20, v21;
	v21 =	vld.idx.msk [tilespmem:v36+s25+$0x0], $0xffff  }
0x658: {  	v25 =	vld.idx.msk [tilespmem:v7+s25+$0x0], $0xffff;
	v7 =	vor.u32 s9, v2  }
0x659: {  	v28 =	vor.u32 s11, v5;
	v29 =	vld.idx.msk [tilespmem:v11+s25+$0x0], $0xffff  }
0x65a: {  	v30 =	vor.u32 s12, v2;
	v31 =	vld.idx.msk [tilespmem:v12+s25+$0x0], $0xffff  }
0x65b: {  	v34 =	vor.u32 s8, v5;
	v35 =	vld.idx.msk [tilespmem:v13+s25+$0x0], $0xffff  }
0x65c: {  	v38 =	vor.u32 s16, v6;
	v37 =	vld.idx.msk [tilespmem:v14+s25+$0x0], $0xffff  }
0x65d: {  	v32 =	vor.u32 s13, v5;
	v11 =	vor.u32 s10, v3;
	v62 =	vmax.f32 v17, v19;
	v33 =	vld.idx.msk [tilespmem:v7+s25+$0x0], $0xffff  }
0x65e: {  	v12 =	vld.idx.msk [tilespmem:v28+s25+$0x0], $0xffff;
	v23 =	vmax.f32 v15, v23;
	v7 =	vmax.f32 v8, v9;
	v8 =	vor.u32 s12, v3  }
0x65f: {  	v13 =	vld.idx.msk [tilespmem:v30+s25+$0x0], $0xffff;
	v9 =	vor.u32 s13, v6;
	v7 =	vmax.f32 v7, v10;
	v10 =	vor.u32 s11, v6  }
0x660: {  	v19 =	vld.idx.msk [tilespmem:v34+s25+$0x0], $0xffff;
	v15 =	vmax.f32 v24, v25;
	v17 =	vmax.f32 v22, v29;
	v18 =	vmax.f32 v18, v31  }
0x661: {  	s7 =	simm.s32 $0x70;
	v22 =	vmax.f32 v63, v35;
	v24 =	vld.idx.msk [tilespmem:v38+s25+$0x0], $0xffff;
	v23 =	vmax.f32 v23, v37;
	v14 =	vmax.f32 v7, v16  }
0x662: {  	s9 =	simm.s32 $0x3C0;
	v7 =	vor.u32 s8, v6;
	v16 =	vmax.f32 v26, v27;
	s8 =	simm.s32 $0x0;
	[tilespmem:s7+$0x19FF0] =	vst v14;
	v14 =	vld.idx.msk [tilespmem:v32+s25+$0x0], $0xffff;
	v20 =	vmax.f32 v62, v33  }
.LBB2_40:
0x663: {  	s10 =	sadd.s32 $0xFFFFFE80, s9;
	s11 =	sadd.s32 $0xFFFFFEC0, s9;
	s12 =	sadd.s32 $0xFFFFFFC0, s9;
	v25 =	vor.u32 s9, v0;
	v26 =	vor.u32 s9, v4;
	v27 =	vor.u32 s9, v5;
	v28 =	vld.idx.msk [tilespmem:v11+s25+$0x0], $0xffff  }
0x664: {  	s13 =	sadd.s32 $0xFFFFFF00, s9;
	s14 =	sadd.s32 $0xFFFFFF40, s9;
	s8 =	sadd.s32 $0x8, s8;
	v29 =	vor.u32 s10, v0;
	v30 =	vor.u32 s10, v4;
	v11 =	vor.u32 s12, v0;
	v31 =	vld.idx.msk [tilespmem:v10+s25+$0x0], $0xffff  }
0x665: {  	s15 =	sadd.s32 $0xFFFFFE40, s9;
	s16 =	sadd.s32 $0xFFFFFF80, s9;
	v32 =	vor.u32 s11, v0;
	v33 =	vor.u32 s11, v1;
	v10 =	vor.u32 s12, v1;
	p0 =	slt.u32 s8, $0x1F8;
	v34 =	vld.idx.msk [tilespmem:v8+s25+$0x0], $0xffff  }
0x666: {  	v35 =	vor.u32 s15, v0;
	v36 =	vor.u32 s15, v1;
	v8 =	vor.u32 s12, v2;
	v37 =	vld.idx.msk [tilespmem:v9+s25+$0x0], $0xffff  }
0x667: {  	v38 =	vor.u32 s13, v0;
	v39 =	vor.u32 s13, v4;
	v9 =	vor.u32 s12, v3;
	v40 =	vld.idx.msk [tilespmem:v7+s25+$0x0], $0xffff  }
0x668: {  	v41 =	vor.u32 s14, v0;
	v42 =	vor.u32 s14, v1;
	v43 =	vor.u32 s16, v0;
	v25 =	vld.idx.msk [tilespmem:v25+s25+$0x0], $0xffff  }
0x669: {  	v44 =	vor.u32 s15, v2;
	v45 =	vor.u32 s10, v5;
	v46 =	vor.u32 s16, v4;
	v47 =	vld.idx.msk [tilespmem:v11+s25+$0x0], $0xffff  }
0x66a: {  	v48 =	vor.u32 s11, v2;
	v49 =	vor.u32 s13, v5;
	v50 =	vor.u32 s14, v2;
	v51 =	vld.idx.msk [tilespmem:v10+s25+$0x0], $0xffff  }
0x66b: {  	v52 =	vor.u32 s15, v3;
	v53 =	vor.u32 s10, v6;
	v54 =	vor.u32 s16, v5;
	v55 =	vld.idx.msk [tilespmem:v8+s25+$0x0], $0xffff  }
0x66c: {  	v11 =	vor.u32 s11, v3;
	v10 =	vor.u32 s13, v6;
	v8 =	vor.u32 s14, v3;
	v56 =	vld.idx.msk [tilespmem:v9+s25+$0x0], $0xffff  }
0x66d: {  	v12 =	vmax.f32 v15, v12;
	v7 =	vor.u32 s9, v6;
	v9 =	vor.u32 s16, v6;
	v35 =	vld.idx.msk [tilespmem:v35+s25+$0x0], $0xffff  }
0x66e: {  	v13 =	vmax.f32 v16, v13;
	v14 =	vmax.f32 v17, v14;
	v16 =	vmax.f32 v18, v19;
	v15 =	vld.idx.msk [tilespmem:v36+s25+$0x0], $0xffff  }
0x66f: {  	v18 =	vmax.f32 v20, v21;
	v19 =	vmax.f32 v22, v24;
	v20 =	vmax.f32 v23, v28;
	v17 =	vld.idx.msk [tilespmem:v29+s25+$0x0], $0xffff  }
0x670: {  	v12 =	vmax.f32 v12, v31;
	v13 =	vmax.f32 v13, v34;
	v22 =	vmax.f32 v47, v51;
	v21 =	vld.idx.msk [tilespmem:v30+s25+$0x0], $0xffff  }
0x671: {  	v14 =	vmax.f32 v14, v37;
	v16 =	vmax.f32 v16, v40;
	v22 =	vmax.f32 v22, v55;
	v23 =	vld.idx.msk [tilespmem:v32+s25+$0x0], $0xffff  }
0x672: {  	s10 =	sshra.s32 s9, $0x2;
	v22 =	vmax.f32 v22, v56;
	v24 =	vld.idx.msk [tilespmem:v33+s25+$0x0], $0xffff;
	[tilespmem:s7+$0x19F90] =	vst v18  }
0x673: {  	v18 =	vld.idx.msk [tilespmem:v38+s25+$0x0], $0xffff;
	[tilespmem:s10+$0x19FF0] =	vst v22  }
0x674: {  	v22 =	vmax.f32 v35, v15;
	v15 =	vld.idx.msk [tilespmem:v39+s25+$0x0], $0xffff;
	[tilespmem:s7+$0x19FA0] =	vst v19  }
0x675: {  	v19 =	vld.idx.msk [tilespmem:v41+s25+$0x0], $0xffff;
	[tilespmem:s7+$0x19FB0] =	vst v20  }
0x676: {  	v28 =	vmax.f32 v17, v21;
	v17 =	vld.idx.msk [tilespmem:v42+s25+$0x0], $0xffff;
	[tilespmem:s7+$0x19FC0] =	vst v12  }
0x677: {  	v20 =	vld.idx.msk [tilespmem:v43+s25+$0x0], $0xffff;
	[tilespmem:s7+$0x19FD0] =	vst v13  }
0x678: {  	v23 =	vmax.f32 v23, v24;
	v21 =	vld.idx.msk [tilespmem:v46+s25+$0x0], $0xffff;
	[tilespmem:s7+$0x19FE0] =	vst v14  }
0x679: {  	v24 =	vld.idx.msk [tilespmem:v26+s25+$0x0], $0xffff;
	[tilespmem:s7+$0x1A000] =	vst v16;
	s7 =	smov.u32 s10  }
0x67a: {  	v15 =	vmax.f32 v18, v15;
	v26 =	vld.idx.msk [tilespmem:v44+s25+$0x0], $0xffff  }
0x67b: {  	v29 =	vld.idx.msk [tilespmem:v45+s25+$0x0], $0xffff  }
0x67c: {  	v16 =	vmax.f32 v19, v17;
	v30 =	vld.idx.msk [tilespmem:v48+s25+$0x0], $0xffff  }
0x67d: {  	v12 =	vld.idx.msk [tilespmem:v49+s25+$0x0], $0xffff  }
.Ltmp19:
0x67e: {  	v17 =	vmax.f32 v20, v21;
	v13 =	vld.idx.msk [tilespmem:v50+s25+$0x0], $0xffff;
	(pc) =	sbr.rel @p0 .LBB2_40-.Ltmp19, $4  }
0x67f: {  	v18 =	vmax.f32 v25, v24;
	v14 =	vld.idx.msk [tilespmem:v54+s25+$0x0], $0xffff  }
0x680: {  	v20 =	vmax.f32 v22, v26;
	v19 =	vld.idx.msk [tilespmem:v27+s25+$0x0], $0xffff  }
0x681: {  	v22 =	vmax.f32 v28, v29;
	v21 =	vld.idx.msk [tilespmem:v52+s25+$0x0], $0xffff  }
0x682: {  	s9 =	sadd.s32 $0x200, s9;
	v23 =	vmax.f32 v23, v30;
	v24 =	vld.idx.msk [tilespmem:v53+s25+$0x0], $0xffff  }
0x683: {  	_ =	sdelay $0x3  }
0x684: {  	v11 =	vld.idx.msk [tilespmem:v11+s25+$0x0], $0xffff  }
0x685: {  	v10 =	vld.idx.msk [tilespmem:v10+s25+$0x0], $0xffff  }
0x686: {  	v8 =	vld.idx.msk [tilespmem:v8+s25+$0x0], $0xffff  }
0x687: {  	v9 =	vld.idx.msk [tilespmem:v9+s25+$0x0], $0xffff;
	v20 =	vmax.f32 v20, v21  }
0x688: {  	v7 =	vld.idx.msk [tilespmem:v7+s25+$0x0], $0xffff;
	v21 =	vmax.f32 v22, v24;
	[tilespmem:s7+$0x19F90] =	vst v20  }
0x689: {  	v12 =	vmax.f32 v15, v12;
	v11 =	vmax.f32 v23, v11;
	[tilespmem:s7+$0x19FA0] =	vst v21  }
0x68a: {  	v13 =	vmax.f32 v16, v13;
	v10 =	vmax.f32 v12, v10;
	[tilespmem:s7+$0x19FB0] =	vst v11  }
0x68b: {  	v8 =	vmax.f32 v13, v8;
	v11 =	vmax.f32 v17, v14;
	[tilespmem:s7+$0x19FC0] =	vst v10  }
0x68c: {  	v10 =	vmax.f32 v18, v19;
	[tilespmem:s7+$0x19FD0] =	vst v8;
	v9 =	vmax.f32 v11, v9  }
0x68d: {  	v7 =	vmax.f32 v10, v7;
	[tilespmem:s7+$0x19FE0] =	vst v9  }
0x68e: {  	[tilespmem:s7+$0x1A000] =	vst v7  }
0x68f: {  	s7 =	rddreg [dreg:$0x1e]  }
0x690: {  	[hbm4b:s7+s23] =	stream.strided.scatter [tilespmem:s31], [sflag:$0x5], $0x2000, s24, s23, $0x38;
	[tilespmem:$0x1C000] =	vst v63  }
0x691: {  	s14 =	rddreg [dreg:$0x13]  }
0x692: {  	[tilespmem:s25], [sflag:$0x2] =	stream.strided.gather [hbm4b:s14+s23], $0x8000, s24, s23, $0x38;
	[tilespmem:$0x1C000] =	vst v63  }
0x693: {  	s8 =	simm.s32 $0x1C0;
	_ =	swait.ge [sflag:s0], $0x8000  }
0x694: {  	s15 =	simm.s32 $0x180;
	v7 =	vor.u32 s8, v0;
	[sflag:s0] =	ssyncset.done $0x0  }
0x695: {  	v8 =	vor.u32 s15, v0;
	[sflag:s0] =	ssyncadd.s32 $0xFFFF8000  }
0x696: {  	v9 =	vor.u32 s15, v1;
	_ =	swait.ge [sflag:s4], $0x2000  }
0x697: {  	v10 =	vor.u32 s15, v2;
	[sflag:s4] =	ssyncset.done $0x0  }
0x698: {  	s9 =	simm.s32 $0x0;
	v11 =	vor.u32 s15, v3;
	[sflag:s4] =	ssyncadd.s32 $0xFFFFE000  }
0x699: {  	s16 =	simm.s32 $0x40;
	v12 =	vor.u32 s9, v0;
	v18 =	vld.idx.msk [tilespmem:v7+s26+$0x0], $0xffff  }
0x69a: {  	v13 =	vor.u32 s16, v0;
	v8 =	vld.idx.msk [tilespmem:v8+s26+$0x0], $0xffff  }
0x69b: {  	s10 =	simm.s32 $0x80;
	v14 =	vor.u32 s16, v4;
	v9 =	vld.idx.msk [tilespmem:v9+s26+$0x0], $0xffff  }
0x69c: {  	s13 =	simm.s32 $0x140;
	v15 =	vor.u32 s10, v0;
	v10 =	vld.idx.msk [tilespmem:v10+s26+$0x0], $0xffff  }
0x69d: {  	v22 =	vor.u32 s13, v0;
	v16 =	vld.idx.msk [tilespmem:v11+s26+$0x0], $0xffff  }
0x69e: {  	v7 =	vor.u32 s9, v1;
	v17 =	vld.idx.msk [tilespmem:v12+s26+$0x0], $0xffff  }
0x69f: {  	s11 =	simm.s32 $0xC0;
	v11 =	vor.u32 s10, v1;
	v20 =	vld.idx.msk [tilespmem:v13+s26+$0x0], $0xffff  }
0x6a0: {  	s12 =	simm.s32 $0x100;
	v12 =	vor.u32 s11, v0;
	v21 =	vld.idx.msk [tilespmem:v14+s26+$0x0], $0xffff  }
0x6a1: {  	v13 =	vor.u32 s12, v0;
	v15 =	vld.idx.msk [tilespmem:v15+s26+$0x0], $0xffff  }
0x6a2: {  	v14 =	vor.u32 s12, v1;
	v22 =	vld.idx.msk [tilespmem:v22+s26+$0x0], $0xffff  }
0x6a3: {  	v36 =	vor.u32 s9, v3;
	v19 =	vld.idx.msk [tilespmem:v7+s26+$0x0], $0xffff  }
0x6a4: {  	v7 =	vor.u32 s11, v4;
	v23 =	vld.idx.msk [tilespmem:v11+s26+$0x0], $0xffff  }
0x6a5: {  	v11 =	vor.u32 s13, v4;
	v24 =	vld.idx.msk [tilespmem:v12+s26+$0x0], $0xffff  }
0x6a6: {  	v12 =	vor.u32 s8, v4;
	v26 =	vld.idx.msk [tilespmem:v13+s26+$0x0], $0xffff  }
0x6a7: {  	v13 =	vor.u32 s16, v5;
	v27 =	vld.idx.msk [tilespmem:v14+s26+$0x0], $0xffff  }
0x6a8: {  	v14 =	vor.u32 s10, v2;
	v63 =	vmax.f32 v20, v21;
	v21 =	vld.idx.msk [tilespmem:v36+s26+$0x0], $0xffff  }
0x6a9: {  	v25 =	vld.idx.msk [tilespmem:v7+s26+$0x0], $0xffff;
	v7 =	vor.u32 s9, v2  }
0x6aa: {  	v28 =	vor.u32 s11, v5;
	v29 =	vld.idx.msk [tilespmem:v11+s26+$0x0], $0xffff  }
0x6ab: {  	v30 =	vor.u32 s12, v2;
	v31 =	vld.idx.msk [tilespmem:v12+s26+$0x0], $0xffff  }
0x6ac: {  	v34 =	vor.u32 s8, v5;
	v35 =	vld.idx.msk [tilespmem:v13+s26+$0x0], $0xffff  }
0x6ad: {  	v38 =	vor.u32 s16, v6;
	v37 =	vld.idx.msk [tilespmem:v14+s26+$0x0], $0xffff  }
0x6ae: {  	v32 =	vor.u32 s13, v5;
	v11 =	vor.u32 s10, v3;
	v62 =	vmax.f32 v17, v19;
	v33 =	vld.idx.msk [tilespmem:v7+s26+$0x0], $0xffff  }
0x6af: {  	v12 =	vld.idx.msk [tilespmem:v28+s26+$0x0], $0xffff;
	v23 =	vmax.f32 v15, v23;
	v7 =	vmax.f32 v8, v9;
	v8 =	vor.u32 s12, v3  }
0x6b0: {  	v13 =	vld.idx.msk [tilespmem:v30+s26+$0x0], $0xffff;
	v9 =	vor.u32 s13, v6;
	v7 =	vmax.f32 v7, v10;
	v10 =	vor.u32 s11, v6  }
0x6b1: {  	v19 =	vld.idx.msk [tilespmem:v34+s26+$0x0], $0xffff;
	v15 =	vmax.f32 v24, v25;
	v17 =	vmax.f32 v22, v29;
	v18 =	vmax.f32 v18, v31  }
0x6b2: {  	s7 =	simm.s32 $0x70;
	v22 =	vmax.f32 v63, v35;
	v24 =	vld.idx.msk [tilespmem:v38+s26+$0x0], $0xffff;
	v23 =	vmax.f32 v23, v37;
	v14 =	vmax.f32 v7, v16  }
0x6b3: {  	s9 =	simm.s32 $0x3C0;
	v7 =	vor.u32 s8, v6;
	v16 =	vmax.f32 v26, v27;
	s8 =	simm.s32 $0x0;
	[tilespmem:s7+$0x17FF0] =	vst v14;
	v14 =	vld.idx.msk [tilespmem:v32+s26+$0x0], $0xffff;
	v20 =	vmax.f32 v62, v33  }
.LBB2_42:
0x6b4: {  	s10 =	sadd.s32 $0xFFFFFE80, s9;
	s11 =	sadd.s32 $0xFFFFFEC0, s9;
	s12 =	sadd.s32 $0xFFFFFFC0, s9;
	v25 =	vor.u32 s9, v0;
	v26 =	vor.u32 s9, v4;
	v27 =	vor.u32 s9, v5;
	v28 =	vld.idx.msk [tilespmem:v11+s26+$0x0], $0xffff  }
0x6b5: {  	s13 =	sadd.s32 $0xFFFFFF00, s9;
	s14 =	sadd.s32 $0xFFFFFF40, s9;
	s8 =	sadd.s32 $0x8, s8;
	v29 =	vor.u32 s10, v0;
	v30 =	vor.u32 s10, v4;
	v11 =	vor.u32 s12, v0;
	v31 =	vld.idx.msk [tilespmem:v10+s26+$0x0], $0xffff  }
0x6b6: {  	s15 =	sadd.s32 $0xFFFFFE40, s9;
	s16 =	sadd.s32 $0xFFFFFF80, s9;
	v32 =	vor.u32 s11, v0;
	v33 =	vor.u32 s11, v1;
	v10 =	vor.u32 s12, v1;
	p0 =	slt.u32 s8, $0x1F8;
	v34 =	vld.idx.msk [tilespmem:v8+s26+$0x0], $0xffff  }
0x6b7: {  	v35 =	vor.u32 s15, v0;
	v36 =	vor.u32 s15, v1;
	v8 =	vor.u32 s12, v2;
	v37 =	vld.idx.msk [tilespmem:v9+s26+$0x0], $0xffff  }
0x6b8: {  	v38 =	vor.u32 s13, v0;
	v39 =	vor.u32 s13, v4;
	v9 =	vor.u32 s12, v3;
	v40 =	vld.idx.msk [tilespmem:v7+s26+$0x0], $0xffff  }
0x6b9: {  	v41 =	vor.u32 s14, v0;
	v42 =	vor.u32 s14, v1;
	v43 =	vor.u32 s16, v0;
	v25 =	vld.idx.msk [tilespmem:v25+s26+$0x0], $0xffff  }
0x6ba: {  	v44 =	vor.u32 s15, v2;
	v45 =	vor.u32 s10, v5;
	v46 =	vor.u32 s16, v4;
	v47 =	vld.idx.msk [tilespmem:v11+s26+$0x0], $0xffff  }
0x6bb: {  	v48 =	vor.u32 s11, v2;
	v49 =	vor.u32 s13, v5;
	v50 =	vor.u32 s14, v2;
	v51 =	vld.idx.msk [tilespmem:v10+s26+$0x0], $0xffff  }
0x6bc: {  	v52 =	vor.u32 s15, v3;
	v53 =	vor.u32 s10, v6;
	v54 =	vor.u32 s16, v5;
	v55 =	vld.idx.msk [tilespmem:v8+s26+$0x0], $0xffff  }
0x6bd: {  	v11 =	vor.u32 s11, v3;
	v10 =	vor.u32 s13, v6;
	v8 =	vor.u32 s14, v3;
	v56 =	vld.idx.msk [tilespmem:v9+s26+$0x0], $0xffff  }
0x6be: {  	v12 =	vmax.f32 v15, v12;
	v7 =	vor.u32 s9, v6;
	v9 =	vor.u32 s16, v6;
	v35 =	vld.idx.msk [tilespmem:v35+s26+$0x0], $0xffff  }
0x6bf: {  	v13 =	vmax.f32 v16, v13;
	v14 =	vmax.f32 v17, v14;
	v16 =	vmax.f32 v18, v19;
	v15 =	vld.idx.msk [tilespmem:v36+s26+$0x0], $0xffff  }
0x6c0: {  	v18 =	vmax.f32 v20, v21;
	v19 =	vmax.f32 v22, v24;
	v20 =	vmax.f32 v23, v28;
	v17 =	vld.idx.msk [tilespmem:v29+s26+$0x0], $0xffff  }
0x6c1: {  	v12 =	vmax.f32 v12, v31;
	v13 =	vmax.f32 v13, v34;
	v22 =	vmax.f32 v47, v51;
	v21 =	vld.idx.msk [tilespmem:v30+s26+$0x0], $0xffff  }
0x6c2: {  	v14 =	vmax.f32 v14, v37;
	v16 =	vmax.f32 v16, v40;
	v22 =	vmax.f32 v22, v55;
	v23 =	vld.idx.msk [tilespmem:v32+s26+$0x0], $0xffff  }
0x6c3: {  	s10 =	sshra.s32 s9, $0x2;
	v22 =	vmax.f32 v22, v56;
	v24 =	vld.idx.msk [tilespmem:v33+s26+$0x0], $0xffff;
	[tilespmem:s7+$0x17F90] =	vst v18  }
0x6c4: {  	v18 =	vld.idx.msk [tilespmem:v38+s26+$0x0], $0xffff;
	[tilespmem:s10+$0x17FF0] =	vst v22  }
0x6c5: {  	v22 =	vmax.f32 v35, v15;
	v15 =	vld.idx.msk [tilespmem:v39+s26+$0x0], $0xffff;
	[tilespmem:s7+$0x17FA0] =	vst v19  }
0x6c6: {  	v19 =	vld.idx.msk [tilespmem:v41+s26+$0x0], $0xffff;
	[tilespmem:s7+$0x17FB0] =	vst v20  }
0x6c7: {  	v28 =	vmax.f32 v17, v21;
	v17 =	vld.idx.msk [tilespmem:v42+s26+$0x0], $0xffff;
	[tilespmem:s7+$0x17FC0] =	vst v12  }
0x6c8: {  	v20 =	vld.idx.msk [tilespmem:v43+s26+$0x0], $0xffff;
	[tilespmem:s7+$0x17FD0] =	vst v13  }
0x6c9: {  	v23 =	vmax.f32 v23, v24;
	v21 =	vld.idx.msk [tilespmem:v46+s26+$0x0], $0xffff;
	[tilespmem:s7+$0x17FE0] =	vst v14  }
0x6ca: {  	v24 =	vld.idx.msk [tilespmem:v26+s26+$0x0], $0xffff;
	[tilespmem:s7+$0x18000] =	vst v16;
	s7 =	smov.u32 s10  }
0x6cb: {  	v15 =	vmax.f32 v18, v15;
	v26 =	vld.idx.msk [tilespmem:v44+s26+$0x0], $0xffff  }
0x6cc: {  	v29 =	vld.idx.msk [tilespmem:v45+s26+$0x0], $0xffff  }
0x6cd: {  	v16 =	vmax.f32 v19, v17;
	v30 =	vld.idx.msk [tilespmem:v48+s26+$0x0], $0xffff  }
0x6ce: {  	v12 =	vld.idx.msk [tilespmem:v49+s26+$0x0], $0xffff  }
.Ltmp20:
0x6cf: {  	v17 =	vmax.f32 v20, v21;
	v13 =	vld.idx.msk [tilespmem:v50+s26+$0x0], $0xffff;
	(pc) =	sbr.rel @p0 .LBB2_42-.Ltmp20, $4  }
0x6d0: {  	v18 =	vmax.f32 v25, v24;
	v14 =	vld.idx.msk [tilespmem:v54+s26+$0x0], $0xffff  }
0x6d1: {  	v20 =	vmax.f32 v22, v26;
	v19 =	vld.idx.msk [tilespmem:v27+s26+$0x0], $0xffff  }
0x6d2: {  	v22 =	vmax.f32 v28, v29;
	v21 =	vld.idx.msk [tilespmem:v52+s26+$0x0], $0xffff  }
0x6d3: {  	s9 =	sadd.s32 $0x200, s9;
	v23 =	vmax.f32 v23, v30;
	v24 =	vld.idx.msk [tilespmem:v53+s26+$0x0], $0xffff  }
0x6d4: {  	_ =	sdelay $0x3  }
0x6d5: {  	v11 =	vld.idx.msk [tilespmem:v11+s26+$0x0], $0xffff  }
0x6d6: {  	v10 =	vld.idx.msk [tilespmem:v10+s26+$0x0], $0xffff  }
0x6d7: {  	v8 =	vld.idx.msk [tilespmem:v8+s26+$0x0], $0xffff  }
0x6d8: {  	v9 =	vld.idx.msk [tilespmem:v9+s26+$0x0], $0xffff;
	v20 =	vmax.f32 v20, v21  }
0x6d9: {  	v7 =	vld.idx.msk [tilespmem:v7+s26+$0x0], $0xffff;
	v21 =	vmax.f32 v22, v24;
	[tilespmem:s7+$0x17F90] =	vst v20  }
0x6da: {  	v12 =	vmax.f32 v15, v12;
	v11 =	vmax.f32 v23, v11;
	[tilespmem:s7+$0x17FA0] =	vst v21  }
0x6db: {  	v13 =	vmax.f32 v16, v13;
	v10 =	vmax.f32 v12, v10;
	[tilespmem:s7+$0x17FB0] =	vst v11  }
0x6dc: {  	v8 =	vmax.f32 v13, v8;
	v11 =	vmax.f32 v17, v14;
	[tilespmem:s7+$0x17FC0] =	vst v10  }
0x6dd: {  	v10 =	vmax.f32 v18, v19;
	[tilespmem:s7+$0x17FD0] =	vst v8;
	v9 =	vmax.f32 v11, v9  }
0x6de: {  	v7 =	vmax.f32 v10, v7;
	[tilespmem:s7+$0x17FE0] =	vst v9  }
0x6df: {  	[tilespmem:s7+$0x18000] =	vst v7  }
0x6e0: {  	s7 =	rddreg [dreg:$0x1f]  }
0x6e1: {  	[hbm4b:s7+s23] =	stream.strided.scatter [tilespmem:s29], [sflag:$0x4], $0x2000, s24, s23, $0x38;
	[tilespmem:$0x1C000] =	vst v63  }
0x6e2: {  	s14 =	rddreg [dreg:$0x14]  }
0x6e3: {  	[tilespmem:s26], [sflag:$0x3] =	stream.strided.gather [hbm4b:s14+s23], $0x8000, s24, s23, $0x38;
	[tilespmem:$0x1C000] =	vst v63  }
0x6e4: {  	s8 =	simm.s32 $0x1C0;
	_ =	swait.ge [sflag:s28], $0x8000  }
0x6e5: {  	s15 =	simm.s32 $0x180;
	v7 =	vor.u32 s8, v0;
	[sflag:s28] =	ssyncset.done $0x0  }
0x6e6: {  	v8 =	vor.u32 s15, v0;
	[sflag:s28] =	ssyncadd.s32 $0xFFFF8000  }
0x6e7: {  	v9 =	vor.u32 s15, v1;
	_ =	swait.ge [sflag:s5], $0x2000  }
0x6e8: {  	v10 =	vor.u32 s15, v2;
	[sflag:s5] =	ssyncset.done $0x0  }
0x6e9: {  	s9 =	simm.s32 $0x0;
	v11 =	vor.u32 s15, v3;
	[sflag:s5] =	ssyncadd.s32 $0xFFFFE000  }
0x6ea: {  	s16 =	simm.s32 $0x40;
	v12 =	vor.u32 s9, v0;
	v18 =	vld.idx.msk [tilespmem:v7+s1+$0x0], $0xffff  }
0x6eb: {  	v13 =	vor.u32 s16, v0;
	v8 =	vld.idx.msk [tilespmem:v8+s1+$0x0], $0xffff  }
0x6ec: {  	s10 =	simm.s32 $0x80;
	v14 =	vor.u32 s16, v4;
	v9 =	vld.idx.msk [tilespmem:v9+s1+$0x0], $0xffff  }
0x6ed: {  	s13 =	simm.s32 $0x140;
	v15 =	vor.u32 s10, v0;
	v10 =	vld.idx.msk [tilespmem:v10+s1+$0x0], $0xffff  }
0x6ee: {  	v22 =	vor.u32 s13, v0;
	v16 =	vld.idx.msk [tilespmem:v11+s1+$0x0], $0xffff  }
0x6ef: {  	v7 =	vor.u32 s9, v1;
	v17 =	vld.idx.msk [tilespmem:v12+s1+$0x0], $0xffff  }
0x6f0: {  	s11 =	simm.s32 $0xC0;
	v11 =	vor.u32 s10, v1;
	v20 =	vld.idx.msk [tilespmem:v13+s1+$0x0], $0xffff  }
0x6f1: {  	s12 =	simm.s32 $0x100;
	v12 =	vor.u32 s11, v0;
	v21 =	vld.idx.msk [tilespmem:v14+s1+$0x0], $0xffff  }
0x6f2: {  	v13 =	vor.u32 s12, v0;
	v15 =	vld.idx.msk [tilespmem:v15+s1+$0x0], $0xffff  }
0x6f3: {  	v14 =	vor.u32 s12, v1;
	v22 =	vld.idx.msk [tilespmem:v22+s1+$0x0], $0xffff  }
0x6f4: {  	v36 =	vor.u32 s9, v3;
	v19 =	vld.idx.msk [tilespmem:v7+s1+$0x0], $0xffff  }
0x6f5: {  	v7 =	vor.u32 s11, v4;
	v23 =	vld.idx.msk [tilespmem:v11+s1+$0x0], $0xffff  }
0x6f6: {  	v11 =	vor.u32 s13, v4;
	v24 =	vld.idx.msk [tilespmem:v12+s1+$0x0], $0xffff  }
0x6f7: {  	v12 =	vor.u32 s8, v4;
	v26 =	vld.idx.msk [tilespmem:v13+s1+$0x0], $0xffff  }
0x6f8: {  	v13 =	vor.u32 s16, v5;
	v27 =	vld.idx.msk [tilespmem:v14+s1+$0x0], $0xffff  }
0x6f9: {  	v14 =	vor.u32 s10, v2;
	v63 =	vmax.f32 v20, v21;
	v21 =	vld.idx.msk [tilespmem:v36+s1+$0x0], $0xffff  }
0x6fa: {  	v25 =	vld.idx.msk [tilespmem:v7+s1+$0x0], $0xffff;
	v7 =	vor.u32 s9, v2  }
0x6fb: {  	v28 =	vor.u32 s11, v5;
	v29 =	vld.idx.msk [tilespmem:v11+s1+$0x0], $0xffff  }
0x6fc: {  	v30 =	vor.u32 s12, v2;
	v31 =	vld.idx.msk [tilespmem:v12+s1+$0x0], $0xffff  }
0x6fd: {  	v34 =	vor.u32 s8, v5;
	v35 =	vld.idx.msk [tilespmem:v13+s1+$0x0], $0xffff  }
0x6fe: {  	v38 =	vor.u32 s16, v6;
	v37 =	vld.idx.msk [tilespmem:v14+s1+$0x0], $0xffff  }
0x6ff: {  	v32 =	vor.u32 s13, v5;
	v11 =	vor.u32 s10, v3;
	v62 =	vmax.f32 v17, v19;
	v33 =	vld.idx.msk [tilespmem:v7+s1+$0x0], $0xffff  }
0x700: {  	v12 =	vld.idx.msk [tilespmem:v28+s1+$0x0], $0xffff;
	v23 =	vmax.f32 v15, v23;
	v7 =	vmax.f32 v8, v9;
	v8 =	vor.u32 s12, v3  }
0x701: {  	v13 =	vld.idx.msk [tilespmem:v30+s1+$0x0], $0xffff;
	v9 =	vor.u32 s13, v6;
	v7 =	vmax.f32 v7, v10;
	v10 =	vor.u32 s11, v6  }
0x702: {  	v19 =	vld.idx.msk [tilespmem:v34+s1+$0x0], $0xffff;
	v15 =	vmax.f32 v24, v25;
	v17 =	vmax.f32 v22, v29;
	v18 =	vmax.f32 v18, v31  }
0x703: {  	s7 =	simm.s32 $0x70;
	v22 =	vmax.f32 v63, v35;
	v24 =	vld.idx.msk [tilespmem:v38+s1+$0x0], $0xffff;
	v23 =	vmax.f32 v23, v37;
	v14 =	vmax.f32 v7, v16  }
0x704: {  	s9 =	simm.s32 $0x3C0;
	v7 =	vor.u32 s8, v6;
	v16 =	vmax.f32 v26, v27;
	s8 =	simm.s32 $0x0;
	[tilespmem:s7+$0x19FF0] =	vst v14;
	v14 =	vld.idx.msk [tilespmem:v32+s1+$0x0], $0xffff;
	v20 =	vmax.f32 v62, v33  }
.LBB2_44:
0x705: {  	s10 =	sadd.s32 $0xFFFFFE80, s9;
	s11 =	sadd.s32 $0xFFFFFEC0, s9;
	s12 =	sadd.s32 $0xFFFFFFC0, s9;
	v25 =	vor.u32 s9, v0;
	v26 =	vor.u32 s9, v4;
	v27 =	vor.u32 s9, v5;
	v28 =	vld.idx.msk [tilespmem:v11+s1+$0x0], $0xffff  }
0x706: {  	s13 =	sadd.s32 $0xFFFFFF00, s9;
	s14 =	sadd.s32 $0xFFFFFF40, s9;
	s8 =	sadd.s32 $0x8, s8;
	v29 =	vor.u32 s10, v0;
	v30 =	vor.u32 s10, v4;
	v11 =	vor.u32 s12, v0;
	v31 =	vld.idx.msk [tilespmem:v10+s1+$0x0], $0xffff  }
0x707: {  	s15 =	sadd.s32 $0xFFFFFE40, s9;
	s16 =	sadd.s32 $0xFFFFFF80, s9;
	v32 =	vor.u32 s11, v0;
	v33 =	vor.u32 s11, v1;
	v10 =	vor.u32 s12, v1;
	p0 =	slt.u32 s8, $0x1F8;
	v34 =	vld.idx.msk [tilespmem:v8+s1+$0x0], $0xffff  }
0x708: {  	v35 =	vor.u32 s15, v0;
	v36 =	vor.u32 s15, v1;
	v8 =	vor.u32 s12, v2;
	v37 =	vld.idx.msk [tilespmem:v9+s1+$0x0], $0xffff  }
0x709: {  	v38 =	vor.u32 s13, v0;
	v39 =	vor.u32 s13, v4;
	v9 =	vor.u32 s12, v3;
	v40 =	vld.idx.msk [tilespmem:v7+s1+$0x0], $0xffff  }
0x70a: {  	v41 =	vor.u32 s14, v0;
	v42 =	vor.u32 s14, v1;
	v43 =	vor.u32 s16, v0;
	v25 =	vld.idx.msk [tilespmem:v25+s1+$0x0], $0xffff  }
0x70b: {  	v44 =	vor.u32 s15, v2;
	v45 =	vor.u32 s10, v5;
	v46 =	vor.u32 s16, v4;
	v47 =	vld.idx.msk [tilespmem:v11+s1+$0x0], $0xffff  }
0x70c: {  	v48 =	vor.u32 s11, v2;
	v49 =	vor.u32 s13, v5;
	v50 =	vor.u32 s14, v2;
	v51 =	vld.idx.msk [tilespmem:v10+s1+$0x0], $0xffff  }
0x70d: {  	v52 =	vor.u32 s15, v3;
	v53 =	vor.u32 s10, v6;
	v54 =	vor.u32 s16, v5;
	v55 =	vld.idx.msk [tilespmem:v8+s1+$0x0], $0xffff  }
0x70e: {  	v11 =	vor.u32 s11, v3;
	v10 =	vor.u32 s13, v6;
	v8 =	vor.u32 s14, v3;
	v56 =	vld.idx.msk [tilespmem:v9+s1+$0x0], $0xffff  }
0x70f: {  	v12 =	vmax.f32 v15, v12;
	v7 =	vor.u32 s9, v6;
	v9 =	vor.u32 s16, v6;
	v35 =	vld.idx.msk [tilespmem:v35+s1+$0x0], $0xffff  }
0x710: {  	v13 =	vmax.f32 v16, v13;
	v14 =	vmax.f32 v17, v14;
	v16 =	vmax.f32 v18, v19;
	v15 =	vld.idx.msk [tilespmem:v36+s1+$0x0], $0xffff  }
0x711: {  	v18 =	vmax.f32 v20, v21;
	v19 =	vmax.f32 v22, v24;
	v20 =	vmax.f32 v23, v28;
	v17 =	vld.idx.msk [tilespmem:v29+s1+$0x0], $0xffff  }
0x712: {  	v12 =	vmax.f32 v12, v31;
	v13 =	vmax.f32 v13, v34;
	v22 =	vmax.f32 v47, v51;
	v21 =	vld.idx.msk [tilespmem:v30+s1+$0x0], $0xffff  }
0x713: {  	v14 =	vmax.f32 v14, v37;
	v16 =	vmax.f32 v16, v40;
	v22 =	vmax.f32 v22, v55;
	v23 =	vld.idx.msk [tilespmem:v32+s1+$0x0], $0xffff  }
0x714: {  	s10 =	sshra.s32 s9, $0x2;
	v22 =	vmax.f32 v22, v56;
	v24 =	vld.idx.msk [tilespmem:v33+s1+$0x0], $0xffff;
	[tilespmem:s7+$0x19F90] =	vst v18  }
0x715: {  	v18 =	vld.idx.msk [tilespmem:v38+s1+$0x0], $0xffff;
	[tilespmem:s10+$0x19FF0] =	vst v22  }
0x716: {  	v22 =	vmax.f32 v35, v15;
	v15 =	vld.idx.msk [tilespmem:v39+s1+$0x0], $0xffff;
	[tilespmem:s7+$0x19FA0] =	vst v19  }
0x717: {  	v19 =	vld.idx.msk [tilespmem:v41+s1+$0x0], $0xffff;
	[tilespmem:s7+$0x19FB0] =	vst v20  }
0x718: {  	v28 =	vmax.f32 v17, v21;
	v17 =	vld.idx.msk [tilespmem:v42+s1+$0x0], $0xffff;
	[tilespmem:s7+$0x19FC0] =	vst v12  }
0x719: {  	v20 =	vld.idx.msk [tilespmem:v43+s1+$0x0], $0xffff;
	[tilespmem:s7+$0x19FD0] =	vst v13  }
0x71a: {  	v23 =	vmax.f32 v23, v24;
	v21 =	vld.idx.msk [tilespmem:v46+s1+$0x0], $0xffff;
	[tilespmem:s7+$0x19FE0] =	vst v14  }
0x71b: {  	v24 =	vld.idx.msk [tilespmem:v26+s1+$0x0], $0xffff;
	[tilespmem:s7+$0x1A000] =	vst v16;
	s7 =	smov.u32 s10  }
0x71c: {  	v15 =	vmax.f32 v18, v15;
	v26 =	vld.idx.msk [tilespmem:v44+s1+$0x0], $0xffff  }
0x71d: {  	v29 =	vld.idx.msk [tilespmem:v45+s1+$0x0], $0xffff  }
0x71e: {  	v16 =	vmax.f32 v19, v17;
	v30 =	vld.idx.msk [tilespmem:v48+s1+$0x0], $0xffff  }
0x71f: {  	v12 =	vld.idx.msk [tilespmem:v49+s1+$0x0], $0xffff  }
.Ltmp21:
0x720: {  	v17 =	vmax.f32 v20, v21;
	v13 =	vld.idx.msk [tilespmem:v50+s1+$0x0], $0xffff;
	(pc) =	sbr.rel @p0 .LBB2_44-.Ltmp21, $4  }
0x721: {  	v18 =	vmax.f32 v25, v24;
	v14 =	vld.idx.msk [tilespmem:v54+s1+$0x0], $0xffff  }
0x722: {  	v20 =	vmax.f32 v22, v26;
	v19 =	vld.idx.msk [tilespmem:v27+s1+$0x0], $0xffff  }
0x723: {  	v22 =	vmax.f32 v28, v29;
	v21 =	vld.idx.msk [tilespmem:v52+s1+$0x0], $0xffff  }
0x724: {  	s9 =	sadd.s32 $0x200, s9;
	v23 =	vmax.f32 v23, v30;
	v24 =	vld.idx.msk [tilespmem:v53+s1+$0x0], $0xffff  }
0x725: {  	_ =	sdelay $0x3  }
0x726: {  	v11 =	vld.idx.msk [tilespmem:v11+s1+$0x0], $0xffff  }
0x727: {  	v10 =	vld.idx.msk [tilespmem:v10+s1+$0x0], $0xffff  }
0x728: {  	v8 =	vld.idx.msk [tilespmem:v8+s1+$0x0], $0xffff  }
0x729: {  	v9 =	vld.idx.msk [tilespmem:v9+s1+$0x0], $0xffff;
	v20 =	vmax.f32 v20, v21  }
0x72a: {  	v7 =	vld.idx.msk [tilespmem:v7+s1+$0x0], $0xffff;
	v21 =	vmax.f32 v22, v24;
	[tilespmem:s7+$0x19F90] =	vst v20  }
0x72b: {  	v12 =	vmax.f32 v15, v12;
	v11 =	vmax.f32 v23, v11;
	[tilespmem:s7+$0x19FA0] =	vst v21  }
0x72c: {  	v13 =	vmax.f32 v16, v13;
	v10 =	vmax.f32 v12, v10;
	[tilespmem:s7+$0x19FB0] =	vst v11  }
0x72d: {  	v8 =	vmax.f32 v13, v8;
	v11 =	vmax.f32 v17, v14;
	[tilespmem:s7+$0x19FC0] =	vst v10  }
0x72e: {  	v10 =	vmax.f32 v18, v19;
	[tilespmem:s7+$0x19FD0] =	vst v8;
	v9 =	vmax.f32 v11, v9  }
0x72f: {  	v7 =	vmax.f32 v10, v7;
	[tilespmem:s7+$0x19FE0] =	vst v9  }
0x730: {  	[tilespmem:s7+$0x1A000] =	vst v7  }
0x731: {  	s7 =	sld [smem:$0x7F2];
	_ =	sdelay $0x2  }
0x732: {  	[hbm4b:s7+s23] =	stream.strided.scatter [tilespmem:s31], [sflag:$0x5], $0x2000, s24, s23, $0x38;
	[tilespmem:$0x1C000] =	vst v63  }
0x733: {  	s8 =	simm.s32 $0x1C0;
	_ =	swait.ge [sflag:s30], $0x8000  }
0x734: {  	s15 =	simm.s32 $0x180;
	v7 =	vor.u32 s8, v0;
	[sflag:s30] =	ssyncset.done $0x0  }
0x735: {  	v8 =	vor.u32 s15, v0;
	[sflag:s30] =	ssyncadd.s32 $0xFFFF8000  }
0x736: {  	v9 =	vor.u32 s15, v1;
	_ =	swait.ge [sflag:s4], $0x2000  }
0x737: {  	v10 =	vor.u32 s15, v2;
	[sflag:s4] =	ssyncset.done $0x0  }
0x738: {  	s9 =	simm.s32 $0x0;
	v11 =	vor.u32 s15, v3;
	[sflag:s4] =	ssyncadd.s32 $0xFFFFE000  }
0x739: {  	s16 =	simm.s32 $0x40;
	v12 =	vor.u32 s9, v0;
	v18 =	vld.idx.msk [tilespmem:v7+s25+$0x0], $0xffff  }
0x73a: {  	v13 =	vor.u32 s16, v0;
	v8 =	vld.idx.msk [tilespmem:v8+s25+$0x0], $0xffff  }
0x73b: {  	s10 =	simm.s32 $0x80;
	v14 =	vor.u32 s16, v4;
	v9 =	vld.idx.msk [tilespmem:v9+s25+$0x0], $0xffff  }
0x73c: {  	s13 =	simm.s32 $0x140;
	v15 =	vor.u32 s10, v0;
	v10 =	vld.idx.msk [tilespmem:v10+s25+$0x0], $0xffff  }
0x73d: {  	v22 =	vor.u32 s13, v0;
	v16 =	vld.idx.msk [tilespmem:v11+s25+$0x0], $0xffff  }
0x73e: {  	v7 =	vor.u32 s9, v1;
	v17 =	vld.idx.msk [tilespmem:v12+s25+$0x0], $0xffff  }
0x73f: {  	s11 =	simm.s32 $0xC0;
	v11 =	vor.u32 s10, v1;
	v20 =	vld.idx.msk [tilespmem:v13+s25+$0x0], $0xffff  }
0x740: {  	s12 =	simm.s32 $0x100;
	v12 =	vor.u32 s11, v0;
	v21 =	vld.idx.msk [tilespmem:v14+s25+$0x0], $0xffff  }
0x741: {  	v13 =	vor.u32 s12, v0;
	v15 =	vld.idx.msk [tilespmem:v15+s25+$0x0], $0xffff  }
0x742: {  	v14 =	vor.u32 s12, v1;
	v22 =	vld.idx.msk [tilespmem:v22+s25+$0x0], $0xffff  }
0x743: {  	v36 =	vor.u32 s9, v3;
	v19 =	vld.idx.msk [tilespmem:v7+s25+$0x0], $0xffff  }
0x744: {  	v7 =	vor.u32 s11, v4;
	v23 =	vld.idx.msk [tilespmem:v11+s25+$0x0], $0xffff  }
0x745: {  	v11 =	vor.u32 s13, v4;
	v24 =	vld.idx.msk [tilespmem:v12+s25+$0x0], $0xffff  }
0x746: {  	v12 =	vor.u32 s8, v4;
	v26 =	vld.idx.msk [tilespmem:v13+s25+$0x0], $0xffff  }
0x747: {  	v13 =	vor.u32 s16, v5;
	v27 =	vld.idx.msk [tilespmem:v14+s25+$0x0], $0xffff  }
0x748: {  	v14 =	vor.u32 s10, v2;
	v63 =	vmax.f32 v20, v21;
	v21 =	vld.idx.msk [tilespmem:v36+s25+$0x0], $0xffff  }
0x749: {  	v25 =	vld.idx.msk [tilespmem:v7+s25+$0x0], $0xffff;
	v7 =	vor.u32 s9, v2  }
0x74a: {  	v28 =	vor.u32 s11, v5;
	v29 =	vld.idx.msk [tilespmem:v11+s25+$0x0], $0xffff  }
0x74b: {  	v30 =	vor.u32 s12, v2;
	v31 =	vld.idx.msk [tilespmem:v12+s25+$0x0], $0xffff  }
0x74c: {  	v34 =	vor.u32 s8, v5;
	v35 =	vld.idx.msk [tilespmem:v13+s25+$0x0], $0xffff  }
0x74d: {  	v38 =	vor.u32 s16, v6;
	v37 =	vld.idx.msk [tilespmem:v14+s25+$0x0], $0xffff  }
0x74e: {  	v32 =	vor.u32 s13, v5;
	v11 =	vor.u32 s10, v3;
	v62 =	vmax.f32 v17, v19;
	v33 =	vld.idx.msk [tilespmem:v7+s25+$0x0], $0xffff  }
0x74f: {  	v12 =	vld.idx.msk [tilespmem:v28+s25+$0x0], $0xffff;
	v23 =	vmax.f32 v15, v23;
	v7 =	vmax.f32 v8, v9;
	v8 =	vor.u32 s12, v3  }
0x750: {  	v13 =	vld.idx.msk [tilespmem:v30+s25+$0x0], $0xffff;
	v9 =	vor.u32 s13, v6;
	v7 =	vmax.f32 v7, v10;
	v10 =	vor.u32 s11, v6  }
0x751: {  	v19 =	vld.idx.msk [tilespmem:v34+s25+$0x0], $0xffff;
	v15 =	vmax.f32 v24, v25;
	v17 =	vmax.f32 v22, v29;
	v18 =	vmax.f32 v18, v31  }
0x752: {  	s7 =	simm.s32 $0x70;
	v22 =	vmax.f32 v63, v35;
	v24 =	vld.idx.msk [tilespmem:v38+s25+$0x0], $0xffff;
	v23 =	vmax.f32 v23, v37;
	v14 =	vmax.f32 v7, v16  }
0x753: {  	s9 =	simm.s32 $0x3C0;
	v7 =	vor.u32 s8, v6;
	v16 =	vmax.f32 v26, v27;
	s8 =	simm.s32 $0x0;
	[tilespmem:s7+$0x17FF0] =	vst v14;
	v14 =	vld.idx.msk [tilespmem:v32+s25+$0x0], $0xffff;
	v20 =	vmax.f32 v62, v33  }
.LBB2_46:
0x754: {  	s10 =	sadd.s32 $0xFFFFFE80, s9;
	s11 =	sadd.s32 $0xFFFFFEC0, s9;
	s12 =	sadd.s32 $0xFFFFFFC0, s9;
	v25 =	vor.u32 s9, v0;
	v26 =	vor.u32 s9, v4;
	v27 =	vor.u32 s9, v5;
	v28 =	vld.idx.msk [tilespmem:v11+s25+$0x0], $0xffff  }
0x755: {  	s13 =	sadd.s32 $0xFFFFFF00, s9;
	s14 =	sadd.s32 $0xFFFFFF40, s9;
	s8 =	sadd.s32 $0x8, s8;
	v29 =	vor.u32 s10, v0;
	v30 =	vor.u32 s10, v4;
	v11 =	vor.u32 s12, v0;
	v31 =	vld.idx.msk [tilespmem:v10+s25+$0x0], $0xffff  }
0x756: {  	s15 =	sadd.s32 $0xFFFFFE40, s9;
	s16 =	sadd.s32 $0xFFFFFF80, s9;
	v32 =	vor.u32 s11, v0;
	v33 =	vor.u32 s11, v1;
	v10 =	vor.u32 s12, v1;
	p0 =	slt.u32 s8, $0x1F8;
	v34 =	vld.idx.msk [tilespmem:v8+s25+$0x0], $0xffff  }
0x757: {  	v35 =	vor.u32 s15, v0;
	v36 =	vor.u32 s15, v1;
	v8 =	vor.u32 s12, v2;
	v37 =	vld.idx.msk [tilespmem:v9+s25+$0x0], $0xffff  }
0x758: {  	v38 =	vor.u32 s13, v0;
	v39 =	vor.u32 s13, v4;
	v9 =	vor.u32 s12, v3;
	v40 =	vld.idx.msk [tilespmem:v7+s25+$0x0], $0xffff  }
0x759: {  	v41 =	vor.u32 s14, v0;
	v42 =	vor.u32 s14, v1;
	v43 =	vor.u32 s16, v0;
	v25 =	vld.idx.msk [tilespmem:v25+s25+$0x0], $0xffff  }
0x75a: {  	v44 =	vor.u32 s15, v2;
	v45 =	vor.u32 s10, v5;
	v46 =	vor.u32 s16, v4;
	v47 =	vld.idx.msk [tilespmem:v11+s25+$0x0], $0xffff  }
0x75b: {  	v48 =	vor.u32 s11, v2;
	v49 =	vor.u32 s13, v5;
	v50 =	vor.u32 s14, v2;
	v51 =	vld.idx.msk [tilespmem:v10+s25+$0x0], $0xffff  }
0x75c: {  	v52 =	vor.u32 s15, v3;
	v53 =	vor.u32 s10, v6;
	v54 =	vor.u32 s16, v5;
	v55 =	vld.idx.msk [tilespmem:v8+s25+$0x0], $0xffff  }
0x75d: {  	v11 =	vor.u32 s11, v3;
	v10 =	vor.u32 s13, v6;
	v8 =	vor.u32 s14, v3;
	v56 =	vld.idx.msk [tilespmem:v9+s25+$0x0], $0xffff  }
0x75e: {  	v12 =	vmax.f32 v15, v12;
	v7 =	vor.u32 s9, v6;
	v9 =	vor.u32 s16, v6;
	v35 =	vld.idx.msk [tilespmem:v35+s25+$0x0], $0xffff  }
0x75f: {  	v13 =	vmax.f32 v16, v13;
	v14 =	vmax.f32 v17, v14;
	v16 =	vmax.f32 v18, v19;
	v15 =	vld.idx.msk [tilespmem:v36+s25+$0x0], $0xffff  }
0x760: {  	v18 =	vmax.f32 v20, v21;
	v19 =	vmax.f32 v22, v24;
	v20 =	vmax.f32 v23, v28;
	v17 =	vld.idx.msk [tilespmem:v29+s25+$0x0], $0xffff  }
0x761: {  	v12 =	vmax.f32 v12, v31;
	v13 =	vmax.f32 v13, v34;
	v22 =	vmax.f32 v47, v51;
	v21 =	vld.idx.msk [tilespmem:v30+s25+$0x0], $0xffff  }
0x762: {  	v14 =	vmax.f32 v14, v37;
	v16 =	vmax.f32 v16, v40;
	v22 =	vmax.f32 v22, v55;
	v23 =	vld.idx.msk [tilespmem:v32+s25+$0x0], $0xffff  }
0x763: {  	s10 =	sshra.s32 s9, $0x2;
	v22 =	vmax.f32 v22, v56;
	v24 =	vld.idx.msk [tilespmem:v33+s25+$0x0], $0xffff;
	[tilespmem:s7+$0x17F90] =	vst v18  }
0x764: {  	v18 =	vld.idx.msk [tilespmem:v38+s25+$0x0], $0xffff;
	[tilespmem:s10+$0x17FF0] =	vst v22  }
0x765: {  	v22 =	vmax.f32 v35, v15;
	v15 =	vld.idx.msk [tilespmem:v39+s25+$0x0], $0xffff;
	[tilespmem:s7+$0x17FA0] =	vst v19  }
0x766: {  	v19 =	vld.idx.msk [tilespmem:v41+s25+$0x0], $0xffff;
	[tilespmem:s7+$0x17FB0] =	vst v20  }
0x767: {  	v28 =	vmax.f32 v17, v21;
	v17 =	vld.idx.msk [tilespmem:v42+s25+$0x0], $0xffff;
	[tilespmem:s7+$0x17FC0] =	vst v12  }
0x768: {  	v20 =	vld.idx.msk [tilespmem:v43+s25+$0x0], $0xffff;
	[tilespmem:s7+$0x17FD0] =	vst v13  }
0x769: {  	v23 =	vmax.f32 v23, v24;
	v21 =	vld.idx.msk [tilespmem:v46+s25+$0x0], $0xffff;
	[tilespmem:s7+$0x17FE0] =	vst v14  }
0x76a: {  	v24 =	vld.idx.msk [tilespmem:v26+s25+$0x0], $0xffff;
	[tilespmem:s7+$0x18000] =	vst v16;
	s7 =	smov.u32 s10  }
0x76b: {  	v15 =	vmax.f32 v18, v15;
	v26 =	vld.idx.msk [tilespmem:v44+s25+$0x0], $0xffff  }
0x76c: {  	v29 =	vld.idx.msk [tilespmem:v45+s25+$0x0], $0xffff  }
0x76d: {  	v16 =	vmax.f32 v19, v17;
	v30 =	vld.idx.msk [tilespmem:v48+s25+$0x0], $0xffff  }
0x76e: {  	v12 =	vld.idx.msk [tilespmem:v49+s25+$0x0], $0xffff  }
.Ltmp22:
0x76f: {  	v17 =	vmax.f32 v20, v21;
	v13 =	vld.idx.msk [tilespmem:v50+s25+$0x0], $0xffff;
	(pc) =	sbr.rel @p0 .LBB2_46-.Ltmp22, $4  }
0x770: {  	v18 =	vmax.f32 v25, v24;
	v14 =	vld.idx.msk [tilespmem:v54+s25+$0x0], $0xffff  }
0x771: {  	v20 =	vmax.f32 v22, v26;
	v19 =	vld.idx.msk [tilespmem:v27+s25+$0x0], $0xffff  }
0x772: {  	v22 =	vmax.f32 v28, v29;
	v21 =	vld.idx.msk [tilespmem:v52+s25+$0x0], $0xffff  }
0x773: {  	s9 =	sadd.s32 $0x200, s9;
	v23 =	vmax.f32 v23, v30;
	v24 =	vld.idx.msk [tilespmem:v53+s25+$0x0], $0xffff  }
0x774: {  	_ =	sdelay $0x3  }
0x775: {  	v11 =	vld.idx.msk [tilespmem:v11+s25+$0x0], $0xffff  }
0x776: {  	v10 =	vld.idx.msk [tilespmem:v10+s25+$0x0], $0xffff  }
0x777: {  	v8 =	vld.idx.msk [tilespmem:v8+s25+$0x0], $0xffff  }
0x778: {  	v9 =	vld.idx.msk [tilespmem:v9+s25+$0x0], $0xffff;
	v20 =	vmax.f32 v20, v21  }
0x779: {  	v7 =	vld.idx.msk [tilespmem:v7+s25+$0x0], $0xffff;
	v21 =	vmax.f32 v22, v24;
	[tilespmem:s7+$0x17F90] =	vst v20  }
0x77a: {  	v12 =	vmax.f32 v15, v12;
	v11 =	vmax.f32 v23, v11;
	[tilespmem:s7+$0x17FA0] =	vst v21  }
0x77b: {  	v13 =	vmax.f32 v16, v13;
	v10 =	vmax.f32 v12, v10;
	[tilespmem:s7+$0x17FB0] =	vst v11  }
0x77c: {  	v8 =	vmax.f32 v13, v8;
	v11 =	vmax.f32 v17, v14;
	[tilespmem:s7+$0x17FC0] =	vst v10  }
0x77d: {  	v10 =	vmax.f32 v18, v19;
	[tilespmem:s7+$0x17FD0] =	vst v8;
	v9 =	vmax.f32 v11, v9  }
0x77e: {  	v7 =	vmax.f32 v10, v7;
	[tilespmem:s7+$0x17FE0] =	vst v9  }
0x77f: {  	[tilespmem:s7+$0x18000] =	vst v7  }
0x780: {  	s7 =	sld [smem:$0x7F3];
	_ =	sdelay $0x2  }
0x781: {  	[hbm4b:s7+s23] =	stream.strided.scatter [tilespmem:s29], [sflag:$0x4], $0x2000, s24, s23, $0x38;
	[tilespmem:$0x1C000] =	vst v63  }
0x782: {  	s8 =	simm.s32 $0x1C0;
	_ =	swait.ge [sflag:s0], $0x8000  }
0x783: {  	s15 =	simm.s32 $0x180;
	v7 =	vor.u32 s8, v0;
	[sflag:s0] =	ssyncset.done $0x0  }
0x784: {  	v8 =	vor.u32 s15, v0;
	[sflag:s0] =	ssyncadd.s32 $0xFFFF8000  }
0x785: {  	v9 =	vor.u32 s15, v1;
	_ =	swait.ge [sflag:s5], $0x2000  }
0x786: {  	v10 =	vor.u32 s15, v2;
	[sflag:s5] =	ssyncset.done $0x0  }
0x787: {  	s9 =	simm.s32 $0x0;
	v11 =	vor.u32 s15, v3;
	[sflag:s5] =	ssyncadd.s32 $0xFFFFE000  }
0x788: {  	s16 =	simm.s32 $0x40;
	v12 =	vor.u32 s9, v0;
	v18 =	vld.idx.msk [tilespmem:v7+s26+$0x0], $0xffff  }
0x789: {  	v13 =	vor.u32 s16, v0;
	v8 =	vld.idx.msk [tilespmem:v8+s26+$0x0], $0xffff  }
0x78a: {  	s10 =	simm.s32 $0x80;
	v14 =	vor.u32 s16, v4;
	v9 =	vld.idx.msk [tilespmem:v9+s26+$0x0], $0xffff  }
0x78b: {  	s13 =	simm.s32 $0x140;
	v15 =	vor.u32 s10, v0;
	v10 =	vld.idx.msk [tilespmem:v10+s26+$0x0], $0xffff  }
0x78c: {  	v22 =	vor.u32 s13, v0;
	v16 =	vld.idx.msk [tilespmem:v11+s26+$0x0], $0xffff  }
0x78d: {  	v7 =	vor.u32 s9, v1;
	v17 =	vld.idx.msk [tilespmem:v12+s26+$0x0], $0xffff  }
0x78e: {  	s11 =	simm.s32 $0xC0;
	v11 =	vor.u32 s10, v1;
	v20 =	vld.idx.msk [tilespmem:v13+s26+$0x0], $0xffff  }
0x78f: {  	s12 =	simm.s32 $0x100;
	v12 =	vor.u32 s11, v0;
	v21 =	vld.idx.msk [tilespmem:v14+s26+$0x0], $0xffff  }
0x790: {  	v13 =	vor.u32 s12, v0;
	v15 =	vld.idx.msk [tilespmem:v15+s26+$0x0], $0xffff  }
0x791: {  	v14 =	vor.u32 s12, v1;
	v22 =	vld.idx.msk [tilespmem:v22+s26+$0x0], $0xffff  }
0x792: {  	v36 =	vor.u32 s9, v3;
	v19 =	vld.idx.msk [tilespmem:v7+s26+$0x0], $0xffff  }
0x793: {  	v7 =	vor.u32 s11, v4;
	v23 =	vld.idx.msk [tilespmem:v11+s26+$0x0], $0xffff  }
0x794: {  	v11 =	vor.u32 s13, v4;
	v24 =	vld.idx.msk [tilespmem:v12+s26+$0x0], $0xffff  }
0x795: {  	v12 =	vor.u32 s8, v4;
	v26 =	vld.idx.msk [tilespmem:v13+s26+$0x0], $0xffff  }
0x796: {  	v13 =	vor.u32 s16, v5;
	v27 =	vld.idx.msk [tilespmem:v14+s26+$0x0], $0xffff  }
0x797: {  	v14 =	vor.u32 s10, v2;
	v63 =	vmax.f32 v20, v21;
	v21 =	vld.idx.msk [tilespmem:v36+s26+$0x0], $0xffff  }
0x798: {  	v25 =	vld.idx.msk [tilespmem:v7+s26+$0x0], $0xffff;
	v7 =	vor.u32 s9, v2  }
0x799: {  	v28 =	vor.u32 s11, v5;
	v29 =	vld.idx.msk [tilespmem:v11+s26+$0x0], $0xffff  }
0x79a: {  	v30 =	vor.u32 s12, v2;
	v31 =	vld.idx.msk [tilespmem:v12+s26+$0x0], $0xffff  }
0x79b: {  	v34 =	vor.u32 s8, v5;
	v35 =	vld.idx.msk [tilespmem:v13+s26+$0x0], $0xffff  }
0x79c: {  	v38 =	vor.u32 s16, v6;
	v37 =	vld.idx.msk [tilespmem:v14+s26+$0x0], $0xffff  }
0x79d: {  	v32 =	vor.u32 s13, v5;
	v11 =	vor.u32 s10, v3;
	v62 =	vmax.f32 v17, v19;
	v33 =	vld.idx.msk [tilespmem:v7+s26+$0x0], $0xffff  }
0x79e: {  	v12 =	vld.idx.msk [tilespmem:v28+s26+$0x0], $0xffff;
	v23 =	vmax.f32 v15, v23;
	v7 =	vmax.f32 v8, v9;
	v8 =	vor.u32 s12, v3  }
0x79f: {  	v13 =	vld.idx.msk [tilespmem:v30+s26+$0x0], $0xffff;
	v9 =	vor.u32 s13, v6;
	v7 =	vmax.f32 v7, v10;
	v10 =	vor.u32 s11, v6  }
0x7a0: {  	v19 =	vld.idx.msk [tilespmem:v34+s26+$0x0], $0xffff;
	v15 =	vmax.f32 v24, v25;
	v17 =	vmax.f32 v22, v29;
	v18 =	vmax.f32 v18, v31  }
0x7a1: {  	s7 =	simm.s32 $0x70;
	v22 =	vmax.f32 v63, v35;
	v24 =	vld.idx.msk [tilespmem:v38+s26+$0x0], $0xffff;
	v23 =	vmax.f32 v23, v37;
	v14 =	vmax.f32 v7, v16  }
0x7a2: {  	s9 =	simm.s32 $0x3C0;
	v7 =	vor.u32 s8, v6;
	v16 =	vmax.f32 v26, v27;
	s8 =	simm.s32 $0x0;
	[tilespmem:s7+$0x19FF0] =	vst v14;
	v14 =	vld.idx.msk [tilespmem:v32+s26+$0x0], $0xffff;
	v20 =	vmax.f32 v62, v33  }
.LBB2_48:
0x7a3: {  	s10 =	sadd.s32 $0xFFFFFE80, s9;
	s11 =	sadd.s32 $0xFFFFFEC0, s9;
	s12 =	sadd.s32 $0xFFFFFFC0, s9;
	v25 =	vor.u32 s9, v0;
	v26 =	vor.u32 s9, v4;
	v27 =	vor.u32 s9, v5;
	v28 =	vld.idx.msk [tilespmem:v11+s26+$0x0], $0xffff  }
0x7a4: {  	s13 =	sadd.s32 $0xFFFFFF00, s9;
	s14 =	sadd.s32 $0xFFFFFF40, s9;
	s8 =	sadd.s32 $0x8, s8;
	v29 =	vor.u32 s10, v0;
	v30 =	vor.u32 s10, v4;
	v11 =	vor.u32 s12, v0;
	v31 =	vld.idx.msk [tilespmem:v10+s26+$0x0], $0xffff  }
0x7a5: {  	s15 =	sadd.s32 $0xFFFFFE40, s9;
	s16 =	sadd.s32 $0xFFFFFF80, s9;
	v32 =	vor.u32 s11, v0;
	v33 =	vor.u32 s11, v1;
	v10 =	vor.u32 s12, v1;
	p0 =	slt.u32 s8, $0x1F8;
	v34 =	vld.idx.msk [tilespmem:v8+s26+$0x0], $0xffff  }
0x7a6: {  	v35 =	vor.u32 s15, v0;
	v36 =	vor.u32 s15, v1;
	v8 =	vor.u32 s12, v2;
	v37 =	vld.idx.msk [tilespmem:v9+s26+$0x0], $0xffff  }
0x7a7: {  	v38 =	vor.u32 s13, v0;
	v39 =	vor.u32 s13, v4;
	v9 =	vor.u32 s12, v3;
	v40 =	vld.idx.msk [tilespmem:v7+s26+$0x0], $0xffff  }
0x7a8: {  	v41 =	vor.u32 s14, v0;
	v42 =	vor.u32 s14, v1;
	v43 =	vor.u32 s16, v0;
	v25 =	vld.idx.msk [tilespmem:v25+s26+$0x0], $0xffff  }
0x7a9: {  	v44 =	vor.u32 s15, v2;
	v45 =	vor.u32 s10, v5;
	v46 =	vor.u32 s16, v4;
	v47 =	vld.idx.msk [tilespmem:v11+s26+$0x0], $0xffff  }
0x7aa: {  	v48 =	vor.u32 s11, v2;
	v49 =	vor.u32 s13, v5;
	v50 =	vor.u32 s14, v2;
	v51 =	vld.idx.msk [tilespmem:v10+s26+$0x0], $0xffff  }
0x7ab: {  	v52 =	vor.u32 s15, v3;
	v53 =	vor.u32 s10, v6;
	v54 =	vor.u32 s16, v5;
	v55 =	vld.idx.msk [tilespmem:v8+s26+$0x0], $0xffff  }
0x7ac: {  	v11 =	vor.u32 s11, v3;
	v10 =	vor.u32 s13, v6;
	v8 =	vor.u32 s14, v3;
	v56 =	vld.idx.msk [tilespmem:v9+s26+$0x0], $0xffff  }
0x7ad: {  	v12 =	vmax.f32 v15, v12;
	v7 =	vor.u32 s9, v6;
	v9 =	vor.u32 s16, v6;
	v35 =	vld.idx.msk [tilespmem:v35+s26+$0x0], $0xffff  }
0x7ae: {  	v13 =	vmax.f32 v16, v13;
	v14 =	vmax.f32 v17, v14;
	v16 =	vmax.f32 v18, v19;
	v15 =	vld.idx.msk [tilespmem:v36+s26+$0x0], $0xffff  }
0x7af: {  	v18 =	vmax.f32 v20, v21;
	v19 =	vmax.f32 v22, v24;
	v20 =	vmax.f32 v23, v28;
	v17 =	vld.idx.msk [tilespmem:v29+s26+$0x0], $0xffff  }
0x7b0: {  	v12 =	vmax.f32 v12, v31;
	v13 =	vmax.f32 v13, v34;
	v22 =	vmax.f32 v47, v51;
	v21 =	vld.idx.msk [tilespmem:v30+s26+$0x0], $0xffff  }
0x7b1: {  	v14 =	vmax.f32 v14, v37;
	v16 =	vmax.f32 v16, v40;
	v22 =	vmax.f32 v22, v55;
	v23 =	vld.idx.msk [tilespmem:v32+s26+$0x0], $0xffff  }
0x7b2: {  	s10 =	sshra.s32 s9, $0x2;
	v22 =	vmax.f32 v22, v56;
	v24 =	vld.idx.msk [tilespmem:v33+s26+$0x0], $0xffff;
	[tilespmem:s7+$0x19F90] =	vst v18  }
0x7b3: {  	v18 =	vld.idx.msk [tilespmem:v38+s26+$0x0], $0xffff;
	[tilespmem:s10+$0x19FF0] =	vst v22  }
0x7b4: {  	v22 =	vmax.f32 v35, v15;
	v15 =	vld.idx.msk [tilespmem:v39+s26+$0x0], $0xffff;
	[tilespmem:s7+$0x19FA0] =	vst v19  }
0x7b5: {  	v19 =	vld.idx.msk [tilespmem:v41+s26+$0x0], $0xffff;
	[tilespmem:s7+$0x19FB0] =	vst v20  }
0x7b6: {  	v28 =	vmax.f32 v17, v21;
	v17 =	vld.idx.msk [tilespmem:v42+s26+$0x0], $0xffff;
	[tilespmem:s7+$0x19FC0] =	vst v12  }
0x7b7: {  	v20 =	vld.idx.msk [tilespmem:v43+s26+$0x0], $0xffff;
	[tilespmem:s7+$0x19FD0] =	vst v13  }
0x7b8: {  	v23 =	vmax.f32 v23, v24;
	v21 =	vld.idx.msk [tilespmem:v46+s26+$0x0], $0xffff;
	[tilespmem:s7+$0x19FE0] =	vst v14  }
0x7b9: {  	v24 =	vld.idx.msk [tilespmem:v26+s26+$0x0], $0xffff;
	[tilespmem:s7+$0x1A000] =	vst v16;
	s7 =	smov.u32 s10  }
0x7ba: {  	v15 =	vmax.f32 v18, v15;
	v26 =	vld.idx.msk [tilespmem:v44+s26+$0x0], $0xffff  }
0x7bb: {  	v29 =	vld.idx.msk [tilespmem:v45+s26+$0x0], $0xffff  }
0x7bc: {  	v16 =	vmax.f32 v19, v17;
	v30 =	vld.idx.msk [tilespmem:v48+s26+$0x0], $0xffff  }
0x7bd: {  	v12 =	vld.idx.msk [tilespmem:v49+s26+$0x0], $0xffff  }
.Ltmp23:
0x7be: {  	v17 =	vmax.f32 v20, v21;
	v13 =	vld.idx.msk [tilespmem:v50+s26+$0x0], $0xffff;
	(pc) =	sbr.rel @p0 .LBB2_48-.Ltmp23, $4  }
0x7bf: {  	v18 =	vmax.f32 v25, v24;
	v14 =	vld.idx.msk [tilespmem:v54+s26+$0x0], $0xffff  }
0x7c0: {  	v20 =	vmax.f32 v22, v26;
	v19 =	vld.idx.msk [tilespmem:v27+s26+$0x0], $0xffff  }
0x7c1: {  	v22 =	vmax.f32 v28, v29;
	v21 =	vld.idx.msk [tilespmem:v52+s26+$0x0], $0xffff  }
0x7c2: {  	s9 =	sadd.s32 $0x200, s9;
	v23 =	vmax.f32 v23, v30;
	v24 =	vld.idx.msk [tilespmem:v53+s26+$0x0], $0xffff  }
0x7c3: {  	_ =	sdelay $0x3  }
0x7c4: {  	v11 =	vld.idx.msk [tilespmem:v11+s26+$0x0], $0xffff  }
0x7c5: {  	v10 =	vld.idx.msk [tilespmem:v10+s26+$0x0], $0xffff  }
0x7c6: {  	v8 =	vld.idx.msk [tilespmem:v8+s26+$0x0], $0xffff  }
0x7c7: {  	v9 =	vld.idx.msk [tilespmem:v9+s26+$0x0], $0xffff;
	v20 =	vmax.f32 v20, v21  }
0x7c8: {  	v7 =	vld.idx.msk [tilespmem:v7+s26+$0x0], $0xffff;
	v61 =	vmax.f32 v22, v24;
	[tilespmem:s7+$0x19F90] =	vst v20  }
0x7c9: {  	v12 =	vmax.f32 v15, v12;
	v11 =	vmax.f32 v23, v11;
	[tilespmem:s7+$0x19FA0] =	vst v61  }
0x7ca: {  	v13 =	vmax.f32 v16, v13;
	v10 =	vmax.f32 v12, v10;
	[tilespmem:s7+$0x19FB0] =	vst v11  }
0x7cb: {  	v62 =	vmax.f32 v17, v14;
	v8 =	vmax.f32 v13, v8;
	[tilespmem:s7+$0x19FC0] =	vst v10  }
0x7cc: {  	v63 =	vmax.f32 v18, v19;
	v9 =	vmax.f32 v62, v9;
	[tilespmem:s7+$0x19FD0] =	vst v8  }
0x7cd: {  	v7 =	vmax.f32 v63, v7;
	[tilespmem:s7+$0x19FE0] =	vst v9  }
0x7ce: {  	[tilespmem:s7+$0x1A000] =	vst v7  }
0x7cf: {  	s7 =	sld [smem:$0x7F4];
	_ =	sdelay $0x2  }
0x7d0: {  	[hbm4b:s7+s23] =	stream.strided.scatter [tilespmem:s31], [sflag:$0x5], $0x2000, s24, s23, $0x38;
	[tilespmem:$0x1C000] =	vst v63  }
0x7d1: {  	_ =	swait.ge [sflag:s4], $0x2000  }
0x7d2: {  	[sflag:s4] =	ssyncset.done $0x0  }
0x7d3: {  	[sflag:s4] =	ssyncadd.s32 $0xFFFFE000  }
0x7d4: {  	_ =	swait.ge [sflag:s5], $0x2000  }
0x7d5: {  	s16 =	sld [smem:$0x7F5];
	_ =	sdelay $0x1  }
0x7d6: {  	s6 =	sadd.s32 $0x1, s6  }
0x7d7: {  	p0 =	sne.s32 s6, s16  }
.Ltmp24:
0x7d8: {  	_ = 	snop;
	(pc) =	sbr.rel @p0 .LBB2_1-.Ltmp24, $3  }
0x7d9: {  	_ =	sdelay $0x1  }
0x7da: {  	[sflag:s5] =	ssyncset.done $0x0  }
0x7db: {  	[sflag:s5] =	ssyncadd.s32 $0xFFFFE000  }
0x7dc: {  	_ =	sfence.sel $0x180000  }
0x7dd: {  	[bflag:$0x0] =	sbarrier.arrive $0xFFFF  }
0x7de: {  	_ =	strace $0x90000047  }
0x7df: {  	s0 =	stileid.u32;
	[bflag:$0x2] =	sbarrier.arrive $0xFFFF  }
0x7e0: {  	p0 =	sne.s32 s0, $0x0;
	s0 =	rddreg [dreg:$0x2]  }
0x7e1: {  	s0 =	sadd.s32 @!p0 $0x100000, s0  }
0x7e2: {  	[sflag:s0] =	ssyncadd.tile.s32 @!p0 $0x1;
	_ =	shalt  }
.Lfunc_end2:
_tile_overlayer_lowered:
.L_overlay_start_2:
0x7e3: {  	(tag) =	ssettag $0x2  }
0x7e4: {  	s0 =	rddreg [dreg:$0x0];
	s2 =	stileid.u32  }
0x7e5: {  	s1 =	rddreg [dreg:$0x1];
	p0 =	sne.s32 s2, $0x0  }
0x7e6: {  	s3 =	rddreg [dreg:$0x2];
	[bflag:$0x3] =	sbarrier.arrive $0xFFFF;
	s2 =	simm.s32 @!p0 $0x1C06  }
0x7e7: {  	[timem:s3], [sflag:s2] =	dma.local @!p0 [hbm:s0], s1  }
0x7e8: {  	s0 =	simm.s32 @!p0 $0x6  }
0x7e9: {  	_ =	swait.ge @!p0 [sflag:s0], s1  }
0x7ea: {  	s1 =	ssub.s32 @!p0 $0x0, s1;
	[sflag:s0] =	ssyncset.done @!p0 $0x0  }
0x7eb: {  	[sflag:s0] =	ssyncadd.s32 @!p0 s1  }
0x7ec: {  	[bflag:$0x3] =	sbarrier.arrive $0xFFFF  }
0x7ed: {  	_ =	shalt  }

</sc_bundles>
